<compile_context>
chip_gen: v7x
topology: tpu7x:2x2x1
jax: 0.10.2.dev20260603
libtpu: 0.0.44.dev20260713+nightly
codegen_flags: <defaults>
</compile_context>

<pallas_src>
import functools

import jax
import jax.numpy as jnp
from jax import lax
from jax.experimental import pallas as pl
from jax.experimental.pallas import tpu as pltpu
from jax.experimental.pallas import tpu_sc as plsc

K = 13
B = 1 << K
NC, NS = 2, 16
NCLS = 4
CPS = NCLS // NC
NPIX = 2 * 64 * 128 * 128
ROWS_TOT = NPIX // 128
ROWS_PT = ROWS_TOT // NS
CHUNK_R = 32
NCHUNK = ROWS_PT // CHUNK_R
NPAIR = NCHUNK // 2
HIST = 2 * CPS * B
SLICE = HIST // NS


def _sc_body(x_hbm, t_hbm, out_hbm, xbuf, tbuf, hist, acc, rbuf, posbuf,
             rsuf, msuf, srow, totbuf, spmem, spmem2, spmem3, dsem):
    cid = lax.axis_index("c")
    sid = lax.axis_index("s")
    batch = sid // (NS // 2)
    r0 = (sid % (NS // 2)) * ROWS_PT

    zeros = jnp.zeros((16,), jnp.float32)
    ones = jnp.ones((16,), jnp.float32)
    lane = lax.iota(jnp.int32, 16)

    @plsc.parallel_loop(0, HIST // 16, unroll=8)
    def _(i):
        hist[pl.ds(i * 16, 16)] = zeros

    def issue(ch, slot):
        row = r0 + ch * CHUNK_R
        pltpu.async_copy(t_hbm.at[batch, pl.ds(row, CHUNK_R), :],
                         tbuf.at[slot], dsem.at[slot])
        for j in range(CPS):
            pltpu.async_copy(x_hbm.at[batch, cid * CPS + j,
                                      pl.ds(row, CHUNK_R), :],
                             xbuf.at[slot, j], dsem.at[slot])

    def drain(ch, slot):
        row = r0 + ch * CHUNK_R
        pltpu.make_async_copy(t_hbm.at[batch, pl.ds(row, CHUNK_R), :],
                              tbuf.at[slot], dsem.at[slot]).wait()
        for j in range(CPS):
            pltpu.make_async_copy(x_hbm.at[batch, cid * CPS + j,
                                           pl.ds(row, CHUNK_R), :],
                                  xbuf.at[slot, j], dsem.at[slot]).wait()

    def process(slot):
        @plsc.parallel_loop(0, CHUNK_R * 8, unroll=4)
        def _(i):
            row = i >> 3
            col = (i & 7) * 16
            t = tbuf[slot, row, pl.ds(col, 16)]
            for j in range(CPS):
                x = xbuf[slot, j, row, pl.ds(col, 16)]
                pos = t == cid * CPS + j
                cl = jnp.abs(jnp.where(pos, 1.0 - x, x))
                bits = plsc.bitcast(cl, jnp.int32)
                bn = lax.shift_right_logical(bits, 31 - K)
                idx = bn + jnp.where(pos, (CPS + j) * B, j * B)
                plsc.addupdate_scatter(hist, [idx], ones)

    issue(0, 0)

    def pair(pj, _):
        issue(2 * pj + 1, 1)
        drain(2 * pj, 0)
        process(0)

        @pl.when(pj < NPAIR - 1)
        def _():
            issue(2 * pj + 2, 0)

        drain(2 * pj + 1, 1)
        process(1)
        return 0

    lax.fori_loop(0, NPAIR, pair, 0)

    pltpu.sync_copy(hist, spmem.at[sid])
    plsc.subcore_barrier()

    pltpu.sync_copy(spmem.at[0, pl.ds(sid * SLICE, SLICE)], acc)
    for r in range(1, NS):
        pltpu.sync_copy(spmem.at[r, pl.ds(sid * SLICE, SLICE)], rbuf.at[0])

        @plsc.parallel_loop(0, SLICE // 16, unroll=8)
        def _(i):
            acc[pl.ds(i * 16, 16)] = (acc[pl.ds(i * 16, 16)]
                                      + rbuf[0, pl.ds(i * 16, 16)])

    pltpu.sync_copy(acc, spmem2.at[pl.ds(sid * SLICE, SLICE)])
    plsc.subcore_barrier()

    jcl = sid // 4
    q = sid % 4
    nv16 = SLICE // 16

    @pl.when(sid < 8)
    def _():
        pltpu.sync_copy(
            spmem2.at[pl.ds((CPS + jcl) * B + q * SLICE, SLICE)], posbuf)

        def scan_body(v, carry):
            cn, cp = carry
            base = (nv16 - 1 - v) * 16
            pv = posbuf[pl.ds(base, 16)]
            nv = acc[pl.ds(base, 16)] + pv
            sufn = jnp.flip(plsc.cumsum(jnp.flip(nv, 0)), 0) + cn
            sufp = jnp.flip(plsc.cumsum(jnp.flip(pv, 0)), 0) + cp
            rsuf[pl.ds(base, 16)] = sufn
            msuf[pl.ds(base, 16)] = sufp
            return cn + jnp.sum(nv), cp + jnp.sum(pv)

        cn, cp = lax.fori_loop(0, nv16, scan_body,
                               (jnp.float32(0.0), jnp.float32(0.0)))
        srow[pl.ds(0, 16)] = jnp.where(lane == 0, cn,
                                       jnp.where(lane == 1, cp, 0.0))
        pltpu.sync_copy(srow, spmem3.at[sid])

    plsc.subcore_barrier()

    @pl.when(sid < 8)
    def _():
        for qq in range(8):
            pltpu.sync_copy(spmem3.at[qq], totbuf.at[qq])

    plsc.subcore_barrier()

    @pl.when(sid < 8)
    def _():
        offn = jnp.float32(0.0)
        offm = jnp.float32(0.0)
        s_tot = jnp.float32(0.0)
        half = (jcl == 1).astype(jnp.float32)
        for qq in range(4):
            gt = (qq > q).astype(jnp.float32)
            tva = totbuf[qq, pl.ds(0, 16)]
            tvb = totbuf[4 + qq, pl.ds(0, 16)]
            t0 = tva[0] * (1.0 - half) + tvb[0] * half
            t1 = tva[1] * (1.0 - half) + tvb[1] * half
            offn = offn + gt * t0
            offm = offm + gt * t1
            s_tot = s_tot + t1

        def jac(r, m):
            return jnp.where(r > 0, 1.0 - (s_tot - m) / (s_tot + r - m), 0.0)

        def dot_body(v, csum):
            base = v * 16
            pv = posbuf[pl.ds(base, 16)]
            nv = acc[pl.ds(base, 16)] + pv
            rr = rsuf[pl.ds(base, 16)] + offn
            mm = msuf[pl.ds(base, 16)] + offm
            dj = jac(rr, mm) - jac(rr - nv, mm - pv)
            gbin = q * SLICE + base + lane
            rep = plsc.bitcast((gbin << (31 - K)) | (1 << (30 - K)),
                               jnp.float32)
            return csum + jnp.where(nv > 0, rep * dj, 0.0)

        csum = lax.fori_loop(0, nv16, dot_body, zeros)
        part = jnp.sum(csum)
        srow[pl.ds(0, 16)] = jnp.where(lane == 0, part, 0.0)
        pltpu.sync_copy(srow, spmem3.at[sid])

    plsc.subcore_barrier()

    @pl.when((sid == 0) | (sid == 4))
    def _():
        for qq in range(8):
            pltpu.sync_copy(spmem3.at[qq], totbuf.at[qq])
        lo = (totbuf[0, pl.ds(0, 16)] + totbuf[1, pl.ds(0, 16)]
              + totbuf[2, pl.ds(0, 16)] + totbuf[3, pl.ds(0, 16)])
        hi = (totbuf[4, pl.ds(0, 16)] + totbuf[5, pl.ds(0, 16)]
              + totbuf[6, pl.ds(0, 16)] + totbuf[7, pl.ds(0, 16)])
        halfv = (jcl == 1).astype(jnp.float32)
        srow[pl.ds(0, 16)] = lo * (1.0 - halfv) + hi * halfv
        pltpu.sync_copy(srow, out_hbm.at[cid * CPS + jcl])


@functools.cache
def _sc_loss_fn():
    return pl.kernel(
        _sc_body,
        out_type=jax.ShapeDtypeStruct((NCLS, 128), jnp.float32),
        mesh=plsc.VectorSubcoreMesh(core_axis_name="c", subcore_axis_name="s",
                                    num_cores=NC, num_subcores=NS),
        compiler_params=pltpu.CompilerParams(needs_layout_passes=False),
        scratch_types=[
            pltpu.VMEM((2, CPS, CHUNK_R, 128), jnp.float32),
            pltpu.VMEM((2, CHUNK_R, 128), jnp.int32),
            pltpu.VMEM((HIST,), jnp.float32),
            pltpu.VMEM((SLICE,), jnp.float32),
            pltpu.VMEM((2, SLICE), jnp.float32),
            pltpu.VMEM((SLICE,), jnp.float32),
            pltpu.VMEM((SLICE,), jnp.float32),
            pltpu.VMEM((SLICE,), jnp.float32),
            pltpu.VMEM((128,), jnp.float32),
            pltpu.VMEM((8, 128), jnp.float32),
            pltpu.VMEM_SHARED((NS, HIST), jnp.float32),
            pltpu.VMEM_SHARED((HIST,), jnp.float32),
            pltpu.VMEM_SHARED((NS, 128), jnp.float32),
            pltpu.SemaphoreType.DMA((2,)),
        ],
    )


def kernel(input, target):
    x = input.reshape(2, NCLS, NPIX // 2 // 128, 128)
    t = target.reshape(2, NPIX // 2 // 128, 128).astype(jnp.int32)
    losses = _sc_loss_fn()(x, t)
    return jnp.mean(losses[:, 0])

# --- scband reference (transcript-rebuilt; emitter-appended) ---
"""Pipeline reference for scband-lovasz-softmax-loss-54924041781919 (READ-ONLY COPY).

The authoritative reference and input builder live on the scoring server;
editing this copy changes nothing except your own understanding.
"""

import jax, jax.numpy as jnp
import numpy as np


def _lovasz_gradient(sorted_labels):
    s = sorted_labels.sum()
    intersection = s - jnp.cumsum(sorted_labels.astype(jnp.float32), axis=0)
    union = s + jnp.cumsum((1.0 - sorted_labels).astype(jnp.float32), axis=0)
    g = 1.0 - intersection / union
    p = sorted_labels.shape[0]
    if p > 1:
        g = g.at[1:p].set(g[1:p] - g[0:p - 1])
    return g


def setup_inputs(seed: int = 0) -> dict:
    key = jax.random.key(seed)
    k1, k2 = jax.random.split(key)
    inp = jax.random.normal(k1, (2, 4, 64, 128, 128), dtype=jnp.float32)
    tgt = jax.random.randint(k2, (2, 64, 128, 128), 0, 4, dtype=jnp.int64)
    return {"input": inp, "target": tgt}


def reference(input, target):
    classes = input.shape[1]
    # permute (0, 2, 3, 4, 1) then flatten to [N, C]
    input_permuted = jnp.transpose(input, (0, 2, 3, 4, 1))
    input_flattened = input_permuted.reshape(-1, classes)
    target_flattened = target.reshape(-1)
    losses = []
    for i in range(classes):
        class_target = (target_flattened == i).astype(jnp.float32)
        class_input = input_flattened[:, i]
        class_loss = jnp.abs(class_target - class_input)
        # descending sort
        class_loss_index = jnp.argsort(-class_loss)
        class_loss_sorted = class_loss[class_loss_index]
        sorted_labels = class_target[class_loss_index]
        g = _lovasz_gradient(sorted_labels)
        losses.append(class_loss_sorted @ g)
    losses = jnp.stack(losses)
    return losses.mean()

if __name__ == "__main__":
    import jax
    _d = setup_inputs()
    print(jax.jit(kernel)(*tuple(_d.values())))

</pallas_src>

<mosaic_0001>
#map = affine_map<(d0, d1) -> (0, 0, 0, 0)>
#map1 = affine_map<(d0, d1) -> (0, 0, 0)>
#map2 = affine_map<(d0, d1) -> (0, 0)>
module attributes {stable_mosaic.version = 14 : i64} {
  func.func @_sc_body(%arg0: i32, %arg1: i32, %arg2: memref<2x4x8192x128xf32, #tpu.memory_space<hbm>>, %arg3: memref<2x8192x128xi32, #tpu.memory_space<hbm>>, %arg4: memref<4x128xf32, #tpu.memory_space<hbm>>, %arg5: memref<2x2x32x128xf32, #tpu.memory_space<vmem>>, %arg6: memref<2x32x128xi32, #tpu.memory_space<vmem>>, %arg7: memref<32768xf32, #tpu.memory_space<vmem>>, %arg8: memref<2048xf32, #tpu.memory_space<vmem>>, %arg9: memref<2x2048xf32, #tpu.memory_space<vmem>>, %arg10: memref<2048xf32, #tpu.memory_space<vmem>>, %arg11: memref<2048xf32, #tpu.memory_space<vmem>>, %arg12: memref<2048xf32, #tpu.memory_space<vmem>>, %arg13: memref<128xf32, #tpu.memory_space<vmem>>, %arg14: memref<8x128xf32, #tpu.memory_space<vmem>>, %arg15: memref<16x32768xf32, #tpu.memory_space<vmem_shared>>, %arg16: memref<32768xf32, #tpu.memory_space<vmem_shared>>, %arg17: memref<16x128xf32, #tpu.memory_space<vmem_shared>>, %arg18: memref<2x!tpu.dma_semaphore, #tpu.memory_space<semaphore_mem>>) attributes {dimension_semantics = [#tpu.dimension_semantics<core_parallel>, #tpu.dimension_semantics<subcore_parallel>], iteration_bounds = array<i64: 2, 16>, scalar_prefetch = 0 : i64, scratch_operands = 14 : i64, tpu.core_type = #tpu.core_type<sc_vector_subcore>, window_params = [{transform_indices = #map}, {transform_indices = #map1}, {transform_indices = #map2}]} {
    %jit3A = arith.constant 8 : i32
    %div3A = arith.divsi %arg1, %jit3A : i32
    %sign3A = arith.constant 0 : i32
    %sign3A_0 = arith.cmpi sgt, %arg1, %sign3A : i32
    %sign3A_1 = arith.extui %sign3A_0 : i1 to i32
    %sign3A_2 = arith.constant 0 : i32
    %sign3A_3 = arith.cmpi slt, %arg1, %sign3A_2 : i32
    %sign3A_4 = arith.extui %sign3A_3 : i1 to i32
    %sign3A_5 = arith.subi %sign3A_1, %sign3A_4 : i32
    %sign3A_6 = arith.constant 0 : i32
    %sign3A_7 = arith.cmpi sgt, %jit3A, %sign3A_6 : i32
    %sign3A_8 = arith.extui %sign3A_7 : i1 to i32
    %sign3A_9 = arith.constant 0 : i32
    %sign3A_10 = arith.cmpi slt, %jit3A, %sign3A_9 : i32
    %sign3A_11 = arith.extui %sign3A_10 : i1 to i32
    %sign3A_12 = arith.subi %sign3A_8, %sign3A_11 : i32
    %ne3A = arith.cmpi ne, %sign3A_5, %sign3A_12 : i32
    %rem3A = arith.remsi %arg1, %jit3A : i32
    %ne3A_13 = arith.constant 0 : i32
    %ne3A_14 = arith.cmpi ne, %rem3A, %ne3A_13 : i32
    %and3A = arith.andi %ne3A, %ne3A_14 : i1
    %sub3A = arith.constant 1 : i32
    %sub3A_15 = arith.subi %div3A, %sub3A : i32
    %select_n3A = arith.select %and3A, %sub3A_15, %div3A : i32
    %jit3A_16 = arith.constant 8 : i32
    %eq3A = arith.constant 0 : i32
    %eq3A_17 = arith.cmpi eq, %jit3A_16, %eq3A : i32
    %jit3A_18 = arith.constant 1 : i32
    %select_n3A_19 = arith.select %eq3A_17, %jit3A_18, %jit3A_16 : i32
    %rem3A_20 = arith.remsi %arg1, %select_n3A_19 : i32
    %ne3A_21 = arith.constant 0 : i32
    %ne3A_22 = arith.cmpi ne, %rem3A_20, %ne3A_21 : i32
    %lt3A = arith.constant 0 : i32
    %lt3A_23 = arith.cmpi slt, %rem3A_20, %lt3A : i32
    %lt3A_24 = arith.constant 0 : i32
    %lt3A_25 = arith.cmpi slt, %select_n3A_19, %lt3A_24 : i32
    %ne3A_26 = arith.xori %lt3A_23, %lt3A_25 : i1
    %and3A_27 = arith.andi %ne3A_26, %ne3A_22 : i1
    %add3A = arith.addi %rem3A_20, %select_n3A_19 : i32
    %select_n3A_28 = arith.select %and3A_27, %add3A, %rem3A_20 : i32
    %mul3A = arith.constant 1024 : i32
    %mul3A_29 = arith.muli %select_n3A_28, %mul3A : i32
    %broadcast_in_dim3A = arith.constant 0.000000e+00 : f32
    %broadcast_in_dim3A_30 = vector.broadcast %broadcast_in_dim3A : f32 to vector<16xf32>
    %broadcast_in_dim3A_31 = arith.constant 1.000000e+00 : f32
    %broadcast_in_dim3A_32 = vector.broadcast %broadcast_in_dim3A_31 : f32 to vector<16xf32>
    %iota3A = tpu.iota {dimensions = array<i32: 0>} : vector<16xi32>
    %parallel_loop3A = arith.constant 0 : i32
    %parallel_loop3A_33 = arith.constant 2048 : i32
    %parallel_loop3A_34 = arith.constant 1 : i32
    scf.for %parallel_loop3A_279 = %parallel_loop3A to %parallel_loop3A_33 step %parallel_loop3A_34  : i32 {
      %parallel_loop3A_280 = arith.constant 16 : i32
      %parallel_loop3A_281 = arith.muli %parallel_loop3A_279, %parallel_loop3A_280 : i32
      %parallel_loop3A_282 = arith.index_cast %parallel_loop3A_281 : i32 to index
      %parallel_loop3A_283 = tpu.vector_load %arg7[%parallel_loop3A_282] {strides = array<i32>} : memref<32768xf32, #tpu.memory_space<vmem>>, vector<16xf32>,
      tpu.vector_store %arg7[%parallel_loop3A_282], %broadcast_in_dim3A_30 {strides = array<i32>} : memref<32768xf32, #tpu.memory_space<vmem>>, vector<16xf32>,
    } {sc.loop_unroll_factor = 8 : i64, sc.parallel_access}
    %add3A_35 = arith.constant 0 : i32
    %add3A_36 = arith.addi %mul3A_29, %add3A_35 : i32
    %dma_start3A = arith.constant 0 : i32
    %dma_start3A_37 = arith.constant 0 : i32
    %dma_start3A_38 = arith.constant 0 : i32
    %dma_start3A_39 = arith.constant 0 : i32
    %dma_start3A_40 = tpu.memref_slice %arg6[%dma_start3A, %dma_start3A_38, %dma_start3A_39] : memref<2x32x128xi32, #tpu.memory_space<vmem>> -> memref<1x32x128xi32, #tpu.memory_space<vmem>>
    %dma_start3A_41 = tpu.memref_squeeze %dma_start3A_40 : memref<1x32x128xi32, #tpu.memory_space<vmem>> -> memref<32x128xi32, #tpu.memory_space<vmem>>
    %dma_start3A_42 = arith.constant 0 : i32
    %dma_start3A_43 = tpu.memref_slice %arg3[%select_n3A, %add3A_36, %dma_start3A_42] : memref<2x8192x128xi32, #tpu.memory_space<hbm>> -> memref<1x32x128xi32, #tpu.memory_space<hbm>>
    %dma_start3A_44 = tpu.memref_squeeze %dma_start3A_43 : memref<1x32x128xi32, #tpu.memory_space<hbm>> -> memref<32x128xi32, #tpu.memory_space<hbm>>
    %dma_start3A_45 = tpu.memref_slice %arg18[%dma_start3A_37] : memref<2x!tpu.dma_semaphore, #tpu.memory_space<semaphore_mem>> -> memref<1x!tpu.dma_semaphore, #tpu.memory_space<semaphore_mem>>
    %dma_start3A_46 = tpu.memref_squeeze %dma_start3A_45 : memref<1x!tpu.dma_semaphore, #tpu.memory_space<semaphore_mem>> -> memref<!tpu.dma_semaphore, #tpu.memory_space<semaphore_mem>>
    %dma_start3A_47 = arith.constant 0 : i32
    %dma_start3A_48 = arith.constant 0 : i32
    %dma_start3A_49 = tpu.memref_slice %arg6[%dma_start3A, %dma_start3A_47, %dma_start3A_48] : memref<2x32x128xi32, #tpu.memory_space<vmem>> -> memref<1x32x128xi32, #tpu.memory_space<vmem>>
    %dma_start3A_50 = tpu.memref_squeeze %dma_start3A_49 : memref<1x32x128xi32, #tpu.memory_space<vmem>> -> memref<32x128xi32, #tpu.memory_space<vmem>>
    %dma_start3A_51 = arith.constant 0 : i32
    %dma_start3A_52 = tpu.memref_slice %arg3[%select_n3A, %add3A_36, %dma_start3A_51] : memref<2x8192x128xi32, #tpu.memory_space<hbm>> -> memref<1x32x128xi32, #tpu.memory_space<hbm>>
    %dma_start3A_53 = tpu.memref_squeeze %dma_start3A_52 : memref<1x32x128xi32, #tpu.memory_space<hbm>> -> memref<32x128xi32, #tpu.memory_space<hbm>>
    tpu.enqueue_dma source(%dma_start3A_53 : memref<32x128xi32, #tpu.memory_space<hbm>>) target(%dma_start3A_50 : memref<32x128xi32, #tpu.memory_space<vmem>>) target_semaphore(%dma_start3A_46 : memref<!tpu.dma_semaphore, #tpu.memory_space<semaphore_mem>>)
    %mul3A_54 = arith.constant 2 : i32
    %mul3A_55 = arith.muli %arg0, %mul3A_54 : i32
    %add3A_56 = arith.constant 0 : i32
    %add3A_57 = arith.addi %mul3A_55, %add3A_56 : i32
    %dma_start3A_58 = arith.constant 0 : i32
    %dma_start3A_59 = arith.constant 0 : i32
    %dma_start3A_60 = arith.constant 0 : i32
    %dma_start3A_61 = arith.constant 0 : i32
    %dma_start3A_62 = arith.constant 0 : i32
    %dma_start3A_63 = tpu.memref_slice %arg5[%dma_start3A_58, %dma_start3A_59, %dma_start3A_61, %dma_start3A_62] : memref<2x2x32x128xf32, #tpu.memory_space<vmem>> -> memref<1x1x32x128xf32, #tpu.memory_space<vmem>>
    %dma_start3A_64 = tpu.memref_squeeze %dma_start3A_63 : memref<1x1x32x128xf32, #tpu.memory_space<vmem>> -> memref<32x128xf32, #tpu.memory_space<vmem>>
    %dma_start3A_65 = arith.constant 0 : i32
    %dma_start3A_66 = tpu.memref_slice %arg2[%select_n3A, %add3A_57, %add3A_36, %dma_start3A_65] : memref<2x4x8192x128xf32, #tpu.memory_space<hbm>> -> memref<1x1x32x128xf32, #tpu.memory_space<hbm>>
    %dma_start3A_67 = tpu.memref_squeeze %dma_start3A_66 : memref<1x1x32x128xf32, #tpu.memory_space<hbm>> -> memref<32x128xf32, #tpu.memory_space<hbm>>
    %dma_start3A_68 = tpu.memref_slice %arg18[%dma_start3A_60] : memref<2x!tpu.dma_semaphore, #tpu.memory_space<semaphore_mem>> -> memref<1x!tpu.dma_semaphore, #tpu.memory_space<semaphore_mem>>
    %dma_start3A_69 = tpu.memref_squeeze %dma_start3A_68 : memref<1x!tpu.dma_semaphore, #tpu.memory_space<semaphore_mem>> -> memref<!tpu.dma_semaphore, #tpu.memory_space<semaphore_mem>>
    %dma_start3A_70 = arith.constant 0 : i32
    %dma_start3A_71 = arith.constant 0 : i32
    %dma_start3A_72 = tpu.memref_slice %arg5[%dma_start3A_58, %dma_start3A_59, %dma_start3A_70, %dma_start3A_71] : memref<2x2x32x128xf32, #tpu.memory_space<vmem>> -> memref<1x1x32x128xf32, #tpu.memory_space<vmem>>
    %dma_start3A_73 = tpu.memref_squeeze %dma_start3A_72 : memref<1x1x32x128xf32, #tpu.memory_space<vmem>> -> memref<32x128xf32, #tpu.memory_space<vmem>>
    %dma_start3A_74 = arith.constant 0 : i32
    %dma_start3A_75 = tpu.memref_slice %arg2[%select_n3A, %add3A_57, %add3A_36, %dma_start3A_74] : memref<2x4x8192x128xf32, #tpu.memory_space<hbm>> -> memref<1x1x32x128xf32, #tpu.memory_space<hbm>>
    %dma_start3A_76 = tpu.memref_squeeze %dma_start3A_75 : memref<1x1x32x128xf32, #tpu.memory_space<hbm>> -> memref<32x128xf32, #tpu.memory_space<hbm>>
    tpu.enqueue_dma source(%dma_start3A_76 : memref<32x128xf32, #tpu.memory_space<hbm>>) target(%dma_start3A_73 : memref<32x128xf32, #tpu.memory_space<vmem>>) target_semaphore(%dma_start3A_69 : memref<!tpu.dma_semaphore, #tpu.memory_space<semaphore_mem>>)
    %mul3A_77 = arith.constant 2 : i32
    %mul3A_78 = arith.muli %arg0, %mul3A_77 : i32
    %add3A_79 = arith.constant 1 : i32
    %add3A_80 = arith.addi %mul3A_78, %add3A_79 : i32
    %dma_start3A_81 = arith.constant 0 : i32
    %dma_start3A_82 = arith.constant 1 : i32
    %dma_start3A_83 = arith.constant 0 : i32
    %dma_start3A_84 = arith.constant 0 : i32
    %dma_start3A_85 = arith.constant 0 : i32
    %dma_start3A_86 = tpu.memref_slice %arg5[%dma_start3A_81, %dma_start3A_82, %dma_start3A_84, %dma_start3A_85] : memref<2x2x32x128xf32, #tpu.memory_space<vmem>> -> memref<1x1x32x128xf32, #tpu.memory_space<vmem>>
    %dma_start3A_87 = tpu.memref_squeeze %dma_start3A_86 : memref<1x1x32x128xf32, #tpu.memory_space<vmem>> -> memref<32x128xf32, #tpu.memory_space<vmem>>
    %dma_start3A_88 = arith.constant 0 : i32
    %dma_start3A_89 = tpu.memref_slice %arg2[%select_n3A, %add3A_80, %add3A_36, %dma_start3A_88] : memref<2x4x8192x128xf32, #tpu.memory_space<hbm>> -> memref<1x1x32x128xf32, #tpu.memory_space<hbm>>
    %dma_start3A_90 = tpu.memref_squeeze %dma_start3A_89 : memref<1x1x32x128xf32, #tpu.memory_space<hbm>> -> memref<32x128xf32, #tpu.memory_space<hbm>>
    %dma_start3A_91 = tpu.memref_slice %arg18[%dma_start3A_83] : memref<2x!tpu.dma_semaphore, #tpu.memory_space<semaphore_mem>> -> memref<1x!tpu.dma_semaphore, #tpu.memory_space<semaphore_mem>>
    %dma_start3A_92 = tpu.memref_squeeze %dma_start3A_91 : memref<1x!tpu.dma_semaphore, #tpu.memory_space<semaphore_mem>> -> memref<!tpu.dma_semaphore, #tpu.memory_space<semaphore_mem>>
    %dma_start3A_93 = arith.constant 0 : i32
    %dma_start3A_94 = arith.constant 0 : i32
    %dma_start3A_95 = tpu.memref_slice %arg5[%dma_start3A_81, %dma_start3A_82, %dma_start3A_93, %dma_start3A_94] : memref<2x2x32x128xf32, #tpu.memory_space<vmem>> -> memref<1x1x32x128xf32, #tpu.memory_space<vmem>>
    %dma_start3A_96 = tpu.memref_squeeze %dma_start3A_95 : memref<1x1x32x128xf32, #tpu.memory_space<vmem>> -> memref<32x128xf32, #tpu.memory_space<vmem>>
    %dma_start3A_97 = arith.constant 0 : i32
    %dma_start3A_98 = tpu.memref_slice %arg2[%select_n3A, %add3A_80, %add3A_36, %dma_start3A_97] : memref<2x4x8192x128xf32, #tpu.memory_space<hbm>> -> memref<1x1x32x128xf32, #tpu.memory_space<hbm>>
    %dma_start3A_99 = tpu.memref_squeeze %dma_start3A_98 : memref<1x1x32x128xf32, #tpu.memory_space<hbm>> -> memref<32x128xf32, #tpu.memory_space<hbm>>
    tpu.enqueue_dma source(%dma_start3A_99 : memref<32x128xf32, #tpu.memory_space<hbm>>) target(%dma_start3A_96 : memref<32x128xf32, #tpu.memory_space<vmem>>) target_semaphore(%dma_start3A_92 : memref<!tpu.dma_semaphore, #tpu.memory_space<semaphore_mem>>)
    %scan3A = arith.constant 0 : i32
    %scan3A_100 = arith.constant 0 : i32
    %scan3A_101 = arith.constant 16 : i32
    %scan3A_102 = arith.addi %scan3A_100, %scan3A_101 : i32
    %scan3A_103 = arith.constant 1 : i32
    %scan3A_104 = scf.for %scan3A_279 = %scan3A_100 to %scan3A_102 step %scan3A_103 iter_args(%scan3A_280 = %scan3A) -> (i32)  : i32 {
      %mul3A_281 = arith.constant 2 : i32
      %mul3A_282 = arith.muli %mul3A_281, %scan3A_279 : i32
      %add3A_283 = arith.constant 1 : i32
      %add3A_284 = arith.addi %mul3A_282, %add3A_283 : i32
      %mul3A_285 = arith.constant 32 : i32
      %mul3A_286 = arith.muli %add3A_284, %mul3A_285 : i32
      %add3A_287 = arith.addi %mul3A_29, %mul3A_286 : i32
      %dma_start3A_288 = arith.constant 1 : i32
      %dma_start3A_289 = arith.constant 1 : i32
      %dma_start3A_290 = arith.constant 0 : i32
      %dma_start3A_291 = arith.constant 0 : i32
      %dma_start3A_292 = tpu.memref_slice %arg6[%dma_start3A_288, %dma_start3A_290, %dma_start3A_291] : memref<2x32x128xi32, #tpu.memory_space<vmem>> -> memref<1x32x128xi32, #tpu.memory_space<vmem>>
      %dma_start3A_293 = tpu.memref_squeeze %dma_start3A_292 : memref<1x32x128xi32, #tpu.memory_space<vmem>> -> memref<32x128xi32, #tpu.memory_space<vmem>>
      %dma_start3A_294 = arith.constant 0 : i32
      %dma_start3A_295 = tpu.memref_slice %arg3[%select_n3A, %add3A_287, %dma_start3A_294] : memref<2x8192x128xi32, #tpu.memory_space<hbm>> -> memref<1x32x128xi32, #tpu.memory_space<hbm>>
      %dma_start3A_296 = tpu.memref_squeeze %dma_start3A_295 : memref<1x32x128xi32, #tpu.memory_space<hbm>> -> memref<32x128xi32, #tpu.memory_space<hbm>>
      %dma_start3A_297 = tpu.memref_slice %arg18[%dma_start3A_289] : memref<2x!tpu.dma_semaphore, #tpu.memory_space<semaphore_mem>> -> memref<1x!tpu.dma_semaphore, #tpu.memory_space<semaphore_mem>>
      %dma_start3A_298 = tpu.memref_squeeze %dma_start3A_297 : memref<1x!tpu.dma_semaphore, #tpu.memory_space<semaphore_mem>> -> memref<!tpu.dma_semaphore, #tpu.memory_space<semaphore_mem>>
      %dma_start3A_299 = arith.constant 0 : i32
      %dma_start3A_300 = arith.constant 0 : i32
      %dma_start3A_301 = tpu.memref_slice %arg6[%dma_start3A_288, %dma_start3A_299, %dma_start3A_300] : memref<2x32x128xi32, #tpu.memory_space<vmem>> -> memref<1x32x128xi32, #tpu.memory_space<vmem>>
      %dma_start3A_302 = tpu.memref_squeeze %dma_start3A_301 : memref<1x32x128xi32, #tpu.memory_space<vmem>> -> memref<32x128xi32, #tpu.memory_space<vmem>>
      %dma_start3A_303 = arith.constant 0 : i32
      %dma_start3A_304 = tpu.memref_slice %arg3[%select_n3A, %add3A_287, %dma_start3A_303] : memref<2x8192x128xi32, #tpu.memory_space<hbm>> -> memref<1x32x128xi32, #tpu.memory_space<hbm>>
      %dma_start3A_305 = tpu.memref_squeeze %dma_start3A_304 : memref<1x32x128xi32, #tpu.memory_space<hbm>> -> memref<32x128xi32, #tpu.memory_space<hbm>>
      tpu.enqueue_dma source(%dma_start3A_305 : memref<32x128xi32, #tpu.memory_space<hbm>>) target(%dma_start3A_302 : memref<32x128xi32, #tpu.memory_space<vmem>>) target_semaphore(%dma_start3A_298 : memref<!tpu.dma_semaphore, #tpu.memory_space<semaphore_mem>>)
      %mul3A_306 = arith.constant 2 : i32
      %mul3A_307 = arith.muli %arg0, %mul3A_306 : i32
      %add3A_308 = arith.constant 0 : i32
      %add3A_309 = arith.addi %mul3A_307, %add3A_308 : i32
      %dma_start3A_310 = arith.constant 1 : i32
      %dma_start3A_311 = arith.constant 0 : i32
      %dma_start3A_312 = arith.constant 1 : i32
      %dma_start3A_313 = arith.constant 0 : i32
      %dma_start3A_314 = arith.constant 0 : i32
      %dma_start3A_315 = tpu.memref_slice %arg5[%dma_start3A_310, %dma_start3A_311, %dma_start3A_313, %dma_start3A_314] : memref<2x2x32x128xf32, #tpu.memory_space<vmem>> -> memref<1x1x32x128xf32, #tpu.memory_space<vmem>>
      %dma_start3A_316 = tpu.memref_squeeze %dma_start3A_315 : memref<1x1x32x128xf32, #tpu.memory_space<vmem>> -> memref<32x128xf32, #tpu.memory_space<vmem>>
      %dma_start3A_317 = arith.constant 0 : i32
      %dma_start3A_318 = tpu.memref_slice %arg2[%select_n3A, %add3A_309, %add3A_287, %dma_start3A_317] : memref<2x4x8192x128xf32, #tpu.memory_space<hbm>> -> memref<1x1x32x128xf32, #tpu.memory_space<hbm>>
      %dma_start3A_319 = tpu.memref_squeeze %dma_start3A_318 : memref<1x1x32x128xf32, #tpu.memory_space<hbm>> -> memref<32x128xf32, #tpu.memory_space<hbm>>
      %dma_start3A_320 = tpu.memref_slice %arg18[%dma_start3A_312] : memref<2x!tpu.dma_semaphore, #tpu.memory_space<semaphore_mem>> -> memref<1x!tpu.dma_semaphore, #tpu.memory_space<semaphore_mem>>
      %dma_start3A_321 = tpu.memref_squeeze %dma_start3A_320 : memref<1x!tpu.dma_semaphore, #tpu.memory_space<semaphore_mem>> -> memref<!tpu.dma_semaphore, #tpu.memory_space<semaphore_mem>>
      %dma_start3A_322 = arith.constant 0 : i32
      %dma_start3A_323 = arith.constant 0 : i32
      %dma_start3A_324 = tpu.memref_slice %arg5[%dma_start3A_310, %dma_start3A_311, %dma_start3A_322, %dma_start3A_323] : memref<2x2x32x128xf32, #tpu.memory_space<vmem>> -> memref<1x1x32x128xf32, #tpu.memory_space<vmem>>
      %dma_start3A_325 = tpu.memref_squeeze %dma_start3A_324 : memref<1x1x32x128xf32, #tpu.memory_space<vmem>> -> memref<32x128xf32, #tpu.memory_space<vmem>>
      %dma_start3A_326 = arith.constant 0 : i32
      %dma_start3A_327 = tpu.memref_slice %arg2[%select_n3A, %add3A_309, %add3A_287, %dma_start3A_326] : memref<2x4x8192x128xf32, #tpu.memory_space<hbm>> -> memref<1x1x32x128xf32, #tpu.memory_space<hbm>>
      %dma_start3A_328 = tpu.memref_squeeze %dma_start3A_327 : memref<1x1x32x128xf32, #tpu.memory_space<hbm>> -> memref<32x128xf32, #tpu.memory_space<hbm>>
      tpu.enqueue_dma source(%dma_start3A_328 : memref<32x128xf32, #tpu.memory_space<hbm>>) target(%dma_start3A_325 : memref<32x128xf32, #tpu.memory_space<vmem>>) target_semaphore(%dma_start3A_321 : memref<!tpu.dma_semaphore, #tpu.memory_space<semaphore_mem>>)
      %mul3A_329 = arith.constant 2 : i32
      %mul3A_330 = arith.muli %arg0, %mul3A_329 : i32
      %add3A_331 = arith.constant 1 : i32
      %add3A_332 = arith.addi %mul3A_330, %add3A_331 : i32
      %dma_start3A_333 = arith.constant 1 : i32
      %dma_start3A_334 = arith.constant 1 : i32
      %dma_start3A_335 = arith.constant 1 : i32
      %dma_start3A_336 = arith.constant 0 : i32
      %dma_start3A_337 = arith.constant 0 : i32
      %dma_start3A_338 = tpu.memref_slice %arg5[%dma_start3A_333, %dma_start3A_334, %dma_start3A_336, %dma_start3A_337] : memref<2x2x32x128xf32, #tpu.memory_space<vmem>> -> memref<1x1x32x128xf32, #tpu.memory_space<vmem>>
      %dma_start3A_339 = tpu.memref_squeeze %dma_start3A_338 : memref<1x1x32x128xf32, #tpu.memory_space<vmem>> -> memref<32x128xf32, #tpu.memory_space<vmem>>
      %dma_start3A_340 = arith.constant 0 : i32
      %dma_start3A_341 = tpu.memref_slice %arg2[%select_n3A, %add3A_332, %add3A_287, %dma_start3A_340] : memref<2x4x8192x128xf32, #tpu.memory_space<hbm>> -> memref<1x1x32x128xf32, #tpu.memory_space<hbm>>
      %dma_start3A_342 = tpu.memref_squeeze %dma_start3A_341 : memref<1x1x32x128xf32, #tpu.memory_space<hbm>> -> memref<32x128xf32, #tpu.memory_space<hbm>>
      %dma_start3A_343 = tpu.memref_slice %arg18[%dma_start3A_335] : memref<2x!tpu.dma_semaphore, #tpu.memory_space<semaphore_mem>> -> memref<1x!tpu.dma_semaphore, #tpu.memory_space<semaphore_mem>>
      %dma_start3A_344 = tpu.memref_squeeze %dma_start3A_343 : memref<1x!tpu.dma_semaphore, #tpu.memory_space<semaphore_mem>> -> memref<!tpu.dma_semaphore, #tpu.memory_space<semaphore_mem>>
      %dma_start3A_345 = arith.constant 0 : i32
      %dma_start3A_346 = arith.constant 0 : i32
      %dma_start3A_347 = tpu.memref_slice %arg5[%dma_start3A_333, %dma_start3A_334, %dma_start3A_345, %dma_start3A_346] : memref<2x2x32x128xf32, #tpu.memory_space<vmem>> -> memref<1x1x32x128xf32, #tpu.memory_space<vmem>>
      %dma_start3A_348 = tpu.memref_squeeze %dma_start3A_347 : memref<1x1x32x128xf32, #tpu.memory_space<vmem>> -> memref<32x128xf32, #tpu.memory_space<vmem>>
      %dma_start3A_349 = arith.constant 0 : i32
      %dma_start3A_350 = tpu.memref_slice %arg2[%select_n3A, %add3A_332, %add3A_287, %dma_start3A_349] : memref<2x4x8192x128xf32, #tpu.memory_space<hbm>> -> memref<1x1x32x128xf32, #tpu.memory_space<hbm>>
      %dma_start3A_351 = tpu.memref_squeeze %dma_start3A_350 : memref<1x1x32x128xf32, #tpu.memory_space<hbm>> -> memref<32x128xf32, #tpu.memory_space<hbm>>
      tpu.enqueue_dma source(%dma_start3A_351 : memref<32x128xf32, #tpu.memory_space<hbm>>) target(%dma_start3A_348 : memref<32x128xf32, #tpu.memory_space<vmem>>) target_semaphore(%dma_start3A_344 : memref<!tpu.dma_semaphore, #tpu.memory_space<semaphore_mem>>)
      %mul3A_352 = arith.constant 2 : i32
      %mul3A_353 = arith.muli %mul3A_352, %scan3A_279 : i32
      %mul3A_354 = arith.constant 32 : i32
      %mul3A_355 = arith.muli %mul3A_353, %mul3A_354 : i32
      %add3A_356 = arith.addi %mul3A_29, %mul3A_355 : i32
      %dma_wait3A = arith.constant 0 : i32
      %dma_wait3A_357 = arith.constant 0 : i32
      %dma_wait3A_358 = arith.constant 0 : i32
      %dma_wait3A_359 = arith.constant 0 : i32
      %dma_wait3A_360 = tpu.memref_slice %arg6[%dma_wait3A, %dma_wait3A_358, %dma_wait3A_359] : memref<2x32x128xi32, #tpu.memory_space<vmem>> -> memref<1x32x128xi32, #tpu.memory_space<vmem>>
      %dma_wait3A_361 = tpu.memref_squeeze %dma_wait3A_360 : memref<1x32x128xi32, #tpu.memory_space<vmem>> -> memref<32x128xi32, #tpu.memory_space<vmem>>
      %dma_wait3A_362 = arith.constant 0 : i32
      %dma_wait3A_363 = tpu.memref_slice %arg3[%select_n3A, %add3A_356, %dma_wait3A_362] : memref<2x8192x128xi32, #tpu.memory_space<hbm>> -> memref<1x32x128xi32, #tpu.memory_space<hbm>>
      %dma_wait3A_364 = tpu.memref_squeeze %dma_wait3A_363 : memref<1x32x128xi32, #tpu.memory_space<hbm>> -> memref<32x128xi32, #tpu.memory_space<hbm>>
      %dma_wait3A_365 = tpu.memref_slice %arg18[%dma_wait3A_357] : memref<2x!tpu.dma_semaphore, #tpu.memory_space<semaphore_mem>> -> memref<1x!tpu.dma_semaphore, #tpu.memory_space<semaphore_mem>>
      %dma_wait3A_366 = tpu.memref_squeeze %dma_wait3A_365 : memref<1x!tpu.dma_semaphore, #tpu.memory_space<semaphore_mem>> -> memref<!tpu.dma_semaphore, #tpu.memory_space<semaphore_mem>>
      %dma_wait3A_367 = arith.constant 0 : i32
      %dma_wait3A_368 = arith.constant 0 : i32
      %dma_wait3A_369 = tpu.memref_slice %arg6[%dma_wait3A, %dma_wait3A_367, %dma_wait3A_368] : memref<2x32x128xi32, #tpu.memory_space<vmem>> -> memref<1x32x128xi32, #tpu.memory_space<vmem>>
      %dma_wait3A_370 = tpu.memref_squeeze %dma_wait3A_369 : memref<1x32x128xi32, #tpu.memory_space<vmem>> -> memref<32x128xi32, #tpu.memory_space<vmem>>
      %dma_wait3A_371 = arith.constant 0 : i32
      %dma_wait3A_372 = tpu.memref_slice %arg3[%select_n3A, %add3A_356, %dma_wait3A_371] : memref<2x8192x128xi32, #tpu.memory_space<hbm>> -> memref<1x32x128xi32, #tpu.memory_space<hbm>>
      %dma_wait3A_373 = tpu.memref_squeeze %dma_wait3A_372 : memref<1x32x128xi32, #tpu.memory_space<hbm>> -> memref<32x128xi32, #tpu.memory_space<hbm>>
      tpu.wait_dma2 semaphore(%dma_wait3A_366 : memref<!tpu.dma_semaphore, #tpu.memory_space<semaphore_mem>>) src(%dma_wait3A_373 : memref<32x128xi32, #tpu.memory_space<hbm>>) dst(%dma_wait3A_370 : memref<32x128xi32, #tpu.memory_space<vmem>>)
      %mul3A_374 = arith.constant 2 : i32
      %mul3A_375 = arith.muli %arg0, %mul3A_374 : i32
      %add3A_376 = arith.constant 0 : i32
      %add3A_377 = arith.addi %mul3A_375, %add3A_376 : i32
      %dma_wait3A_378 = arith.constant 0 : i32
      %dma_wait3A_379 = arith.constant 0 : i32
      %dma_wait3A_380 = arith.constant 0 : i32
      %dma_wait3A_381 = arith.constant 0 : i32
      %dma_wait3A_382 = arith.constant 0 : i32
      %dma_wait3A_383 = tpu.memref_slice %arg5[%dma_wait3A_378, %dma_wait3A_379, %dma_wait3A_381, %dma_wait3A_382] : memref<2x2x32x128xf32, #tpu.memory_space<vmem>> -> memref<1x1x32x128xf32, #tpu.memory_space<vmem>>
      %dma_wait3A_384 = tpu.memref_squeeze %dma_wait3A_383 : memref<1x1x32x128xf32, #tpu.memory_space<vmem>> -> memref<32x128xf32, #tpu.memory_space<vmem>>
      %dma_wait3A_385 = arith.constant 0 : i32
      %dma_wait3A_386 = tpu.memref_slice %arg2[%select_n3A, %add3A_377, %add3A_356, %dma_wait3A_385] : memref<2x4x8192x128xf32, #tpu.memory_space<hbm>> -> memref<1x1x32x128xf32, #tpu.memory_space<hbm>>
      %dma_wait3A_387 = tpu.memref_squeeze %dma_wait3A_386 : memref<1x1x32x128xf32, #tpu.memory_space<hbm>> -> memref<32x128xf32, #tpu.memory_space<hbm>>
      %dma_wait3A_388 = tpu.memref_slice %arg18[%dma_wait3A_380] : memref<2x!tpu.dma_semaphore, #tpu.memory_space<semaphore_mem>> -> memref<1x!tpu.dma_semaphore, #tpu.memory_space<semaphore_mem>>
      %dma_wait3A_389 = tpu.memref_squeeze %dma_wait3A_388 : memref<1x!tpu.dma_semaphore, #tpu.memory_space<semaphore_mem>> -> memref<!tpu.dma_semaphore, #tpu.memory_space<semaphore_mem>>
      %dma_wait3A_390 = arith.constant 0 : i32
      %dma_wait3A_391 = arith.constant 0 : i32
      %dma_wait3A_392 = tpu.memref_slice %arg5[%dma_wait3A_378, %dma_wait3A_379, %dma_wait3A_390, %dma_wait3A_391] : memref<2x2x32x128xf32, #tpu.memory_space<vmem>> -> memref<1x1x32x128xf32, #tpu.memory_space<vmem>>
      %dma_wait3A_393 = tpu.memref_squeeze %dma_wait3A_392 : memref<1x1x32x128xf32, #tpu.memory_space<vmem>> -> memref<32x128xf32, #tpu.memory_space<vmem>>
      %dma_wait3A_394 = arith.constant 0 : i32
      %dma_wait3A_395 = tpu.memref_slice %arg2[%select_n3A, %add3A_377, %add3A_356, %dma_wait3A_394] : memref<2x4x8192x128xf32, #tpu.memory_space<hbm>> -> memref<1x1x32x128xf32, #tpu.memory_space<hbm>>
      %dma_wait3A_396 = tpu.memref_squeeze %dma_wait3A_395 : memref<1x1x32x128xf32, #tpu.memory_space<hbm>> -> memref<32x128xf32, #tpu.memory_space<hbm>>
      tpu.wait_dma2 semaphore(%dma_wait3A_389 : memref<!tpu.dma_semaphore, #tpu.memory_space<semaphore_mem>>) src(%dma_wait3A_396 : memref<32x128xf32, #tpu.memory_space<hbm>>) dst(%dma_wait3A_393 : memref<32x128xf32, #tpu.memory_space<vmem>>)
      %mul3A_397 = arith.constant 2 : i32
      %mul3A_398 = arith.muli %arg0, %mul3A_397 : i32
      %add3A_399 = arith.constant 1 : i32
      %add3A_400 = arith.addi %mul3A_398, %add3A_399 : i32
      %dma_wait3A_401 = arith.constant 0 : i32
      %dma_wait3A_402 = arith.constant 1 : i32
      %dma_wait3A_403 = arith.constant 0 : i32
      %dma_wait3A_404 = arith.constant 0 : i32
      %dma_wait3A_405 = arith.constant 0 : i32
      %dma_wait3A_406 = tpu.memref_slice %arg5[%dma_wait3A_401, %dma_wait3A_402, %dma_wait3A_404, %dma_wait3A_405] : memref<2x2x32x128xf32, #tpu.memory_space<vmem>> -> memref<1x1x32x128xf32, #tpu.memory_space<vmem>>
      %dma_wait3A_407 = tpu.memref_squeeze %dma_wait3A_406 : memref<1x1x32x128xf32, #tpu.memory_space<vmem>> -> memref<32x128xf32, #tpu.memory_space<vmem>>
      %dma_wait3A_408 = arith.constant 0 : i32
      %dma_wait3A_409 = tpu.memref_slice %arg2[%select_n3A, %add3A_400, %add3A_356, %dma_wait3A_408] : memref<2x4x8192x128xf32, #tpu.memory_space<hbm>> -> memref<1x1x32x128xf32, #tpu.memory_space<hbm>>
      %dma_wait3A_410 = tpu.memref_squeeze %dma_wait3A_409 : memref<1x1x32x128xf32, #tpu.memory_space<hbm>> -> memref<32x128xf32, #tpu.memory_space<hbm>>
      %dma_wait3A_411 = tpu.memref_slice %arg18[%dma_wait3A_403] : memref<2x!tpu.dma_semaphore, #tpu.memory_space<semaphore_mem>> -> memref<1x!tpu.dma_semaphore, #tpu.memory_space<semaphore_mem>>
      %dma_wait3A_412 = tpu.memref_squeeze %dma_wait3A_411 : memref<1x!tpu.dma_semaphore, #tpu.memory_space<semaphore_mem>> -> memref<!tpu.dma_semaphore, #tpu.memory_space<semaphore_mem>>
      %dma_wait3A_413 = arith.constant 0 : i32
      %dma_wait3A_414 = arith.constant 0 : i32
      %dma_wait3A_415 = tpu.memref_slice %arg5[%dma_wait3A_401, %dma_wait3A_402, %dma_wait3A_413, %dma_wait3A_414] : memref<2x2x32x128xf32, #tpu.memory_space<vmem>> -> memref<1x1x32x128xf32, #tpu.memory_space<vmem>>
      %dma_wait3A_416 = tpu.memref_squeeze %dma_wait3A_415 : memref<1x1x32x128xf32, #tpu.memory_space<vmem>> -> memref<32x128xf32, #tpu.memory_space<vmem>>
      %dma_wait3A_417 = arith.constant 0 : i32
      %dma_wait3A_418 = tpu.memref_slice %arg2[%select_n3A, %add3A_400, %add3A_356, %dma_wait3A_417] : memref<2x4x8192x128xf32, #tpu.memory_space<hbm>> -> memref<1x1x32x128xf32, #tpu.memory_space<hbm>>
      %dma_wait3A_419 = tpu.memref_squeeze %dma_wait3A_418 : memref<1x1x32x128xf32, #tpu.memory_space<hbm>> -> memref<32x128xf32, #tpu.memory_space<hbm>>
      tpu.wait_dma2 semaphore(%dma_wait3A_412 : memref<!tpu.dma_semaphore, #tpu.memory_space<semaphore_mem>>) src(%dma_wait3A_419 : memref<32x128xf32, #tpu.memory_space<hbm>>) dst(%dma_wait3A_416 : memref<32x128xf32, #tpu.memory_space<vmem>>)
      %parallel_loop3A_420 = arith.constant 0 : i32
      %parallel_loop3A_421 = arith.constant 256 : i32
      %parallel_loop3A_422 = arith.constant 1 : i32
      scf.for %parallel_loop3A_503 = %parallel_loop3A_420 to %parallel_loop3A_421 step %parallel_loop3A_422  : i32 {
        %parallel_loop3A_504 = arith.constant 3 : i32
        %parallel_loop3A_505 = arith.shrsi %parallel_loop3A_503, %parallel_loop3A_504 : i32
        %parallel_loop3A_506 = arith.constant 7 : i32
        %parallel_loop3A_507 = arith.andi %parallel_loop3A_503, %parallel_loop3A_506 : i32
        %parallel_loop3A_508 = arith.constant 16 : i32
        %parallel_loop3A_509 = arith.muli %parallel_loop3A_507, %parallel_loop3A_508 : i32
        %parallel_loop3A_510 = arith.constant 0 : i32
        %parallel_loop3A_511 = arith.index_cast %parallel_loop3A_510 : i32 to index
        %parallel_loop3A_512 = arith.index_cast %parallel_loop3A_505 : i32 to index
        %parallel_loop3A_513 = arith.index_cast %parallel_loop3A_509 : i32 to index
        %parallel_loop3A_514 = tpu.vector_load %arg6[%parallel_loop3A_511, %parallel_loop3A_512, %parallel_loop3A_513] {strides = array<i32>} : memref<2x32x128xi32, #tpu.memory_space<vmem>>, vector<16xi32>,
        %parallel_loop3A_515 = arith.constant 0 : i32
        %parallel_loop3A_516 = arith.constant 0 : i32
        %parallel_loop3A_517 = arith.index_cast %parallel_loop3A_515 : i32 to index
        %parallel_loop3A_518 = arith.index_cast %parallel_loop3A_516 : i32 to index
        %parallel_loop3A_519 = arith.index_cast %parallel_loop3A_505 : i32 to index
        %parallel_loop3A_520 = arith.index_cast %parallel_loop3A_509 : i32 to index
        %parallel_loop3A_521 = tpu.vector_load %arg5[%parallel_loop3A_517, %parallel_loop3A_518, %parallel_loop3A_519, %parallel_loop3A_520] {strides = array<i32>} : memref<2x2x32x128xf32, #tpu.memory_space<vmem>>, vector<16xf32>,
        %parallel_loop3A_522 = arith.constant 2 : i32
        %parallel_loop3A_523 = arith.muli %arg0, %parallel_loop3A_522 : i32
        %parallel_loop3A_524 = arith.constant 0 : i32
        %parallel_loop3A_525 = arith.addi %parallel_loop3A_523, %parallel_loop3A_524 : i32
        %parallel_loop3A_526 = vector.broadcast %parallel_loop3A_525 : i32 to vector<16xi32>
        %parallel_loop3A_527 = arith.cmpi eq, %parallel_loop3A_514, %parallel_loop3A_526 : vector<16xi32>
        %parallel_loop3A_528 = arith.constant 1.000000e+00 : f32
        %parallel_loop3A_529 = vector.broadcast %parallel_loop3A_528 : f32 to vector<16xf32>
        %parallel_loop3A_530 = arith.subf %parallel_loop3A_529, %parallel_loop3A_521 : vector<16xf32>
        %parallel_loop3A_531 = arith.select %parallel_loop3A_527, %parallel_loop3A_530, %parallel_loop3A_521 : vector<16xi1>, vector<16xf32>
        %parallel_loop3A_532 = math.absf %parallel_loop3A_531 : vector<16xf32>
        %parallel_loop3A_533 = vector.bitcast %parallel_loop3A_532 : vector<16xf32> to vector<16xi32>
        %parallel_loop3A_534 = arith.constant 18 : i32
        %parallel_loop3A_535 = vector.broadcast %parallel_loop3A_534 : i32 to vector<16xi32>
        %parallel_loop3A_536 = arith.shrui %parallel_loop3A_533, %parallel_loop3A_535 : vector<16xi32>
        %parallel_loop3A_537 = arith.constant 16384 : i32
        %parallel_loop3A_538 = arith.constant 0 : i32
        %parallel_loop3A_539 = vector.broadcast %parallel_loop3A_537 : i32 to vector<16xi32>
        %parallel_loop3A_540 = vector.broadcast %parallel_loop3A_538 : i32 to vector<16xi32>
        %parallel_loop3A_541 = arith.select %parallel_loop3A_527, %parallel_loop3A_539, %parallel_loop3A_540 : vector<16xi1>, vector<16xi32>
        %parallel_loop3A_542 = arith.addi %parallel_loop3A_536, %parallel_loop3A_541 : vector<16xi32>
        tpu.vector_store_idx %arg7[%parallel_loop3A_542], %broadcast_in_dim3A_32 {add = true} : memref<32768xf32, #tpu.memory_space<vmem>>[vector<16xi32>], vector<16xf32>,
        %parallel_loop3A_543 = arith.constant 0 : i32
        %parallel_loop3A_544 = arith.constant 1 : i32
        %parallel_loop3A_545 = arith.index_cast %parallel_loop3A_543 : i32 to index
        %parallel_loop3A_546 = arith.index_cast %parallel_loop3A_544 : i32 to index
        %parallel_loop3A_547 = arith.index_cast %parallel_loop3A_505 : i32 to index
        %parallel_loop3A_548 = arith.index_cast %parallel_loop3A_509 : i32 to index
        %parallel_loop3A_549 = tpu.vector_load %arg5[%parallel_loop3A_545, %parallel_loop3A_546, %parallel_loop3A_547, %parallel_loop3A_548] {strides = array<i32>} : memref<2x2x32x128xf32, #tpu.memory_space<vmem>>, vector<16xf32>,
        %parallel_loop3A_550 = arith.constant 2 : i32
        %parallel_loop3A_551 = arith.muli %arg0, %parallel_loop3A_550 : i32
        %parallel_loop3A_552 = arith.constant 1 : i32
        %parallel_loop3A_553 = arith.addi %parallel_loop3A_551, %parallel_loop3A_552 : i32
        %parallel_loop3A_554 = vector.broadcast %parallel_loop3A_553 : i32 to vector<16xi32>
        %parallel_loop3A_555 = arith.cmpi eq, %parallel_loop3A_514, %parallel_loop3A_554 : vector<16xi32>
        %parallel_loop3A_556 = arith.constant 1.000000e+00 : f32
        %parallel_loop3A_557 = vector.broadcast %parallel_loop3A_556 : f32 to vector<16xf32>
        %parallel_loop3A_558 = arith.subf %parallel_loop3A_557, %parallel_loop3A_549 : vector<16xf32>
        %parallel_loop3A_559 = arith.select %parallel_loop3A_555, %parallel_loop3A_558, %parallel_loop3A_549 : vector<16xi1>, vector<16xf32>
        %parallel_loop3A_560 = math.absf %parallel_loop3A_559 : vector<16xf32>
        %parallel_loop3A_561 = vector.bitcast %parallel_loop3A_560 : vector<16xf32> to vector<16xi32>
        %parallel_loop3A_562 = arith.constant 18 : i32
        %parallel_loop3A_563 = vector.broadcast %parallel_loop3A_562 : i32 to vector<16xi32>
        %parallel_loop3A_564 = arith.shrui %parallel_loop3A_561, %parallel_loop3A_563 : vector<16xi32>
        %parallel_loop3A_565 = arith.constant 24576 : i32
        %parallel_loop3A_566 = arith.constant 8192 : i32
        %parallel_loop3A_567 = vector.broadcast %parallel_loop3A_565 : i32 to vector<16xi32>
        %parallel_loop3A_568 = vector.broadcast %parallel_loop3A_566 : i32 to vector<16xi32>
        %parallel_loop3A_569 = arith.select %parallel_loop3A_555, %parallel_loop3A_567, %parallel_loop3A_568 : vector<16xi1>, vector<16xi32>
        %parallel_loop3A_570 = arith.addi %parallel_loop3A_564, %parallel_loop3A_569 : vector<16xi32>
        tpu.vector_store_idx %arg7[%parallel_loop3A_570], %broadcast_in_dim3A_32 {add = true} : memref<32768xf32, #tpu.memory_space<vmem>>[vector<16xi32>], vector<16xf32>,
      } {sc.loop_unroll_factor = 4 : i64, sc.parallel_access}
      %lt3A_423 = arith.constant 15 : i32
      %lt3A_424 = arith.cmpi slt, %scan3A_279, %lt3A_423 : i32
      %convert_element_type3A_425 = arith.extui %lt3A_424 : i1 to i32
      %cond3A_426 = arith.constant 0 : i32
      %cond3A_427 = arith.cmpi ne, %convert_element_type3A_425, %cond3A_426 : i32
      scf.if %cond3A_427 {
        %mul3A_503 = arith.constant 2 : i32
        %mul3A_504 = arith.muli %mul3A_503, %scan3A_279 : i32
        %add3A_505 = arith.constant 2 : i32
        %add3A_506 = arith.addi %mul3A_504, %add3A_505 : i32
        %mul3A_507 = arith.constant 32 : i32
        %mul3A_508 = arith.muli %add3A_506, %mul3A_507 : i32
        %add3A_509 = arith.addi %mul3A_29, %mul3A_508 : i32
        %dma_start3A_510 = arith.constant 0 : i32
        %dma_start3A_511 = arith.constant 0 : i32
        %dma_start3A_512 = arith.constant 0 : i32
        %dma_start3A_513 = arith.constant 0 : i32
        %dma_start3A_514 = tpu.memref_slice %arg6[%dma_start3A_510, %dma_start3A_512, %dma_start3A_513] : memref<2x32x128xi32, #tpu.memory_space<vmem>> -> memref<1x32x128xi32, #tpu.memory_space<vmem>>
        %dma_start3A_515 = tpu.memref_squeeze %dma_start3A_514 : memref<1x32x128xi32, #tpu.memory_space<vmem>> -> memref<32x128xi32, #tpu.memory_space<vmem>>
        %dma_start3A_516 = arith.constant 0 : i32
        %dma_start3A_517 = tpu.memref_slice %arg3[%select_n3A, %add3A_509, %dma_start3A_516] : memref<2x8192x128xi32, #tpu.memory_space<hbm>> -> memref<1x32x128xi32, #tpu.memory_space<hbm>>
        %dma_start3A_518 = tpu.memref_squeeze %dma_start3A_517 : memref<1x32x128xi32, #tpu.memory_space<hbm>> -> memref<32x128xi32, #tpu.memory_space<hbm>>
        %dma_start3A_519 = tpu.memref_slice %arg18[%dma_start3A_511] : memref<2x!tpu.dma_semaphore, #tpu.memory_space<semaphore_mem>> -> memref<1x!tpu.dma_semaphore, #tpu.memory_space<semaphore_mem>>
        %dma_start3A_520 = tpu.memref_squeeze %dma_start3A_519 : memref<1x!tpu.dma_semaphore, #tpu.memory_space<semaphore_mem>> -> memref<!tpu.dma_semaphore, #tpu.memory_space<semaphore_mem>>
        %dma_start3A_521 = arith.constant 0 : i32
        %dma_start3A_522 = arith.constant 0 : i32
        %dma_start3A_523 = tpu.memref_slice %arg6[%dma_start3A_510, %dma_start3A_521, %dma_start3A_522] : memref<2x32x128xi32, #tpu.memory_space<vmem>> -> memref<1x32x128xi32, #tpu.memory_space<vmem>>
        %dma_start3A_524 = tpu.memref_squeeze %dma_start3A_523 : memref<1x32x128xi32, #tpu.memory_space<vmem>> -> memref<32x128xi32, #tpu.memory_space<vmem>>
        %dma_start3A_525 = arith.constant 0 : i32
        %dma_start3A_526 = tpu.memref_slice %arg3[%select_n3A, %add3A_509, %dma_start3A_525] : memref<2x8192x128xi32, #tpu.memory_space<hbm>> -> memref<1x32x128xi32, #tpu.memory_space<hbm>>
        %dma_start3A_527 = tpu.memref_squeeze %dma_start3A_526 : memref<1x32x128xi32, #tpu.memory_space<hbm>> -> memref<32x128xi32, #tpu.memory_space<hbm>>
        tpu.enqueue_dma source(%dma_start3A_527 : memref<32x128xi32, #tpu.memory_space<hbm>>) target(%dma_start3A_524 : memref<32x128xi32, #tpu.memory_space<vmem>>) target_semaphore(%dma_start3A_520 : memref<!tpu.dma_semaphore, #tpu.memory_space<semaphore_mem>>)
        %mul3A_528 = arith.constant 2 : i32
        %mul3A_529 = arith.muli %arg0, %mul3A_528 : i32
        %add3A_530 = arith.constant 0 : i32
        %add3A_531 = arith.addi %mul3A_529, %add3A_530 : i32
        %dma_start3A_532 = arith.constant 0 : i32
        %dma_start3A_533 = arith.constant 0 : i32
        %dma_start3A_534 = arith.constant 0 : i32
        %dma_start3A_535 = arith.constant 0 : i32
        %dma_start3A_536 = arith.constant 0 : i32
        %dma_start3A_537 = tpu.memref_slice %arg5[%dma_start3A_532, %dma_start3A_533, %dma_start3A_535, %dma_start3A_536] : memref<2x2x32x128xf32, #tpu.memory_space<vmem>> -> memref<1x1x32x128xf32, #tpu.memory_space<vmem>>
        %dma_start3A_538 = tpu.memref_squeeze %dma_start3A_537 : memref<1x1x32x128xf32, #tpu.memory_space<vmem>> -> memref<32x128xf32, #tpu.memory_space<vmem>>
        %dma_start3A_539 = arith.constant 0 : i32
        %dma_start3A_540 = tpu.memref_slice %arg2[%select_n3A, %add3A_531, %add3A_509, %dma_start3A_539] : memref<2x4x8192x128xf32, #tpu.memory_space<hbm>> -> memref<1x1x32x128xf32, #tpu.memory_space<hbm>>
        %dma_start3A_541 = tpu.memref_squeeze %dma_start3A_540 : memref<1x1x32x128xf32, #tpu.memory_space<hbm>> -> memref<32x128xf32, #tpu.memory_space<hbm>>
        %dma_start3A_542 = tpu.memref_slice %arg18[%dma_start3A_534] : memref<2x!tpu.dma_semaphore, #tpu.memory_space<semaphore_mem>> -> memref<1x!tpu.dma_semaphore, #tpu.memory_space<semaphore_mem>>
        %dma_start3A_543 = tpu.memref_squeeze %dma_start3A_542 : memref<1x!tpu.dma_semaphore, #tpu.memory_space<semaphore_mem>> -> memref<!tpu.dma_semaphore, #tpu.memory_space<semaphore_mem>>
        %dma_start3A_544 = arith.constant 0 : i32
        %dma_start3A_545 = arith.constant 0 : i32
        %dma_start3A_546 = tpu.memref_slice %arg5[%dma_start3A_532, %dma_start3A_533, %dma_start3A_544, %dma_start3A_545] : memref<2x2x32x128xf32, #tpu.memory_space<vmem>> -> memref<1x1x32x128xf32, #tpu.memory_space<vmem>>
        %dma_start3A_547 = tpu.memref_squeeze %dma_start3A_546 : memref<1x1x32x128xf32, #tpu.memory_space<vmem>> -> memref<32x128xf32, #tpu.memory_space<vmem>>
        %dma_start3A_548 = arith.constant 0 : i32
        %dma_start3A_549 = tpu.memref_slice %arg2[%select_n3A, %add3A_531, %add3A_509, %dma_start3A_548] : memref<2x4x8192x128xf32, #tpu.memory_space<hbm>> -> memref<1x1x32x128xf32, #tpu.memory_space<hbm>>
        %dma_start3A_550 = tpu.memref_squeeze %dma_start3A_549 : memref<1x1x32x128xf32, #tpu.memory_space<hbm>> -> memref<32x128xf32, #tpu.memory_space<hbm>>
        tpu.enqueue_dma source(%dma_start3A_550 : memref<32x128xf32, #tpu.memory_space<hbm>>) target(%dma_start3A_547 : memref<32x128xf32, #tpu.memory_space<vmem>>) target_semaphore(%dma_start3A_543 : memref<!tpu.dma_semaphore, #tpu.memory_space<semaphore_mem>>)
        %mul3A_551 = arith.constant 2 : i32
        %mul3A_552 = arith.muli %arg0, %mul3A_551 : i32
        %add3A_553 = arith.constant 1 : i32
        %add3A_554 = arith.addi %mul3A_552, %add3A_553 : i32
        %dma_start3A_555 = arith.constant 0 : i32
        %dma_start3A_556 = arith.constant 1 : i32
        %dma_start3A_557 = arith.constant 0 : i32
        %dma_start3A_558 = arith.constant 0 : i32
        %dma_start3A_559 = arith.constant 0 : i32
        %dma_start3A_560 = tpu.memref_slice %arg5[%dma_start3A_555, %dma_start3A_556, %dma_start3A_558, %dma_start3A_559] : memref<2x2x32x128xf32, #tpu.memory_space<vmem>> -> memref<1x1x32x128xf32, #tpu.memory_space<vmem>>
        %dma_start3A_561 = tpu.memref_squeeze %dma_start3A_560 : memref<1x1x32x128xf32, #tpu.memory_space<vmem>> -> memref<32x128xf32, #tpu.memory_space<vmem>>
        %dma_start3A_562 = arith.constant 0 : i32
        %dma_start3A_563 = tpu.memref_slice %arg2[%select_n3A, %add3A_554, %add3A_509, %dma_start3A_562] : memref<2x4x8192x128xf32, #tpu.memory_space<hbm>> -> memref<1x1x32x128xf32, #tpu.memory_space<hbm>>
        %dma_start3A_564 = tpu.memref_squeeze %dma_start3A_563 : memref<1x1x32x128xf32, #tpu.memory_space<hbm>> -> memref<32x128xf32, #tpu.memory_space<hbm>>
        %dma_start3A_565 = tpu.memref_slice %arg18[%dma_start3A_557] : memref<2x!tpu.dma_semaphore, #tpu.memory_space<semaphore_mem>> -> memref<1x!tpu.dma_semaphore, #tpu.memory_space<semaphore_mem>>
        %dma_start3A_566 = tpu.memref_squeeze %dma_start3A_565 : memref<1x!tpu.dma_semaphore, #tpu.memory_space<semaphore_mem>> -> memref<!tpu.dma_semaphore, #tpu.memory_space<semaphore_mem>>
        %dma_start3A_567 = arith.constant 0 : i32
        %dma_start3A_568 = arith.constant 0 : i32
        %dma_start3A_569 = tpu.memref_slice %arg5[%dma_start3A_555, %dma_start3A_556, %dma_start3A_567, %dma_start3A_568] : memref<2x2x32x128xf32, #tpu.memory_space<vmem>> -> memref<1x1x32x128xf32, #tpu.memory_space<vmem>>
        %dma_start3A_570 = tpu.memref_squeeze %dma_start3A_569 : memref<1x1x32x128xf32, #tpu.memory_space<vmem>> -> memref<32x128xf32, #tpu.memory_space<vmem>>
        %dma_start3A_571 = arith.constant 0 : i32
        %dma_start3A_572 = tpu.memref_slice %arg2[%select_n3A, %add3A_554, %add3A_509, %dma_start3A_571] : memref<2x4x8192x128xf32, #tpu.memory_space<hbm>> -> memref<1x1x32x128xf32, #tpu.memory_space<hbm>>
        %dma_start3A_573 = tpu.memref_squeeze %dma_start3A_572 : memref<1x1x32x128xf32, #tpu.memory_space<hbm>> -> memref<32x128xf32, #tpu.memory_space<hbm>>
        tpu.enqueue_dma source(%dma_start3A_573 : memref<32x128xf32, #tpu.memory_space<hbm>>) target(%dma_start3A_570 : memref<32x128xf32, #tpu.memory_space<vmem>>) target_semaphore(%dma_start3A_566 : memref<!tpu.dma_semaphore, #tpu.memory_space<semaphore_mem>>)
      } else {
      }
      %mul3A_428 = arith.constant 2 : i32
      %mul3A_429 = arith.muli %mul3A_428, %scan3A_279 : i32
      %add3A_430 = arith.constant 1 : i32
      %add3A_431 = arith.addi %mul3A_429, %add3A_430 : i32
      %mul3A_432 = arith.constant 32 : i32
      %mul3A_433 = arith.muli %add3A_431, %mul3A_432 : i32
      %add3A_434 = arith.addi %mul3A_29, %mul3A_433 : i32
      %dma_wait3A_435 = arith.constant 1 : i32
      %dma_wait3A_436 = arith.constant 1 : i32
      %dma_wait3A_437 = arith.constant 0 : i32
      %dma_wait3A_438 = arith.constant 0 : i32
      %dma_wait3A_439 = tpu.memref_slice %arg6[%dma_wait3A_435, %dma_wait3A_437, %dma_wait3A_438] : memref<2x32x128xi32, #tpu.memory_space<vmem>> -> memref<1x32x128xi32, #tpu.memory_space<vmem>>
      %dma_wait3A_440 = tpu.memref_squeeze %dma_wait3A_439 : memref<1x32x128xi32, #tpu.memory_space<vmem>> -> memref<32x128xi32, #tpu.memory_space<vmem>>
      %dma_wait3A_441 = arith.constant 0 : i32
      %dma_wait3A_442 = tpu.memref_slice %arg3[%select_n3A, %add3A_434, %dma_wait3A_441] : memref<2x8192x128xi32, #tpu.memory_space<hbm>> -> memref<1x32x128xi32, #tpu.memory_space<hbm>>
      %dma_wait3A_443 = tpu.memref_squeeze %dma_wait3A_442 : memref<1x32x128xi32, #tpu.memory_space<hbm>> -> memref<32x128xi32, #tpu.memory_space<hbm>>
      %dma_wait3A_444 = tpu.memref_slice %arg18[%dma_wait3A_436] : memref<2x!tpu.dma_semaphore, #tpu.memory_space<semaphore_mem>> -> memref<1x!tpu.dma_semaphore, #tpu.memory_space<semaphore_mem>>
      %dma_wait3A_445 = tpu.memref_squeeze %dma_wait3A_444 : memref<1x!tpu.dma_semaphore, #tpu.memory_space<semaphore_mem>> -> memref<!tpu.dma_semaphore, #tpu.memory_space<semaphore_mem>>
      %dma_wait3A_446 = arith.constant 0 : i32
      %dma_wait3A_447 = arith.constant 0 : i32
      %dma_wait3A_448 = tpu.memref_slice %arg6[%dma_wait3A_435, %dma_wait3A_446, %dma_wait3A_447] : memref<2x32x128xi32, #tpu.memory_space<vmem>> -> memref<1x32x128xi32, #tpu.memory_space<vmem>>
      %dma_wait3A_449 = tpu.memref_squeeze %dma_wait3A_448 : memref<1x32x128xi32, #tpu.memory_space<vmem>> -> memref<32x128xi32, #tpu.memory_space<vmem>>
      %dma_wait3A_450 = arith.constant 0 : i32
      %dma_wait3A_451 = tpu.memref_slice %arg3[%select_n3A, %add3A_434, %dma_wait3A_450] : memref<2x8192x128xi32, #tpu.memory_space<hbm>> -> memref<1x32x128xi32, #tpu.memory_space<hbm>>
      %dma_wait3A_452 = tpu.memref_squeeze %dma_wait3A_451 : memref<1x32x128xi32, #tpu.memory_space<hbm>> -> memref<32x128xi32, #tpu.memory_space<hbm>>
      tpu.wait_dma2 semaphore(%dma_wait3A_445 : memref<!tpu.dma_semaphore, #tpu.memory_space<semaphore_mem>>) src(%dma_wait3A_452 : memref<32x128xi32, #tpu.memory_space<hbm>>) dst(%dma_wait3A_449 : memref<32x128xi32, #tpu.memory_space<vmem>>)
      %mul3A_453 = arith.constant 2 : i32
      %mul3A_454 = arith.muli %arg0, %mul3A_453 : i32
      %add3A_455 = arith.constant 0 : i32
      %add3A_456 = arith.addi %mul3A_454, %add3A_455 : i32
      %dma_wait3A_457 = arith.constant 1 : i32
      %dma_wait3A_458 = arith.constant 0 : i32
      %dma_wait3A_459 = arith.constant 1 : i32
      %dma_wait3A_460 = arith.constant 0 : i32
      %dma_wait3A_461 = arith.constant 0 : i32
      %dma_wait3A_462 = tpu.memref_slice %arg5[%dma_wait3A_457, %dma_wait3A_458, %dma_wait3A_460, %dma_wait3A_461] : memref<2x2x32x128xf32, #tpu.memory_space<vmem>> -> memref<1x1x32x128xf32, #tpu.memory_space<vmem>>
      %dma_wait3A_463 = tpu.memref_squeeze %dma_wait3A_462 : memref<1x1x32x128xf32, #tpu.memory_space<vmem>> -> memref<32x128xf32, #tpu.memory_space<vmem>>
      %dma_wait3A_464 = arith.constant 0 : i32
      %dma_wait3A_465 = tpu.memref_slice %arg2[%select_n3A, %add3A_456, %add3A_434, %dma_wait3A_464] : memref<2x4x8192x128xf32, #tpu.memory_space<hbm>> -> memref<1x1x32x128xf32, #tpu.memory_space<hbm>>
      %dma_wait3A_466 = tpu.memref_squeeze %dma_wait3A_465 : memref<1x1x32x128xf32, #tpu.memory_space<hbm>> -> memref<32x128xf32, #tpu.memory_space<hbm>>
      %dma_wait3A_467 = tpu.memref_slice %arg18[%dma_wait3A_459] : memref<2x!tpu.dma_semaphore, #tpu.memory_space<semaphore_mem>> -> memref<1x!tpu.dma_semaphore, #tpu.memory_space<semaphore_mem>>
      %dma_wait3A_468 = tpu.memref_squeeze %dma_wait3A_467 : memref<1x!tpu.dma_semaphore, #tpu.memory_space<semaphore_mem>> -> memref<!tpu.dma_semaphore, #tpu.memory_space<semaphore_mem>>
      %dma_wait3A_469 = arith.constant 0 : i32
      %dma_wait3A_470 = arith.constant 0 : i32
      %dma_wait3A_471 = tpu.memref_slice %arg5[%dma_wait3A_457, %dma_wait3A_458, %dma_wait3A_469, %dma_wait3A_470] : memref<2x2x32x128xf32, #tpu.memory_space<vmem>> -> memref<1x1x32x128xf32, #tpu.memory_space<vmem>>
      %dma_wait3A_472 = tpu.memref_squeeze %dma_wait3A_471 : memref<1x1x32x128xf32, #tpu.memory_space<vmem>> -> memref<32x128xf32, #tpu.memory_space<vmem>>
      %dma_wait3A_473 = arith.constant 0 : i32
      %dma_wait3A_474 = tpu.memref_slice %arg2[%select_n3A, %add3A_456, %add3A_434, %dma_wait3A_473] : memref<2x4x8192x128xf32, #tpu.memory_space<hbm>> -> memref<1x1x32x128xf32, #tpu.memory_space<hbm>>
      %dma_wait3A_475 = tpu.memref_squeeze %dma_wait3A_474 : memref<1x1x32x128xf32, #tpu.memory_space<hbm>> -> memref<32x128xf32, #tpu.memory_space<hbm>>
      tpu.wait_dma2 semaphore(%dma_wait3A_468 : memref<!tpu.dma_semaphore, #tpu.memory_space<semaphore_mem>>) src(%dma_wait3A_475 : memref<32x128xf32, #tpu.memory_space<hbm>>) dst(%dma_wait3A_472 : memref<32x128xf32, #tpu.memory_space<vmem>>)
      %mul3A_476 = arith.constant 2 : i32
      %mul3A_477 = arith.muli %arg0, %mul3A_476 : i32
      %add3A_478 = arith.constant 1 : i32
      %add3A_479 = arith.addi %mul3A_477, %add3A_478 : i32
      %dma_wait3A_480 = arith.constant 1 : i32
      %dma_wait3A_481 = arith.constant 1 : i32
      %dma_wait3A_482 = arith.constant 1 : i32
      %dma_wait3A_483 = arith.constant 0 : i32
      %dma_wait3A_484 = arith.constant 0 : i32
      %dma_wait3A_485 = tpu.memref_slice %arg5[%dma_wait3A_480, %dma_wait3A_481, %dma_wait3A_483, %dma_wait3A_484] : memref<2x2x32x128xf32, #tpu.memory_space<vmem>> -> memref<1x1x32x128xf32, #tpu.memory_space<vmem>>
      %dma_wait3A_486 = tpu.memref_squeeze %dma_wait3A_485 : memref<1x1x32x128xf32, #tpu.memory_space<vmem>> -> memref<32x128xf32, #tpu.memory_space<vmem>>
      %dma_wait3A_487 = arith.constant 0 : i32
      %dma_wait3A_488 = tpu.memref_slice %arg2[%select_n3A, %add3A_479, %add3A_434, %dma_wait3A_487] : memref<2x4x8192x128xf32, #tpu.memory_space<hbm>> -> memref<1x1x32x128xf32, #tpu.memory_space<hbm>>
      %dma_wait3A_489 = tpu.memref_squeeze %dma_wait3A_488 : memref<1x1x32x128xf32, #tpu.memory_space<hbm>> -> memref<32x128xf32, #tpu.memory_space<hbm>>
      %dma_wait3A_490 = tpu.memref_slice %arg18[%dma_wait3A_482] : memref<2x!tpu.dma_semaphore, #tpu.memory_space<semaphore_mem>> -> memref<1x!tpu.dma_semaphore, #tpu.memory_space<semaphore_mem>>
      %dma_wait3A_491 = tpu.memref_squeeze %dma_wait3A_490 : memref<1x!tpu.dma_semaphore, #tpu.memory_space<semaphore_mem>> -> memref<!tpu.dma_semaphore, #tpu.memory_space<semaphore_mem>>
      %dma_wait3A_492 = arith.constant 0 : i32
      %dma_wait3A_493 = arith.constant 0 : i32
      %dma_wait3A_494 = tpu.memref_slice %arg5[%dma_wait3A_480, %dma_wait3A_481, %dma_wait3A_492, %dma_wait3A_493] : memref<2x2x32x128xf32, #tpu.memory_space<vmem>> -> memref<1x1x32x128xf32, #tpu.memory_space<vmem>>
      %dma_wait3A_495 = tpu.memref_squeeze %dma_wait3A_494 : memref<1x1x32x128xf32, #tpu.memory_space<vmem>> -> memref<32x128xf32, #tpu.memory_space<vmem>>
      %dma_wait3A_496 = arith.constant 0 : i32
      %dma_wait3A_497 = tpu.memref_slice %arg2[%select_n3A, %add3A_479, %add3A_434, %dma_wait3A_496] : memref<2x4x8192x128xf32, #tpu.memory_space<hbm>> -> memref<1x1x32x128xf32, #tpu.memory_space<hbm>>
      %dma_wait3A_498 = tpu.memref_squeeze %dma_wait3A_497 : memref<1x1x32x128xf32, #tpu.memory_space<hbm>> -> memref<32x128xf32, #tpu.memory_space<hbm>>
      tpu.wait_dma2 semaphore(%dma_wait3A_491 : memref<!tpu.dma_semaphore, #tpu.memory_space<semaphore_mem>>) src(%dma_wait3A_498 : memref<32x128xf32, #tpu.memory_space<hbm>>) dst(%dma_wait3A_495 : memref<32x128xf32, #tpu.memory_space<vmem>>)
      %parallel_loop3A_499 = arith.constant 0 : i32
      %parallel_loop3A_500 = arith.constant 256 : i32
      %parallel_loop3A_501 = arith.constant 1 : i32
      scf.for %parallel_loop3A_503 = %parallel_loop3A_499 to %parallel_loop3A_500 step %parallel_loop3A_501  : i32 {
        %parallel_loop3A_504 = arith.constant 3 : i32
        %parallel_loop3A_505 = arith.shrsi %parallel_loop3A_503, %parallel_loop3A_504 : i32
        %parallel_loop3A_506 = arith.constant 7 : i32
        %parallel_loop3A_507 = arith.andi %parallel_loop3A_503, %parallel_loop3A_506 : i32
        %parallel_loop3A_508 = arith.constant 16 : i32
        %parallel_loop3A_509 = arith.muli %parallel_loop3A_507, %parallel_loop3A_508 : i32
        %parallel_loop3A_510 = arith.constant 1 : i32
        %parallel_loop3A_511 = arith.index_cast %parallel_loop3A_510 : i32 to index
        %parallel_loop3A_512 = arith.index_cast %parallel_loop3A_505 : i32 to index
        %parallel_loop3A_513 = arith.index_cast %parallel_loop3A_509 : i32 to index
        %parallel_loop3A_514 = tpu.vector_load %arg6[%parallel_loop3A_511, %parallel_loop3A_512, %parallel_loop3A_513] {strides = array<i32>} : memref<2x32x128xi32, #tpu.memory_space<vmem>>, vector<16xi32>,
        %parallel_loop3A_515 = arith.constant 1 : i32
        %parallel_loop3A_516 = arith.constant 0 : i32
        %parallel_loop3A_517 = arith.index_cast %parallel_loop3A_515 : i32 to index
        %parallel_loop3A_518 = arith.index_cast %parallel_loop3A_516 : i32 to index
        %parallel_loop3A_519 = arith.index_cast %parallel_loop3A_505 : i32 to index
        %parallel_loop3A_520 = arith.index_cast %parallel_loop3A_509 : i32 to index
        %parallel_loop3A_521 = tpu.vector_load %arg5[%parallel_loop3A_517, %parallel_loop3A_518, %parallel_loop3A_519, %parallel_loop3A_520] {strides = array<i32>} : memref<2x2x32x128xf32, #tpu.memory_space<vmem>>, vector<16xf32>,
        %parallel_loop3A_522 = arith.constant 2 : i32
        %parallel_loop3A_523 = arith.muli %arg0, %parallel_loop3A_522 : i32
        %parallel_loop3A_524 = arith.constant 0 : i32
        %parallel_loop3A_525 = arith.addi %parallel_loop3A_523, %parallel_loop3A_524 : i32
        %parallel_loop3A_526 = vector.broadcast %parallel_loop3A_525 : i32 to vector<16xi32>
        %parallel_loop3A_527 = arith.cmpi eq, %parallel_loop3A_514, %parallel_loop3A_526 : vector<16xi32>
        %parallel_loop3A_528 = arith.constant 1.000000e+00 : f32
        %parallel_loop3A_529 = vector.broadcast %parallel_loop3A_528 : f32 to vector<16xf32>
        %parallel_loop3A_530 = arith.subf %parallel_loop3A_529, %parallel_loop3A_521 : vector<16xf32>
        %parallel_loop3A_531 = arith.select %parallel_loop3A_527, %parallel_loop3A_530, %parallel_loop3A_521 : vector<16xi1>, vector<16xf32>
        %parallel_loop3A_532 = math.absf %parallel_loop3A_531 : vector<16xf32>
        %parallel_loop3A_533 = vector.bitcast %parallel_loop3A_532 : vector<16xf32> to vector<16xi32>
        %parallel_loop3A_534 = arith.constant 18 : i32
        %parallel_loop3A_535 = vector.broadcast %parallel_loop3A_534 : i32 to vector<16xi32>
        %parallel_loop3A_536 = arith.shrui %parallel_loop3A_533, %parallel_loop3A_535 : vector<16xi32>
        %parallel_loop3A_537 = arith.constant 16384 : i32
        %parallel_loop3A_538 = arith.constant 0 : i32
        %parallel_loop3A_539 = vector.broadcast %parallel_loop3A_537 : i32 to vector<16xi32>
        %parallel_loop3A_540 = vector.broadcast %parallel_loop3A_538 : i32 to vector<16xi32>
        %parallel_loop3A_541 = arith.select %parallel_loop3A_527, %parallel_loop3A_539, %parallel_loop3A_540 : vector<16xi1>, vector<16xi32>
        %parallel_loop3A_542 = arith.addi %parallel_loop3A_536, %parallel_loop3A_541 : vector<16xi32>
        tpu.vector_store_idx %arg7[%parallel_loop3A_542], %broadcast_in_dim3A_32 {add = true} : memref<32768xf32, #tpu.memory_space<vmem>>[vector<16xi32>], vector<16xf32>,
        %parallel_loop3A_543 = arith.constant 1 : i32
        %parallel_loop3A_544 = arith.constant 1 : i32
        %parallel_loop3A_545 = arith.index_cast %parallel_loop3A_543 : i32 to index
        %parallel_loop3A_546 = arith.index_cast %parallel_loop3A_544 : i32 to index
        %parallel_loop3A_547 = arith.index_cast %parallel_loop3A_505 : i32 to index
        %parallel_loop3A_548 = arith.index_cast %parallel_loop3A_509 : i32 to index
        %parallel_loop3A_549 = tpu.vector_load %arg5[%parallel_loop3A_545, %parallel_loop3A_546, %parallel_loop3A_547, %parallel_loop3A_548] {strides = array<i32>} : memref<2x2x32x128xf32, #tpu.memory_space<vmem>>, vector<16xf32>,
        %parallel_loop3A_550 = arith.constant 2 : i32
        %parallel_loop3A_551 = arith.muli %arg0, %parallel_loop3A_550 : i32
        %parallel_loop3A_552 = arith.constant 1 : i32
        %parallel_loop3A_553 = arith.addi %parallel_loop3A_551, %parallel_loop3A_552 : i32
        %parallel_loop3A_554 = vector.broadcast %parallel_loop3A_553 : i32 to vector<16xi32>
        %parallel_loop3A_555 = arith.cmpi eq, %parallel_loop3A_514, %parallel_loop3A_554 : vector<16xi32>
        %parallel_loop3A_556 = arith.constant 1.000000e+00 : f32
        %parallel_loop3A_557 = vector.broadcast %parallel_loop3A_556 : f32 to vector<16xf32>
        %parallel_loop3A_558 = arith.subf %parallel_loop3A_557, %parallel_loop3A_549 : vector<16xf32>
        %parallel_loop3A_559 = arith.select %parallel_loop3A_555, %parallel_loop3A_558, %parallel_loop3A_549 : vector<16xi1>, vector<16xf32>
        %parallel_loop3A_560 = math.absf %parallel_loop3A_559 : vector<16xf32>
        %parallel_loop3A_561 = vector.bitcast %parallel_loop3A_560 : vector<16xf32> to vector<16xi32>
        %parallel_loop3A_562 = arith.constant 18 : i32
        %parallel_loop3A_563 = vector.broadcast %parallel_loop3A_562 : i32 to vector<16xi32>
        %parallel_loop3A_564 = arith.shrui %parallel_loop3A_561, %parallel_loop3A_563 : vector<16xi32>
        %parallel_loop3A_565 = arith.constant 24576 : i32
        %parallel_loop3A_566 = arith.constant 8192 : i32
        %parallel_loop3A_567 = vector.broadcast %parallel_loop3A_565 : i32 to vector<16xi32>
        %parallel_loop3A_568 = vector.broadcast %parallel_loop3A_566 : i32 to vector<16xi32>
        %parallel_loop3A_569 = arith.select %parallel_loop3A_555, %parallel_loop3A_567, %parallel_loop3A_568 : vector<16xi1>, vector<16xi32>
        %parallel_loop3A_570 = arith.addi %parallel_loop3A_564, %parallel_loop3A_569 : vector<16xi32>
        tpu.vector_store_idx %arg7[%parallel_loop3A_570], %broadcast_in_dim3A_32 {add = true} : memref<32768xf32, #tpu.memory_space<vmem>>[vector<16xi32>], vector<16xf32>,
      } {sc.loop_unroll_factor = 4 : i64, sc.parallel_access}
      %scan3A_502 = arith.constant 0 : i32
      scf.yield %scan3A_502 : i32
    }
    %scan3A_105 = arith.constant 16 : i32
    "tpu.region"() ({
      %run_scoped3A_279 = tpu.sem_alloc : memref<!tpu.dma_semaphore, #tpu.memory_space<semaphore_mem>>
      %dma_start3A_280 = arith.constant 0 : i32
      %dma_start3A_281 = tpu.memref_slice %arg15[%arg1, %dma_start3A_280] : memref<16x32768xf32, #tpu.memory_space<vmem_shared>> -> memref<1x32768xf32, #tpu.memory_space<vmem_shared>>
      %dma_start3A_282 = tpu.memref_squeeze %dma_start3A_281 : memref<1x32768xf32, #tpu.memory_space<vmem_shared>> -> memref<32768xf32, #tpu.memory_space<vmem_shared>>
      %dma_start3A_283 = arith.constant 0 : i32
      %dma_start3A_284 = tpu.memref_slice %arg15[%arg1, %dma_start3A_283] : memref<16x32768xf32, #tpu.memory_space<vmem_shared>> -> memref<1x32768xf32, #tpu.memory_space<vmem_shared>>
      %dma_start3A_285 = tpu.memref_squeeze %dma_start3A_284 : memref<1x32768xf32, #tpu.memory_space<vmem_shared>> -> memref<32768xf32, #tpu.memory_space<vmem_shared>>
      tpu.enqueue_dma source(%arg7 : memref<32768xf32, #tpu.memory_space<vmem>>) target(%dma_start3A_285 : memref<32768xf32, #tpu.memory_space<vmem_shared>>) target_semaphore(%run_scoped3A_279 : memref<!tpu.dma_semaphore, #tpu.memory_space<semaphore_mem>>)
      %dma_wait3A = arith.constant 0 : i32
      %dma_wait3A_286 = tpu.memref_slice %arg15[%arg1, %dma_wait3A] : memref<16x32768xf32, #tpu.memory_space<vmem_shared>> -> memref<1x32768xf32, #tpu.memory_space<vmem_shared>>
      %dma_wait3A_287 = tpu.memref_squeeze %dma_wait3A_286 : memref<1x32768xf32, #tpu.memory_space<vmem_shared>> -> memref<32768xf32, #tpu.memory_space<vmem_shared>>
      %dma_wait3A_288 = arith.constant 0 : i32
      %dma_wait3A_289 = tpu.memref_slice %arg15[%arg1, %dma_wait3A_288] : memref<16x32768xf32, #tpu.memory_space<vmem_shared>> -> memref<1x32768xf32, #tpu.memory_space<vmem_shared>>
      %dma_wait3A_290 = tpu.memref_squeeze %dma_wait3A_289 : memref<1x32768xf32, #tpu.memory_space<vmem_shared>> -> memref<32768xf32, #tpu.memory_space<vmem_shared>>
      tpu.wait_dma2 semaphore(%run_scoped3A_279 : memref<!tpu.dma_semaphore, #tpu.memory_space<semaphore_mem>>) src(%arg7 : memref<32768xf32, #tpu.memory_space<vmem>>) dst(%dma_wait3A_290 : memref<32768xf32, #tpu.memory_space<vmem_shared>>)
      tpu.yield
    }) : () -> ()
    %barrier3A = arith.constant 0 : index
    tpu.barrier barrier_id(%barrier3A)
    %mul3A_106 = arith.constant 2048 : i32
    %mul3A_107 = arith.muli %arg1, %mul3A_106 : i32
    %run_scoped3A = arith.constant 0 : i32
    "tpu.region"() ({
      %run_scoped3A_279 = tpu.sem_alloc : memref<!tpu.dma_semaphore, #tpu.memory_space<semaphore_mem>>
      %dma_start3A_280 = tpu.memref_slice %arg15[%run_scoped3A, %mul3A_107] : memref<16x32768xf32, #tpu.memory_space<vmem_shared>> -> memref<1x2048xf32, #tpu.memory_space<vmem_shared>>
      %dma_start3A_281 = tpu.memref_squeeze %dma_start3A_280 : memref<1x2048xf32, #tpu.memory_space<vmem_shared>> -> memref<2048xf32, #tpu.memory_space<vmem_shared>>
      %dma_start3A_282 = tpu.memref_slice %arg15[%run_scoped3A, %mul3A_107] : memref<16x32768xf32, #tpu.memory_space<vmem_shared>> -> memref<1x2048xf32, #tpu.memory_space<vmem_shared>>
      %dma_start3A_283 = tpu.memref_squeeze %dma_start3A_282 : memref<1x2048xf32, #tpu.memory_space<vmem_shared>> -> memref<2048xf32, #tpu.memory_space<vmem_shared>>
      tpu.enqueue_dma source(%dma_start3A_283 : memref<2048xf32, #tpu.memory_space<vmem_shared>>) target(%arg8 : memref<2048xf32, #tpu.memory_space<vmem>>) target_semaphore(%run_scoped3A_279 : memref<!tpu.dma_semaphore, #tpu.memory_space<semaphore_mem>>)
      %dma_wait3A = tpu.memref_slice %arg15[%run_scoped3A, %mul3A_107] : memref<16x32768xf32, #tpu.memory_space<vmem_shared>> -> memref<1x2048xf32, #tpu.memory_space<vmem_shared>>
      %dma_wait3A_284 = tpu.memref_squeeze %dma_wait3A : memref<1x2048xf32, #tpu.memory_space<vmem_shared>> -> memref<2048xf32, #tpu.memory_space<vmem_shared>>
      %dma_wait3A_285 = tpu.memref_slice %arg15[%run_scoped3A, %mul3A_107] : memref<16x32768xf32, #tpu.memory_space<vmem_shared>> -> memref<1x2048xf32, #tpu.memory_space<vmem_shared>>
      %dma_wait3A_286 = tpu.memref_squeeze %dma_wait3A_285 : memref<1x2048xf32, #tpu.memory_space<vmem_shared>> -> memref<2048xf32, #tpu.memory_space<vmem_shared>>
      tpu.wait_dma2 semaphore(%run_scoped3A_279 : memref<!tpu.dma_semaphore, #tpu.memory_space<semaphore_mem>>) src(%dma_wait3A_286 : memref<2048xf32, #tpu.memory_space<vmem_shared>>) dst(%arg8 : memref<2048xf32, #tpu.memory_space<vmem>>)
      tpu.yield
    }) : () -> ()
    %mul3A_108 = arith.constant 2048 : i32
    %mul3A_109 = arith.muli %arg1, %mul3A_108 : i32
    %run_scoped3A_110 = arith.constant 1 : i32
    %run_scoped3A_111 = arith.constant 0 : i32
    "tpu.region"() ({
      %run_scoped3A_279 = tpu.sem_alloc : memref<!tpu.dma_semaphore, #tpu.memory_space<semaphore_mem>>
      %dma_start3A_280 = arith.constant 0 : i32
      %dma_start3A_281 = tpu.memref_slice %arg9[%run_scoped3A_111, %dma_start3A_280] : memref<2x2048xf32, #tpu.memory_space<vmem>> -> memref<1x2048xf32, #tpu.memory_space<vmem>>
      %dma_start3A_282 = tpu.memref_squeeze %dma_start3A_281 : memref<1x2048xf32, #tpu.memory_space<vmem>> -> memref<2048xf32, #tpu.memory_space<vmem>>
      %dma_start3A_283 = tpu.memref_slice %arg15[%run_scoped3A_110, %mul3A_109] : memref<16x32768xf32, #tpu.memory_space<vmem_shared>> -> memref<1x2048xf32, #tpu.memory_space<vmem_shared>>
      %dma_start3A_284 = tpu.memref_squeeze %dma_start3A_283 : memref<1x2048xf32, #tpu.memory_space<vmem_shared>> -> memref<2048xf32, #tpu.memory_space<vmem_shared>>
      %dma_start3A_285 = arith.constant 0 : i32
      %dma_start3A_286 = tpu.memref_slice %arg9[%run_scoped3A_111, %dma_start3A_285] : memref<2x2048xf32, #tpu.memory_space<vmem>> -> memref<1x2048xf32, #tpu.memory_space<vmem>>
      %dma_start3A_287 = tpu.memref_squeeze %dma_start3A_286 : memref<1x2048xf32, #tpu.memory_space<vmem>> -> memref<2048xf32, #tpu.memory_space<vmem>>
      %dma_start3A_288 = tpu.memref_slice %arg15[%run_scoped3A_110, %mul3A_109] : memref<16x32768xf32, #tpu.memory_space<vmem_shared>> -> memref<1x2048xf32, #tpu.memory_space<vmem_shared>>
      %dma_start3A_289 = tpu.memref_squeeze %dma_start3A_288 : memref<1x2048xf32, #tpu.memory_space<vmem_shared>> -> memref<2048xf32, #tpu.memory_space<vmem_shared>>
      tpu.enqueue_dma source(%dma_start3A_289 : memref<2048xf32, #tpu.memory_space<vmem_shared>>) target(%dma_start3A_287 : memref<2048xf32, #tpu.memory_space<vmem>>) target_semaphore(%run_scoped3A_279 : memref<!tpu.dma_semaphore, #tpu.memory_space<semaphore_mem>>)
      %dma_wait3A = arith.constant 0 : i32
      %dma_wait3A_290 = tpu.memref_slice %arg9[%run_scoped3A_111, %dma_wait3A] : memref<2x2048xf32, #tpu.memory_space<vmem>> -> memref<1x2048xf32, #tpu.memory_space<vmem>>
      %dma_wait3A_291 = tpu.memref_squeeze %dma_wait3A_290 : memref<1x2048xf32, #tpu.memory_space<vmem>> -> memref<2048xf32, #tpu.memory_space<vmem>>
      %dma_wait3A_292 = tpu.memref_slice %arg15[%run_scoped3A_110, %mul3A_109] : memref<16x32768xf32, #tpu.memory_space<vmem_shared>> -> memref<1x2048xf32, #tpu.memory_space<vmem_shared>>
      %dma_wait3A_293 = tpu.memref_squeeze %dma_wait3A_292 : memref<1x2048xf32, #tpu.memory_space<vmem_shared>> -> memref<2048xf32, #tpu.memory_space<vmem_shared>>
      %dma_wait3A_294 = arith.constant 0 : i32
      %dma_wait3A_295 = tpu.memref_slice %arg9[%run_scoped3A_111, %dma_wait3A_294] : memref<2x2048xf32, #tpu.memory_space<vmem>> -> memref<1x2048xf32, #tpu.memory_space<vmem>>
      %dma_wait3A_296 = tpu.memref_squeeze %dma_wait3A_295 : memref<1x2048xf32, #tpu.memory_space<vmem>> -> memref<2048xf32, #tpu.memory_space<vmem>>
      %dma_wait3A_297 = tpu.memref_slice %arg15[%run_scoped3A_110, %mul3A_109] : memref<16x32768xf32, #tpu.memory_space<vmem_shared>> -> memref<1x2048xf32, #tpu.memory_space<vmem_shared>>
      %dma_wait3A_298 = tpu.memref_squeeze %dma_wait3A_297 : memref<1x2048xf32, #tpu.memory_space<vmem_shared>> -> memref<2048xf32, #tpu.memory_space<vmem_shared>>
      tpu.wait_dma2 semaphore(%run_scoped3A_279 : memref<!tpu.dma_semaphore, #tpu.memory_space<semaphore_mem>>) src(%dma_wait3A_298 : memref<2048xf32, #tpu.memory_space<vmem_shared>>) dst(%dma_wait3A_296 : memref<2048xf32, #tpu.memory_space<vmem>>)
      tpu.yield
    }) : () -> ()
    %parallel_loop3A_112 = arith.constant 0 : i32
    %parallel_loop3A_113 = arith.constant 128 : i32
    %parallel_loop3A_114 = arith.constant 1 : i32
    scf.for %parallel_loop3A_279 = %parallel_loop3A_112 to %parallel_loop3A_113 step %parallel_loop3A_114  : i32 {
      %parallel_loop3A_280 = arith.constant 16 : i32
      %parallel_loop3A_281 = arith.muli %parallel_loop3A_279, %parallel_loop3A_280 : i32
      %parallel_loop3A_282 = arith.index_cast %parallel_loop3A_281 : i32 to index
      %parallel_loop3A_283 = tpu.vector_load %arg8[%parallel_loop3A_282] {strides = array<i32>} : memref<2048xf32, #tpu.memory_space<vmem>>, vector<16xf32>,
      %parallel_loop3A_284 = arith.constant 16 : i32
      %parallel_loop3A_285 = arith.muli %parallel_loop3A_279, %parallel_loop3A_284 : i32
      %parallel_loop3A_286 = arith.constant 0 : i32
      %parallel_loop3A_287 = arith.index_cast %parallel_loop3A_286 : i32 to index
      %parallel_loop3A_288 = arith.index_cast %parallel_loop3A_285 : i32 to index
      %parallel_loop3A_289 = tpu.vector_load %arg9[%parallel_loop3A_287, %parallel_loop3A_288] {strides = array<i32>} : memref<2x2048xf32, #tpu.memory_space<vmem>>, vector<16xf32>,
      %parallel_loop3A_290 = arith.addf %parallel_loop3A_283, %parallel_loop3A_289 : vector<16xf32>
      %parallel_loop3A_291 = arith.constant 16 : i32
      %parallel_loop3A_292 = arith.muli %parallel_loop3A_279, %parallel_loop3A_291 : i32
      %parallel_loop3A_293 = arith.index_cast %parallel_loop3A_292 : i32 to index
      %parallel_loop3A_294 = tpu.vector_load %arg8[%parallel_loop3A_293] {strides = array<i32>} : memref<2048xf32, #tpu.memory_space<vmem>>, vector<16xf32>,
      tpu.vector_store %arg8[%parallel_loop3A_293], %parallel_loop3A_290 {strides = array<i32>} : memref<2048xf32, #tpu.memory_space<vmem>>, vector<16xf32>,
    } {sc.loop_unroll_factor = 8 : i64, sc.parallel_access}
    %mul3A_115 = arith.constant 2048 : i32
    %mul3A_116 = arith.muli %arg1, %mul3A_115 : i32
    %run_scoped3A_117 = arith.constant 2 : i32
    %run_scoped3A_118 = arith.constant 0 : i32
    "tpu.region"() ({
      %run_scoped3A_279 = tpu.sem_alloc : memref<!tpu.dma_semaphore, #tpu.memory_space<semaphore_mem>>
      %dma_start3A_280 = arith.constant 0 : i32
      %dma_start3A_281 = tpu.memref_slice %arg9[%run_scoped3A_118, %dma_start3A_280] : memref<2x2048xf32, #tpu.memory_space<vmem>> -> memref<1x2048xf32, #tpu.memory_space<vmem>>
      %dma_start3A_282 = tpu.memref_squeeze %dma_start3A_281 : memref<1x2048xf32, #tpu.memory_space<vmem>> -> memref<2048xf32, #tpu.memory_space<vmem>>
      %dma_start3A_283 = tpu.memref_slice %arg15[%run_scoped3A_117, %mul3A_116] : memref<16x32768xf32, #tpu.memory_space<vmem_shared>> -> memref<1x2048xf32, #tpu.memory_space<vmem_shared>>
      %dma_start3A_284 = tpu.memref_squeeze %dma_start3A_283 : memref<1x2048xf32, #tpu.memory_space<vmem_shared>> -> memref<2048xf32, #tpu.memory_space<vmem_shared>>
      %dma_start3A_285 = arith.constant 0 : i32
      %dma_start3A_286 = tpu.memref_slice %arg9[%run_scoped3A_118, %dma_start3A_285] : memref<2x2048xf32, #tpu.memory_space<vmem>> -> memref<1x2048xf32, #tpu.memory_space<vmem>>
      %dma_start3A_287 = tpu.memref_squeeze %dma_start3A_286 : memref<1x2048xf32, #tpu.memory_space<vmem>> -> memref<2048xf32, #tpu.memory_space<vmem>>
      %dma_start3A_288 = tpu.memref_slice %arg15[%run_scoped3A_117, %mul3A_116] : memref<16x32768xf32, #tpu.memory_space<vmem_shared>> -> memref<1x2048xf32, #tpu.memory_space<vmem_shared>>
      %dma_start3A_289 = tpu.memref_squeeze %dma_start3A_288 : memref<1x2048xf32, #tpu.memory_space<vmem_shared>> -> memref<2048xf32, #tpu.memory_space<vmem_shared>>
      tpu.enqueue_dma source(%dma_start3A_289 : memref<2048xf32, #tpu.memory_space<vmem_shared>>) target(%dma_start3A_287 : memref<2048xf32, #tpu.memory_space<vmem>>) target_semaphore(%run_scoped3A_279 : memref<!tpu.dma_semaphore, #tpu.memory_space<semaphore_mem>>)
      %dma_wait3A = arith.constant 0 : i32
      %dma_wait3A_290 = tpu.memref_slice %arg9[%run_scoped3A_118, %dma_wait3A] : memref<2x2048xf32, #tpu.memory_space<vmem>> -> memref<1x2048xf32, #tpu.memory_space<vmem>>
      %dma_wait3A_291 = tpu.memref_squeeze %dma_wait3A_290 : memref<1x2048xf32, #tpu.memory_space<vmem>> -> memref<2048xf32, #tpu.memory_space<vmem>>
      %dma_wait3A_292 = tpu.memref_slice %arg15[%run_scoped3A_117, %mul3A_116] : memref<16x32768xf32, #tpu.memory_space<vmem_shared>> -> memref<1x2048xf32, #tpu.memory_space<vmem_shared>>
      %dma_wait3A_293 = tpu.memref_squeeze %dma_wait3A_292 : memref<1x2048xf32, #tpu.memory_space<vmem_shared>> -> memref<2048xf32, #tpu.memory_space<vmem_shared>>
      %dma_wait3A_294 = arith.constant 0 : i32
      %dma_wait3A_295 = tpu.memref_slice %arg9[%run_scoped3A_118, %dma_wait3A_294] : memref<2x2048xf32, #tpu.memory_space<vmem>> -> memref<1x2048xf32, #tpu.memory_space<vmem>>
      %dma_wait3A_296 = tpu.memref_squeeze %dma_wait3A_295 : memref<1x2048xf32, #tpu.memory_space<vmem>> -> memref<2048xf32, #tpu.memory_space<vmem>>
      %dma_wait3A_297 = tpu.memref_slice %arg15[%run_scoped3A_117, %mul3A_116] : memref<16x32768xf32, #tpu.memory_space<vmem_shared>> -> memref<1x2048xf32, #tpu.memory_space<vmem_shared>>
      %dma_wait3A_298 = tpu.memref_squeeze %dma_wait3A_297 : memref<1x2048xf32, #tpu.memory_space<vmem_shared>> -> memref<2048xf32, #tpu.memory_space<vmem_shared>>
      tpu.wait_dma2 semaphore(%run_scoped3A_279 : memref<!tpu.dma_semaphore, #tpu.memory_space<semaphore_mem>>) src(%dma_wait3A_298 : memref<2048xf32, #tpu.memory_space<vmem_shared>>) dst(%dma_wait3A_296 : memref<2048xf32, #tpu.memory_space<vmem>>)
      tpu.yield
    }) : () -> ()
    %parallel_loop3A_119 = arith.constant 0 : i32
    %parallel_loop3A_120 = arith.constant 128 : i32
    %parallel_loop3A_121 = arith.constant 1 : i32
    scf.for %parallel_loop3A_279 = %parallel_loop3A_119 to %parallel_loop3A_120 step %parallel_loop3A_121  : i32 {
      %parallel_loop3A_280 = arith.constant 16 : i32
      %parallel_loop3A_281 = arith.muli %parallel_loop3A_279, %parallel_loop3A_280 : i32
      %parallel_loop3A_282 = arith.index_cast %parallel_loop3A_281 : i32 to index
      %parallel_loop3A_283 = tpu.vector_load %arg8[%parallel_loop3A_282] {strides = array<i32>} : memref<2048xf32, #tpu.memory_space<vmem>>, vector<16xf32>,
      %parallel_loop3A_284 = arith.constant 16 : i32
      %parallel_loop3A_285 = arith.muli %parallel_loop3A_279, %parallel_loop3A_284 : i32
      %parallel_loop3A_286 = arith.constant 0 : i32
      %parallel_loop3A_287 = arith.index_cast %parallel_loop3A_286 : i32 to index
      %parallel_loop3A_288 = arith.index_cast %parallel_loop3A_285 : i32 to index
      %parallel_loop3A_289 = tpu.vector_load %arg9[%parallel_loop3A_287, %parallel_loop3A_288] {strides = array<i32>} : memref<2x2048xf32, #tpu.memory_space<vmem>>, vector<16xf32>,
      %parallel_loop3A_290 = arith.addf %parallel_loop3A_283, %parallel_loop3A_289 : vector<16xf32>
      %parallel_loop3A_291 = arith.constant 16 : i32
      %parallel_loop3A_292 = arith.muli %parallel_loop3A_279, %parallel_loop3A_291 : i32
      %parallel_loop3A_293 = arith.index_cast %parallel_loop3A_292 : i32 to index
      %parallel_loop3A_294 = tpu.vector_load %arg8[%parallel_loop3A_293] {strides = array<i32>} : memref<2048xf32, #tpu.memory_space<vmem>>, vector<16xf32>,
      tpu.vector_store %arg8[%parallel_loop3A_293], %parallel_loop3A_290 {strides = array<i32>} : memref<2048xf32, #tpu.memory_space<vmem>>, vector<16xf32>,
    } {sc.loop_unroll_factor = 8 : i64, sc.parallel_access}
    %mul3A_122 = arith.constant 2048 : i32
    %mul3A_123 = arith.muli %arg1, %mul3A_122 : i32
    %run_scoped3A_124 = arith.constant 3 : i32
    %run_scoped3A_125 = arith.constant 0 : i32
    "tpu.region"() ({
      %run_scoped3A_279 = tpu.sem_alloc : memref<!tpu.dma_semaphore, #tpu.memory_space<semaphore_mem>>
      %dma_start3A_280 = arith.constant 0 : i32
      %dma_start3A_281 = tpu.memref_slice %arg9[%run_scoped3A_125, %dma_start3A_280] : memref<2x2048xf32, #tpu.memory_space<vmem>> -> memref<1x2048xf32, #tpu.memory_space<vmem>>
      %dma_start3A_282 = tpu.memref_squeeze %dma_start3A_281 : memref<1x2048xf32, #tpu.memory_space<vmem>> -> memref<2048xf32, #tpu.memory_space<vmem>>
      %dma_start3A_283 = tpu.memref_slice %arg15[%run_scoped3A_124, %mul3A_123] : memref<16x32768xf32, #tpu.memory_space<vmem_shared>> -> memref<1x2048xf32, #tpu.memory_space<vmem_shared>>
      %dma_start3A_284 = tpu.memref_squeeze %dma_start3A_283 : memref<1x2048xf32, #tpu.memory_space<vmem_shared>> -> memref<2048xf32, #tpu.memory_space<vmem_shared>>
      %dma_start3A_285 = arith.constant 0 : i32
      %dma_start3A_286 = tpu.memref_slice %arg9[%run_scoped3A_125, %dma_start3A_285] : memref<2x2048xf32, #tpu.memory_space<vmem>> -> memref<1x2048xf32, #tpu.memory_space<vmem>>
      %dma_start3A_287 = tpu.memref_squeeze %dma_start3A_286 : memref<1x2048xf32, #tpu.memory_space<vmem>> -> memref<2048xf32, #tpu.memory_space<vmem>>
      %dma_start3A_288 = tpu.memref_slice %arg15[%run_scoped3A_124, %mul3A_123] : memref<16x32768xf32, #tpu.memory_space<vmem_shared>> -> memref<1x2048xf32, #tpu.memory_space<vmem_shared>>
      %dma_start3A_289 = tpu.memref_squeeze %dma_start3A_288 : memref<1x2048xf32, #tpu.memory_space<vmem_shared>> -> memref<2048xf32, #tpu.memory_space<vmem_shared>>
      tpu.enqueue_dma source(%dma_start3A_289 : memref<2048xf32, #tpu.memory_space<vmem_shared>>) target(%dma_start3A_287 : memref<2048xf32, #tpu.memory_space<vmem>>) target_semaphore(%run_scoped3A_279 : memref<!tpu.dma_semaphore, #tpu.memory_space<semaphore_mem>>)
      %dma_wait3A = arith.constant 0 : i32
      %dma_wait3A_290 = tpu.memref_slice %arg9[%run_scoped3A_125, %dma_wait3A] : memref<2x2048xf32, #tpu.memory_space<vmem>> -> memref<1x2048xf32, #tpu.memory_space<vmem>>
      %dma_wait3A_291 = tpu.memref_squeeze %dma_wait3A_290 : memref<1x2048xf32, #tpu.memory_space<vmem>> -> memref<2048xf32, #tpu.memory_space<vmem>>
      %dma_wait3A_292 = tpu.memref_slice %arg15[%run_scoped3A_124, %mul3A_123] : memref<16x32768xf32, #tpu.memory_space<vmem_shared>> -> memref<1x2048xf32, #tpu.memory_space<vmem_shared>>
      %dma_wait3A_293 = tpu.memref_squeeze %dma_wait3A_292 : memref<1x2048xf32, #tpu.memory_space<vmem_shared>> -> memref<2048xf32, #tpu.memory_space<vmem_shared>>
      %dma_wait3A_294 = arith.constant 0 : i32
      %dma_wait3A_295 = tpu.memref_slice %arg9[%run_scoped3A_125, %dma_wait3A_294] : memref<2x2048xf32, #tpu.memory_space<vmem>> -> memref<1x2048xf32, #tpu.memory_space<vmem>>
      %dma_wait3A_296 = tpu.memref_squeeze %dma_wait3A_295 : memref<1x2048xf32, #tpu.memory_space<vmem>> -> memref<2048xf32, #tpu.memory_space<vmem>>
      %dma_wait3A_297 = tpu.memref_slice %arg15[%run_scoped3A_124, %mul3A_123] : memref<16x32768xf32, #tpu.memory_space<vmem_shared>> -> memref<1x2048xf32, #tpu.memory_space<vmem_shared>>
      %dma_wait3A_298 = tpu.memref_squeeze %dma_wait3A_297 : memref<1x2048xf32, #tpu.memory_space<vmem_shared>> -> memref<2048xf32, #tpu.memory_space<vmem_shared>>
      tpu.wait_dma2 semaphore(%run_scoped3A_279 : memref<!tpu.dma_semaphore, #tpu.memory_space<semaphore_mem>>) src(%dma_wait3A_298 : memref<2048xf32, #tpu.memory_space<vmem_shared>>) dst(%dma_wait3A_296 : memref<2048xf32, #tpu.memory_space<vmem>>)
      tpu.yield
    }) : () -> ()
    %parallel_loop3A_126 = arith.constant 0 : i32
    %parallel_loop3A_127 = arith.constant 128 : i32
    %parallel_loop3A_128 = arith.constant 1 : i32
    scf.for %parallel_loop3A_279 = %parallel_loop3A_126 to %parallel_loop3A_127 step %parallel_loop3A_128  : i32 {
      %parallel_loop3A_280 = arith.constant 16 : i32
      %parallel_loop3A_281 = arith.muli %parallel_loop3A_279, %parallel_loop3A_280 : i32
      %parallel_loop3A_282 = arith.index_cast %parallel_loop3A_281 : i32 to index
      %parallel_loop3A_283 = tpu.vector_load %arg8[%parallel_loop3A_282] {strides = array<i32>} : memref<2048xf32, #tpu.memory_space<vmem>>, vector<16xf32>,
      %parallel_loop3A_284 = arith.constant 16 : i32
      %parallel_loop3A_285 = arith.muli %parallel_loop3A_279, %parallel_loop3A_284 : i32
      %parallel_loop3A_286 = arith.constant 0 : i32
      %parallel_loop3A_287 = arith.index_cast %parallel_loop3A_286 : i32 to index
      %parallel_loop3A_288 = arith.index_cast %parallel_loop3A_285 : i32 to index
      %parallel_loop3A_289 = tpu.vector_load %arg9[%parallel_loop3A_287, %parallel_loop3A_288] {strides = array<i32>} : memref<2x2048xf32, #tpu.memory_space<vmem>>, vector<16xf32>,
      %parallel_loop3A_290 = arith.addf %parallel_loop3A_283, %parallel_loop3A_289 : vector<16xf32>
      %parallel_loop3A_291 = arith.constant 16 : i32
      %parallel_loop3A_292 = arith.muli %parallel_loop3A_279, %parallel_loop3A_291 : i32
      %parallel_loop3A_293 = arith.index_cast %parallel_loop3A_292 : i32 to index
      %parallel_loop3A_294 = tpu.vector_load %arg8[%parallel_loop3A_293] {strides = array<i32>} : memref<2048xf32, #tpu.memory_space<vmem>>, vector<16xf32>,
      tpu.vector_store %arg8[%parallel_loop3A_293], %parallel_loop3A_290 {strides = array<i32>} : memref<2048xf32, #tpu.memory_space<vmem>>, vector<16xf32>,
    } {sc.loop_unroll_factor = 8 : i64, sc.parallel_access}
    %mul3A_129 = arith.constant 2048 : i32
    %mul3A_130 = arith.muli %arg1, %mul3A_129 : i32
    %run_scoped3A_131 = arith.constant 4 : i32
    %run_scoped3A_132 = arith.constant 0 : i32
    "tpu.region"() ({
      %run_scoped3A_279 = tpu.sem_alloc : memref<!tpu.dma_semaphore, #tpu.memory_space<semaphore_mem>>
      %dma_start3A_280 = arith.constant 0 : i32
      %dma_start3A_281 = tpu.memref_slice %arg9[%run_scoped3A_132, %dma_start3A_280] : memref<2x2048xf32, #tpu.memory_space<vmem>> -> memref<1x2048xf32, #tpu.memory_space<vmem>>
      %dma_start3A_282 = tpu.memref_squeeze %dma_start3A_281 : memref<1x2048xf32, #tpu.memory_space<vmem>> -> memref<2048xf32, #tpu.memory_space<vmem>>
      %dma_start3A_283 = tpu.memref_slice %arg15[%run_scoped3A_131, %mul3A_130] : memref<16x32768xf32, #tpu.memory_space<vmem_shared>> -> memref<1x2048xf32, #tpu.memory_space<vmem_shared>>
      %dma_start3A_284 = tpu.memref_squeeze %dma_start3A_283 : memref<1x2048xf32, #tpu.memory_space<vmem_shared>> -> memref<2048xf32, #tpu.memory_space<vmem_shared>>
      %dma_start3A_285 = arith.constant 0 : i32
      %dma_start3A_286 = tpu.memref_slice %arg9[%run_scoped3A_132, %dma_start3A_285] : memref<2x2048xf32, #tpu.memory_space<vmem>> -> memref<1x2048xf32, #tpu.memory_space<vmem>>
      %dma_start3A_287 = tpu.memref_squeeze %dma_start3A_286 : memref<1x2048xf32, #tpu.memory_space<vmem>> -> memref<2048xf32, #tpu.memory_space<vmem>>
      %dma_start3A_288 = tpu.memref_slice %arg15[%run_scoped3A_131, %mul3A_130] : memref<16x32768xf32, #tpu.memory_space<vmem_shared>> -> memref<1x2048xf32, #tpu.memory_space<vmem_shared>>
      %dma_start3A_289 = tpu.memref_squeeze %dma_start3A_288 : memref<1x2048xf32, #tpu.memory_space<vmem_shared>> -> memref<2048xf32, #tpu.memory_space<vmem_shared>>
      tpu.enqueue_dma source(%dma_start3A_289 : memref<2048xf32, #tpu.memory_space<vmem_shared>>) target(%dma_start3A_287 : memref<2048xf32, #tpu.memory_space<vmem>>) target_semaphore(%run_scoped3A_279 : memref<!tpu.dma_semaphore, #tpu.memory_space<semaphore_mem>>)
      %dma_wait3A = arith.constant 0 : i32
      %dma_wait3A_290 = tpu.memref_slice %arg9[%run_scoped3A_132, %dma_wait3A] : memref<2x2048xf32, #tpu.memory_space<vmem>> -> memref<1x2048xf32, #tpu.memory_space<vmem>>
      %dma_wait3A_291 = tpu.memref_squeeze %dma_wait3A_290 : memref<1x2048xf32, #tpu.memory_space<vmem>> -> memref<2048xf32, #tpu.memory_space<vmem>>
      %dma_wait3A_292 = tpu.memref_slice %arg15[%run_scoped3A_131, %mul3A_130] : memref<16x32768xf32, #tpu.memory_space<vmem_shared>> -> memref<1x2048xf32, #tpu.memory_space<vmem_shared>>
      %dma_wait3A_293 = tpu.memref_squeeze %dma_wait3A_292 : memref<1x2048xf32, #tpu.memory_space<vmem_shared>> -> memref<2048xf32, #tpu.memory_space<vmem_shared>>
      %dma_wait3A_294 = arith.constant 0 : i32
      %dma_wait3A_295 = tpu.memref_slice %arg9[%run_scoped3A_132, %dma_wait3A_294] : memref<2x2048xf32, #tpu.memory_space<vmem>> -> memref<1x2048xf32, #tpu.memory_space<vmem>>
      %dma_wait3A_296 = tpu.memref_squeeze %dma_wait3A_295 : memref<1x2048xf32, #tpu.memory_space<vmem>> -> memref<2048xf32, #tpu.memory_space<vmem>>
      %dma_wait3A_297 = tpu.memref_slice %arg15[%run_scoped3A_131, %mul3A_130] : memref<16x32768xf32, #tpu.memory_space<vmem_shared>> -> memref<1x2048xf32, #tpu.memory_space<vmem_shared>>
      %dma_wait3A_298 = tpu.memref_squeeze %dma_wait3A_297 : memref<1x2048xf32, #tpu.memory_space<vmem_shared>> -> memref<2048xf32, #tpu.memory_space<vmem_shared>>
      tpu.wait_dma2 semaphore(%run_scoped3A_279 : memref<!tpu.dma_semaphore, #tpu.memory_space<semaphore_mem>>) src(%dma_wait3A_298 : memref<2048xf32, #tpu.memory_space<vmem_shared>>) dst(%dma_wait3A_296 : memref<2048xf32, #tpu.memory_space<vmem>>)
      tpu.yield
    }) : () -> ()
    %parallel_loop3A_133 = arith.constant 0 : i32
    %parallel_loop3A_134 = arith.constant 128 : i32
    %parallel_loop3A_135 = arith.constant 1 : i32
    scf.for %parallel_loop3A_279 = %parallel_loop3A_133 to %parallel_loop3A_134 step %parallel_loop3A_135  : i32 {
      %parallel_loop3A_280 = arith.constant 16 : i32
      %parallel_loop3A_281 = arith.muli %parallel_loop3A_279, %parallel_loop3A_280 : i32
      %parallel_loop3A_282 = arith.index_cast %parallel_loop3A_281 : i32 to index
      %parallel_loop3A_283 = tpu.vector_load %arg8[%parallel_loop3A_282] {strides = array<i32>} : memref<2048xf32, #tpu.memory_space<vmem>>, vector<16xf32>,
      %parallel_loop3A_284 = arith.constant 16 : i32
      %parallel_loop3A_285 = arith.muli %parallel_loop3A_279, %parallel_loop3A_284 : i32
      %parallel_loop3A_286 = arith.constant 0 : i32
      %parallel_loop3A_287 = arith.index_cast %parallel_loop3A_286 : i32 to index
      %parallel_loop3A_288 = arith.index_cast %parallel_loop3A_285 : i32 to index
      %parallel_loop3A_289 = tpu.vector_load %arg9[%parallel_loop3A_287, %parallel_loop3A_288] {strides = array<i32>} : memref<2x2048xf32, #tpu.memory_space<vmem>>, vector<16xf32>,
      %parallel_loop3A_290 = arith.addf %parallel_loop3A_283, %parallel_loop3A_289 : vector<16xf32>
      %parallel_loop3A_291 = arith.constant 16 : i32
      %parallel_loop3A_292 = arith.muli %parallel_loop3A_279, %parallel_loop3A_291 : i32
      %parallel_loop3A_293 = arith.index_cast %parallel_loop3A_292 : i32 to index
      %parallel_loop3A_294 = tpu.vector_load %arg8[%parallel_loop3A_293] {strides = array<i32>} : memref<2048xf32, #tpu.memory_space<vmem>>, vector<16xf32>,
      tpu.vector_store %arg8[%parallel_loop3A_293], %parallel_loop3A_290 {strides = array<i32>} : memref<2048xf32, #tpu.memory_space<vmem>>, vector<16xf32>,
    } {sc.loop_unroll_factor = 8 : i64, sc.parallel_access}
    %mul3A_136 = arith.constant 2048 : i32
    %mul3A_137 = arith.muli %arg1, %mul3A_136 : i32
    %run_scoped3A_138 = arith.constant 5 : i32
    %run_scoped3A_139 = arith.constant 0 : i32
    "tpu.region"() ({
      %run_scoped3A_279 = tpu.sem_alloc : memref<!tpu.dma_semaphore, #tpu.memory_space<semaphore_mem>>
      %dma_start3A_280 = arith.constant 0 : i32
      %dma_start3A_281 = tpu.memref_slice %arg9[%run_scoped3A_139, %dma_start3A_280] : memref<2x2048xf32, #tpu.memory_space<vmem>> -> memref<1x2048xf32, #tpu.memory_space<vmem>>
      %dma_start3A_282 = tpu.memref_squeeze %dma_start3A_281 : memref<1x2048xf32, #tpu.memory_space<vmem>> -> memref<2048xf32, #tpu.memory_space<vmem>>
      %dma_start3A_283 = tpu.memref_slice %arg15[%run_scoped3A_138, %mul3A_137] : memref<16x32768xf32, #tpu.memory_space<vmem_shared>> -> memref<1x2048xf32, #tpu.memory_space<vmem_shared>>
      %dma_start3A_284 = tpu.memref_squeeze %dma_start3A_283 : memref<1x2048xf32, #tpu.memory_space<vmem_shared>> -> memref<2048xf32, #tpu.memory_space<vmem_shared>>
      %dma_start3A_285 = arith.constant 0 : i32
      %dma_start3A_286 = tpu.memref_slice %arg9[%run_scoped3A_139, %dma_start3A_285] : memref<2x2048xf32, #tpu.memory_space<vmem>> -> memref<1x2048xf32, #tpu.memory_space<vmem>>
      %dma_start3A_287 = tpu.memref_squeeze %dma_start3A_286 : memref<1x2048xf32, #tpu.memory_space<vmem>> -> memref<2048xf32, #tpu.memory_space<vmem>>
      %dma_start3A_288 = tpu.memref_slice %arg15[%run_scoped3A_138, %mul3A_137] : memref<16x32768xf32, #tpu.memory_space<vmem_shared>> -> memref<1x2048xf32, #tpu.memory_space<vmem_shared>>
      %dma_start3A_289 = tpu.memref_squeeze %dma_start3A_288 : memref<1x2048xf32, #tpu.memory_space<vmem_shared>> -> memref<2048xf32, #tpu.memory_space<vmem_shared>>
      tpu.enqueue_dma source(%dma_start3A_289 : memref<2048xf32, #tpu.memory_space<vmem_shared>>) target(%dma_start3A_287 : memref<2048xf32, #tpu.memory_space<vmem>>) target_semaphore(%run_scoped3A_279 : memref<!tpu.dma_semaphore, #tpu.memory_space<semaphore_mem>>)
      %dma_wait3A = arith.constant 0 : i32
      %dma_wait3A_290 = tpu.memref_slice %arg9[%run_scoped3A_139, %dma_wait3A] : memref<2x2048xf32, #tpu.memory_space<vmem>> -> memref<1x2048xf32, #tpu.memory_space<vmem>>
      %dma_wait3A_291 = tpu.memref_squeeze %dma_wait3A_290 : memref<1x2048xf32, #tpu.memory_space<vmem>> -> memref<2048xf32, #tpu.memory_space<vmem>>
      %dma_wait3A_292 = tpu.memref_slice %arg15[%run_scoped3A_138, %mul3A_137] : memref<16x32768xf32, #tpu.memory_space<vmem_shared>> -> memref<1x2048xf32, #tpu.memory_space<vmem_shared>>
      %dma_wait3A_293 = tpu.memref_squeeze %dma_wait3A_292 : memref<1x2048xf32, #tpu.memory_space<vmem_shared>> -> memref<2048xf32, #tpu.memory_space<vmem_shared>>
      %dma_wait3A_294 = arith.constant 0 : i32
      %dma_wait3A_295 = tpu.memref_slice %arg9[%run_scoped3A_139, %dma_wait3A_294] : memref<2x2048xf32, #tpu.memory_space<vmem>> -> memref<1x2048xf32, #tpu.memory_space<vmem>>
      %dma_wait3A_296 = tpu.memref_squeeze %dma_wait3A_295 : memref<1x2048xf32, #tpu.memory_space<vmem>> -> memref<2048xf32, #tpu.memory_space<vmem>>
      %dma_wait3A_297 = tpu.memref_slice %arg15[%run_scoped3A_138, %mul3A_137] : memref<16x32768xf32, #tpu.memory_space<vmem_shared>> -> memref<1x2048xf32, #tpu.memory_space<vmem_shared>>
      %dma_wait3A_298 = tpu.memref_squeeze %dma_wait3A_297 : memref<1x2048xf32, #tpu.memory_space<vmem_shared>> -> memref<2048xf32, #tpu.memory_space<vmem_shared>>
      tpu.wait_dma2 semaphore(%run_scoped3A_279 : memref<!tpu.dma_semaphore, #tpu.memory_space<semaphore_mem>>) src(%dma_wait3A_298 : memref<2048xf32, #tpu.memory_space<vmem_shared>>) dst(%dma_wait3A_296 : memref<2048xf32, #tpu.memory_space<vmem>>)
      tpu.yield
    }) : () -> ()
    %parallel_loop3A_140 = arith.constant 0 : i32
    %parallel_loop3A_141 = arith.constant 128 : i32
    %parallel_loop3A_142 = arith.constant 1 : i32
    scf.for %parallel_loop3A_279 = %parallel_loop3A_140 to %parallel_loop3A_141 step %parallel_loop3A_142  : i32 {
      %parallel_loop3A_280 = arith.constant 16 : i32
      %parallel_loop3A_281 = arith.muli %parallel_loop3A_279, %parallel_loop3A_280 : i32
      %parallel_loop3A_282 = arith.index_cast %parallel_loop3A_281 : i32 to index
      %parallel_loop3A_283 = tpu.vector_load %arg8[%parallel_loop3A_282] {strides = array<i32>} : memref<2048xf32, #tpu.memory_space<vmem>>, vector<16xf32>,
      %parallel_loop3A_284 = arith.constant 16 : i32
      %parallel_loop3A_285 = arith.muli %parallel_loop3A_279, %parallel_loop3A_284 : i32
      %parallel_loop3A_286 = arith.constant 0 : i32
      %parallel_loop3A_287 = arith.index_cast %parallel_loop3A_286 : i32 to index
      %parallel_loop3A_288 = arith.index_cast %parallel_loop3A_285 : i32 to index
      %parallel_loop3A_289 = tpu.vector_load %arg9[%parallel_loop3A_287, %parallel_loop3A_288] {strides = array<i32>} : memref<2x2048xf32, #tpu.memory_space<vmem>>, vector<16xf32>,
      %parallel_loop3A_290 = arith.addf %parallel_loop3A_283, %parallel_loop3A_289 : vector<16xf32>
      %parallel_loop3A_291 = arith.constant 16 : i32
      %parallel_loop3A_292 = arith.muli %parallel_loop3A_279, %parallel_loop3A_291 : i32
      %parallel_loop3A_293 = arith.index_cast %parallel_loop3A_292 : i32 to index
      %parallel_loop3A_294 = tpu.vector_load %arg8[%parallel_loop3A_293] {strides = array<i32>} : memref<2048xf32, #tpu.memory_space<vmem>>, vector<16xf32>,
      tpu.vector_store %arg8[%parallel_loop3A_293], %parallel_loop3A_290 {strides = array<i32>} : memref<2048xf32, #tpu.memory_space<vmem>>, vector<16xf32>,
    } {sc.loop_unroll_factor = 8 : i64, sc.parallel_access}
    %mul3A_143 = arith.constant 2048 : i32
    %mul3A_144 = arith.muli %arg1, %mul3A_143 : i32
    %run_scoped3A_145 = arith.constant 6 : i32
    %run_scoped3A_146 = arith.constant 0 : i32
    "tpu.region"() ({
      %run_scoped3A_279 = tpu.sem_alloc : memref<!tpu.dma_semaphore, #tpu.memory_space<semaphore_mem>>
      %dma_start3A_280 = arith.constant 0 : i32
      %dma_start3A_281 = tpu.memref_slice %arg9[%run_scoped3A_146, %dma_start3A_280] : memref<2x2048xf32, #tpu.memory_space<vmem>> -> memref<1x2048xf32, #tpu.memory_space<vmem>>
      %dma_start3A_282 = tpu.memref_squeeze %dma_start3A_281 : memref<1x2048xf32, #tpu.memory_space<vmem>> -> memref<2048xf32, #tpu.memory_space<vmem>>
      %dma_start3A_283 = tpu.memref_slice %arg15[%run_scoped3A_145, %mul3A_144] : memref<16x32768xf32, #tpu.memory_space<vmem_shared>> -> memref<1x2048xf32, #tpu.memory_space<vmem_shared>>
      %dma_start3A_284 = tpu.memref_squeeze %dma_start3A_283 : memref<1x2048xf32, #tpu.memory_space<vmem_shared>> -> memref<2048xf32, #tpu.memory_space<vmem_shared>>
      %dma_start3A_285 = arith.constant 0 : i32
      %dma_start3A_286 = tpu.memref_slice %arg9[%run_scoped3A_146, %dma_start3A_285] : memref<2x2048xf32, #tpu.memory_space<vmem>> -> memref<1x2048xf32, #tpu.memory_space<vmem>>
      %dma_start3A_287 = tpu.memref_squeeze %dma_start3A_286 : memref<1x2048xf32, #tpu.memory_space<vmem>> -> memref<2048xf32, #tpu.memory_space<vmem>>
      %dma_start3A_288 = tpu.memref_slice %arg15[%run_scoped3A_145, %mul3A_144] : memref<16x32768xf32, #tpu.memory_space<vmem_shared>> -> memref<1x2048xf32, #tpu.memory_space<vmem_shared>>
      %dma_start3A_289 = tpu.memref_squeeze %dma_start3A_288 : memref<1x2048xf32, #tpu.memory_space<vmem_shared>> -> memref<2048xf32, #tpu.memory_space<vmem_shared>>
      tpu.enqueue_dma source(%dma_start3A_289 : memref<2048xf32, #tpu.memory_space<vmem_shared>>) target(%dma_start3A_287 : memref<2048xf32, #tpu.memory_space<vmem>>) target_semaphore(%run_scoped3A_279 : memref<!tpu.dma_semaphore, #tpu.memory_space<semaphore_mem>>)
      %dma_wait3A = arith.constant 0 : i32
      %dma_wait3A_290 = tpu.memref_slice %arg9[%run_scoped3A_146, %dma_wait3A] : memref<2x2048xf32, #tpu.memory_space<vmem>> -> memref<1x2048xf32, #tpu.memory_space<vmem>>
      %dma_wait3A_291 = tpu.memref_squeeze %dma_wait3A_290 : memref<1x2048xf32, #tpu.memory_space<vmem>> -> memref<2048xf32, #tpu.memory_space<vmem>>
      %dma_wait3A_292 = tpu.memref_slice %arg15[%run_scoped3A_145, %mul3A_144] : memref<16x32768xf32, #tpu.memory_space<vmem_shared>> -> memref<1x2048xf32, #tpu.memory_space<vmem_shared>>
      %dma_wait3A_293 = tpu.memref_squeeze %dma_wait3A_292 : memref<1x2048xf32, #tpu.memory_space<vmem_shared>> -> memref<2048xf32, #tpu.memory_space<vmem_shared>>
      %dma_wait3A_294 = arith.constant 0 : i32
      %dma_wait3A_295 = tpu.memref_slice %arg9[%run_scoped3A_146, %dma_wait3A_294] : memref<2x2048xf32, #tpu.memory_space<vmem>> -> memref<1x2048xf32, #tpu.memory_space<vmem>>
      %dma_wait3A_296 = tpu.memref_squeeze %dma_wait3A_295 : memref<1x2048xf32, #tpu.memory_space<vmem>> -> memref<2048xf32, #tpu.memory_space<vmem>>
      %dma_wait3A_297 = tpu.memref_slice %arg15[%run_scoped3A_145, %mul3A_144] : memref<16x32768xf32, #tpu.memory_space<vmem_shared>> -> memref<1x2048xf32, #tpu.memory_space<vmem_shared>>
      %dma_wait3A_298 = tpu.memref_squeeze %dma_wait3A_297 : memref<1x2048xf32, #tpu.memory_space<vmem_shared>> -> memref<2048xf32, #tpu.memory_space<vmem_shared>>
      tpu.wait_dma2 semaphore(%run_scoped3A_279 : memref<!tpu.dma_semaphore, #tpu.memory_space<semaphore_mem>>) src(%dma_wait3A_298 : memref<2048xf32, #tpu.memory_space<vmem_shared>>) dst(%dma_wait3A_296 : memref<2048xf32, #tpu.memory_space<vmem>>)
      tpu.yield
    }) : () -> ()
    %parallel_loop3A_147 = arith.constant 0 : i32
    %parallel_loop3A_148 = arith.constant 128 : i32
    %parallel_loop3A_149 = arith.constant 1 : i32
    scf.for %parallel_loop3A_279 = %parallel_loop3A_147 to %parallel_loop3A_148 step %parallel_loop3A_149  : i32 {
      %parallel_loop3A_280 = arith.constant 16 : i32
      %parallel_loop3A_281 = arith.muli %parallel_loop3A_279, %parallel_loop3A_280 : i32
      %parallel_loop3A_282 = arith.index_cast %parallel_loop3A_281 : i32 to index
      %parallel_loop3A_283 = tpu.vector_load %arg8[%parallel_loop3A_282] {strides = array<i32>} : memref<2048xf32, #tpu.memory_space<vmem>>, vector<16xf32>,
      %parallel_loop3A_284 = arith.constant 16 : i32
      %parallel_loop3A_285 = arith.muli %parallel_loop3A_279, %parallel_loop3A_284 : i32
      %parallel_loop3A_286 = arith.constant 0 : i32
      %parallel_loop3A_287 = arith.index_cast %parallel_loop3A_286 : i32 to index
      %parallel_loop3A_288 = arith.index_cast %parallel_loop3A_285 : i32 to index
      %parallel_loop3A_289 = tpu.vector_load %arg9[%parallel_loop3A_287, %parallel_loop3A_288] {strides = array<i32>} : memref<2x2048xf32, #tpu.memory_space<vmem>>, vector<16xf32>,
      %parallel_loop3A_290 = arith.addf %parallel_loop3A_283, %parallel_loop3A_289 : vector<16xf32>
      %parallel_loop3A_291 = arith.constant 16 : i32
      %parallel_loop3A_292 = arith.muli %parallel_loop3A_279, %parallel_loop3A_291 : i32
      %parallel_loop3A_293 = arith.index_cast %parallel_loop3A_292 : i32 to index
      %parallel_loop3A_294 = tpu.vector_load %arg8[%parallel_loop3A_293] {strides = array<i32>} : memref<2048xf32, #tpu.memory_space<vmem>>, vector<16xf32>,
      tpu.vector_store %arg8[%parallel_loop3A_293], %parallel_loop3A_290 {strides = array<i32>} : memref<2048xf32, #tpu.memory_space<vmem>>, vector<16xf32>,
    } {sc.loop_unroll_factor = 8 : i64, sc.parallel_access}
    %mul3A_150 = arith.constant 2048 : i32
    %mul3A_151 = arith.muli %arg1, %mul3A_150 : i32
    %run_scoped3A_152 = arith.constant 7 : i32
    %run_scoped3A_153 = arith.constant 0 : i32
    "tpu.region"() ({
      %run_scoped3A_279 = tpu.sem_alloc : memref<!tpu.dma_semaphore, #tpu.memory_space<semaphore_mem>>
      %dma_start3A_280 = arith.constant 0 : i32
      %dma_start3A_281 = tpu.memref_slice %arg9[%run_scoped3A_153, %dma_start3A_280] : memref<2x2048xf32, #tpu.memory_space<vmem>> -> memref<1x2048xf32, #tpu.memory_space<vmem>>
      %dma_start3A_282 = tpu.memref_squeeze %dma_start3A_281 : memref<1x2048xf32, #tpu.memory_space<vmem>> -> memref<2048xf32, #tpu.memory_space<vmem>>
      %dma_start3A_283 = tpu.memref_slice %arg15[%run_scoped3A_152, %mul3A_151] : memref<16x32768xf32, #tpu.memory_space<vmem_shared>> -> memref<1x2048xf32, #tpu.memory_space<vmem_shared>>
      %dma_start3A_284 = tpu.memref_squeeze %dma_start3A_283 : memref<1x2048xf32, #tpu.memory_space<vmem_shared>> -> memref<2048xf32, #tpu.memory_space<vmem_shared>>
      %dma_start3A_285 = arith.constant 0 : i32
      %dma_start3A_286 = tpu.memref_slice %arg9[%run_scoped3A_153, %dma_start3A_285] : memref<2x2048xf32, #tpu.memory_space<vmem>> -> memref<1x2048xf32, #tpu.memory_space<vmem>>
      %dma_start3A_287 = tpu.memref_squeeze %dma_start3A_286 : memref<1x2048xf32, #tpu.memory_space<vmem>> -> memref<2048xf32, #tpu.memory_space<vmem>>
      %dma_start3A_288 = tpu.memref_slice %arg15[%run_scoped3A_152, %mul3A_151] : memref<16x32768xf32, #tpu.memory_space<vmem_shared>> -> memref<1x2048xf32, #tpu.memory_space<vmem_shared>>
      %dma_start3A_289 = tpu.memref_squeeze %dma_start3A_288 : memref<1x2048xf32, #tpu.memory_space<vmem_shared>> -> memref<2048xf32, #tpu.memory_space<vmem_shared>>
      tpu.enqueue_dma source(%dma_start3A_289 : memref<2048xf32, #tpu.memory_space<vmem_shared>>) target(%dma_start3A_287 : memref<2048xf32, #tpu.memory_space<vmem>>) target_semaphore(%run_scoped3A_279 : memref<!tpu.dma_semaphore, #tpu.memory_space<semaphore_mem>>)
      %dma_wait3A = arith.constant 0 : i32
      %dma_wait3A_290 = tpu.memref_slice %arg9[%run_scoped3A_153, %dma_wait3A] : memref<2x2048xf32, #tpu.memory_space<vmem>> -> memref<1x2048xf32, #tpu.memory_space<vmem>>
      %dma_wait3A_291 = tpu.memref_squeeze %dma_wait3A_290 : memref<1x2048xf32, #tpu.memory_space<vmem>> -> memref<2048xf32, #tpu.memory_space<vmem>>
      %dma_wait3A_292 = tpu.memref_slice %arg15[%run_scoped3A_152, %mul3A_151] : memref<16x32768xf32, #tpu.memory_space<vmem_shared>> -> memref<1x2048xf32, #tpu.memory_space<vmem_shared>>
      %dma_wait3A_293 = tpu.memref_squeeze %dma_wait3A_292 : memref<1x2048xf32, #tpu.memory_space<vmem_shared>> -> memref<2048xf32, #tpu.memory_space<vmem_shared>>
      %dma_wait3A_294 = arith.constant 0 : i32
      %dma_wait3A_295 = tpu.memref_slice %arg9[%run_scoped3A_153, %dma_wait3A_294] : memref<2x2048xf32, #tpu.memory_space<vmem>> -> memref<1x2048xf32, #tpu.memory_space<vmem>>
      %dma_wait3A_296 = tpu.memref_squeeze %dma_wait3A_295 : memref<1x2048xf32, #tpu.memory_space<vmem>> -> memref<2048xf32, #tpu.memory_space<vmem>>
      %dma_wait3A_297 = tpu.memref_slice %arg15[%run_scoped3A_152, %mul3A_151] : memref<16x32768xf32, #tpu.memory_space<vmem_shared>> -> memref<1x2048xf32, #tpu.memory_space<vmem_shared>>
      %dma_wait3A_298 = tpu.memref_squeeze %dma_wait3A_297 : memref<1x2048xf32, #tpu.memory_space<vmem_shared>> -> memref<2048xf32, #tpu.memory_space<vmem_shared>>
      tpu.wait_dma2 semaphore(%run_scoped3A_279 : memref<!tpu.dma_semaphore, #tpu.memory_space<semaphore_mem>>) src(%dma_wait3A_298 : memref<2048xf32, #tpu.memory_space<vmem_shared>>) dst(%dma_wait3A_296 : memref<2048xf32, #tpu.memory_space<vmem>>)
      tpu.yield
    }) : () -> ()
    %parallel_loop3A_154 = arith.constant 0 : i32
    %parallel_loop3A_155 = arith.constant 128 : i32
    %parallel_loop3A_156 = arith.constant 1 : i32
    scf.for %parallel_loop3A_279 = %parallel_loop3A_154 to %parallel_loop3A_155 step %parallel_loop3A_156  : i32 {
      %parallel_loop3A_280 = arith.constant 16 : i32
      %parallel_loop3A_281 = arith.muli %parallel_loop3A_279, %parallel_loop3A_280 : i32
      %parallel_loop3A_282 = arith.index_cast %parallel_loop3A_281 : i32 to index
      %parallel_loop3A_283 = tpu.vector_load %arg8[%parallel_loop3A_282] {strides = array<i32>} : memref<2048xf32, #tpu.memory_space<vmem>>, vector<16xf32>,
      %parallel_loop3A_284 = arith.constant 16 : i32
      %parallel_loop3A_285 = arith.muli %parallel_loop3A_279, %parallel_loop3A_284 : i32
      %parallel_loop3A_286 = arith.constant 0 : i32
      %parallel_loop3A_287 = arith.index_cast %parallel_loop3A_286 : i32 to index
      %parallel_loop3A_288 = arith.index_cast %parallel_loop3A_285 : i32 to index
      %parallel_loop3A_289 = tpu.vector_load %arg9[%parallel_loop3A_287, %parallel_loop3A_288] {strides = array<i32>} : memref<2x2048xf32, #tpu.memory_space<vmem>>, vector<16xf32>,
      %parallel_loop3A_290 = arith.addf %parallel_loop3A_283, %parallel_loop3A_289 : vector<16xf32>
      %parallel_loop3A_291 = arith.constant 16 : i32
      %parallel_loop3A_292 = arith.muli %parallel_loop3A_279, %parallel_loop3A_291 : i32
      %parallel_loop3A_293 = arith.index_cast %parallel_loop3A_292 : i32 to index
      %parallel_loop3A_294 = tpu.vector_load %arg8[%parallel_loop3A_293] {strides = array<i32>} : memref<2048xf32, #tpu.memory_space<vmem>>, vector<16xf32>,
      tpu.vector_store %arg8[%parallel_loop3A_293], %parallel_loop3A_290 {strides = array<i32>} : memref<2048xf32, #tpu.memory_space<vmem>>, vector<16xf32>,
    } {sc.loop_unroll_factor = 8 : i64, sc.parallel_access}
    %mul3A_157 = arith.constant 2048 : i32
    %mul3A_158 = arith.muli %arg1, %mul3A_157 : i32
    %run_scoped3A_159 = arith.constant 8 : i32
    %run_scoped3A_160 = arith.constant 0 : i32
    "tpu.region"() ({
      %run_scoped3A_279 = tpu.sem_alloc : memref<!tpu.dma_semaphore, #tpu.memory_space<semaphore_mem>>
      %dma_start3A_280 = arith.constant 0 : i32
      %dma_start3A_281 = tpu.memref_slice %arg9[%run_scoped3A_160, %dma_start3A_280] : memref<2x2048xf32, #tpu.memory_space<vmem>> -> memref<1x2048xf32, #tpu.memory_space<vmem>>
      %dma_start3A_282 = tpu.memref_squeeze %dma_start3A_281 : memref<1x2048xf32, #tpu.memory_space<vmem>> -> memref<2048xf32, #tpu.memory_space<vmem>>
      %dma_start3A_283 = tpu.memref_slice %arg15[%run_scoped3A_159, %mul3A_158] : memref<16x32768xf32, #tpu.memory_space<vmem_shared>> -> memref<1x2048xf32, #tpu.memory_space<vmem_shared>>
      %dma_start3A_284 = tpu.memref_squeeze %dma_start3A_283 : memref<1x2048xf32, #tpu.memory_space<vmem_shared>> -> memref<2048xf32, #tpu.memory_space<vmem_shared>>
      %dma_start3A_285 = arith.constant 0 : i32
      %dma_start3A_286 = tpu.memref_slice %arg9[%run_scoped3A_160, %dma_start3A_285] : memref<2x2048xf32, #tpu.memory_space<vmem>> -> memref<1x2048xf32, #tpu.memory_space<vmem>>
      %dma_start3A_287 = tpu.memref_squeeze %dma_start3A_286 : memref<1x2048xf32, #tpu.memory_space<vmem>> -> memref<2048xf32, #tpu.memory_space<vmem>>
      %dma_start3A_288 = tpu.memref_slice %arg15[%run_scoped3A_159, %mul3A_158] : memref<16x32768xf32, #tpu.memory_space<vmem_shared>> -> memref<1x2048xf32, #tpu.memory_space<vmem_shared>>
      %dma_start3A_289 = tpu.memref_squeeze %dma_start3A_288 : memref<1x2048xf32, #tpu.memory_space<vmem_shared>> -> memref<2048xf32, #tpu.memory_space<vmem_shared>>
      tpu.enqueue_dma source(%dma_start3A_289 : memref<2048xf32, #tpu.memory_space<vmem_shared>>) target(%dma_start3A_287 : memref<2048xf32, #tpu.memory_space<vmem>>) target_semaphore(%run_scoped3A_279 : memref<!tpu.dma_semaphore, #tpu.memory_space<semaphore_mem>>)
      %dma_wait3A = arith.constant 0 : i32
      %dma_wait3A_290 = tpu.memref_slice %arg9[%run_scoped3A_160, %dma_wait3A] : memref<2x2048xf32, #tpu.memory_space<vmem>> -> memref<1x2048xf32, #tpu.memory_space<vmem>>
      %dma_wait3A_291 = tpu.memref_squeeze %dma_wait3A_290 : memref<1x2048xf32, #tpu.memory_space<vmem>> -> memref<2048xf32, #tpu.memory_space<vmem>>
      %dma_wait3A_292 = tpu.memref_slice %arg15[%run_scoped3A_159, %mul3A_158] : memref<16x32768xf32, #tpu.memory_space<vmem_shared>> -> memref<1x2048xf32, #tpu.memory_space<vmem_shared>>
      %dma_wait3A_293 = tpu.memref_squeeze %dma_wait3A_292 : memref<1x2048xf32, #tpu.memory_space<vmem_shared>> -> memref<2048xf32, #tpu.memory_space<vmem_shared>>
      %dma_wait3A_294 = arith.constant 0 : i32
      %dma_wait3A_295 = tpu.memref_slice %arg9[%run_scoped3A_160, %dma_wait3A_294] : memref<2x2048xf32, #tpu.memory_space<vmem>> -> memref<1x2048xf32, #tpu.memory_space<vmem>>
      %dma_wait3A_296 = tpu.memref_squeeze %dma_wait3A_295 : memref<1x2048xf32, #tpu.memory_space<vmem>> -> memref<2048xf32, #tpu.memory_space<vmem>>
      %dma_wait3A_297 = tpu.memref_slice %arg15[%run_scoped3A_159, %mul3A_158] : memref<16x32768xf32, #tpu.memory_space<vmem_shared>> -> memref<1x2048xf32, #tpu.memory_space<vmem_shared>>
      %dma_wait3A_298 = tpu.memref_squeeze %dma_wait3A_297 : memref<1x2048xf32, #tpu.memory_space<vmem_shared>> -> memref<2048xf32, #tpu.memory_space<vmem_shared>>
      tpu.wait_dma2 semaphore(%run_scoped3A_279 : memref<!tpu.dma_semaphore, #tpu.memory_space<semaphore_mem>>) src(%dma_wait3A_298 : memref<2048xf32, #tpu.memory_space<vmem_shared>>) dst(%dma_wait3A_296 : memref<2048xf32, #tpu.memory_space<vmem>>)
      tpu.yield
    }) : () -> ()
    %parallel_loop3A_161 = arith.constant 0 : i32
    %parallel_loop3A_162 = arith.constant 128 : i32
    %parallel_loop3A_163 = arith.constant 1 : i32
    scf.for %parallel_loop3A_279 = %parallel_loop3A_161 to %parallel_loop3A_162 step %parallel_loop3A_163  : i32 {
      %parallel_loop3A_280 = arith.constant 16 : i32
      %parallel_loop3A_281 = arith.muli %parallel_loop3A_279, %parallel_loop3A_280 : i32
      %parallel_loop3A_282 = arith.index_cast %parallel_loop3A_281 : i32 to index
      %parallel_loop3A_283 = tpu.vector_load %arg8[%parallel_loop3A_282] {strides = array<i32>} : memref<2048xf32, #tpu.memory_space<vmem>>, vector<16xf32>,
      %parallel_loop3A_284 = arith.constant 16 : i32
      %parallel_loop3A_285 = arith.muli %parallel_loop3A_279, %parallel_loop3A_284 : i32
      %parallel_loop3A_286 = arith.constant 0 : i32
      %parallel_loop3A_287 = arith.index_cast %parallel_loop3A_286 : i32 to index
      %parallel_loop3A_288 = arith.index_cast %parallel_loop3A_285 : i32 to index
      %parallel_loop3A_289 = tpu.vector_load %arg9[%parallel_loop3A_287, %parallel_loop3A_288] {strides = array<i32>} : memref<2x2048xf32, #tpu.memory_space<vmem>>, vector<16xf32>,
      %parallel_loop3A_290 = arith.addf %parallel_loop3A_283, %parallel_loop3A_289 : vector<16xf32>
      %parallel_loop3A_291 = arith.constant 16 : i32
      %parallel_loop3A_292 = arith.muli %parallel_loop3A_279, %parallel_loop3A_291 : i32
      %parallel_loop3A_293 = arith.index_cast %parallel_loop3A_292 : i32 to index
      %parallel_loop3A_294 = tpu.vector_load %arg8[%parallel_loop3A_293] {strides = array<i32>} : memref<2048xf32, #tpu.memory_space<vmem>>, vector<16xf32>,
      tpu.vector_store %arg8[%parallel_loop3A_293], %parallel_loop3A_290 {strides = array<i32>} : memref<2048xf32, #tpu.memory_space<vmem>>, vector<16xf32>,
    } {sc.loop_unroll_factor = 8 : i64, sc.parallel_access}
    %mul3A_164 = arith.constant 2048 : i32
    %mul3A_165 = arith.muli %arg1, %mul3A_164 : i32
    %run_scoped3A_166 = arith.constant 9 : i32
    %run_scoped3A_167 = arith.constant 0 : i32
    "tpu.region"() ({
      %run_scoped3A_279 = tpu.sem_alloc : memref<!tpu.dma_semaphore, #tpu.memory_space<semaphore_mem>>
      %dma_start3A_280 = arith.constant 0 : i32
      %dma_start3A_281 = tpu.memref_slice %arg9[%run_scoped3A_167, %dma_start3A_280] : memref<2x2048xf32, #tpu.memory_space<vmem>> -> memref<1x2048xf32, #tpu.memory_space<vmem>>
      %dma_start3A_282 = tpu.memref_squeeze %dma_start3A_281 : memref<1x2048xf32, #tpu.memory_space<vmem>> -> memref<2048xf32, #tpu.memory_space<vmem>>
      %dma_start3A_283 = tpu.memref_slice %arg15[%run_scoped3A_166, %mul3A_165] : memref<16x32768xf32, #tpu.memory_space<vmem_shared>> -> memref<1x2048xf32, #tpu.memory_space<vmem_shared>>
      %dma_start3A_284 = tpu.memref_squeeze %dma_start3A_283 : memref<1x2048xf32, #tpu.memory_space<vmem_shared>> -> memref<2048xf32, #tpu.memory_space<vmem_shared>>
      %dma_start3A_285 = arith.constant 0 : i32
      %dma_start3A_286 = tpu.memref_slice %arg9[%run_scoped3A_167, %dma_start3A_285] : memref<2x2048xf32, #tpu.memory_space<vmem>> -> memref<1x2048xf32, #tpu.memory_space<vmem>>
      %dma_start3A_287 = tpu.memref_squeeze %dma_start3A_286 : memref<1x2048xf32, #tpu.memory_space<vmem>> -> memref<2048xf32, #tpu.memory_space<vmem>>
      %dma_start3A_288 = tpu.memref_slice %arg15[%run_scoped3A_166, %mul3A_165] : memref<16x32768xf32, #tpu.memory_space<vmem_shared>> -> memref<1x2048xf32, #tpu.memory_space<vmem_shared>>
      %dma_start3A_289 = tpu.memref_squeeze %dma_start3A_288 : memref<1x2048xf32, #tpu.memory_space<vmem_shared>> -> memref<2048xf32, #tpu.memory_space<vmem_shared>>
      tpu.enqueue_dma source(%dma_start3A_289 : memref<2048xf32, #tpu.memory_space<vmem_shared>>) target(%dma_start3A_287 : memref<2048xf32, #tpu.memory_space<vmem>>) target_semaphore(%run_scoped3A_279 : memref<!tpu.dma_semaphore, #tpu.memory_space<semaphore_mem>>)
      %dma_wait3A = arith.constant 0 : i32
      %dma_wait3A_290 = tpu.memref_slice %arg9[%run_scoped3A_167, %dma_wait3A] : memref<2x2048xf32, #tpu.memory_space<vmem>> -> memref<1x2048xf32, #tpu.memory_space<vmem>>
      %dma_wait3A_291 = tpu.memref_squeeze %dma_wait3A_290 : memref<1x2048xf32, #tpu.memory_space<vmem>> -> memref<2048xf32, #tpu.memory_space<vmem>>
      %dma_wait3A_292 = tpu.memref_slice %arg15[%run_scoped3A_166, %mul3A_165] : memref<16x32768xf32, #tpu.memory_space<vmem_shared>> -> memref<1x2048xf32, #tpu.memory_space<vmem_shared>>
      %dma_wait3A_293 = tpu.memref_squeeze %dma_wait3A_292 : memref<1x2048xf32, #tpu.memory_space<vmem_shared>> -> memref<2048xf32, #tpu.memory_space<vmem_shared>>
      %dma_wait3A_294 = arith.constant 0 : i32
      %dma_wait3A_295 = tpu.memref_slice %arg9[%run_scoped3A_167, %dma_wait3A_294] : memref<2x2048xf32, #tpu.memory_space<vmem>> -> memref<1x2048xf32, #tpu.memory_space<vmem>>
      %dma_wait3A_296 = tpu.memref_squeeze %dma_wait3A_295 : memref<1x2048xf32, #tpu.memory_space<vmem>> -> memref<2048xf32, #tpu.memory_space<vmem>>
      %dma_wait3A_297 = tpu.memref_slice %arg15[%run_scoped3A_166, %mul3A_165] : memref<16x32768xf32, #tpu.memory_space<vmem_shared>> -> memref<1x2048xf32, #tpu.memory_space<vmem_shared>>
      %dma_wait3A_298 = tpu.memref_squeeze %dma_wait3A_297 : memref<1x2048xf32, #tpu.memory_space<vmem_shared>> -> memref<2048xf32, #tpu.memory_space<vmem_shared>>
      tpu.wait_dma2 semaphore(%run_scoped3A_279 : memref<!tpu.dma_semaphore, #tpu.memory_space<semaphore_mem>>) src(%dma_wait3A_298 : memref<2048xf32, #tpu.memory_space<vmem_shared>>) dst(%dma_wait3A_296 : memref<2048xf32, #tpu.memory_space<vmem>>)
      tpu.yield
    }) : () -> ()
    %parallel_loop3A_168 = arith.constant 0 : i32
    %parallel_loop3A_169 = arith.constant 128 : i32
    %parallel_loop3A_170 = arith.constant 1 : i32
    scf.for %parallel_loop3A_279 = %parallel_loop3A_168 to %parallel_loop3A_169 step %parallel_loop3A_170  : i32 {
      %parallel_loop3A_280 = arith.constant 16 : i32
      %parallel_loop3A_281 = arith.muli %parallel_loop3A_279, %parallel_loop3A_280 : i32
      %parallel_loop3A_282 = arith.index_cast %parallel_loop3A_281 : i32 to index
      %parallel_loop3A_283 = tpu.vector_load %arg8[%parallel_loop3A_282] {strides = array<i32>} : memref<2048xf32, #tpu.memory_space<vmem>>, vector<16xf32>,
      %parallel_loop3A_284 = arith.constant 16 : i32
      %parallel_loop3A_285 = arith.muli %parallel_loop3A_279, %parallel_loop3A_284 : i32
      %parallel_loop3A_286 = arith.constant 0 : i32
      %parallel_loop3A_287 = arith.index_cast %parallel_loop3A_286 : i32 to index
      %parallel_loop3A_288 = arith.index_cast %parallel_loop3A_285 : i32 to index
      %parallel_loop3A_289 = tpu.vector_load %arg9[%parallel_loop3A_287, %parallel_loop3A_288] {strides = array<i32>} : memref<2x2048xf32, #tpu.memory_space<vmem>>, vector<16xf32>,
      %parallel_loop3A_290 = arith.addf %parallel_loop3A_283, %parallel_loop3A_289 : vector<16xf32>
      %parallel_loop3A_291 = arith.constant 16 : i32
      %parallel_loop3A_292 = arith.muli %parallel_loop3A_279, %parallel_loop3A_291 : i32
      %parallel_loop3A_293 = arith.index_cast %parallel_loop3A_292 : i32 to index
      %parallel_loop3A_294 = tpu.vector_load %arg8[%parallel_loop3A_293] {strides = array<i32>} : memref<2048xf32, #tpu.memory_space<vmem>>, vector<16xf32>,
      tpu.vector_store %arg8[%parallel_loop3A_293], %parallel_loop3A_290 {strides = array<i32>} : memref<2048xf32, #tpu.memory_space<vmem>>, vector<16xf32>,
    } {sc.loop_unroll_factor = 8 : i64, sc.parallel_access}
    %mul3A_171 = arith.constant 2048 : i32
    %mul3A_172 = arith.muli %arg1, %mul3A_171 : i32
    %run_scoped3A_173 = arith.constant 10 : i32
    %run_scoped3A_174 = arith.constant 0 : i32
    "tpu.region"() ({
      %run_scoped3A_279 = tpu.sem_alloc : memref<!tpu.dma_semaphore, #tpu.memory_space<semaphore_mem>>
      %dma_start3A_280 = arith.constant 0 : i32
      %dma_start3A_281 = tpu.memref_slice %arg9[%run_scoped3A_174, %dma_start3A_280] : memref<2x2048xf32, #tpu.memory_space<vmem>> -> memref<1x2048xf32, #tpu.memory_space<vmem>>
      %dma_start3A_282 = tpu.memref_squeeze %dma_start3A_281 : memref<1x2048xf32, #tpu.memory_space<vmem>> -> memref<2048xf32, #tpu.memory_space<vmem>>
      %dma_start3A_283 = tpu.memref_slice %arg15[%run_scoped3A_173, %mul3A_172] : memref<16x32768xf32, #tpu.memory_space<vmem_shared>> -> memref<1x2048xf32, #tpu.memory_space<vmem_shared>>
      %dma_start3A_284 = tpu.memref_squeeze %dma_start3A_283 : memref<1x2048xf32, #tpu.memory_space<vmem_shared>> -> memref<2048xf32, #tpu.memory_space<vmem_shared>>
      %dma_start3A_285 = arith.constant 0 : i32
      %dma_start3A_286 = tpu.memref_slice %arg9[%run_scoped3A_174, %dma_start3A_285] : memref<2x2048xf32, #tpu.memory_space<vmem>> -> memref<1x2048xf32, #tpu.memory_space<vmem>>
      %dma_start3A_287 = tpu.memref_squeeze %dma_start3A_286 : memref<1x2048xf32, #tpu.memory_space<vmem>> -> memref<2048xf32, #tpu.memory_space<vmem>>
      %dma_start3A_288 = tpu.memref_slice %arg15[%run_scoped3A_173, %mul3A_172] : memref<16x32768xf32, #tpu.memory_space<vmem_shared>> -> memref<1x2048xf32, #tpu.memory_space<vmem_shared>>
      %dma_start3A_289 = tpu.memref_squeeze %dma_start3A_288 : memref<1x2048xf32, #tpu.memory_space<vmem_shared>> -> memref<2048xf32, #tpu.memory_space<vmem_shared>>
      tpu.enqueue_dma source(%dma_start3A_289 : memref<2048xf32, #tpu.memory_space<vmem_shared>>) target(%dma_start3A_287 : memref<2048xf32, #tpu.memory_space<vmem>>) target_semaphore(%run_scoped3A_279 : memref<!tpu.dma_semaphore, #tpu.memory_space<semaphore_mem>>)
      %dma_wait3A = arith.constant 0 : i32
      %dma_wait3A_290 = tpu.memref_slice %arg9[%run_scoped3A_174, %dma_wait3A] : memref<2x2048xf32, #tpu.memory_space<vmem>> -> memref<1x2048xf32, #tpu.memory_space<vmem>>
      %dma_wait3A_291 = tpu.memref_squeeze %dma_wait3A_290 : memref<1x2048xf32, #tpu.memory_space<vmem>> -> memref<2048xf32, #tpu.memory_space<vmem>>
      %dma_wait3A_292 = tpu.memref_slice %arg15[%run_scoped3A_173, %mul3A_172] : memref<16x32768xf32, #tpu.memory_space<vmem_shared>> -> memref<1x2048xf32, #tpu.memory_space<vmem_shared>>
      %dma_wait3A_293 = tpu.memref_squeeze %dma_wait3A_292 : memref<1x2048xf32, #tpu.memory_space<vmem_shared>> -> memref<2048xf32, #tpu.memory_space<vmem_shared>>
      %dma_wait3A_294 = arith.constant 0 : i32
      %dma_wait3A_295 = tpu.memref_slice %arg9[%run_scoped3A_174, %dma_wait3A_294] : memref<2x2048xf32, #tpu.memory_space<vmem>> -> memref<1x2048xf32, #tpu.memory_space<vmem>>
      %dma_wait3A_296 = tpu.memref_squeeze %dma_wait3A_295 : memref<1x2048xf32, #tpu.memory_space<vmem>> -> memref<2048xf32, #tpu.memory_space<vmem>>
      %dma_wait3A_297 = tpu.memref_slice %arg15[%run_scoped3A_173, %mul3A_172] : memref<16x32768xf32, #tpu.memory_space<vmem_shared>> -> memref<1x2048xf32, #tpu.memory_space<vmem_shared>>
      %dma_wait3A_298 = tpu.memref_squeeze %dma_wait3A_297 : memref<1x2048xf32, #tpu.memory_space<vmem_shared>> -> memref<2048xf32, #tpu.memory_space<vmem_shared>>
      tpu.wait_dma2 semaphore(%run_scoped3A_279 : memref<!tpu.dma_semaphore, #tpu.memory_space<semaphore_mem>>) src(%dma_wait3A_298 : memref<2048xf32, #tpu.memory_space<vmem_shared>>) dst(%dma_wait3A_296 : memref<2048xf32, #tpu.memory_space<vmem>>)
      tpu.yield
    }) : () -> ()
    %parallel_loop3A_175 = arith.constant 0 : i32
    %parallel_loop3A_176 = arith.constant 128 : i32
    %parallel_loop3A_177 = arith.constant 1 : i32
    scf.for %parallel_loop3A_279 = %parallel_loop3A_175 to %parallel_loop3A_176 step %parallel_loop3A_177  : i32 {
      %parallel_loop3A_280 = arith.constant 16 : i32
      %parallel_loop3A_281 = arith.muli %parallel_loop3A_279, %parallel_loop3A_280 : i32
      %parallel_loop3A_282 = arith.index_cast %parallel_loop3A_281 : i32 to index
      %parallel_loop3A_283 = tpu.vector_load %arg8[%parallel_loop3A_282] {strides = array<i32>} : memref<2048xf32, #tpu.memory_space<vmem>>, vector<16xf32>,
      %parallel_loop3A_284 = arith.constant 16 : i32
      %parallel_loop3A_285 = arith.muli %parallel_loop3A_279, %parallel_loop3A_284 : i32
      %parallel_loop3A_286 = arith.constant 0 : i32
      %parallel_loop3A_287 = arith.index_cast %parallel_loop3A_286 : i32 to index
      %parallel_loop3A_288 = arith.index_cast %parallel_loop3A_285 : i32 to index
      %parallel_loop3A_289 = tpu.vector_load %arg9[%parallel_loop3A_287, %parallel_loop3A_288] {strides = array<i32>} : memref<2x2048xf32, #tpu.memory_space<vmem>>, vector<16xf32>,
      %parallel_loop3A_290 = arith.addf %parallel_loop3A_283, %parallel_loop3A_289 : vector<16xf32>
      %parallel_loop3A_291 = arith.constant 16 : i32
      %parallel_loop3A_292 = arith.muli %parallel_loop3A_279, %parallel_loop3A_291 : i32
      %parallel_loop3A_293 = arith.index_cast %parallel_loop3A_292 : i32 to index
      %parallel_loop3A_294 = tpu.vector_load %arg8[%parallel_loop3A_293] {strides = array<i32>} : memref<2048xf32, #tpu.memory_space<vmem>>, vector<16xf32>,
      tpu.vector_store %arg8[%parallel_loop3A_293], %parallel_loop3A_290 {strides = array<i32>} : memref<2048xf32, #tpu.memory_space<vmem>>, vector<16xf32>,
    } {sc.loop_unroll_factor = 8 : i64, sc.parallel_access}
    %mul3A_178 = arith.constant 2048 : i32
    %mul3A_179 = arith.muli %arg1, %mul3A_178 : i32
    %run_scoped3A_180 = arith.constant 11 : i32
    %run_scoped3A_181 = arith.constant 0 : i32
    "tpu.region"() ({
      %run_scoped3A_279 = tpu.sem_alloc : memref<!tpu.dma_semaphore, #tpu.memory_space<semaphore_mem>>
      %dma_start3A_280 = arith.constant 0 : i32
      %dma_start3A_281 = tpu.memref_slice %arg9[%run_scoped3A_181, %dma_start3A_280] : memref<2x2048xf32, #tpu.memory_space<vmem>> -> memref<1x2048xf32, #tpu.memory_space<vmem>>
      %dma_start3A_282 = tpu.memref_squeeze %dma_start3A_281 : memref<1x2048xf32, #tpu.memory_space<vmem>> -> memref<2048xf32, #tpu.memory_space<vmem>>
      %dma_start3A_283 = tpu.memref_slice %arg15[%run_scoped3A_180, %mul3A_179] : memref<16x32768xf32, #tpu.memory_space<vmem_shared>> -> memref<1x2048xf32, #tpu.memory_space<vmem_shared>>
      %dma_start3A_284 = tpu.memref_squeeze %dma_start3A_283 : memref<1x2048xf32, #tpu.memory_space<vmem_shared>> -> memref<2048xf32, #tpu.memory_space<vmem_shared>>
      %dma_start3A_285 = arith.constant 0 : i32
      %dma_start3A_286 = tpu.memref_slice %arg9[%run_scoped3A_181, %dma_start3A_285] : memref<2x2048xf32, #tpu.memory_space<vmem>> -> memref<1x2048xf32, #tpu.memory_space<vmem>>
      %dma_start3A_287 = tpu.memref_squeeze %dma_start3A_286 : memref<1x2048xf32, #tpu.memory_space<vmem>> -> memref<2048xf32, #tpu.memory_space<vmem>>
      %dma_start3A_288 = tpu.memref_slice %arg15[%run_scoped3A_180, %mul3A_179] : memref<16x32768xf32, #tpu.memory_space<vmem_shared>> -> memref<1x2048xf32, #tpu.memory_space<vmem_shared>>
      %dma_start3A_289 = tpu.memref_squeeze %dma_start3A_288 : memref<1x2048xf32, #tpu.memory_space<vmem_shared>> -> memref<2048xf32, #tpu.memory_space<vmem_shared>>
      tpu.enqueue_dma source(%dma_start3A_289 : memref<2048xf32, #tpu.memory_space<vmem_shared>>) target(%dma_start3A_287 : memref<2048xf32, #tpu.memory_space<vmem>>) target_semaphore(%run_scoped3A_279 : memref<!tpu.dma_semaphore, #tpu.memory_space<semaphore_mem>>)
      %dma_wait3A = arith.constant 0 : i32
      %dma_wait3A_290 = tpu.memref_slice %arg9[%run_scoped3A_181, %dma_wait3A] : memref<2x2048xf32, #tpu.memory_space<vmem>> -> memref<1x2048xf32, #tpu.memory_space<vmem>>
      %dma_wait3A_291 = tpu.memref_squeeze %dma_wait3A_290 : memref<1x2048xf32, #tpu.memory_space<vmem>> -> memref<2048xf32, #tpu.memory_space<vmem>>
      %dma_wait3A_292 = tpu.memref_slice %arg15[%run_scoped3A_180, %mul3A_179] : memref<16x32768xf32, #tpu.memory_space<vmem_shared>> -> memref<1x2048xf32, #tpu.memory_space<vmem_shared>>
      %dma_wait3A_293 = tpu.memref_squeeze %dma_wait3A_292 : memref<1x2048xf32, #tpu.memory_space<vmem_shared>> -> memref<2048xf32, #tpu.memory_space<vmem_shared>>
      %dma_wait3A_294 = arith.constant 0 : i32
      %dma_wait3A_295 = tpu.memref_slice %arg9[%run_scoped3A_181, %dma_wait3A_294] : memref<2x2048xf32, #tpu.memory_space<vmem>> -> memref<1x2048xf32, #tpu.memory_space<vmem>>
      %dma_wait3A_296 = tpu.memref_squeeze %dma_wait3A_295 : memref<1x2048xf32, #tpu.memory_space<vmem>> -> memref<2048xf32, #tpu.memory_space<vmem>>
      %dma_wait3A_297 = tpu.memref_slice %arg15[%run_scoped3A_180, %mul3A_179] : memref<16x32768xf32, #tpu.memory_space<vmem_shared>> -> memref<1x2048xf32, #tpu.memory_space<vmem_shared>>
      %dma_wait3A_298 = tpu.memref_squeeze %dma_wait3A_297 : memref<1x2048xf32, #tpu.memory_space<vmem_shared>> -> memref<2048xf32, #tpu.memory_space<vmem_shared>>
      tpu.wait_dma2 semaphore(%run_scoped3A_279 : memref<!tpu.dma_semaphore, #tpu.memory_space<semaphore_mem>>) src(%dma_wait3A_298 : memref<2048xf32, #tpu.memory_space<vmem_shared>>) dst(%dma_wait3A_296 : memref<2048xf32, #tpu.memory_space<vmem>>)
      tpu.yield
    }) : () -> ()
    %parallel_loop3A_182 = arith.constant 0 : i32
    %parallel_loop3A_183 = arith.constant 128 : i32
    %parallel_loop3A_184 = arith.constant 1 : i32
    scf.for %parallel_loop3A_279 = %parallel_loop3A_182 to %parallel_loop3A_183 step %parallel_loop3A_184  : i32 {
      %parallel_loop3A_280 = arith.constant 16 : i32
      %parallel_loop3A_281 = arith.muli %parallel_loop3A_279, %parallel_loop3A_280 : i32
      %parallel_loop3A_282 = arith.index_cast %parallel_loop3A_281 : i32 to index
      %parallel_loop3A_283 = tpu.vector_load %arg8[%parallel_loop3A_282] {strides = array<i32>} : memref<2048xf32, #tpu.memory_space<vmem>>, vector<16xf32>,
      %parallel_loop3A_284 = arith.constant 16 : i32
      %parallel_loop3A_285 = arith.muli %parallel_loop3A_279, %parallel_loop3A_284 : i32
      %parallel_loop3A_286 = arith.constant 0 : i32
      %parallel_loop3A_287 = arith.index_cast %parallel_loop3A_286 : i32 to index
      %parallel_loop3A_288 = arith.index_cast %parallel_loop3A_285 : i32 to index
      %parallel_loop3A_289 = tpu.vector_load %arg9[%parallel_loop3A_287, %parallel_loop3A_288] {strides = array<i32>} : memref<2x2048xf32, #tpu.memory_space<vmem>>, vector<16xf32>,
      %parallel_loop3A_290 = arith.addf %parallel_loop3A_283, %parallel_loop3A_289 : vector<16xf32>
      %parallel_loop3A_291 = arith.constant 16 : i32
      %parallel_loop3A_292 = arith.muli %parallel_loop3A_279, %parallel_loop3A_291 : i32
      %parallel_loop3A_293 = arith.index_cast %parallel_loop3A_292 : i32 to index
      %parallel_loop3A_294 = tpu.vector_load %arg8[%parallel_loop3A_293] {strides = array<i32>} : memref<2048xf32, #tpu.memory_space<vmem>>, vector<16xf32>,
      tpu.vector_store %arg8[%parallel_loop3A_293], %parallel_loop3A_290 {strides = array<i32>} : memref<2048xf32, #tpu.memory_space<vmem>>, vector<16xf32>,
    } {sc.loop_unroll_factor = 8 : i64, sc.parallel_access}
    %mul3A_185 = arith.constant 2048 : i32
    %mul3A_186 = arith.muli %arg1, %mul3A_185 : i32
    %run_scoped3A_187 = arith.constant 12 : i32
    %run_scoped3A_188 = arith.constant 0 : i32
    "tpu.region"() ({
      %run_scoped3A_279 = tpu.sem_alloc : memref<!tpu.dma_semaphore, #tpu.memory_space<semaphore_mem>>
      %dma_start3A_280 = arith.constant 0 : i32
      %dma_start3A_281 = tpu.memref_slice %arg9[%run_scoped3A_188, %dma_start3A_280] : memref<2x2048xf32, #tpu.memory_space<vmem>> -> memref<1x2048xf32, #tpu.memory_space<vmem>>
      %dma_start3A_282 = tpu.memref_squeeze %dma_start3A_281 : memref<1x2048xf32, #tpu.memory_space<vmem>> -> memref<2048xf32, #tpu.memory_space<vmem>>
      %dma_start3A_283 = tpu.memref_slice %arg15[%run_scoped3A_187, %mul3A_186] : memref<16x32768xf32, #tpu.memory_space<vmem_shared>> -> memref<1x2048xf32, #tpu.memory_space<vmem_shared>>
      %dma_start3A_284 = tpu.memref_squeeze %dma_start3A_283 : memref<1x2048xf32, #tpu.memory_space<vmem_shared>> -> memref<2048xf32, #tpu.memory_space<vmem_shared>>
      %dma_start3A_285 = arith.constant 0 : i32
      %dma_start3A_286 = tpu.memref_slice %arg9[%run_scoped3A_188, %dma_start3A_285] : memref<2x2048xf32, #tpu.memory_space<vmem>> -> memref<1x2048xf32, #tpu.memory_space<vmem>>
      %dma_start3A_287 = tpu.memref_squeeze %dma_start3A_286 : memref<1x2048xf32, #tpu.memory_space<vmem>> -> memref<2048xf32, #tpu.memory_space<vmem>>
      %dma_start3A_288 = tpu.memref_slice %arg15[%run_scoped3A_187, %mul3A_186] : memref<16x32768xf32, #tpu.memory_space<vmem_shared>> -> memref<1x2048xf32, #tpu.memory_space<vmem_shared>>
      %dma_start3A_289 = tpu.memref_squeeze %dma_start3A_288 : memref<1x2048xf32, #tpu.memory_space<vmem_shared>> -> memref<2048xf32, #tpu.memory_space<vmem_shared>>
      tpu.enqueue_dma source(%dma_start3A_289 : memref<2048xf32, #tpu.memory_space<vmem_shared>>) target(%dma_start3A_287 : memref<2048xf32, #tpu.memory_space<vmem>>) target_semaphore(%run_scoped3A_279 : memref<!tpu.dma_semaphore, #tpu.memory_space<semaphore_mem>>)
      %dma_wait3A = arith.constant 0 : i32
      %dma_wait3A_290 = tpu.memref_slice %arg9[%run_scoped3A_188, %dma_wait3A] : memref<2x2048xf32, #tpu.memory_space<vmem>> -> memref<1x2048xf32, #tpu.memory_space<vmem>>
      %dma_wait3A_291 = tpu.memref_squeeze %dma_wait3A_290 : memref<1x2048xf32, #tpu.memory_space<vmem>> -> memref<2048xf32, #tpu.memory_space<vmem>>
      %dma_wait3A_292 = tpu.memref_slice %arg15[%run_scoped3A_187, %mul3A_186] : memref<16x32768xf32, #tpu.memory_space<vmem_shared>> -> memref<1x2048xf32, #tpu.memory_space<vmem_shared>>
      %dma_wait3A_293 = tpu.memref_squeeze %dma_wait3A_292 : memref<1x2048xf32, #tpu.memory_space<vmem_shared>> -> memref<2048xf32, #tpu.memory_space<vmem_shared>>
      %dma_wait3A_294 = arith.constant 0 : i32
      %dma_wait3A_295 = tpu.memref_slice %arg9[%run_scoped3A_188, %dma_wait3A_294] : memref<2x2048xf32, #tpu.memory_space<vmem>> -> memref<1x2048xf32, #tpu.memory_space<vmem>>
      %dma_wait3A_296 = tpu.memref_squeeze %dma_wait3A_295 : memref<1x2048xf32, #tpu.memory_space<vmem>> -> memref<2048xf32, #tpu.memory_space<vmem>>
      %dma_wait3A_297 = tpu.memref_slice %arg15[%run_scoped3A_187, %mul3A_186] : memref<16x32768xf32, #tpu.memory_space<vmem_shared>> -> memref<1x2048xf32, #tpu.memory_space<vmem_shared>>
      %dma_wait3A_298 = tpu.memref_squeeze %dma_wait3A_297 : memref<1x2048xf32, #tpu.memory_space<vmem_shared>> -> memref<2048xf32, #tpu.memory_space<vmem_shared>>
      tpu.wait_dma2 semaphore(%run_scoped3A_279 : memref<!tpu.dma_semaphore, #tpu.memory_space<semaphore_mem>>) src(%dma_wait3A_298 : memref<2048xf32, #tpu.memory_space<vmem_shared>>) dst(%dma_wait3A_296 : memref<2048xf32, #tpu.memory_space<vmem>>)
      tpu.yield
    }) : () -> ()
    %parallel_loop3A_189 = arith.constant 0 : i32
    %parallel_loop3A_190 = arith.constant 128 : i32
    %parallel_loop3A_191 = arith.constant 1 : i32
    scf.for %parallel_loop3A_279 = %parallel_loop3A_189 to %parallel_loop3A_190 step %parallel_loop3A_191  : i32 {
      %parallel_loop3A_280 = arith.constant 16 : i32
      %parallel_loop3A_281 = arith.muli %parallel_loop3A_279, %parallel_loop3A_280 : i32
      %parallel_loop3A_282 = arith.index_cast %parallel_loop3A_281 : i32 to index
      %parallel_loop3A_283 = tpu.vector_load %arg8[%parallel_loop3A_282] {strides = array<i32>} : memref<2048xf32, #tpu.memory_space<vmem>>, vector<16xf32>,
      %parallel_loop3A_284 = arith.constant 16 : i32
      %parallel_loop3A_285 = arith.muli %parallel_loop3A_279, %parallel_loop3A_284 : i32
      %parallel_loop3A_286 = arith.constant 0 : i32
      %parallel_loop3A_287 = arith.index_cast %parallel_loop3A_286 : i32 to index
      %parallel_loop3A_288 = arith.index_cast %parallel_loop3A_285 : i32 to index
      %parallel_loop3A_289 = tpu.vector_load %arg9[%parallel_loop3A_287, %parallel_loop3A_288] {strides = array<i32>} : memref<2x2048xf32, #tpu.memory_space<vmem>>, vector<16xf32>,
      %parallel_loop3A_290 = arith.addf %parallel_loop3A_283, %parallel_loop3A_289 : vector<16xf32>
      %parallel_loop3A_291 = arith.constant 16 : i32
      %parallel_loop3A_292 = arith.muli %parallel_loop3A_279, %parallel_loop3A_291 : i32
      %parallel_loop3A_293 = arith.index_cast %parallel_loop3A_292 : i32 to index
      %parallel_loop3A_294 = tpu.vector_load %arg8[%parallel_loop3A_293] {strides = array<i32>} : memref<2048xf32, #tpu.memory_space<vmem>>, vector<16xf32>,
      tpu.vector_store %arg8[%parallel_loop3A_293], %parallel_loop3A_290 {strides = array<i32>} : memref<2048xf32, #tpu.memory_space<vmem>>, vector<16xf32>,
    } {sc.loop_unroll_factor = 8 : i64, sc.parallel_access}
    %mul3A_192 = arith.constant 2048 : i32
    %mul3A_193 = arith.muli %arg1, %mul3A_192 : i32
    %run_scoped3A_194 = arith.constant 13 : i32
    %run_scoped3A_195 = arith.constant 0 : i32
    "tpu.region"() ({
      %run_scoped3A_279 = tpu.sem_alloc : memref<!tpu.dma_semaphore, #tpu.memory_space<semaphore_mem>>
      %dma_start3A_280 = arith.constant 0 : i32
      %dma_start3A_281 = tpu.memref_slice %arg9[%run_scoped3A_195, %dma_start3A_280] : memref<2x2048xf32, #tpu.memory_space<vmem>> -> memref<1x2048xf32, #tpu.memory_space<vmem>>
      %dma_start3A_282 = tpu.memref_squeeze %dma_start3A_281 : memref<1x2048xf32, #tpu.memory_space<vmem>> -> memref<2048xf32, #tpu.memory_space<vmem>>
      %dma_start3A_283 = tpu.memref_slice %arg15[%run_scoped3A_194, %mul3A_193] : memref<16x32768xf32, #tpu.memory_space<vmem_shared>> -> memref<1x2048xf32, #tpu.memory_space<vmem_shared>>
      %dma_start3A_284 = tpu.memref_squeeze %dma_start3A_283 : memref<1x2048xf32, #tpu.memory_space<vmem_shared>> -> memref<2048xf32, #tpu.memory_space<vmem_shared>>
      %dma_start3A_285 = arith.constant 0 : i32
      %dma_start3A_286 = tpu.memref_slice %arg9[%run_scoped3A_195, %dma_start3A_285] : memref<2x2048xf32, #tpu.memory_space<vmem>> -> memref<1x2048xf32, #tpu.memory_space<vmem>>
      %dma_start3A_287 = tpu.memref_squeeze %dma_start3A_286 : memref<1x2048xf32, #tpu.memory_space<vmem>> -> memref<2048xf32, #tpu.memory_space<vmem>>
      %dma_start3A_288 = tpu.memref_slice %arg15[%run_scoped3A_194, %mul3A_193] : memref<16x32768xf32, #tpu.memory_space<vmem_shared>> -> memref<1x2048xf32, #tpu.memory_space<vmem_shared>>
      %dma_start3A_289 = tpu.memref_squeeze %dma_start3A_288 : memref<1x2048xf32, #tpu.memory_space<vmem_shared>> -> memref<2048xf32, #tpu.memory_space<vmem_shared>>
      tpu.enqueue_dma source(%dma_start3A_289 : memref<2048xf32, #tpu.memory_space<vmem_shared>>) target(%dma_start3A_287 : memref<2048xf32, #tpu.memory_space<vmem>>) target_semaphore(%run_scoped3A_279 : memref<!tpu.dma_semaphore, #tpu.memory_space<semaphore_mem>>)
      %dma_wait3A = arith.constant 0 : i32
      %dma_wait3A_290 = tpu.memref_slice %arg9[%run_scoped3A_195, %dma_wait3A] : memref<2x2048xf32, #tpu.memory_space<vmem>> -> memref<1x2048xf32, #tpu.memory_space<vmem>>
      %dma_wait3A_291 = tpu.memref_squeeze %dma_wait3A_290 : memref<1x2048xf32, #tpu.memory_space<vmem>> -> memref<2048xf32, #tpu.memory_space<vmem>>
      %dma_wait3A_292 = tpu.memref_slice %arg15[%run_scoped3A_194, %mul3A_193] : memref<16x32768xf32, #tpu.memory_space<vmem_shared>> -> memref<1x2048xf32, #tpu.memory_space<vmem_shared>>
      %dma_wait3A_293 = tpu.memref_squeeze %dma_wait3A_292 : memref<1x2048xf32, #tpu.memory_space<vmem_shared>> -> memref<2048xf32, #tpu.memory_space<vmem_shared>>
      %dma_wait3A_294 = arith.constant 0 : i32
      %dma_wait3A_295 = tpu.memref_slice %arg9[%run_scoped3A_195, %dma_wait3A_294] : memref<2x2048xf32, #tpu.memory_space<vmem>> -> memref<1x2048xf32, #tpu.memory_space<vmem>>
      %dma_wait3A_296 = tpu.memref_squeeze %dma_wait3A_295 : memref<1x2048xf32, #tpu.memory_space<vmem>> -> memref<2048xf32, #tpu.memory_space<vmem>>
      %dma_wait3A_297 = tpu.memref_slice %arg15[%run_scoped3A_194, %mul3A_193] : memref<16x32768xf32, #tpu.memory_space<vmem_shared>> -> memref<1x2048xf32, #tpu.memory_space<vmem_shared>>
      %dma_wait3A_298 = tpu.memref_squeeze %dma_wait3A_297 : memref<1x2048xf32, #tpu.memory_space<vmem_shared>> -> memref<2048xf32, #tpu.memory_space<vmem_shared>>
      tpu.wait_dma2 semaphore(%run_scoped3A_279 : memref<!tpu.dma_semaphore, #tpu.memory_space<semaphore_mem>>) src(%dma_wait3A_298 : memref<2048xf32, #tpu.memory_space<vmem_shared>>) dst(%dma_wait3A_296 : memref<2048xf32, #tpu.memory_space<vmem>>)
      tpu.yield
    }) : () -> ()
    %parallel_loop3A_196 = arith.constant 0 : i32
    %parallel_loop3A_197 = arith.constant 128 : i32
    %parallel_loop3A_198 = arith.constant 1 : i32
    scf.for %parallel_loop3A_279 = %parallel_loop3A_196 to %parallel_loop3A_197 step %parallel_loop3A_198  : i32 {
      %parallel_loop3A_280 = arith.constant 16 : i32
      %parallel_loop3A_281 = arith.muli %parallel_loop3A_279, %parallel_loop3A_280 : i32
      %parallel_loop3A_282 = arith.index_cast %parallel_loop3A_281 : i32 to index
      %parallel_loop3A_283 = tpu.vector_load %arg8[%parallel_loop3A_282] {strides = array<i32>} : memref<2048xf32, #tpu.memory_space<vmem>>, vector<16xf32>,
      %parallel_loop3A_284 = arith.constant 16 : i32
      %parallel_loop3A_285 = arith.muli %parallel_loop3A_279, %parallel_loop3A_284 : i32
      %parallel_loop3A_286 = arith.constant 0 : i32
      %parallel_loop3A_287 = arith.index_cast %parallel_loop3A_286 : i32 to index
      %parallel_loop3A_288 = arith.index_cast %parallel_loop3A_285 : i32 to index
      %parallel_loop3A_289 = tpu.vector_load %arg9[%parallel_loop3A_287, %parallel_loop3A_288] {strides = array<i32>} : memref<2x2048xf32, #tpu.memory_space<vmem>>, vector<16xf32>,
      %parallel_loop3A_290 = arith.addf %parallel_loop3A_283, %parallel_loop3A_289 : vector<16xf32>
      %parallel_loop3A_291 = arith.constant 16 : i32
      %parallel_loop3A_292 = arith.muli %parallel_loop3A_279, %parallel_loop3A_291 : i32
      %parallel_loop3A_293 = arith.index_cast %parallel_loop3A_292 : i32 to index
      %parallel_loop3A_294 = tpu.vector_load %arg8[%parallel_loop3A_293] {strides = array<i32>} : memref<2048xf32, #tpu.memory_space<vmem>>, vector<16xf32>,
      tpu.vector_store %arg8[%parallel_loop3A_293], %parallel_loop3A_290 {strides = array<i32>} : memref<2048xf32, #tpu.memory_space<vmem>>, vector<16xf32>,
    } {sc.loop_unroll_factor = 8 : i64, sc.parallel_access}
    %mul3A_199 = arith.constant 2048 : i32
    %mul3A_200 = arith.muli %arg1, %mul3A_199 : i32
    %run_scoped3A_201 = arith.constant 14 : i32
    %run_scoped3A_202 = arith.constant 0 : i32
    "tpu.region"() ({
      %run_scoped3A_279 = tpu.sem_alloc : memref<!tpu.dma_semaphore, #tpu.memory_space<semaphore_mem>>
      %dma_start3A_280 = arith.constant 0 : i32
      %dma_start3A_281 = tpu.memref_slice %arg9[%run_scoped3A_202, %dma_start3A_280] : memref<2x2048xf32, #tpu.memory_space<vmem>> -> memref<1x2048xf32, #tpu.memory_space<vmem>>
      %dma_start3A_282 = tpu.memref_squeeze %dma_start3A_281 : memref<1x2048xf32, #tpu.memory_space<vmem>> -> memref<2048xf32, #tpu.memory_space<vmem>>
      %dma_start3A_283 = tpu.memref_slice %arg15[%run_scoped3A_201, %mul3A_200] : memref<16x32768xf32, #tpu.memory_space<vmem_shared>> -> memref<1x2048xf32, #tpu.memory_space<vmem_shared>>
      %dma_start3A_284 = tpu.memref_squeeze %dma_start3A_283 : memref<1x2048xf32, #tpu.memory_space<vmem_shared>> -> memref<2048xf32, #tpu.memory_space<vmem_shared>>
      %dma_start3A_285 = arith.constant 0 : i32
      %dma_start3A_286 = tpu.memref_slice %arg9[%run_scoped3A_202, %dma_start3A_285] : memref<2x2048xf32, #tpu.memory_space<vmem>> -> memref<1x2048xf32, #tpu.memory_space<vmem>>
      %dma_start3A_287 = tpu.memref_squeeze %dma_start3A_286 : memref<1x2048xf32, #tpu.memory_space<vmem>> -> memref<2048xf32, #tpu.memory_space<vmem>>
      %dma_start3A_288 = tpu.memref_slice %arg15[%run_scoped3A_201, %mul3A_200] : memref<16x32768xf32, #tpu.memory_space<vmem_shared>> -> memref<1x2048xf32, #tpu.memory_space<vmem_shared>>
      %dma_start3A_289 = tpu.memref_squeeze %dma_start3A_288 : memref<1x2048xf32, #tpu.memory_space<vmem_shared>> -> memref<2048xf32, #tpu.memory_space<vmem_shared>>
      tpu.enqueue_dma source(%dma_start3A_289 : memref<2048xf32, #tpu.memory_space<vmem_shared>>) target(%dma_start3A_287 : memref<2048xf32, #tpu.memory_space<vmem>>) target_semaphore(%run_scoped3A_279 : memref<!tpu.dma_semaphore, #tpu.memory_space<semaphore_mem>>)
      %dma_wait3A = arith.constant 0 : i32
      %dma_wait3A_290 = tpu.memref_slice %arg9[%run_scoped3A_202, %dma_wait3A] : memref<2x2048xf32, #tpu.memory_space<vmem>> -> memref<1x2048xf32, #tpu.memory_space<vmem>>
      %dma_wait3A_291 = tpu.memref_squeeze %dma_wait3A_290 : memref<1x2048xf32, #tpu.memory_space<vmem>> -> memref<2048xf32, #tpu.memory_space<vmem>>
      %dma_wait3A_292 = tpu.memref_slice %arg15[%run_scoped3A_201, %mul3A_200] : memref<16x32768xf32, #tpu.memory_space<vmem_shared>> -> memref<1x2048xf32, #tpu.memory_space<vmem_shared>>
      %dma_wait3A_293 = tpu.memref_squeeze %dma_wait3A_292 : memref<1x2048xf32, #tpu.memory_space<vmem_shared>> -> memref<2048xf32, #tpu.memory_space<vmem_shared>>
      %dma_wait3A_294 = arith.constant 0 : i32
      %dma_wait3A_295 = tpu.memref_slice %arg9[%run_scoped3A_202, %dma_wait3A_294] : memref<2x2048xf32, #tpu.memory_space<vmem>> -> memref<1x2048xf32, #tpu.memory_space<vmem>>
      %dma_wait3A_296 = tpu.memref_squeeze %dma_wait3A_295 : memref<1x2048xf32, #tpu.memory_space<vmem>> -> memref<2048xf32, #tpu.memory_space<vmem>>
      %dma_wait3A_297 = tpu.memref_slice %arg15[%run_scoped3A_201, %mul3A_200] : memref<16x32768xf32, #tpu.memory_space<vmem_shared>> -> memref<1x2048xf32, #tpu.memory_space<vmem_shared>>
      %dma_wait3A_298 = tpu.memref_squeeze %dma_wait3A_297 : memref<1x2048xf32, #tpu.memory_space<vmem_shared>> -> memref<2048xf32, #tpu.memory_space<vmem_shared>>
      tpu.wait_dma2 semaphore(%run_scoped3A_279 : memref<!tpu.dma_semaphore, #tpu.memory_space<semaphore_mem>>) src(%dma_wait3A_298 : memref<2048xf32, #tpu.memory_space<vmem_shared>>) dst(%dma_wait3A_296 : memref<2048xf32, #tpu.memory_space<vmem>>)
      tpu.yield
    }) : () -> ()
    %parallel_loop3A_203 = arith.constant 0 : i32
    %parallel_loop3A_204 = arith.constant 128 : i32
    %parallel_loop3A_205 = arith.constant 1 : i32
    scf.for %parallel_loop3A_279 = %parallel_loop3A_203 to %parallel_loop3A_204 step %parallel_loop3A_205  : i32 {
      %parallel_loop3A_280 = arith.constant 16 : i32
      %parallel_loop3A_281 = arith.muli %parallel_loop3A_279, %parallel_loop3A_280 : i32
      %parallel_loop3A_282 = arith.index_cast %parallel_loop3A_281 : i32 to index
      %parallel_loop3A_283 = tpu.vector_load %arg8[%parallel_loop3A_282] {strides = array<i32>} : memref<2048xf32, #tpu.memory_space<vmem>>, vector<16xf32>,
      %parallel_loop3A_284 = arith.constant 16 : i32
      %parallel_loop3A_285 = arith.muli %parallel_loop3A_279, %parallel_loop3A_284 : i32
      %parallel_loop3A_286 = arith.constant 0 : i32
      %parallel_loop3A_287 = arith.index_cast %parallel_loop3A_286 : i32 to index
      %parallel_loop3A_288 = arith.index_cast %parallel_loop3A_285 : i32 to index
      %parallel_loop3A_289 = tpu.vector_load %arg9[%parallel_loop3A_287, %parallel_loop3A_288] {strides = array<i32>} : memref<2x2048xf32, #tpu.memory_space<vmem>>, vector<16xf32>,
      %parallel_loop3A_290 = arith.addf %parallel_loop3A_283, %parallel_loop3A_289 : vector<16xf32>
      %parallel_loop3A_291 = arith.constant 16 : i32
      %parallel_loop3A_292 = arith.muli %parallel_loop3A_279, %parallel_loop3A_291 : i32
      %parallel_loop3A_293 = arith.index_cast %parallel_loop3A_292 : i32 to index
      %parallel_loop3A_294 = tpu.vector_load %arg8[%parallel_loop3A_293] {strides = array<i32>} : memref<2048xf32, #tpu.memory_space<vmem>>, vector<16xf32>,
      tpu.vector_store %arg8[%parallel_loop3A_293], %parallel_loop3A_290 {strides = array<i32>} : memref<2048xf32, #tpu.memory_space<vmem>>, vector<16xf32>,
    } {sc.loop_unroll_factor = 8 : i64, sc.parallel_access}
    %mul3A_206 = arith.constant 2048 : i32
    %mul3A_207 = arith.muli %arg1, %mul3A_206 : i32
    %run_scoped3A_208 = arith.constant 15 : i32
    %run_scoped3A_209 = arith.constant 0 : i32
    "tpu.region"() ({
      %run_scoped3A_279 = tpu.sem_alloc : memref<!tpu.dma_semaphore, #tpu.memory_space<semaphore_mem>>
      %dma_start3A_280 = arith.constant 0 : i32
      %dma_start3A_281 = tpu.memref_slice %arg9[%run_scoped3A_209, %dma_start3A_280] : memref<2x2048xf32, #tpu.memory_space<vmem>> -> memref<1x2048xf32, #tpu.memory_space<vmem>>
      %dma_start3A_282 = tpu.memref_squeeze %dma_start3A_281 : memref<1x2048xf32, #tpu.memory_space<vmem>> -> memref<2048xf32, #tpu.memory_space<vmem>>
      %dma_start3A_283 = tpu.memref_slice %arg15[%run_scoped3A_208, %mul3A_207] : memref<16x32768xf32, #tpu.memory_space<vmem_shared>> -> memref<1x2048xf32, #tpu.memory_space<vmem_shared>>
      %dma_start3A_284 = tpu.memref_squeeze %dma_start3A_283 : memref<1x2048xf32, #tpu.memory_space<vmem_shared>> -> memref<2048xf32, #tpu.memory_space<vmem_shared>>
      %dma_start3A_285 = arith.constant 0 : i32
      %dma_start3A_286 = tpu.memref_slice %arg9[%run_scoped3A_209, %dma_start3A_285] : memref<2x2048xf32, #tpu.memory_space<vmem>> -> memref<1x2048xf32, #tpu.memory_space<vmem>>
      %dma_start3A_287 = tpu.memref_squeeze %dma_start3A_286 : memref<1x2048xf32, #tpu.memory_space<vmem>> -> memref<2048xf32, #tpu.memory_space<vmem>>
      %dma_start3A_288 = tpu.memref_slice %arg15[%run_scoped3A_208, %mul3A_207] : memref<16x32768xf32, #tpu.memory_space<vmem_shared>> -> memref<1x2048xf32, #tpu.memory_space<vmem_shared>>
      %dma_start3A_289 = tpu.memref_squeeze %dma_start3A_288 : memref<1x2048xf32, #tpu.memory_space<vmem_shared>> -> memref<2048xf32, #tpu.memory_space<vmem_shared>>
      tpu.enqueue_dma source(%dma_start3A_289 : memref<2048xf32, #tpu.memory_space<vmem_shared>>) target(%dma_start3A_287 : memref<2048xf32, #tpu.memory_space<vmem>>) target_semaphore(%run_scoped3A_279 : memref<!tpu.dma_semaphore, #tpu.memory_space<semaphore_mem>>)
      %dma_wait3A = arith.constant 0 : i32
      %dma_wait3A_290 = tpu.memref_slice %arg9[%run_scoped3A_209, %dma_wait3A] : memref<2x2048xf32, #tpu.memory_space<vmem>> -> memref<1x2048xf32, #tpu.memory_space<vmem>>
      %dma_wait3A_291 = tpu.memref_squeeze %dma_wait3A_290 : memref<1x2048xf32, #tpu.memory_space<vmem>> -> memref<2048xf32, #tpu.memory_space<vmem>>
      %dma_wait3A_292 = tpu.memref_slice %arg15[%run_scoped3A_208, %mul3A_207] : memref<16x32768xf32, #tpu.memory_space<vmem_shared>> -> memref<1x2048xf32, #tpu.memory_space<vmem_shared>>
      %dma_wait3A_293 = tpu.memref_squeeze %dma_wait3A_292 : memref<1x2048xf32, #tpu.memory_space<vmem_shared>> -> memref<2048xf32, #tpu.memory_space<vmem_shared>>
      %dma_wait3A_294 = arith.constant 0 : i32
      %dma_wait3A_295 = tpu.memref_slice %arg9[%run_scoped3A_209, %dma_wait3A_294] : memref<2x2048xf32, #tpu.memory_space<vmem>> -> memref<1x2048xf32, #tpu.memory_space<vmem>>
      %dma_wait3A_296 = tpu.memref_squeeze %dma_wait3A_295 : memref<1x2048xf32, #tpu.memory_space<vmem>> -> memref<2048xf32, #tpu.memory_space<vmem>>
      %dma_wait3A_297 = tpu.memref_slice %arg15[%run_scoped3A_208, %mul3A_207] : memref<16x32768xf32, #tpu.memory_space<vmem_shared>> -> memref<1x2048xf32, #tpu.memory_space<vmem_shared>>
      %dma_wait3A_298 = tpu.memref_squeeze %dma_wait3A_297 : memref<1x2048xf32, #tpu.memory_space<vmem_shared>> -> memref<2048xf32, #tpu.memory_space<vmem_shared>>
      tpu.wait_dma2 semaphore(%run_scoped3A_279 : memref<!tpu.dma_semaphore, #tpu.memory_space<semaphore_mem>>) src(%dma_wait3A_298 : memref<2048xf32, #tpu.memory_space<vmem_shared>>) dst(%dma_wait3A_296 : memref<2048xf32, #tpu.memory_space<vmem>>)
      tpu.yield
    }) : () -> ()
    %parallel_loop3A_210 = arith.constant 0 : i32
    %parallel_loop3A_211 = arith.constant 128 : i32
    %parallel_loop3A_212 = arith.constant 1 : i32
    scf.for %parallel_loop3A_279 = %parallel_loop3A_210 to %parallel_loop3A_211 step %parallel_loop3A_212  : i32 {
      %parallel_loop3A_280 = arith.constant 16 : i32
      %parallel_loop3A_281 = arith.muli %parallel_loop3A_279, %parallel_loop3A_280 : i32
      %parallel_loop3A_282 = arith.index_cast %parallel_loop3A_281 : i32 to index
      %parallel_loop3A_283 = tpu.vector_load %arg8[%parallel_loop3A_282] {strides = array<i32>} : memref<2048xf32, #tpu.memory_space<vmem>>, vector<16xf32>,
      %parallel_loop3A_284 = arith.constant 16 : i32
      %parallel_loop3A_285 = arith.muli %parallel_loop3A_279, %parallel_loop3A_284 : i32
      %parallel_loop3A_286 = arith.constant 0 : i32
      %parallel_loop3A_287 = arith.index_cast %parallel_loop3A_286 : i32 to index
      %parallel_loop3A_288 = arith.index_cast %parallel_loop3A_285 : i32 to index
      %parallel_loop3A_289 = tpu.vector_load %arg9[%parallel_loop3A_287, %parallel_loop3A_288] {strides = array<i32>} : memref<2x2048xf32, #tpu.memory_space<vmem>>, vector<16xf32>,
      %parallel_loop3A_290 = arith.addf %parallel_loop3A_283, %parallel_loop3A_289 : vector<16xf32>
      %parallel_loop3A_291 = arith.constant 16 : i32
      %parallel_loop3A_292 = arith.muli %parallel_loop3A_279, %parallel_loop3A_291 : i32
      %parallel_loop3A_293 = arith.index_cast %parallel_loop3A_292 : i32 to index
      %parallel_loop3A_294 = tpu.vector_load %arg8[%parallel_loop3A_293] {strides = array<i32>} : memref<2048xf32, #tpu.memory_space<vmem>>, vector<16xf32>,
      tpu.vector_store %arg8[%parallel_loop3A_293], %parallel_loop3A_290 {strides = array<i32>} : memref<2048xf32, #tpu.memory_space<vmem>>, vector<16xf32>,
    } {sc.loop_unroll_factor = 8 : i64, sc.parallel_access}
    %mul3A_213 = arith.constant 2048 : i32
    %mul3A_214 = arith.muli %arg1, %mul3A_213 : i32
    "tpu.region"() ({
      %run_scoped3A_279 = tpu.sem_alloc : memref<!tpu.dma_semaphore, #tpu.memory_space<semaphore_mem>>
      %dma_start3A_280 = tpu.memref_slice %arg16[%mul3A_214] : memref<32768xf32, #tpu.memory_space<vmem_shared>> -> memref<2048xf32, #tpu.memory_space<vmem_shared>>
      %dma_start3A_281 = tpu.memref_slice %arg16[%mul3A_214] : memref<32768xf32, #tpu.memory_space<vmem_shared>> -> memref<2048xf32, #tpu.memory_space<vmem_shared>>
      tpu.enqueue_dma source(%arg8 : memref<2048xf32, #tpu.memory_space<vmem>>) target(%dma_start3A_281 : memref<2048xf32, #tpu.memory_space<vmem_shared>>) target_semaphore(%run_scoped3A_279 : memref<!tpu.dma_semaphore, #tpu.memory_space<semaphore_mem>>)
      %dma_wait3A = tpu.memref_slice %arg16[%mul3A_214] : memref<32768xf32, #tpu.memory_space<vmem_shared>> -> memref<2048xf32, #tpu.memory_space<vmem_shared>>
      %dma_wait3A_282 = tpu.memref_slice %arg16[%mul3A_214] : memref<32768xf32, #tpu.memory_space<vmem_shared>> -> memref<2048xf32, #tpu.memory_space<vmem_shared>>
      tpu.wait_dma2 semaphore(%run_scoped3A_279 : memref<!tpu.dma_semaphore, #tpu.memory_space<semaphore_mem>>) src(%arg8 : memref<2048xf32, #tpu.memory_space<vmem>>) dst(%dma_wait3A_282 : memref<2048xf32, #tpu.memory_space<vmem_shared>>)
      tpu.yield
    }) : () -> ()
    %barrier3A_215 = arith.constant 0 : index
    tpu.barrier barrier_id(%barrier3A_215)
    %jit3A_216 = arith.constant 4 : i32
    %div3A_217 = arith.divsi %arg1, %jit3A_216 : i32
    %sign3A_218 = arith.constant 0 : i32
    %sign3A_219 = arith.cmpi sgt, %arg1, %sign3A_218 : i32
    %sign3A_220 = arith.extui %sign3A_219 : i1 to i32
    %sign3A_221 = arith.constant 0 : i32
    %sign3A_222 = arith.cmpi slt, %arg1, %sign3A_221 : i32
    %sign3A_223 = arith.extui %sign3A_222 : i1 to i32
    %sign3A_224 = arith.subi %sign3A_220, %sign3A_223 : i32
    %sign3A_225 = arith.constant 0 : i32
    %sign3A_226 = arith.cmpi sgt, %jit3A_216, %sign3A_225 : i32
    %sign3A_227 = arith.extui %sign3A_226 : i1 to i32
    %sign3A_228 = arith.constant 0 : i32
    %sign3A_229 = arith.cmpi slt, %jit3A_216, %sign3A_228 : i32
    %sign3A_230 = arith.extui %sign3A_229 : i1 to i32
    %sign3A_231 = arith.subi %sign3A_227, %sign3A_230 : i32
    %ne3A_232 = arith.cmpi ne, %sign3A_224, %sign3A_231 : i32
    %rem3A_233 = arith.remsi %arg1, %jit3A_216 : i32
    %ne3A_234 = arith.constant 0 : i32
    %ne3A_235 = arith.cmpi ne, %rem3A_233, %ne3A_234 : i32
    %and3A_236 = arith.andi %ne3A_232, %ne3A_235 : i1
    %sub3A_237 = arith.constant 1 : i32
    %sub3A_238 = arith.subi %div3A_217, %sub3A_237 : i32
    %select_n3A_239 = arith.select %and3A_236, %sub3A_238, %div3A_217 : i32
    %jit3A_240 = arith.constant 4 : i32
    %eq3A_241 = arith.constant 0 : i32
    %eq3A_242 = arith.cmpi eq, %jit3A_240, %eq3A_241 : i32
    %jit3A_243 = arith.constant 1 : i32
    %select_n3A_244 = arith.select %eq3A_242, %jit3A_243, %jit3A_240 : i32
    %rem3A_245 = arith.remsi %arg1, %select_n3A_244 : i32
    %ne3A_246 = arith.constant 0 : i32
    %ne3A_247 = arith.cmpi ne, %rem3A_245, %ne3A_246 : i32
    %lt3A_248 = arith.constant 0 : i32
    %lt3A_249 = arith.cmpi slt, %rem3A_245, %lt3A_248 : i32
    %lt3A_250 = arith.constant 0 : i32
    %lt3A_251 = arith.cmpi slt, %select_n3A_244, %lt3A_250 : i32
    %ne3A_252 = arith.xori %lt3A_249, %lt3A_251 : i1
    %and3A_253 = arith.andi %ne3A_252, %ne3A_247 : i1
    %add3A_254 = arith.addi %rem3A_245, %select_n3A_244 : i32
    %select_n3A_255 = arith.select %and3A_253, %add3A_254, %rem3A_245 : i32
    %lt3A_256 = arith.constant 8 : i32
    %lt3A_257 = arith.cmpi slt, %arg1, %lt3A_256 : i32
    %convert_element_type3A = arith.extui %lt3A_257 : i1 to i32
    %cond3A = arith.constant 0 : i32
    %cond3A_258 = arith.cmpi ne, %convert_element_type3A, %cond3A : i32
    scf.if %cond3A_258 {
      %add3A_279 = arith.constant 2 : i32
      %add3A_280 = arith.addi %add3A_279, %select_n3A_239 : i32
      %mul3A_281 = arith.constant 8192 : i32
      %mul3A_282 = arith.muli %add3A_280, %mul3A_281 : i32
      %mul3A_283 = arith.constant 2048 : i32
      %mul3A_284 = arith.muli %select_n3A_255, %mul3A_283 : i32
      %add3A_285 = arith.addi %mul3A_282, %mul3A_284 : i32
      "tpu.region"() ({
        %run_scoped3A_307 = tpu.sem_alloc : memref<!tpu.dma_semaphore, #tpu.memory_space<semaphore_mem>>
        %dma_start3A_308 = tpu.memref_slice %arg16[%add3A_285] : memref<32768xf32, #tpu.memory_space<vmem_shared>> -> memref<2048xf32, #tpu.memory_space<vmem_shared>>
        %dma_start3A_309 = tpu.memref_slice %arg16[%add3A_285] : memref<32768xf32, #tpu.memory_space<vmem_shared>> -> memref<2048xf32, #tpu.memory_space<vmem_shared>>
        tpu.enqueue_dma source(%dma_start3A_309 : memref<2048xf32, #tpu.memory_space<vmem_shared>>) target(%arg10 : memref<2048xf32, #tpu.memory_space<vmem>>) target_semaphore(%run_scoped3A_307 : memref<!tpu.dma_semaphore, #tpu.memory_space<semaphore_mem>>)
        %dma_wait3A = tpu.memref_slice %arg16[%add3A_285] : memref<32768xf32, #tpu.memory_space<vmem_shared>> -> memref<2048xf32, #tpu.memory_space<vmem_shared>>
        %dma_wait3A_310 = tpu.memref_slice %arg16[%add3A_285] : memref<32768xf32, #tpu.memory_space<vmem_shared>> -> memref<2048xf32, #tpu.memory_space<vmem_shared>>
        tpu.wait_dma2 semaphore(%run_scoped3A_307 : memref<!tpu.dma_semaphore, #tpu.memory_space<semaphore_mem>>) src(%dma_wait3A_310 : memref<2048xf32, #tpu.memory_space<vmem_shared>>) dst(%arg10 : memref<2048xf32, #tpu.memory_space<vmem>>)
        tpu.yield
      }) : () -> ()
      %scan3A_286 = arith.constant 0.000000e+00 : f32
      %scan3A_287 = arith.constant 0.000000e+00 : f32
      %scan3A_288 = arith.constant 0 : i32
      %scan3A_289 = arith.constant 128 : i32
      %scan3A_290 = arith.addi %scan3A_288, %scan3A_289 : i32
      %scan3A_291 = arith.constant 1 : i32
      %scan3A_292:2 = scf.for %scan3A_307 = %scan3A_288 to %scan3A_290 step %scan3A_291 iter_args(%scan3A_308 = %scan3A_286, %scan3A_309 = %scan3A_287) -> (f32, f32)  : i32 {
        %sub3A_310 = arith.constant 127 : i32
        %sub3A_311 = arith.subi %sub3A_310, %scan3A_307 : i32
        %mul3A_312 = arith.constant 16 : i32
        %mul3A_313 = arith.muli %sub3A_311, %mul3A_312 : i32
        %get3A = arith.index_cast %mul3A_313 : i32 to index
        %get3A_314 = tpu.vector_load %arg10[%get3A] {strides = array<i32>} : memref<2048xf32, #tpu.memory_space<vmem>>, vector<16xf32>,
        %get3A_315 = arith.index_cast %mul3A_313 : i32 to index
        %get3A_316 = tpu.vector_load %arg8[%get3A_315] {strides = array<i32>} : memref<2048xf32, #tpu.memory_space<vmem>>, vector<16xf32>,
        %add3A_317 = arith.addf %get3A_316, %get3A_314 : vector<16xf32>
        %rev3A = arith.constant 15 : i32
        %rev3A_318 = vector.broadcast %rev3A : i32 to vector<16xi32>
        %rev3A_319 = tpu.iota {dimensions = array<i32: 0>} : vector<16xi32>
        %rev3A_320 = arith.subi %rev3A_318, %rev3A_319 : vector<16xi32>
        %rev3A_321 = tpu.dynamic_gather %add3A_317[%rev3A_320] in [0] : vector<16xf32>, vector<16xi32> -> vector<16xf32>
        %broadcast_in_dim3A_322 = arith.constant true
        %broadcast_in_dim3A_323 = vector.broadcast %broadcast_in_dim3A_322 : i1 to vector<16xi1>
        %masked_cumsum3A = tpu.scan <sum>, %rev3A_321 masked %broadcast_in_dim3A_323 : vector<16xf32>, vector<16xi1> -> vector<16xf32>
        %rev3A_324 = arith.constant 15 : i32
        %rev3A_325 = vector.broadcast %rev3A_324 : i32 to vector<16xi32>
        %rev3A_326 = tpu.iota {dimensions = array<i32: 0>} : vector<16xi32>
        %rev3A_327 = arith.subi %rev3A_325, %rev3A_326 : vector<16xi32>
        %rev3A_328 = tpu.dynamic_gather %masked_cumsum3A[%rev3A_327] in [0] : vector<16xf32>, vector<16xi32> -> vector<16xf32>
        %add3A_329 = vector.broadcast %scan3A_308 : f32 to vector<16xf32>
        %add3A_330 = arith.addf %rev3A_328, %add3A_329 : vector<16xf32>
        %rev3A_331 = arith.constant 15 : i32
        %rev3A_332 = vector.broadcast %rev3A_331 : i32 to vector<16xi32>
        %rev3A_333 = tpu.iota {dimensions = array<i32: 0>} : vector<16xi32>
        %rev3A_334 = arith.subi %rev3A_332, %rev3A_333 : vector<16xi32>
        %rev3A_335 = tpu.dynamic_gather %get3A_314[%rev3A_334] in [0] : vector<16xf32>, vector<16xi32> -> vector<16xf32>
        %broadcast_in_dim3A_336 = arith.constant true
        %broadcast_in_dim3A_337 = vector.broadcast %broadcast_in_dim3A_336 : i1 to vector<16xi1>
        %masked_cumsum3A_338 = tpu.scan <sum>, %rev3A_335 masked %broadcast_in_dim3A_337 : vector<16xf32>, vector<16xi1> -> vector<16xf32>
        %rev3A_339 = arith.constant 15 : i32
        %rev3A_340 = vector.broadcast %rev3A_339 : i32 to vector<16xi32>
        %rev3A_341 = tpu.iota {dimensions = array<i32: 0>} : vector<16xi32>
        %rev3A_342 = arith.subi %rev3A_340, %rev3A_341 : vector<16xi32>
        %rev3A_343 = tpu.dynamic_gather %masked_cumsum3A_338[%rev3A_342] in [0] : vector<16xf32>, vector<16xi32> -> vector<16xf32>
        %add3A_344 = vector.broadcast %scan3A_309 : f32 to vector<16xf32>
        %add3A_345 = arith.addf %rev3A_343, %add3A_344 : vector<16xf32>
        %swap3A_346 = arith.index_cast %mul3A_313 : i32 to index
        %swap3A_347 = tpu.vector_load %arg11[%swap3A_346] {strides = array<i32>} : memref<2048xf32, #tpu.memory_space<vmem>>, vector<16xf32>,
        tpu.vector_store %arg11[%swap3A_346], %add3A_330 {strides = array<i32>} : memref<2048xf32, #tpu.memory_space<vmem>>, vector<16xf32>,
        %swap3A_348 = arith.index_cast %mul3A_313 : i32 to index
        %swap3A_349 = tpu.vector_load %arg12[%swap3A_348] {strides = array<i32>} : memref<2048xf32, #tpu.memory_space<vmem>>, vector<16xf32>,
        tpu.vector_store %arg12[%swap3A_348], %add3A_345 {strides = array<i32>} : memref<2048xf32, #tpu.memory_space<vmem>>, vector<16xf32>,
        %reduce_sum3A = arith.constant true
        %reduce_sum3A_350 = vector.broadcast %reduce_sum3A : i1 to vector<16xi1>
        %reduce_sum3A_351 = tpu.scan <sum>, %add3A_317 masked %reduce_sum3A_350 : vector<16xf32>, vector<16xi1> -> vector<16xf32>
        %reduce_sum3A_352 = vector.extract %reduce_sum3A_351[15] : f32 from vector<16xf32>
        %add3A_353 = arith.addf %scan3A_308, %reduce_sum3A_352 : f32
        %reduce_sum3A_354 = arith.constant true
        %reduce_sum3A_355 = vector.broadcast %reduce_sum3A_354 : i1 to vector<16xi1>
        %reduce_sum3A_356 = tpu.scan <sum>, %get3A_314 masked %reduce_sum3A_355 : vector<16xf32>, vector<16xi1> -> vector<16xf32>
        %reduce_sum3A_357 = vector.extract %reduce_sum3A_356[15] : f32 from vector<16xf32>
        %add3A_358 = arith.addf %scan3A_309, %reduce_sum3A_357 : f32
        scf.yield %add3A_353, %add3A_358 : f32, f32
      }
      %scan3A_293 = arith.constant 128 : i32
      %eq3A_294 = arith.constant 0 : i32
      %eq3A_295 = vector.broadcast %eq3A_294 : i32 to vector<16xi32>
      %eq3A_296 = arith.cmpi eq, %iota3A, %eq3A_295 : vector<16xi32>
      %eq3A_297 = arith.constant 1 : i32
      %eq3A_298 = vector.broadcast %eq3A_297 : i32 to vector<16xi32>
      %eq3A_299 = arith.cmpi eq, %iota3A, %eq3A_298 : vector<16xi32>
      %jit3A_300 = arith.constant 0.000000e+00 : f32
      %broadcast_in_dim3A_301 = vector.broadcast %scan3A_292#1 : f32 to vector<16xf32>
      %broadcast_in_dim3A_302 = vector.broadcast %jit3A_300 : f32 to vector<16xf32>
      %select_n3A_303 = arith.select %eq3A_299, %broadcast_in_dim3A_301, %broadcast_in_dim3A_302 : vector<16xi1>, vector<16xf32>
      %broadcast_in_dim3A_304 = vector.broadcast %scan3A_292#0 : f32 to vector<16xf32>
      %select_n3A_305 = arith.select %eq3A_296, %broadcast_in_dim3A_304, %select_n3A_303 : vector<16xi1>, vector<16xf32>
      %swap3A = arith.constant 0 : index
      %swap3A_306 = tpu.vector_load %arg13[%swap3A] {strides = array<i32>} : memref<128xf32, #tpu.memory_space<vmem>>, vector<16xf32>,
      tpu.vector_store %arg13[%swap3A], %select_n3A_305 {strides = array<i32>} : memref<128xf32, #tpu.memory_space<vmem>>, vector<16xf32>,
      "tpu.region"() ({
        %run_scoped3A_307 = tpu.sem_alloc : memref<!tpu.dma_semaphore, #tpu.memory_space<semaphore_mem>>
        %dma_start3A_308 = arith.constant 0 : i32
        %dma_start3A_309 = tpu.memref_slice %arg17[%arg1, %dma_start3A_308] : memref<16x128xf32, #tpu.memory_space<vmem_shared>> -> memref<1x128xf32, #tpu.memory_space<vmem_shared>>
        %dma_start3A_310 = tpu.memref_squeeze %dma_start3A_309 : memref<1x128xf32, #tpu.memory_space<vmem_shared>> -> memref<128xf32, #tpu.memory_space<vmem_shared>>
        %dma_start3A_311 = arith.constant 0 : i32
        %dma_start3A_312 = tpu.memref_slice %arg17[%arg1, %dma_start3A_311] : memref<16x128xf32, #tpu.memory_space<vmem_shared>> -> memref<1x128xf32, #tpu.memory_space<vmem_shared>>
        %dma_start3A_313 = tpu.memref_squeeze %dma_start3A_312 : memref<1x128xf32, #tpu.memory_space<vmem_shared>> -> memref<128xf32, #tpu.memory_space<vmem_shared>>
        tpu.enqueue_dma source(%arg13 : memref<128xf32, #tpu.memory_space<vmem>>) target(%dma_start3A_313 : memref<128xf32, #tpu.memory_space<vmem_shared>>) target_semaphore(%run_scoped3A_307 : memref<!tpu.dma_semaphore, #tpu.memory_space<semaphore_mem>>)
        %dma_wait3A = arith.constant 0 : i32
        %dma_wait3A_314 = tpu.memref_slice %arg17[%arg1, %dma_wait3A] : memref<16x128xf32, #tpu.memory_space<vmem_shared>> -> memref<1x128xf32, #tpu.memory_space<vmem_shared>>
        %dma_wait3A_315 = tpu.memref_squeeze %dma_wait3A_314 : memref<1x128xf32, #tpu.memory_space<vmem_shared>> -> memref<128xf32, #tpu.memory_space<vmem_shared>>
        %dma_wait3A_316 = arith.constant 0 : i32
        %dma_wait3A_317 = tpu.memref_slice %arg17[%arg1, %dma_wait3A_316] : memref<16x128xf32, #tpu.memory_space<vmem_shared>> -> memref<1x128xf32, #tpu.memory_space<vmem_shared>>
        %dma_wait3A_318 = tpu.memref_squeeze %dma_wait3A_317 : memref<1x128xf32, #tpu.memory_space<vmem_shared>> -> memref<128xf32, #tpu.memory_space<vmem_shared>>
        tpu.wait_dma2 semaphore(%run_scoped3A_307 : memref<!tpu.dma_semaphore, #tpu.memory_space<semaphore_mem>>) src(%arg13 : memref<128xf32, #tpu.memory_space<vmem>>) dst(%dma_wait3A_318 : memref<128xf32, #tpu.memory_space<vmem_shared>>)
        tpu.yield
      }) : () -> ()
    } else {
    }
    %barrier3A_259 = arith.constant 0 : index
    tpu.barrier barrier_id(%barrier3A_259)
    %lt3A_260 = arith.constant 8 : i32
    %lt3A_261 = arith.cmpi slt, %arg1, %lt3A_260 : i32
    %convert_element_type3A_262 = arith.extui %lt3A_261 : i1 to i32
    %cond3A_263 = arith.constant 0 : i32
    %cond3A_264 = arith.cmpi ne, %convert_element_type3A_262, %cond3A_263 : i32
    scf.if %cond3A_264 {
      %run_scoped3A_279 = arith.constant 0 : i32
      %run_scoped3A_280 = arith.constant 0 : i32
      "tpu.region"() ({
        %run_scoped3A_295 = tpu.sem_alloc : memref<!tpu.dma_semaphore, #tpu.memory_space<semaphore_mem>>
        %dma_start3A_296 = arith.constant 0 : i32
        %dma_start3A_297 = tpu.memref_slice %arg14[%run_scoped3A_280, %dma_start3A_296] : memref<8x128xf32, #tpu.memory_space<vmem>> -> memref<1x128xf32, #tpu.memory_space<vmem>>
        %dma_start3A_298 = tpu.memref_squeeze %dma_start3A_297 : memref<1x128xf32, #tpu.memory_space<vmem>> -> memref<128xf32, #tpu.memory_space<vmem>>
        %dma_start3A_299 = arith.constant 0 : i32
        %dma_start3A_300 = tpu.memref_slice %arg17[%run_scoped3A_279, %dma_start3A_299] : memref<16x128xf32, #tpu.memory_space<vmem_shared>> -> memref<1x128xf32, #tpu.memory_space<vmem_shared>>
        %dma_start3A_301 = tpu.memref_squeeze %dma_start3A_300 : memref<1x128xf32, #tpu.memory_space<vmem_shared>> -> memref<128xf32, #tpu.memory_space<vmem_shared>>
        %dma_start3A_302 = arith.constant 0 : i32
        %dma_start3A_303 = tpu.memref_slice %arg14[%run_scoped3A_280, %dma_start3A_302] : memref<8x128xf32, #tpu.memory_space<vmem>> -> memref<1x128xf32, #tpu.memory_space<vmem>>
        %dma_start3A_304 = tpu.memref_squeeze %dma_start3A_303 : memref<1x128xf32, #tpu.memory_space<vmem>> -> memref<128xf32, #tpu.memory_space<vmem>>
        %dma_start3A_305 = arith.constant 0 : i32
        %dma_start3A_306 = tpu.memref_slice %arg17[%run_scoped3A_279, %dma_start3A_305] : memref<16x128xf32, #tpu.memory_space<vmem_shared>> -> memref<1x128xf32, #tpu.memory_space<vmem_shared>>
        %dma_start3A_307 = tpu.memref_squeeze %dma_start3A_306 : memref<1x128xf32, #tpu.memory_space<vmem_shared>> -> memref<128xf32, #tpu.memory_space<vmem_shared>>
        tpu.enqueue_dma source(%dma_start3A_307 : memref<128xf32, #tpu.memory_space<vmem_shared>>) target(%dma_start3A_304 : memref<128xf32, #tpu.memory_space<vmem>>) target_semaphore(%run_scoped3A_295 : memref<!tpu.dma_semaphore, #tpu.memory_space<semaphore_mem>>)
        %dma_wait3A = arith.constant 0 : i32
        %dma_wait3A_308 = tpu.memref_slice %arg14[%run_scoped3A_280, %dma_wait3A] : memref<8x128xf32, #tpu.memory_space<vmem>> -> memref<1x128xf32, #tpu.memory_space<vmem>>
        %dma_wait3A_309 = tpu.memref_squeeze %dma_wait3A_308 : memref<1x128xf32, #tpu.memory_space<vmem>> -> memref<128xf32, #tpu.memory_space<vmem>>
        %dma_wait3A_310 = arith.constant 0 : i32
        %dma_wait3A_311 = tpu.memref_slice %arg17[%run_scoped3A_279, %dma_wait3A_310] : memref<16x128xf32, #tpu.memory_space<vmem_shared>> -> memref<1x128xf32, #tpu.memory_space<vmem_shared>>
        %dma_wait3A_312 = tpu.memref_squeeze %dma_wait3A_311 : memref<1x128xf32, #tpu.memory_space<vmem_shared>> -> memref<128xf32, #tpu.memory_space<vmem_shared>>
        %dma_wait3A_313 = arith.constant 0 : i32
        %dma_wait3A_314 = tpu.memref_slice %arg14[%run_scoped3A_280, %dma_wait3A_313] : memref<8x128xf32, #tpu.memory_space<vmem>> -> memref<1x128xf32, #tpu.memory_space<vmem>>
        %dma_wait3A_315 = tpu.memref_squeeze %dma_wait3A_314 : memref<1x128xf32, #tpu.memory_space<vmem>> -> memref<128xf32, #tpu.memory_space<vmem>>
        %dma_wait3A_316 = arith.constant 0 : i32
        %dma_wait3A_317 = tpu.memref_slice %arg17[%run_scoped3A_279, %dma_wait3A_316] : memref<16x128xf32, #tpu.memory_space<vmem_shared>> -> memref<1x128xf32, #tpu.memory_space<vmem_shared>>
        %dma_wait3A_318 = tpu.memref_squeeze %dma_wait3A_317 : memref<1x128xf32, #tpu.memory_space<vmem_shared>> -> memref<128xf32, #tpu.memory_space<vmem_shared>>
        tpu.wait_dma2 semaphore(%run_scoped3A_295 : memref<!tpu.dma_semaphore, #tpu.memory_space<semaphore_mem>>) src(%dma_wait3A_318 : memref<128xf32, #tpu.memory_space<vmem_shared>>) dst(%dma_wait3A_315 : memref<128xf32, #tpu.memory_space<vmem>>)
        tpu.yield
      }) : () -> ()
      %run_scoped3A_281 = arith.constant 1 : i32
      %run_scoped3A_282 = arith.constant 1 : i32
      "tpu.region"() ({
        %run_scoped3A_295 = tpu.sem_alloc : memref<!tpu.dma_semaphore, #tpu.memory_space<semaphore_mem>>
        %dma_start3A_296 = arith.constant 0 : i32
        %dma_start3A_297 = tpu.memref_slice %arg14[%run_scoped3A_282, %dma_start3A_296] : memref<8x128xf32, #tpu.memory_space<vmem>> -> memref<1x128xf32, #tpu.memory_space<vmem>>
        %dma_start3A_298 = tpu.memref_squeeze %dma_start3A_297 : memref<1x128xf32, #tpu.memory_space<vmem>> -> memref<128xf32, #tpu.memory_space<vmem>>
        %dma_start3A_299 = arith.constant 0 : i32
        %dma_start3A_300 = tpu.memref_slice %arg17[%run_scoped3A_281, %dma_start3A_299] : memref<16x128xf32, #tpu.memory_space<vmem_shared>> -> memref<1x128xf32, #tpu.memory_space<vmem_shared>>
        %dma_start3A_301 = tpu.memref_squeeze %dma_start3A_300 : memref<1x128xf32, #tpu.memory_space<vmem_shared>> -> memref<128xf32, #tpu.memory_space<vmem_shared>>
        %dma_start3A_302 = arith.constant 0 : i32
        %dma_start3A_303 = tpu.memref_slice %arg14[%run_scoped3A_282, %dma_start3A_302] : memref<8x128xf32, #tpu.memory_space<vmem>> -> memref<1x128xf32, #tpu.memory_space<vmem>>
        %dma_start3A_304 = tpu.memref_squeeze %dma_start3A_303 : memref<1x128xf32, #tpu.memory_space<vmem>> -> memref<128xf32, #tpu.memory_space<vmem>>
        %dma_start3A_305 = arith.constant 0 : i32
        %dma_start3A_306 = tpu.memref_slice %arg17[%run_scoped3A_281, %dma_start3A_305] : memref<16x128xf32, #tpu.memory_space<vmem_shared>> -> memref<1x128xf32, #tpu.memory_space<vmem_shared>>
        %dma_start3A_307 = tpu.memref_squeeze %dma_start3A_306 : memref<1x128xf32, #tpu.memory_space<vmem_shared>> -> memref<128xf32, #tpu.memory_space<vmem_shared>>
        tpu.enqueue_dma source(%dma_start3A_307 : memref<128xf32, #tpu.memory_space<vmem_shared>>) target(%dma_start3A_304 : memref<128xf32, #tpu.memory_space<vmem>>) target_semaphore(%run_scoped3A_295 : memref<!tpu.dma_semaphore, #tpu.memory_space<semaphore_mem>>)
        %dma_wait3A = arith.constant 0 : i32
        %dma_wait3A_308 = tpu.memref_slice %arg14[%run_scoped3A_282, %dma_wait3A] : memref<8x128xf32, #tpu.memory_space<vmem>> -> memref<1x128xf32, #tpu.memory_space<vmem>>
        %dma_wait3A_309 = tpu.memref_squeeze %dma_wait3A_308 : memref<1x128xf32, #tpu.memory_space<vmem>> -> memref<128xf32, #tpu.memory_space<vmem>>
        %dma_wait3A_310 = arith.constant 0 : i32
        %dma_wait3A_311 = tpu.memref_slice %arg17[%run_scoped3A_281, %dma_wait3A_310] : memref<16x128xf32, #tpu.memory_space<vmem_shared>> -> memref<1x128xf32, #tpu.memory_space<vmem_shared>>
        %dma_wait3A_312 = tpu.memref_squeeze %dma_wait3A_311 : memref<1x128xf32, #tpu.memory_space<vmem_shared>> -> memref<128xf32, #tpu.memory_space<vmem_shared>>
        %dma_wait3A_313 = arith.constant 0 : i32
        %dma_wait3A_314 = tpu.memref_slice %arg14[%run_scoped3A_282, %dma_wait3A_313] : memref<8x128xf32, #tpu.memory_space<vmem>> -> memref<1x128xf32, #tpu.memory_space<vmem>>
        %dma_wait3A_315 = tpu.memref_squeeze %dma_wait3A_314 : memref<1x128xf32, #tpu.memory_space<vmem>> -> memref<128xf32, #tpu.memory_space<vmem>>
        %dma_wait3A_316 = arith.constant 0 : i32
        %dma_wait3A_317 = tpu.memref_slice %arg17[%run_scoped3A_281, %dma_wait3A_316] : memref<16x128xf32, #tpu.memory_space<vmem_shared>> -> memref<1x128xf32, #tpu.memory_space<vmem_shared>>
        %dma_wait3A_318 = tpu.memref_squeeze %dma_wait3A_317 : memref<1x128xf32, #tpu.memory_space<vmem_shared>> -> memref<128xf32, #tpu.memory_space<vmem_shared>>
        tpu.wait_dma2 semaphore(%run_scoped3A_295 : memref<!tpu.dma_semaphore, #tpu.memory_space<semaphore_mem>>) src(%dma_wait3A_318 : memref<128xf32, #tpu.memory_space<vmem_shared>>) dst(%dma_wait3A_315 : memref<128xf32, #tpu.memory_space<vmem>>)
        tpu.yield
      }) : () -> ()
      %run_scoped3A_283 = arith.constant 2 : i32
      %run_scoped3A_284 = arith.constant 2 : i32
      "tpu.region"() ({
        %run_scoped3A_295 = tpu.sem_alloc : memref<!tpu.dma_semaphore, #tpu.memory_space<semaphore_mem>>
        %dma_start3A_296 = arith.constant 0 : i32
        %dma_start3A_297 = tpu.memref_slice %arg14[%run_scoped3A_284, %dma_start3A_296] : memref<8x128xf32, #tpu.memory_space<vmem>> -> memref<1x128xf32, #tpu.memory_space<vmem>>
        %dma_start3A_298 = tpu.memref_squeeze %dma_start3A_297 : memref<1x128xf32, #tpu.memory_space<vmem>> -> memref<128xf32, #tpu.memory_space<vmem>>
        %dma_start3A_299 = arith.constant 0 : i32
        %dma_start3A_300 = tpu.memref_slice %arg17[%run_scoped3A_283, %dma_start3A_299] : memref<16x128xf32, #tpu.memory_space<vmem_shared>> -> memref<1x128xf32, #tpu.memory_space<vmem_shared>>
        %dma_start3A_301 = tpu.memref_squeeze %dma_start3A_300 : memref<1x128xf32, #tpu.memory_space<vmem_shared>> -> memref<128xf32, #tpu.memory_space<vmem_shared>>
        %dma_start3A_302 = arith.constant 0 : i32
        %dma_start3A_303 = tpu.memref_slice %arg14[%run_scoped3A_284, %dma_start3A_302] : memref<8x128xf32, #tpu.memory_space<vmem>> -> memref<1x128xf32, #tpu.memory_space<vmem>>
        %dma_start3A_304 = tpu.memref_squeeze %dma_start3A_303 : memref<1x128xf32, #tpu.memory_space<vmem>> -> memref<128xf32, #tpu.memory_space<vmem>>
        %dma_start3A_305 = arith.constant 0 : i32
        %dma_start3A_306 = tpu.memref_slice %arg17[%run_scoped3A_283, %dma_start3A_305] : memref<16x128xf32, #tpu.memory_space<vmem_shared>> -> memref<1x128xf32, #tpu.memory_space<vmem_shared>>
        %dma_start3A_307 = tpu.memref_squeeze %dma_start3A_306 : memref<1x128xf32, #tpu.memory_space<vmem_shared>> -> memref<128xf32, #tpu.memory_space<vmem_shared>>
        tpu.enqueue_dma source(%dma_start3A_307 : memref<128xf32, #tpu.memory_space<vmem_shared>>) target(%dma_start3A_304 : memref<128xf32, #tpu.memory_space<vmem>>) target_semaphore(%run_scoped3A_295 : memref<!tpu.dma_semaphore, #tpu.memory_space<semaphore_mem>>)
        %dma_wait3A = arith.constant 0 : i32
        %dma_wait3A_308 = tpu.memref_slice %arg14[%run_scoped3A_284, %dma_wait3A] : memref<8x128xf32, #tpu.memory_space<vmem>> -> memref<1x128xf32, #tpu.memory_space<vmem>>
        %dma_wait3A_309 = tpu.memref_squeeze %dma_wait3A_308 : memref<1x128xf32, #tpu.memory_space<vmem>> -> memref<128xf32, #tpu.memory_space<vmem>>
        %dma_wait3A_310 = arith.constant 0 : i32
        %dma_wait3A_311 = tpu.memref_slice %arg17[%run_scoped3A_283, %dma_wait3A_310] : memref<16x128xf32, #tpu.memory_space<vmem_shared>> -> memref<1x128xf32, #tpu.memory_space<vmem_shared>>
        %dma_wait3A_312 = tpu.memref_squeeze %dma_wait3A_311 : memref<1x128xf32, #tpu.memory_space<vmem_shared>> -> memref<128xf32, #tpu.memory_space<vmem_shared>>
        %dma_wait3A_313 = arith.constant 0 : i32
        %dma_wait3A_314 = tpu.memref_slice %arg14[%run_scoped3A_284, %dma_wait3A_313] : memref<8x128xf32, #tpu.memory_space<vmem>> -> memref<1x128xf32, #tpu.memory_space<vmem>>
        %dma_wait3A_315 = tpu.memref_squeeze %dma_wait3A_314 : memref<1x128xf32, #tpu.memory_space<vmem>> -> memref<128xf32, #tpu.memory_space<vmem>>
        %dma_wait3A_316 = arith.constant 0 : i32
        %dma_wait3A_317 = tpu.memref_slice %arg17[%run_scoped3A_283, %dma_wait3A_316] : memref<16x128xf32, #tpu.memory_space<vmem_shared>> -> memref<1x128xf32, #tpu.memory_space<vmem_shared>>
        %dma_wait3A_318 = tpu.memref_squeeze %dma_wait3A_317 : memref<1x128xf32, #tpu.memory_space<vmem_shared>> -> memref<128xf32, #tpu.memory_space<vmem_shared>>
        tpu.wait_dma2 semaphore(%run_scoped3A_295 : memref<!tpu.dma_semaphore, #tpu.memory_space<semaphore_mem>>) src(%dma_wait3A_318 : memref<128xf32, #tpu.memory_space<vmem_shared>>) dst(%dma_wait3A_315 : memref<128xf32, #tpu.memory_space<vmem>>)
        tpu.yield
      }) : () -> ()
      %run_scoped3A_285 = arith.constant 3 : i32
      %run_scoped3A_286 = arith.constant 3 : i32
      "tpu.region"() ({
        %run_scoped3A_295 = tpu.sem_alloc : memref<!tpu.dma_semaphore, #tpu.memory_space<semaphore_mem>>
        %dma_start3A_296 = arith.constant 0 : i32
        %dma_start3A_297 = tpu.memref_slice %arg14[%run_scoped3A_286, %dma_start3A_296] : memref<8x128xf32, #tpu.memory_space<vmem>> -> memref<1x128xf32, #tpu.memory_space<vmem>>
        %dma_start3A_298 = tpu.memref_squeeze %dma_start3A_297 : memref<1x128xf32, #tpu.memory_space<vmem>> -> memref<128xf32, #tpu.memory_space<vmem>>
        %dma_start3A_299 = arith.constant 0 : i32
        %dma_start3A_300 = tpu.memref_slice %arg17[%run_scoped3A_285, %dma_start3A_299] : memref<16x128xf32, #tpu.memory_space<vmem_shared>> -> memref<1x128xf32, #tpu.memory_space<vmem_shared>>
        %dma_start3A_301 = tpu.memref_squeeze %dma_start3A_300 : memref<1x128xf32, #tpu.memory_space<vmem_shared>> -> memref<128xf32, #tpu.memory_space<vmem_shared>>
        %dma_start3A_302 = arith.constant 0 : i32
        %dma_start3A_303 = tpu.memref_slice %arg14[%run_scoped3A_286, %dma_start3A_302] : memref<8x128xf32, #tpu.memory_space<vmem>> -> memref<1x128xf32, #tpu.memory_space<vmem>>
        %dma_start3A_304 = tpu.memref_squeeze %dma_start3A_303 : memref<1x128xf32, #tpu.memory_space<vmem>> -> memref<128xf32, #tpu.memory_space<vmem>>
        %dma_start3A_305 = arith.constant 0 : i32
        %dma_start3A_306 = tpu.memref_slice %arg17[%run_scoped3A_285, %dma_start3A_305] : memref<16x128xf32, #tpu.memory_space<vmem_shared>> -> memref<1x128xf32, #tpu.memory_space<vmem_shared>>
        %dma_start3A_307 = tpu.memref_squeeze %dma_start3A_306 : memref<1x128xf32, #tpu.memory_space<vmem_shared>> -> memref<128xf32, #tpu.memory_space<vmem_shared>>
        tpu.enqueue_dma source(%dma_start3A_307 : memref<128xf32, #tpu.memory_space<vmem_shared>>) target(%dma_start3A_304 : memref<128xf32, #tpu.memory_space<vmem>>) target_semaphore(%run_scoped3A_295 : memref<!tpu.dma_semaphore, #tpu.memory_space<semaphore_mem>>)
        %dma_wait3A = arith.constant 0 : i32
        %dma_wait3A_308 = tpu.memref_slice %arg14[%run_scoped3A_286, %dma_wait3A] : memref<8x128xf32, #tpu.memory_space<vmem>> -> memref<1x128xf32, #tpu.memory_space<vmem>>
        %dma_wait3A_309 = tpu.memref_squeeze %dma_wait3A_308 : memref<1x128xf32, #tpu.memory_space<vmem>> -> memref<128xf32, #tpu.memory_space<vmem>>
        %dma_wait3A_310 = arith.constant 0 : i32
        %dma_wait3A_311 = tpu.memref_slice %arg17[%run_scoped3A_285, %dma_wait3A_310] : memref<16x128xf32, #tpu.memory_space<vmem_shared>> -> memref<1x128xf32, #tpu.memory_space<vmem_shared>>
        %dma_wait3A_312 = tpu.memref_squeeze %dma_wait3A_311 : memref<1x128xf32, #tpu.memory_space<vmem_shared>> -> memref<128xf32, #tpu.memory_space<vmem_shared>>
        %dma_wait3A_313 = arith.constant 0 : i32
        %dma_wait3A_314 = tpu.memref_slice %arg14[%run_scoped3A_286, %dma_wait3A_313] : memref<8x128xf32, #tpu.memory_space<vmem>> -> memref<1x128xf32, #tpu.memory_space<vmem>>
        %dma_wait3A_315 = tpu.memref_squeeze %dma_wait3A_314 : memref<1x128xf32, #tpu.memory_space<vmem>> -> memref<128xf32, #tpu.memory_space<vmem>>
        %dma_wait3A_316 = arith.constant 0 : i32
        %dma_wait3A_317 = tpu.memref_slice %arg17[%run_scoped3A_285, %dma_wait3A_316] : memref<16x128xf32, #tpu.memory_space<vmem_shared>> -> memref<1x128xf32, #tpu.memory_space<vmem_shared>>
        %dma_wait3A_318 = tpu.memref_squeeze %dma_wait3A_317 : memref<1x128xf32, #tpu.memory_space<vmem_shared>> -> memref<128xf32, #tpu.memory_space<vmem_shared>>
        tpu.wait_dma2 semaphore(%run_scoped3A_295 : memref<!tpu.dma_semaphore, #tpu.memory_space<semaphore_mem>>) src(%dma_wait3A_318 : memref<128xf32, #tpu.memory_space<vmem_shared>>) dst(%dma_wait3A_315 : memref<128xf32, #tpu.memory_space<vmem>>)
        tpu.yield
      }) : () -> ()
      %run_scoped3A_287 = arith.constant 4 : i32
      %run_scoped3A_288 = arith.constant 4 : i32
      "tpu.region"() ({
        %run_scoped3A_295 = tpu.sem_alloc : memref<!tpu.dma_semaphore, #tpu.memory_space<semaphore_mem>>
        %dma_start3A_296 = arith.constant 0 : i32
        %dma_start3A_297 = tpu.memref_slice %arg14[%run_scoped3A_288, %dma_start3A_296] : memref<8x128xf32, #tpu.memory_space<vmem>> -> memref<1x128xf32, #tpu.memory_space<vmem>>
        %dma_start3A_298 = tpu.memref_squeeze %dma_start3A_297 : memref<1x128xf32, #tpu.memory_space<vmem>> -> memref<128xf32, #tpu.memory_space<vmem>>
        %dma_start3A_299 = arith.constant 0 : i32
        %dma_start3A_300 = tpu.memref_slice %arg17[%run_scoped3A_287, %dma_start3A_299] : memref<16x128xf32, #tpu.memory_space<vmem_shared>> -> memref<1x128xf32, #tpu.memory_space<vmem_shared>>
        %dma_start3A_301 = tpu.memref_squeeze %dma_start3A_300 : memref<1x128xf32, #tpu.memory_space<vmem_shared>> -> memref<128xf32, #tpu.memory_space<vmem_shared>>
        %dma_start3A_302 = arith.constant 0 : i32
        %dma_start3A_303 = tpu.memref_slice %arg14[%run_scoped3A_288, %dma_start3A_302] : memref<8x128xf32, #tpu.memory_space<vmem>> -> memref<1x128xf32, #tpu.memory_space<vmem>>
        %dma_start3A_304 = tpu.memref_squeeze %dma_start3A_303 : memref<1x128xf32, #tpu.memory_space<vmem>> -> memref<128xf32, #tpu.memory_space<vmem>>
        %dma_start3A_305 = arith.constant 0 : i32
        %dma_start3A_306 = tpu.memref_slice %arg17[%run_scoped3A_287, %dma_start3A_305] : memref<16x128xf32, #tpu.memory_space<vmem_shared>> -> memref<1x128xf32, #tpu.memory_space<vmem_shared>>
        %dma_start3A_307 = tpu.memref_squeeze %dma_start3A_306 : memref<1x128xf32, #tpu.memory_space<vmem_shared>> -> memref<128xf32, #tpu.memory_space<vmem_shared>>
        tpu.enqueue_dma source(%dma_start3A_307 : memref<128xf32, #tpu.memory_space<vmem_shared>>) target(%dma_start3A_304 : memref<128xf32, #tpu.memory_space<vmem>>) target_semaphore(%run_scoped3A_295 : memref<!tpu.dma_semaphore, #tpu.memory_space<semaphore_mem>>)
        %dma_wait3A = arith.constant 0 : i32
        %dma_wait3A_308 = tpu.memref_slice %arg14[%run_scoped3A_288, %dma_wait3A] : memref<8x128xf32, #tpu.memory_space<vmem>> -> memref<1x128xf32, #tpu.memory_space<vmem>>
        %dma_wait3A_309 = tpu.memref_squeeze %dma_wait3A_308 : memref<1x128xf32, #tpu.memory_space<vmem>> -> memref<128xf32, #tpu.memory_space<vmem>>
        %dma_wait3A_310 = arith.constant 0 : i32
        %dma_wait3A_311 = tpu.memref_slice %arg17[%run_scoped3A_287, %dma_wait3A_310] : memref<16x128xf32, #tpu.memory_space<vmem_shared>> -> memref<1x128xf32, #tpu.memory_space<vmem_shared>>
        %dma_wait3A_312 = tpu.memref_squeeze %dma_wait3A_311 : memref<1x128xf32, #tpu.memory_space<vmem_shared>> -> memref<128xf32, #tpu.memory_space<vmem_shared>>
        %dma_wait3A_313 = arith.constant 0 : i32
        %dma_wait3A_314 = tpu.memref_slice %arg14[%run_scoped3A_288, %dma_wait3A_313] : memref<8x128xf32, #tpu.memory_space<vmem>> -> memref<1x128xf32, #tpu.memory_space<vmem>>
        %dma_wait3A_315 = tpu.memref_squeeze %dma_wait3A_314 : memref<1x128xf32, #tpu.memory_space<vmem>> -> memref<128xf32, #tpu.memory_space<vmem>>
        %dma_wait3A_316 = arith.constant 0 : i32
        %dma_wait3A_317 = tpu.memref_slice %arg17[%run_scoped3A_287, %dma_wait3A_316] : memref<16x128xf32, #tpu.memory_space<vmem_shared>> -> memref<1x128xf32, #tpu.memory_space<vmem_shared>>
        %dma_wait3A_318 = tpu.memref_squeeze %dma_wait3A_317 : memref<1x128xf32, #tpu.memory_space<vmem_shared>> -> memref<128xf32, #tpu.memory_space<vmem_shared>>
        tpu.wait_dma2 semaphore(%run_scoped3A_295 : memref<!tpu.dma_semaphore, #tpu.memory_space<semaphore_mem>>) src(%dma_wait3A_318 : memref<128xf32, #tpu.memory_space<vmem_shared>>) dst(%dma_wait3A_315 : memref<128xf32, #tpu.memory_space<vmem>>)
        tpu.yield
      }) : () -> ()
      %run_scoped3A_289 = arith.constant 5 : i32
      %run_scoped3A_290 = arith.constant 5 : i32
      "tpu.region"() ({
        %run_scoped3A_295 = tpu.sem_alloc : memref<!tpu.dma_semaphore, #tpu.memory_space<semaphore_mem>>
        %dma_start3A_296 = arith.constant 0 : i32
        %dma_start3A_297 = tpu.memref_slice %arg14[%run_scoped3A_290, %dma_start3A_296] : memref<8x128xf32, #tpu.memory_space<vmem>> -> memref<1x128xf32, #tpu.memory_space<vmem>>
        %dma_start3A_298 = tpu.memref_squeeze %dma_start3A_297 : memref<1x128xf32, #tpu.memory_space<vmem>> -> memref<128xf32, #tpu.memory_space<vmem>>
        %dma_start3A_299 = arith.constant 0 : i32
        %dma_start3A_300 = tpu.memref_slice %arg17[%run_scoped3A_289, %dma_start3A_299] : memref<16x128xf32, #tpu.memory_space<vmem_shared>> -> memref<1x128xf32, #tpu.memory_space<vmem_shared>>
        %dma_start3A_301 = tpu.memref_squeeze %dma_start3A_300 : memref<1x128xf32, #tpu.memory_space<vmem_shared>> -> memref<128xf32, #tpu.memory_space<vmem_shared>>
        %dma_start3A_302 = arith.constant 0 : i32
        %dma_start3A_303 = tpu.memref_slice %arg14[%run_scoped3A_290, %dma_start3A_302] : memref<8x128xf32, #tpu.memory_space<vmem>> -> memref<1x128xf32, #tpu.memory_space<vmem>>
        %dma_start3A_304 = tpu.memref_squeeze %dma_start3A_303 : memref<1x128xf32, #tpu.memory_space<vmem>> -> memref<128xf32, #tpu.memory_space<vmem>>
        %dma_start3A_305 = arith.constant 0 : i32
        %dma_start3A_306 = tpu.memref_slice %arg17[%run_scoped3A_289, %dma_start3A_305] : memref<16x128xf32, #tpu.memory_space<vmem_shared>> -> memref<1x128xf32, #tpu.memory_space<vmem_shared>>
        %dma_start3A_307 = tpu.memref_squeeze %dma_start3A_306 : memref<1x128xf32, #tpu.memory_space<vmem_shared>> -> memref<128xf32, #tpu.memory_space<vmem_shared>>
        tpu.enqueue_dma source(%dma_start3A_307 : memref<128xf32, #tpu.memory_space<vmem_shared>>) target(%dma_start3A_304 : memref<128xf32, #tpu.memory_space<vmem>>) target_semaphore(%run_scoped3A_295 : memref<!tpu.dma_semaphore, #tpu.memory_space<semaphore_mem>>)
        %dma_wait3A = arith.constant 0 : i32
        %dma_wait3A_308 = tpu.memref_slice %arg14[%run_scoped3A_290, %dma_wait3A] : memref<8x128xf32, #tpu.memory_space<vmem>> -> memref<1x128xf32, #tpu.memory_space<vmem>>
        %dma_wait3A_309 = tpu.memref_squeeze %dma_wait3A_308 : memref<1x128xf32, #tpu.memory_space<vmem>> -> memref<128xf32, #tpu.memory_space<vmem>>
        %dma_wait3A_310 = arith.constant 0 : i32
        %dma_wait3A_311 = tpu.memref_slice %arg17[%run_scoped3A_289, %dma_wait3A_310] : memref<16x128xf32, #tpu.memory_space<vmem_shared>> -> memref<1x128xf32, #tpu.memory_space<vmem_shared>>
        %dma_wait3A_312 = tpu.memref_squeeze %dma_wait3A_311 : memref<1x128xf32, #tpu.memory_space<vmem_shared>> -> memref<128xf32, #tpu.memory_space<vmem_shared>>
        %dma_wait3A_313 = arith.constant 0 : i32
        %dma_wait3A_314 = tpu.memref_slice %arg14[%run_scoped3A_290, %dma_wait3A_313] : memref<8x128xf32, #tpu.memory_space<vmem>> -> memref<1x128xf32, #tpu.memory_space<vmem>>
        %dma_wait3A_315 = tpu.memref_squeeze %dma_wait3A_314 : memref<1x128xf32, #tpu.memory_space<vmem>> -> memref<128xf32, #tpu.memory_space<vmem>>
        %dma_wait3A_316 = arith.constant 0 : i32
        %dma_wait3A_317 = tpu.memref_slice %arg17[%run_scoped3A_289, %dma_wait3A_316] : memref<16x128xf32, #tpu.memory_space<vmem_shared>> -> memref<1x128xf32, #tpu.memory_space<vmem_shared>>
        %dma_wait3A_318 = tpu.memref_squeeze %dma_wait3A_317 : memref<1x128xf32, #tpu.memory_space<vmem_shared>> -> memref<128xf32, #tpu.memory_space<vmem_shared>>
        tpu.wait_dma2 semaphore(%run_scoped3A_295 : memref<!tpu.dma_semaphore, #tpu.memory_space<semaphore_mem>>) src(%dma_wait3A_318 : memref<128xf32, #tpu.memory_space<vmem_shared>>) dst(%dma_wait3A_315 : memref<128xf32, #tpu.memory_space<vmem>>)
        tpu.yield
      }) : () -> ()
      %run_scoped3A_291 = arith.constant 6 : i32
      %run_scoped3A_292 = arith.constant 6 : i32
      "tpu.region"() ({
        %run_scoped3A_295 = tpu.sem_alloc : memref<!tpu.dma_semaphore, #tpu.memory_space<semaphore_mem>>
        %dma_start3A_296 = arith.constant 0 : i32
        %dma_start3A_297 = tpu.memref_slice %arg14[%run_scoped3A_292, %dma_start3A_296] : memref<8x128xf32, #tpu.memory_space<vmem>> -> memref<1x128xf32, #tpu.memory_space<vmem>>
        %dma_start3A_298 = tpu.memref_squeeze %dma_start3A_297 : memref<1x128xf32, #tpu.memory_space<vmem>> -> memref<128xf32, #tpu.memory_space<vmem>>
        %dma_start3A_299 = arith.constant 0 : i32
        %dma_start3A_300 = tpu.memref_slice %arg17[%run_scoped3A_291, %dma_start3A_299] : memref<16x128xf32, #tpu.memory_space<vmem_shared>> -> memref<1x128xf32, #tpu.memory_space<vmem_shared>>
        %dma_start3A_301 = tpu.memref_squeeze %dma_start3A_300 : memref<1x128xf32, #tpu.memory_space<vmem_shared>> -> memref<128xf32, #tpu.memory_space<vmem_shared>>
        %dma_start3A_302 = arith.constant 0 : i32
        %dma_start3A_303 = tpu.memref_slice %arg14[%run_scoped3A_292, %dma_start3A_302] : memref<8x128xf32, #tpu.memory_space<vmem>> -> memref<1x128xf32, #tpu.memory_space<vmem>>
        %dma_start3A_304 = tpu.memref_squeeze %dma_start3A_303 : memref<1x128xf32, #tpu.memory_space<vmem>> -> memref<128xf32, #tpu.memory_space<vmem>>
        %dma_start3A_305 = arith.constant 0 : i32
        %dma_start3A_306 = tpu.memref_slice %arg17[%run_scoped3A_291, %dma_start3A_305] : memref<16x128xf32, #tpu.memory_space<vmem_shared>> -> memref<1x128xf32, #tpu.memory_space<vmem_shared>>
        %dma_start3A_307 = tpu.memref_squeeze %dma_start3A_306 : memref<1x128xf32, #tpu.memory_space<vmem_shared>> -> memref<128xf32, #tpu.memory_space<vmem_shared>>
        tpu.enqueue_dma source(%dma_start3A_307 : memref<128xf32, #tpu.memory_space<vmem_shared>>) target(%dma_start3A_304 : memref<128xf32, #tpu.memory_space<vmem>>) target_semaphore(%run_scoped3A_295 : memref<!tpu.dma_semaphore, #tpu.memory_space<semaphore_mem>>)
        %dma_wait3A = arith.constant 0 : i32
        %dma_wait3A_308 = tpu.memref_slice %arg14[%run_scoped3A_292, %dma_wait3A] : memref<8x128xf32, #tpu.memory_space<vmem>> -> memref<1x128xf32, #tpu.memory_space<vmem>>
        %dma_wait3A_309 = tpu.memref_squeeze %dma_wait3A_308 : memref<1x128xf32, #tpu.memory_space<vmem>> -> memref<128xf32, #tpu.memory_space<vmem>>
        %dma_wait3A_310 = arith.constant 0 : i32
        %dma_wait3A_311 = tpu.memref_slice %arg17[%run_scoped3A_291, %dma_wait3A_310] : memref<16x128xf32, #tpu.memory_space<vmem_shared>> -> memref<1x128xf32, #tpu.memory_space<vmem_shared>>
        %dma_wait3A_312 = tpu.memref_squeeze %dma_wait3A_311 : memref<1x128xf32, #tpu.memory_space<vmem_shared>> -> memref<128xf32, #tpu.memory_space<vmem_shared>>
        %dma_wait3A_313 = arith.constant 0 : i32
        %dma_wait3A_314 = tpu.memref_slice %arg14[%run_scoped3A_292, %dma_wait3A_313] : memref<8x128xf32, #tpu.memory_space<vmem>> -> memref<1x128xf32, #tpu.memory_space<vmem>>
        %dma_wait3A_315 = tpu.memref_squeeze %dma_wait3A_314 : memref<1x128xf32, #tpu.memory_space<vmem>> -> memref<128xf32, #tpu.memory_space<vmem>>
        %dma_wait3A_316 = arith.constant 0 : i32
        %dma_wait3A_317 = tpu.memref_slice %arg17[%run_scoped3A_291, %dma_wait3A_316] : memref<16x128xf32, #tpu.memory_space<vmem_shared>> -> memref<1x128xf32, #tpu.memory_space<vmem_shared>>
        %dma_wait3A_318 = tpu.memref_squeeze %dma_wait3A_317 : memref<1x128xf32, #tpu.memory_space<vmem_shared>> -> memref<128xf32, #tpu.memory_space<vmem_shared>>
        tpu.wait_dma2 semaphore(%run_scoped3A_295 : memref<!tpu.dma_semaphore, #tpu.memory_space<semaphore_mem>>) src(%dma_wait3A_318 : memref<128xf32, #tpu.memory_space<vmem_shared>>) dst(%dma_wait3A_315 : memref<128xf32, #tpu.memory_space<vmem>>)
        tpu.yield
      }) : () -> ()
      %run_scoped3A_293 = arith.constant 7 : i32
      %run_scoped3A_294 = arith.constant 7 : i32
      "tpu.region"() ({
        %run_scoped3A_295 = tpu.sem_alloc : memref<!tpu.dma_semaphore, #tpu.memory_space<semaphore_mem>>
        %dma_start3A_296 = arith.constant 0 : i32
        %dma_start3A_297 = tpu.memref_slice %arg14[%run_scoped3A_294, %dma_start3A_296] : memref<8x128xf32, #tpu.memory_space<vmem>> -> memref<1x128xf32, #tpu.memory_space<vmem>>
        %dma_start3A_298 = tpu.memref_squeeze %dma_start3A_297 : memref<1x128xf32, #tpu.memory_space<vmem>> -> memref<128xf32, #tpu.memory_space<vmem>>
        %dma_start3A_299 = arith.constant 0 : i32
        %dma_start3A_300 = tpu.memref_slice %arg17[%run_scoped3A_293, %dma_start3A_299] : memref<16x128xf32, #tpu.memory_space<vmem_shared>> -> memref<1x128xf32, #tpu.memory_space<vmem_shared>>
        %dma_start3A_301 = tpu.memref_squeeze %dma_start3A_300 : memref<1x128xf32, #tpu.memory_space<vmem_shared>> -> memref<128xf32, #tpu.memory_space<vmem_shared>>
        %dma_start3A_302 = arith.constant 0 : i32
        %dma_start3A_303 = tpu.memref_slice %arg14[%run_scoped3A_294, %dma_start3A_302] : memref<8x128xf32, #tpu.memory_space<vmem>> -> memref<1x128xf32, #tpu.memory_space<vmem>>
        %dma_start3A_304 = tpu.memref_squeeze %dma_start3A_303 : memref<1x128xf32, #tpu.memory_space<vmem>> -> memref<128xf32, #tpu.memory_space<vmem>>
        %dma_start3A_305 = arith.constant 0 : i32
        %dma_start3A_306 = tpu.memref_slice %arg17[%run_scoped3A_293, %dma_start3A_305] : memref<16x128xf32, #tpu.memory_space<vmem_shared>> -> memref<1x128xf32, #tpu.memory_space<vmem_shared>>
        %dma_start3A_307 = tpu.memref_squeeze %dma_start3A_306 : memref<1x128xf32, #tpu.memory_space<vmem_shared>> -> memref<128xf32, #tpu.memory_space<vmem_shared>>
        tpu.enqueue_dma source(%dma_start3A_307 : memref<128xf32, #tpu.memory_space<vmem_shared>>) target(%dma_start3A_304 : memref<128xf32, #tpu.memory_space<vmem>>) target_semaphore(%run_scoped3A_295 : memref<!tpu.dma_semaphore, #tpu.memory_space<semaphore_mem>>)
        %dma_wait3A = arith.constant 0 : i32
        %dma_wait3A_308 = tpu.memref_slice %arg14[%run_scoped3A_294, %dma_wait3A] : memref<8x128xf32, #tpu.memory_space<vmem>> -> memref<1x128xf32, #tpu.memory_space<vmem>>
        %dma_wait3A_309 = tpu.memref_squeeze %dma_wait3A_308 : memref<1x128xf32, #tpu.memory_space<vmem>> -> memref<128xf32, #tpu.memory_space<vmem>>
        %dma_wait3A_310 = arith.constant 0 : i32
        %dma_wait3A_311 = tpu.memref_slice %arg17[%run_scoped3A_293, %dma_wait3A_310] : memref<16x128xf32, #tpu.memory_space<vmem_shared>> -> memref<1x128xf32, #tpu.memory_space<vmem_shared>>
        %dma_wait3A_312 = tpu.memref_squeeze %dma_wait3A_311 : memref<1x128xf32, #tpu.memory_space<vmem_shared>> -> memref<128xf32, #tpu.memory_space<vmem_shared>>
        %dma_wait3A_313 = arith.constant 0 : i32
        %dma_wait3A_314 = tpu.memref_slice %arg14[%run_scoped3A_294, %dma_wait3A_313] : memref<8x128xf32, #tpu.memory_space<vmem>> -> memref<1x128xf32, #tpu.memory_space<vmem>>
        %dma_wait3A_315 = tpu.memref_squeeze %dma_wait3A_314 : memref<1x128xf32, #tpu.memory_space<vmem>> -> memref<128xf32, #tpu.memory_space<vmem>>
        %dma_wait3A_316 = arith.constant 0 : i32
        %dma_wait3A_317 = tpu.memref_slice %arg17[%run_scoped3A_293, %dma_wait3A_316] : memref<16x128xf32, #tpu.memory_space<vmem_shared>> -> memref<1x128xf32, #tpu.memory_space<vmem_shared>>
        %dma_wait3A_318 = tpu.memref_squeeze %dma_wait3A_317 : memref<1x128xf32, #tpu.memory_space<vmem_shared>> -> memref<128xf32, #tpu.memory_space<vmem_shared>>
        tpu.wait_dma2 semaphore(%run_scoped3A_295 : memref<!tpu.dma_semaphore, #tpu.memory_space<semaphore_mem>>) src(%dma_wait3A_318 : memref<128xf32, #tpu.memory_space<vmem_shared>>) dst(%dma_wait3A_315 : memref<128xf32, #tpu.memory_space<vmem>>)
        tpu.yield
      }) : () -> ()
    } else {
    }
    %barrier3A_265 = arith.constant 0 : index
    tpu.barrier barrier_id(%barrier3A_265)
    %lt3A_266 = arith.constant 8 : i32
    %lt3A_267 = arith.cmpi slt, %arg1, %lt3A_266 : i32
    %convert_element_type3A_268 = arith.extui %lt3A_267 : i1 to i32
    %cond3A_269 = arith.constant 0 : i32
    %cond3A_270 = arith.cmpi ne, %convert_element_type3A_268, %cond3A_269 : i32
    scf.if %cond3A_270 {
      %eq3A_279 = arith.constant 1 : i32
      %eq3A_280 = arith.cmpi eq, %select_n3A_239, %eq3A_279 : i32
      %convert_element_type3A_281 = arith.extui %eq3A_280 : i1 to i32
      %convert_element_type3A_282 = arith.sitofp %convert_element_type3A_281 : i32 to f32
      %lt3A_283 = arith.constant 0 : i32
      %lt3A_284 = arith.cmpi slt, %select_n3A_255, %lt3A_283 : i32
      %convert_element_type3A_285 = arith.extui %lt3A_284 : i1 to i32
      %convert_element_type3A_286 = arith.sitofp %convert_element_type3A_285 : i32 to f32
      %get3A = arith.constant 0 : i32
      %get3A_287 = arith.index_cast %get3A : i32 to index
      %get3A_288 = arith.constant 0 : index
      %get3A_289 = tpu.vector_load %arg14[%get3A_287, %get3A_288] {strides = array<i32>} : memref<8x128xf32, #tpu.memory_space<vmem>>, vector<16xf32>,
      %get3A_290 = arith.constant 4 : i32
      %get3A_291 = arith.index_cast %get3A_290 : i32 to index
      %get3A_292 = arith.constant 0 : index
      %get3A_293 = tpu.vector_load %arg14[%get3A_291, %get3A_292] {strides = array<i32>} : memref<8x128xf32, #tpu.memory_space<vmem>>, vector<16xf32>,
      %slice3A = vector.extract_strided_slice %get3A_289 {offsets = [0], sizes = [1], strides = [1]} : vector<16xf32> to vector<1xf32>
      %squeeze3A = vector.extract %slice3A[0] : f32 from vector<1xf32>
      %sub3A_294 = arith.constant 1.000000e+00 : f32
      %sub3A_295 = arith.subf %sub3A_294, %convert_element_type3A_282 : f32
      %mul3A_296 = arith.mulf %squeeze3A, %sub3A_295 : f32
      %slice3A_297 = vector.extract_strided_slice %get3A_293 {offsets = [0], sizes = [1], strides = [1]} : vector<16xf32> to vector<1xf32>
      %squeeze3A_298 = vector.extract %slice3A_297[0] : f32 from vector<1xf32>
      %mul3A_299 = arith.mulf %squeeze3A_298, %convert_element_type3A_282 : f32
      %add3A_300 = arith.addf %mul3A_296, %mul3A_299 : f32
      %slice3A_301 = vector.extract_strided_slice %get3A_289 {offsets = [1], sizes = [1], strides = [1]} : vector<16xf32> to vector<1xf32>
      %squeeze3A_302 = vector.extract %slice3A_301[0] : f32 from vector<1xf32>
      %sub3A_303 = arith.constant 1.000000e+00 : f32
      %sub3A_304 = arith.subf %sub3A_303, %convert_element_type3A_282 : f32
      %mul3A_305 = arith.mulf %squeeze3A_302, %sub3A_304 : f32
      %slice3A_306 = vector.extract_strided_slice %get3A_293 {offsets = [1], sizes = [1], strides = [1]} : vector<16xf32> to vector<1xf32>
      %squeeze3A_307 = vector.extract %slice3A_306[0] : f32 from vector<1xf32>
      %mul3A_308 = arith.mulf %squeeze3A_307, %convert_element_type3A_282 : f32
      %add3A_309 = arith.addf %mul3A_305, %mul3A_308 : f32
      %mul3A_310 = arith.mulf %convert_element_type3A_286, %add3A_300 : f32
      %add3A_311 = arith.constant 0.000000e+00 : f32
      %add3A_312 = arith.addf %add3A_311, %mul3A_310 : f32
      %mul3A_313 = arith.mulf %convert_element_type3A_286, %add3A_309 : f32
      %add3A_314 = arith.constant 0.000000e+00 : f32
      %add3A_315 = arith.addf %add3A_314, %mul3A_313 : f32
      %add3A_316 = arith.constant 0.000000e+00 : f32
      %add3A_317 = arith.addf %add3A_316, %add3A_309 : f32
      %lt3A_318 = arith.constant 1 : i32
      %lt3A_319 = arith.cmpi slt, %select_n3A_255, %lt3A_318 : i32
      %convert_element_type3A_320 = arith.extui %lt3A_319 : i1 to i32
      %convert_element_type3A_321 = arith.sitofp %convert_element_type3A_320 : i32 to f32
      %get3A_322 = arith.constant 1 : i32
      %get3A_323 = arith.index_cast %get3A_322 : i32 to index
      %get3A_324 = arith.constant 0 : index
      %get3A_325 = tpu.vector_load %arg14[%get3A_323, %get3A_324] {strides = array<i32>} : memref<8x128xf32, #tpu.memory_space<vmem>>, vector<16xf32>,
      %get3A_326 = arith.constant 5 : i32
      %get3A_327 = arith.index_cast %get3A_326 : i32 to index
      %get3A_328 = arith.constant 0 : index
      %get3A_329 = tpu.vector_load %arg14[%get3A_327, %get3A_328] {strides = array<i32>} : memref<8x128xf32, #tpu.memory_space<vmem>>, vector<16xf32>,
      %slice3A_330 = vector.extract_strided_slice %get3A_325 {offsets = [0], sizes = [1], strides = [1]} : vector<16xf32> to vector<1xf32>
      %squeeze3A_331 = vector.extract %slice3A_330[0] : f32 from vector<1xf32>
      %sub3A_332 = arith.constant 1.000000e+00 : f32
      %sub3A_333 = arith.subf %sub3A_332, %convert_element_type3A_282 : f32
      %mul3A_334 = arith.mulf %squeeze3A_331, %sub3A_333 : f32
      %slice3A_335 = vector.extract_strided_slice %get3A_329 {offsets = [0], sizes = [1], strides = [1]} : vector<16xf32> to vector<1xf32>
      %squeeze3A_336 = vector.extract %slice3A_335[0] : f32 from vector<1xf32>
      %mul3A_337 = arith.mulf %squeeze3A_336, %convert_element_type3A_282 : f32
      %add3A_338 = arith.addf %mul3A_334, %mul3A_337 : f32
      %slice3A_339 = vector.extract_strided_slice %get3A_325 {offsets = [1], sizes = [1], strides = [1]} : vector<16xf32> to vector<1xf32>
      %squeeze3A_340 = vector.extract %slice3A_339[0] : f32 from vector<1xf32>
      %sub3A_341 = arith.constant 1.000000e+00 : f32
      %sub3A_342 = arith.subf %sub3A_341, %convert_element_type3A_282 : f32
      %mul3A_343 = arith.mulf %squeeze3A_340, %sub3A_342 : f32
      %slice3A_344 = vector.extract_strided_slice %get3A_329 {offsets = [1], sizes = [1], strides = [1]} : vector<16xf32> to vector<1xf32>
      %squeeze3A_345 = vector.extract %slice3A_344[0] : f32 from vector<1xf32>
      %mul3A_346 = arith.mulf %squeeze3A_345, %convert_element_type3A_282 : f32
      %add3A_347 = arith.addf %mul3A_343, %mul3A_346 : f32
      %mul3A_348 = arith.mulf %convert_element_type3A_321, %add3A_338 : f32
      %add3A_349 = arith.addf %add3A_312, %mul3A_348 : f32
      %mul3A_350 = arith.mulf %convert_element_type3A_321, %add3A_347 : f32
      %add3A_351 = arith.addf %add3A_315, %mul3A_350 : f32
      %add3A_352 = arith.addf %add3A_317, %add3A_347 : f32
      %lt3A_353 = arith.constant 2 : i32
      %lt3A_354 = arith.cmpi slt, %select_n3A_255, %lt3A_353 : i32
      %convert_element_type3A_355 = arith.extui %lt3A_354 : i1 to i32
      %convert_element_type3A_356 = arith.sitofp %convert_element_type3A_355 : i32 to f32
      %get3A_357 = arith.constant 2 : i32
      %get3A_358 = arith.index_cast %get3A_357 : i32 to index
      %get3A_359 = arith.constant 0 : index
      %get3A_360 = tpu.vector_load %arg14[%get3A_358, %get3A_359] {strides = array<i32>} : memref<8x128xf32, #tpu.memory_space<vmem>>, vector<16xf32>,
      %get3A_361 = arith.constant 6 : i32
      %get3A_362 = arith.index_cast %get3A_361 : i32 to index
      %get3A_363 = arith.constant 0 : index
      %get3A_364 = tpu.vector_load %arg14[%get3A_362, %get3A_363] {strides = array<i32>} : memref<8x128xf32, #tpu.memory_space<vmem>>, vector<16xf32>,
      %slice3A_365 = vector.extract_strided_slice %get3A_360 {offsets = [0], sizes = [1], strides = [1]} : vector<16xf32> to vector<1xf32>
      %squeeze3A_366 = vector.extract %slice3A_365[0] : f32 from vector<1xf32>
      %sub3A_367 = arith.constant 1.000000e+00 : f32
      %sub3A_368 = arith.subf %sub3A_367, %convert_element_type3A_282 : f32
      %mul3A_369 = arith.mulf %squeeze3A_366, %sub3A_368 : f32
      %slice3A_370 = vector.extract_strided_slice %get3A_364 {offsets = [0], sizes = [1], strides = [1]} : vector<16xf32> to vector<1xf32>
      %squeeze3A_371 = vector.extract %slice3A_370[0] : f32 from vector<1xf32>
      %mul3A_372 = arith.mulf %squeeze3A_371, %convert_element_type3A_282 : f32
      %add3A_373 = arith.addf %mul3A_369, %mul3A_372 : f32
      %slice3A_374 = vector.extract_strided_slice %get3A_360 {offsets = [1], sizes = [1], strides = [1]} : vector<16xf32> to vector<1xf32>
      %squeeze3A_375 = vector.extract %slice3A_374[0] : f32 from vector<1xf32>
      %sub3A_376 = arith.constant 1.000000e+00 : f32
      %sub3A_377 = arith.subf %sub3A_376, %convert_element_type3A_282 : f32
      %mul3A_378 = arith.mulf %squeeze3A_375, %sub3A_377 : f32
      %slice3A_379 = vector.extract_strided_slice %get3A_364 {offsets = [1], sizes = [1], strides = [1]} : vector<16xf32> to vector<1xf32>
      %squeeze3A_380 = vector.extract %slice3A_379[0] : f32 from vector<1xf32>
      %mul3A_381 = arith.mulf %squeeze3A_380, %convert_element_type3A_282 : f32
      %add3A_382 = arith.addf %mul3A_378, %mul3A_381 : f32
      %mul3A_383 = arith.mulf %convert_element_type3A_356, %add3A_373 : f32
      %add3A_384 = arith.addf %add3A_349, %mul3A_383 : f32
      %mul3A_385 = arith.mulf %convert_element_type3A_356, %add3A_382 : f32
      %add3A_386 = arith.addf %add3A_351, %mul3A_385 : f32
      %add3A_387 = arith.addf %add3A_352, %add3A_382 : f32
      %lt3A_388 = arith.constant 3 : i32
      %lt3A_389 = arith.cmpi slt, %select_n3A_255, %lt3A_388 : i32
      %convert_element_type3A_390 = arith.extui %lt3A_389 : i1 to i32
      %convert_element_type3A_391 = arith.sitofp %convert_element_type3A_390 : i32 to f32
      %get3A_392 = arith.constant 3 : i32
      %get3A_393 = arith.index_cast %get3A_392 : i32 to index
      %get3A_394 = arith.constant 0 : index
      %get3A_395 = tpu.vector_load %arg14[%get3A_393, %get3A_394] {strides = array<i32>} : memref<8x128xf32, #tpu.memory_space<vmem>>, vector<16xf32>,
      %get3A_396 = arith.constant 7 : i32
      %get3A_397 = arith.index_cast %get3A_396 : i32 to index
      %get3A_398 = arith.constant 0 : index
      %get3A_399 = tpu.vector_load %arg14[%get3A_397, %get3A_398] {strides = array<i32>} : memref<8x128xf32, #tpu.memory_space<vmem>>, vector<16xf32>,
      %slice3A_400 = vector.extract_strided_slice %get3A_395 {offsets = [0], sizes = [1], strides = [1]} : vector<16xf32> to vector<1xf32>
      %squeeze3A_401 = vector.extract %slice3A_400[0] : f32 from vector<1xf32>
      %sub3A_402 = arith.constant 1.000000e+00 : f32
      %sub3A_403 = arith.subf %sub3A_402, %convert_element_type3A_282 : f32
      %mul3A_404 = arith.mulf %squeeze3A_401, %sub3A_403 : f32
      %slice3A_405 = vector.extract_strided_slice %get3A_399 {offsets = [0], sizes = [1], strides = [1]} : vector<16xf32> to vector<1xf32>
      %squeeze3A_406 = vector.extract %slice3A_405[0] : f32 from vector<1xf32>
      %mul3A_407 = arith.mulf %squeeze3A_406, %convert_element_type3A_282 : f32
      %add3A_408 = arith.addf %mul3A_404, %mul3A_407 : f32
      %slice3A_409 = vector.extract_strided_slice %get3A_395 {offsets = [1], sizes = [1], strides = [1]} : vector<16xf32> to vector<1xf32>
      %squeeze3A_410 = vector.extract %slice3A_409[0] : f32 from vector<1xf32>
      %sub3A_411 = arith.constant 1.000000e+00 : f32
      %sub3A_412 = arith.subf %sub3A_411, %convert_element_type3A_282 : f32
      %mul3A_413 = arith.mulf %squeeze3A_410, %sub3A_412 : f32
      %slice3A_414 = vector.extract_strided_slice %get3A_399 {offsets = [1], sizes = [1], strides = [1]} : vector<16xf32> to vector<1xf32>
      %squeeze3A_415 = vector.extract %slice3A_414[0] : f32 from vector<1xf32>
      %mul3A_416 = arith.mulf %squeeze3A_415, %convert_element_type3A_282 : f32
      %add3A_417 = arith.addf %mul3A_413, %mul3A_416 : f32
      %mul3A_418 = arith.mulf %convert_element_type3A_391, %add3A_408 : f32
      %add3A_419 = arith.addf %add3A_384, %mul3A_418 : f32
      %mul3A_420 = arith.mulf %convert_element_type3A_391, %add3A_417 : f32
      %add3A_421 = arith.addf %add3A_386, %mul3A_420 : f32
      %add3A_422 = arith.addf %add3A_387, %add3A_417 : f32
      %scan3A_423 = arith.constant 0 : i32
      %scan3A_424 = arith.constant 128 : i32
      %scan3A_425 = arith.addi %scan3A_423, %scan3A_424 : i32
      %scan3A_426 = arith.constant 1 : i32
      %scan3A_427 = scf.for %scan3A_440 = %scan3A_423 to %scan3A_425 step %scan3A_426 iter_args(%scan3A_441 = %broadcast_in_dim3A_30) -> (vector<16xf32>)  : i32 {
        %mul3A_442 = arith.constant 16 : i32
        %mul3A_443 = arith.muli %scan3A_440, %mul3A_442 : i32
        %get3A_444 = arith.index_cast %mul3A_443 : i32 to index
        %get3A_445 = tpu.vector_load %arg10[%get3A_444] {strides = array<i32>} : memref<2048xf32, #tpu.memory_space<vmem>>, vector<16xf32>,
        %get3A_446 = arith.index_cast %mul3A_443 : i32 to index
        %get3A_447 = tpu.vector_load %arg8[%get3A_446] {strides = array<i32>} : memref<2048xf32, #tpu.memory_space<vmem>>, vector<16xf32>,
        %add3A_448 = arith.addf %get3A_447, %get3A_445 : vector<16xf32>
        %get3A_449 = arith.index_cast %mul3A_443 : i32 to index
        %get3A_450 = tpu.vector_load %arg11[%get3A_449] {strides = array<i32>} : memref<2048xf32, #tpu.memory_space<vmem>>, vector<16xf32>,
        %add3A_451 = vector.broadcast %add3A_419 : f32 to vector<16xf32>
        %add3A_452 = arith.addf %get3A_450, %add3A_451 : vector<16xf32>
        %get3A_453 = arith.index_cast %mul3A_443 : i32 to index
        %get3A_454 = tpu.vector_load %arg12[%get3A_453] {strides = array<i32>} : memref<2048xf32, #tpu.memory_space<vmem>>, vector<16xf32>,
        %add3A_455 = vector.broadcast %add3A_421 : f32 to vector<16xf32>
        %add3A_456 = arith.addf %get3A_454, %add3A_455 : vector<16xf32>
        %gt3A = arith.constant 0.000000e+00 : f32
        %gt3A_457 = vector.broadcast %gt3A : f32 to vector<16xf32>
        %gt3A_458 = arith.cmpf ogt, %add3A_452, %gt3A_457 : vector<16xf32>
        %sub3A_459 = vector.broadcast %add3A_422 : f32 to vector<16xf32>
        %sub3A_460 = arith.subf %sub3A_459, %add3A_456 : vector<16xf32>
        %add3A_461 = vector.broadcast %add3A_422 : f32 to vector<16xf32>
        %add3A_462 = arith.addf %add3A_461, %add3A_452 : vector<16xf32>
        %sub3A_463 = arith.subf %add3A_462, %add3A_456 : vector<16xf32>
        %div3A_464 = arith.divf %sub3A_460, %sub3A_463 : vector<16xf32>
        %sub3A_465 = arith.constant 1.000000e+00 : f32
        %sub3A_466 = vector.broadcast %sub3A_465 : f32 to vector<16xf32>
        %sub3A_467 = arith.subf %sub3A_466, %div3A_464 : vector<16xf32>
        %jit3A_468 = arith.constant 0.000000e+00 : f32
        %broadcast_in_dim3A_469 = vector.broadcast %jit3A_468 : f32 to vector<16xf32>
        %select_n3A_470 = arith.select %gt3A_458, %sub3A_467, %broadcast_in_dim3A_469 : vector<16xi1>, vector<16xf32>
        %sub3A_471 = arith.subf %add3A_452, %add3A_448 : vector<16xf32>
        %sub3A_472 = arith.subf %add3A_456, %get3A_445 : vector<16xf32>
        %gt3A_473 = arith.constant 0.000000e+00 : f32
        %gt3A_474 = vector.broadcast %gt3A_473 : f32 to vector<16xf32>
        %gt3A_475 = arith.cmpf ogt, %sub3A_471, %gt3A_474 : vector<16xf32>
        %sub3A_476 = vector.broadcast %add3A_422 : f32 to vector<16xf32>
        %sub3A_477 = arith.subf %sub3A_476, %sub3A_472 : vector<16xf32>
        %add3A_478 = vector.broadcast %add3A_422 : f32 to vector<16xf32>
        %add3A_479 = arith.addf %add3A_478, %sub3A_471 : vector<16xf32>
        %sub3A_480 = arith.subf %add3A_479, %sub3A_472 : vector<16xf32>
        %div3A_481 = arith.divf %sub3A_477, %sub3A_480 : vector<16xf32>
        %sub3A_482 = arith.constant 1.000000e+00 : f32
        %sub3A_483 = vector.broadcast %sub3A_482 : f32 to vector<16xf32>
        %sub3A_484 = arith.subf %sub3A_483, %div3A_481 : vector<16xf32>
        %jit3A_485 = arith.constant 0.000000e+00 : f32
        %broadcast_in_dim3A_486 = vector.broadcast %jit3A_485 : f32 to vector<16xf32>
        %select_n3A_487 = arith.select %gt3A_475, %sub3A_484, %broadcast_in_dim3A_486 : vector<16xi1>, vector<16xf32>
        %sub3A_488 = arith.subf %select_n3A_470, %select_n3A_487 : vector<16xf32>
        %mul3A_489 = arith.constant 2048 : i32
        %mul3A_490 = arith.muli %select_n3A_255, %mul3A_489 : i32
        %add3A_491 = arith.addi %mul3A_490, %mul3A_443 : i32
        %add3A_492 = vector.broadcast %add3A_491 : i32 to vector<16xi32>
        %add3A_493 = arith.addi %add3A_492, %iota3A : vector<16xi32>
        %shift_left3A = arith.constant 18 : i32
        %shift_left3A_494 = vector.broadcast %shift_left3A : i32 to vector<16xi32>
        %shift_left3A_495 = arith.shli %add3A_493, %shift_left3A_494 : vector<16xi32>
        %or3A_496 = arith.constant 131072 : i32
        %or3A_497 = vector.broadcast %or3A_496 : i32 to vector<16xi32>
        %or3A_498 = arith.ori %shift_left3A_495, %or3A_497 : vector<16xi32>
        %bitcast3A = vector.bitcast %or3A_498 : vector<16xi32> to vector<16xf32>
        %gt3A_499 = arith.constant 0.000000e+00 : f32
        %gt3A_500 = vector.broadcast %gt3A_499 : f32 to vector<16xf32>
        %gt3A_501 = arith.cmpf ogt, %add3A_448, %gt3A_500 : vector<16xf32>
        %mul3A_502 = arith.mulf %bitcast3A, %sub3A_488 : vector<16xf32>
        %jit3A_503 = arith.constant 0.000000e+00 : f32
        %broadcast_in_dim3A_504 = vector.broadcast %jit3A_503 : f32 to vector<16xf32>
        %select_n3A_505 = arith.select %gt3A_501, %mul3A_502, %broadcast_in_dim3A_504 : vector<16xi1>, vector<16xf32>
        %add3A_506 = arith.addf %scan3A_441, %select_n3A_505 : vector<16xf32>
        scf.yield %add3A_506 : vector<16xf32>
      }
      %scan3A_428 = arith.constant 128 : i32
      %reduce_sum3A = arith.constant true
      %reduce_sum3A_429 = vector.broadcast %reduce_sum3A : i1 to vector<16xi1>
      %reduce_sum3A_430 = tpu.scan <sum>, %scan3A_427 masked %reduce_sum3A_429 : vector<16xf32>, vector<16xi1> -> vector<16xf32>
      %reduce_sum3A_431 = vector.extract %reduce_sum3A_430[15] : f32 from vector<16xf32>
      %eq3A_432 = arith.constant 0 : i32
      %eq3A_433 = vector.broadcast %eq3A_432 : i32 to vector<16xi32>
      %eq3A_434 = arith.cmpi eq, %iota3A, %eq3A_433 : vector<16xi32>
      %jit3A_435 = arith.constant 0.000000e+00 : f32
      %broadcast_in_dim3A_436 = vector.broadcast %reduce_sum3A_431 : f32 to vector<16xf32>
      %broadcast_in_dim3A_437 = vector.broadcast %jit3A_435 : f32 to vector<16xf32>
      %select_n3A_438 = arith.select %eq3A_434, %broadcast_in_dim3A_436, %broadcast_in_dim3A_437 : vector<16xi1>, vector<16xf32>
      %swap3A = arith.constant 0 : index
      %swap3A_439 = tpu.vector_load %arg13[%swap3A] {strides = array<i32>} : memref<128xf32, #tpu.memory_space<vmem>>, vector<16xf32>,
      tpu.vector_store %arg13[%swap3A], %select_n3A_438 {strides = array<i32>} : memref<128xf32, #tpu.memory_space<vmem>>, vector<16xf32>,
      "tpu.region"() ({
        %run_scoped3A_440 = tpu.sem_alloc : memref<!tpu.dma_semaphore, #tpu.memory_space<semaphore_mem>>
        %dma_start3A_441 = arith.constant 0 : i32
        %dma_start3A_442 = tpu.memref_slice %arg17[%arg1, %dma_start3A_441] : memref<16x128xf32, #tpu.memory_space<vmem_shared>> -> memref<1x128xf32, #tpu.memory_space<vmem_shared>>
        %dma_start3A_443 = tpu.memref_squeeze %dma_start3A_442 : memref<1x128xf32, #tpu.memory_space<vmem_shared>> -> memref<128xf32, #tpu.memory_space<vmem_shared>>
        %dma_start3A_444 = arith.constant 0 : i32
        %dma_start3A_445 = tpu.memref_slice %arg17[%arg1, %dma_start3A_444] : memref<16x128xf32, #tpu.memory_space<vmem_shared>> -> memref<1x128xf32, #tpu.memory_space<vmem_shared>>
        %dma_start3A_446 = tpu.memref_squeeze %dma_start3A_445 : memref<1x128xf32, #tpu.memory_space<vmem_shared>> -> memref<128xf32, #tpu.memory_space<vmem_shared>>
        tpu.enqueue_dma source(%arg13 : memref<128xf32, #tpu.memory_space<vmem>>) target(%dma_start3A_446 : memref<128xf32, #tpu.memory_space<vmem_shared>>) target_semaphore(%run_scoped3A_440 : memref<!tpu.dma_semaphore, #tpu.memory_space<semaphore_mem>>)
        %dma_wait3A = arith.constant 0 : i32
        %dma_wait3A_447 = tpu.memref_slice %arg17[%arg1, %dma_wait3A] : memref<16x128xf32, #tpu.memory_space<vmem_shared>> -> memref<1x128xf32, #tpu.memory_space<vmem_shared>>
        %dma_wait3A_448 = tpu.memref_squeeze %dma_wait3A_447 : memref<1x128xf32, #tpu.memory_space<vmem_shared>> -> memref<128xf32, #tpu.memory_space<vmem_shared>>
        %dma_wait3A_449 = arith.constant 0 : i32
        %dma_wait3A_450 = tpu.memref_slice %arg17[%arg1, %dma_wait3A_449] : memref<16x128xf32, #tpu.memory_space<vmem_shared>> -> memref<1x128xf32, #tpu.memory_space<vmem_shared>>
        %dma_wait3A_451 = tpu.memref_squeeze %dma_wait3A_450 : memref<1x128xf32, #tpu.memory_space<vmem_shared>> -> memref<128xf32, #tpu.memory_space<vmem_shared>>
        tpu.wait_dma2 semaphore(%run_scoped3A_440 : memref<!tpu.dma_semaphore, #tpu.memory_space<semaphore_mem>>) src(%arg13 : memref<128xf32, #tpu.memory_space<vmem>>) dst(%dma_wait3A_451 : memref<128xf32, #tpu.memory_space<vmem_shared>>)
        tpu.yield
      }) : () -> ()
    } else {
    }
    %barrier3A_271 = arith.constant 0 : index
    tpu.barrier barrier_id(%barrier3A_271)
    %eq3A_272 = arith.constant 0 : i32
    %eq3A_273 = arith.cmpi eq, %arg1, %eq3A_272 : i32
    %eq3A_274 = arith.constant 4 : i32
    %eq3A_275 = arith.cmpi eq, %arg1, %eq3A_274 : i32
    %or3A = arith.ori %eq3A_273, %eq3A_275 : i1
    %convert_element_type3A_276 = arith.extui %or3A : i1 to i32
    %cond3A_277 = arith.constant 0 : i32
    %cond3A_278 = arith.cmpi ne, %convert_element_type3A_276, %cond3A_277 : i32
    scf.if %cond3A_278 {
      %run_scoped3A_279 = arith.constant 0 : i32
      %run_scoped3A_280 = arith.constant 0 : i32
      "tpu.region"() ({
        %run_scoped3A_347 = tpu.sem_alloc : memref<!tpu.dma_semaphore, #tpu.memory_space<semaphore_mem>>
        %dma_start3A_348 = arith.constant 0 : i32
        %dma_start3A_349 = tpu.memref_slice %arg14[%run_scoped3A_280, %dma_start3A_348] : memref<8x128xf32, #tpu.memory_space<vmem>> -> memref<1x128xf32, #tpu.memory_space<vmem>>
        %dma_start3A_350 = tpu.memref_squeeze %dma_start3A_349 : memref<1x128xf32, #tpu.memory_space<vmem>> -> memref<128xf32, #tpu.memory_space<vmem>>
        %dma_start3A_351 = arith.constant 0 : i32
        %dma_start3A_352 = tpu.memref_slice %arg17[%run_scoped3A_279, %dma_start3A_351] : memref<16x128xf32, #tpu.memory_space<vmem_shared>> -> memref<1x128xf32, #tpu.memory_space<vmem_shared>>
        %dma_start3A_353 = tpu.memref_squeeze %dma_start3A_352 : memref<1x128xf32, #tpu.memory_space<vmem_shared>> -> memref<128xf32, #tpu.memory_space<vmem_shared>>
        %dma_start3A_354 = arith.constant 0 : i32
        %dma_start3A_355 = tpu.memref_slice %arg14[%run_scoped3A_280, %dma_start3A_354] : memref<8x128xf32, #tpu.memory_space<vmem>> -> memref<1x128xf32, #tpu.memory_space<vmem>>
        %dma_start3A_356 = tpu.memref_squeeze %dma_start3A_355 : memref<1x128xf32, #tpu.memory_space<vmem>> -> memref<128xf32, #tpu.memory_space<vmem>>
        %dma_start3A_357 = arith.constant 0 : i32
        %dma_start3A_358 = tpu.memref_slice %arg17[%run_scoped3A_279, %dma_start3A_357] : memref<16x128xf32, #tpu.memory_space<vmem_shared>> -> memref<1x128xf32, #tpu.memory_space<vmem_shared>>
        %dma_start3A_359 = tpu.memref_squeeze %dma_start3A_358 : memref<1x128xf32, #tpu.memory_space<vmem_shared>> -> memref<128xf32, #tpu.memory_space<vmem_shared>>
        tpu.enqueue_dma source(%dma_start3A_359 : memref<128xf32, #tpu.memory_space<vmem_shared>>) target(%dma_start3A_356 : memref<128xf32, #tpu.memory_space<vmem>>) target_semaphore(%run_scoped3A_347 : memref<!tpu.dma_semaphore, #tpu.memory_space<semaphore_mem>>)
        %dma_wait3A = arith.constant 0 : i32
        %dma_wait3A_360 = tpu.memref_slice %arg14[%run_scoped3A_280, %dma_wait3A] : memref<8x128xf32, #tpu.memory_space<vmem>> -> memref<1x128xf32, #tpu.memory_space<vmem>>
        %dma_wait3A_361 = tpu.memref_squeeze %dma_wait3A_360 : memref<1x128xf32, #tpu.memory_space<vmem>> -> memref<128xf32, #tpu.memory_space<vmem>>
        %dma_wait3A_362 = arith.constant 0 : i32
        %dma_wait3A_363 = tpu.memref_slice %arg17[%run_scoped3A_279, %dma_wait3A_362] : memref<16x128xf32, #tpu.memory_space<vmem_shared>> -> memref<1x128xf32, #tpu.memory_space<vmem_shared>>
        %dma_wait3A_364 = tpu.memref_squeeze %dma_wait3A_363 : memref<1x128xf32, #tpu.memory_space<vmem_shared>> -> memref<128xf32, #tpu.memory_space<vmem_shared>>
        %dma_wait3A_365 = arith.constant 0 : i32
        %dma_wait3A_366 = tpu.memref_slice %arg14[%run_scoped3A_280, %dma_wait3A_365] : memref<8x128xf32, #tpu.memory_space<vmem>> -> memref<1x128xf32, #tpu.memory_space<vmem>>
        %dma_wait3A_367 = tpu.memref_squeeze %dma_wait3A_366 : memref<1x128xf32, #tpu.memory_space<vmem>> -> memref<128xf32, #tpu.memory_space<vmem>>
        %dma_wait3A_368 = arith.constant 0 : i32
        %dma_wait3A_369 = tpu.memref_slice %arg17[%run_scoped3A_279, %dma_wait3A_368] : memref<16x128xf32, #tpu.memory_space<vmem_shared>> -> memref<1x128xf32, #tpu.memory_space<vmem_shared>>
        %dma_wait3A_370 = tpu.memref_squeeze %dma_wait3A_369 : memref<1x128xf32, #tpu.memory_space<vmem_shared>> -> memref<128xf32, #tpu.memory_space<vmem_shared>>
        tpu.wait_dma2 semaphore(%run_scoped3A_347 : memref<!tpu.dma_semaphore, #tpu.memory_space<semaphore_mem>>) src(%dma_wait3A_370 : memref<128xf32, #tpu.memory_space<vmem_shared>>) dst(%dma_wait3A_367 : memref<128xf32, #tpu.memory_space<vmem>>)
        tpu.yield
      }) : () -> ()
      %run_scoped3A_281 = arith.constant 1 : i32
      %run_scoped3A_282 = arith.constant 1 : i32
      "tpu.region"() ({
        %run_scoped3A_347 = tpu.sem_alloc : memref<!tpu.dma_semaphore, #tpu.memory_space<semaphore_mem>>
        %dma_start3A_348 = arith.constant 0 : i32
        %dma_start3A_349 = tpu.memref_slice %arg14[%run_scoped3A_282, %dma_start3A_348] : memref<8x128xf32, #tpu.memory_space<vmem>> -> memref<1x128xf32, #tpu.memory_space<vmem>>
        %dma_start3A_350 = tpu.memref_squeeze %dma_start3A_349 : memref<1x128xf32, #tpu.memory_space<vmem>> -> memref<128xf32, #tpu.memory_space<vmem>>
        %dma_start3A_351 = arith.constant 0 : i32
        %dma_start3A_352 = tpu.memref_slice %arg17[%run_scoped3A_281, %dma_start3A_351] : memref<16x128xf32, #tpu.memory_space<vmem_shared>> -> memref<1x128xf32, #tpu.memory_space<vmem_shared>>
        %dma_start3A_353 = tpu.memref_squeeze %dma_start3A_352 : memref<1x128xf32, #tpu.memory_space<vmem_shared>> -> memref<128xf32, #tpu.memory_space<vmem_shared>>
        %dma_start3A_354 = arith.constant 0 : i32
        %dma_start3A_355 = tpu.memref_slice %arg14[%run_scoped3A_282, %dma_start3A_354] : memref<8x128xf32, #tpu.memory_space<vmem>> -> memref<1x128xf32, #tpu.memory_space<vmem>>
        %dma_start3A_356 = tpu.memref_squeeze %dma_start3A_355 : memref<1x128xf32, #tpu.memory_space<vmem>> -> memref<128xf32, #tpu.memory_space<vmem>>
        %dma_start3A_357 = arith.constant 0 : i32
        %dma_start3A_358 = tpu.memref_slice %arg17[%run_scoped3A_281, %dma_start3A_357] : memref<16x128xf32, #tpu.memory_space<vmem_shared>> -> memref<1x128xf32, #tpu.memory_space<vmem_shared>>
        %dma_start3A_359 = tpu.memref_squeeze %dma_start3A_358 : memref<1x128xf32, #tpu.memory_space<vmem_shared>> -> memref<128xf32, #tpu.memory_space<vmem_shared>>
        tpu.enqueue_dma source(%dma_start3A_359 : memref<128xf32, #tpu.memory_space<vmem_shared>>) target(%dma_start3A_356 : memref<128xf32, #tpu.memory_space<vmem>>) target_semaphore(%run_scoped3A_347 : memref<!tpu.dma_semaphore, #tpu.memory_space<semaphore_mem>>)
        %dma_wait3A = arith.constant 0 : i32
        %dma_wait3A_360 = tpu.memref_slice %arg14[%run_scoped3A_282, %dma_wait3A] : memref<8x128xf32, #tpu.memory_space<vmem>> -> memref<1x128xf32, #tpu.memory_space<vmem>>
        %dma_wait3A_361 = tpu.memref_squeeze %dma_wait3A_360 : memref<1x128xf32, #tpu.memory_space<vmem>> -> memref<128xf32, #tpu.memory_space<vmem>>
        %dma_wait3A_362 = arith.constant 0 : i32
        %dma_wait3A_363 = tpu.memref_slice %arg17[%run_scoped3A_281, %dma_wait3A_362] : memref<16x128xf32, #tpu.memory_space<vmem_shared>> -> memref<1x128xf32, #tpu.memory_space<vmem_shared>>
        %dma_wait3A_364 = tpu.memref_squeeze %dma_wait3A_363 : memref<1x128xf32, #tpu.memory_space<vmem_shared>> -> memref<128xf32, #tpu.memory_space<vmem_shared>>
        %dma_wait3A_365 = arith.constant 0 : i32
        %dma_wait3A_366 = tpu.memref_slice %arg14[%run_scoped3A_282, %dma_wait3A_365] : memref<8x128xf32, #tpu.memory_space<vmem>> -> memref<1x128xf32, #tpu.memory_space<vmem>>
        %dma_wait3A_367 = tpu.memref_squeeze %dma_wait3A_366 : memref<1x128xf32, #tpu.memory_space<vmem>> -> memref<128xf32, #tpu.memory_space<vmem>>
        %dma_wait3A_368 = arith.constant 0 : i32
        %dma_wait3A_369 = tpu.memref_slice %arg17[%run_scoped3A_281, %dma_wait3A_368] : memref<16x128xf32, #tpu.memory_space<vmem_shared>> -> memref<1x128xf32, #tpu.memory_space<vmem_shared>>
        %dma_wait3A_370 = tpu.memref_squeeze %dma_wait3A_369 : memref<1x128xf32, #tpu.memory_space<vmem_shared>> -> memref<128xf32, #tpu.memory_space<vmem_shared>>
        tpu.wait_dma2 semaphore(%run_scoped3A_347 : memref<!tpu.dma_semaphore, #tpu.memory_space<semaphore_mem>>) src(%dma_wait3A_370 : memref<128xf32, #tpu.memory_space<vmem_shared>>) dst(%dma_wait3A_367 : memref<128xf32, #tpu.memory_space<vmem>>)
        tpu.yield
      }) : () -> ()
      %run_scoped3A_283 = arith.constant 2 : i32
      %run_scoped3A_284 = arith.constant 2 : i32
      "tpu.region"() ({
        %run_scoped3A_347 = tpu.sem_alloc : memref<!tpu.dma_semaphore, #tpu.memory_space<semaphore_mem>>
        %dma_start3A_348 = arith.constant 0 : i32
        %dma_start3A_349 = tpu.memref_slice %arg14[%run_scoped3A_284, %dma_start3A_348] : memref<8x128xf32, #tpu.memory_space<vmem>> -> memref<1x128xf32, #tpu.memory_space<vmem>>
        %dma_start3A_350 = tpu.memref_squeeze %dma_start3A_349 : memref<1x128xf32, #tpu.memory_space<vmem>> -> memref<128xf32, #tpu.memory_space<vmem>>
        %dma_start3A_351 = arith.constant 0 : i32
        %dma_start3A_352 = tpu.memref_slice %arg17[%run_scoped3A_283, %dma_start3A_351] : memref<16x128xf32, #tpu.memory_space<vmem_shared>> -> memref<1x128xf32, #tpu.memory_space<vmem_shared>>
        %dma_start3A_353 = tpu.memref_squeeze %dma_start3A_352 : memref<1x128xf32, #tpu.memory_space<vmem_shared>> -> memref<128xf32, #tpu.memory_space<vmem_shared>>
        %dma_start3A_354 = arith.constant 0 : i32
        %dma_start3A_355 = tpu.memref_slice %arg14[%run_scoped3A_284, %dma_start3A_354] : memref<8x128xf32, #tpu.memory_space<vmem>> -> memref<1x128xf32, #tpu.memory_space<vmem>>
        %dma_start3A_356 = tpu.memref_squeeze %dma_start3A_355 : memref<1x128xf32, #tpu.memory_space<vmem>> -> memref<128xf32, #tpu.memory_space<vmem>>
        %dma_start3A_357 = arith.constant 0 : i32
        %dma_start3A_358 = tpu.memref_slice %arg17[%run_scoped3A_283, %dma_start3A_357] : memref<16x128xf32, #tpu.memory_space<vmem_shared>> -> memref<1x128xf32, #tpu.memory_space<vmem_shared>>
        %dma_start3A_359 = tpu.memref_squeeze %dma_start3A_358 : memref<1x128xf32, #tpu.memory_space<vmem_shared>> -> memref<128xf32, #tpu.memory_space<vmem_shared>>
        tpu.enqueue_dma source(%dma_start3A_359 : memref<128xf32, #tpu.memory_space<vmem_shared>>) target(%dma_start3A_356 : memref<128xf32, #tpu.memory_space<vmem>>) target_semaphore(%run_scoped3A_347 : memref<!tpu.dma_semaphore, #tpu.memory_space<semaphore_mem>>)
        %dma_wait3A = arith.constant 0 : i32
        %dma_wait3A_360 = tpu.memref_slice %arg14[%run_scoped3A_284, %dma_wait3A] : memref<8x128xf32, #tpu.memory_space<vmem>> -> memref<1x128xf32, #tpu.memory_space<vmem>>
        %dma_wait3A_361 = tpu.memref_squeeze %dma_wait3A_360 : memref<1x128xf32, #tpu.memory_space<vmem>> -> memref<128xf32, #tpu.memory_space<vmem>>
        %dma_wait3A_362 = arith.constant 0 : i32
        %dma_wait3A_363 = tpu.memref_slice %arg17[%run_scoped3A_283, %dma_wait3A_362] : memref<16x128xf32, #tpu.memory_space<vmem_shared>> -> memref<1x128xf32, #tpu.memory_space<vmem_shared>>
        %dma_wait3A_364 = tpu.memref_squeeze %dma_wait3A_363 : memref<1x128xf32, #tpu.memory_space<vmem_shared>> -> memref<128xf32, #tpu.memory_space<vmem_shared>>
        %dma_wait3A_365 = arith.constant 0 : i32
        %dma_wait3A_366 = tpu.memref_slice %arg14[%run_scoped3A_284, %dma_wait3A_365] : memref<8x128xf32, #tpu.memory_space<vmem>> -> memref<1x128xf32, #tpu.memory_space<vmem>>
        %dma_wait3A_367 = tpu.memref_squeeze %dma_wait3A_366 : memref<1x128xf32, #tpu.memory_space<vmem>> -> memref<128xf32, #tpu.memory_space<vmem>>
        %dma_wait3A_368 = arith.constant 0 : i32
        %dma_wait3A_369 = tpu.memref_slice %arg17[%run_scoped3A_283, %dma_wait3A_368] : memref<16x128xf32, #tpu.memory_space<vmem_shared>> -> memref<1x128xf32, #tpu.memory_space<vmem_shared>>
        %dma_wait3A_370 = tpu.memref_squeeze %dma_wait3A_369 : memref<1x128xf32, #tpu.memory_space<vmem_shared>> -> memref<128xf32, #tpu.memory_space<vmem_shared>>
        tpu.wait_dma2 semaphore(%run_scoped3A_347 : memref<!tpu.dma_semaphore, #tpu.memory_space<semaphore_mem>>) src(%dma_wait3A_370 : memref<128xf32, #tpu.memory_space<vmem_shared>>) dst(%dma_wait3A_367 : memref<128xf32, #tpu.memory_space<vmem>>)
        tpu.yield
      }) : () -> ()
      %run_scoped3A_285 = arith.constant 3 : i32
      %run_scoped3A_286 = arith.constant 3 : i32
      "tpu.region"() ({
        %run_scoped3A_347 = tpu.sem_alloc : memref<!tpu.dma_semaphore, #tpu.memory_space<semaphore_mem>>
        %dma_start3A_348 = arith.constant 0 : i32
        %dma_start3A_349 = tpu.memref_slice %arg14[%run_scoped3A_286, %dma_start3A_348] : memref<8x128xf32, #tpu.memory_space<vmem>> -> memref<1x128xf32, #tpu.memory_space<vmem>>
        %dma_start3A_350 = tpu.memref_squeeze %dma_start3A_349 : memref<1x128xf32, #tpu.memory_space<vmem>> -> memref<128xf32, #tpu.memory_space<vmem>>
        %dma_start3A_351 = arith.constant 0 : i32
        %dma_start3A_352 = tpu.memref_slice %arg17[%run_scoped3A_285, %dma_start3A_351] : memref<16x128xf32, #tpu.memory_space<vmem_shared>> -> memref<1x128xf32, #tpu.memory_space<vmem_shared>>
        %dma_start3A_353 = tpu.memref_squeeze %dma_start3A_352 : memref<1x128xf32, #tpu.memory_space<vmem_shared>> -> memref<128xf32, #tpu.memory_space<vmem_shared>>
        %dma_start3A_354 = arith.constant 0 : i32
        %dma_start3A_355 = tpu.memref_slice %arg14[%run_scoped3A_286, %dma_start3A_354] : memref<8x128xf32, #tpu.memory_space<vmem>> -> memref<1x128xf32, #tpu.memory_space<vmem>>
        %dma_start3A_356 = tpu.memref_squeeze %dma_start3A_355 : memref<1x128xf32, #tpu.memory_space<vmem>> -> memref<128xf32, #tpu.memory_space<vmem>>
        %dma_start3A_357 = arith.constant 0 : i32
        %dma_start3A_358 = tpu.memref_slice %arg17[%run_scoped3A_285, %dma_start3A_357] : memref<16x128xf32, #tpu.memory_space<vmem_shared>> -> memref<1x128xf32, #tpu.memory_space<vmem_shared>>
        %dma_start3A_359 = tpu.memref_squeeze %dma_start3A_358 : memref<1x128xf32, #tpu.memory_space<vmem_shared>> -> memref<128xf32, #tpu.memory_space<vmem_shared>>
        tpu.enqueue_dma source(%dma_start3A_359 : memref<128xf32, #tpu.memory_space<vmem_shared>>) target(%dma_start3A_356 : memref<128xf32, #tpu.memory_space<vmem>>) target_semaphore(%run_scoped3A_347 : memref<!tpu.dma_semaphore, #tpu.memory_space<semaphore_mem>>)
        %dma_wait3A = arith.constant 0 : i32
        %dma_wait3A_360 = tpu.memref_slice %arg14[%run_scoped3A_286, %dma_wait3A] : memref<8x128xf32, #tpu.memory_space<vmem>> -> memref<1x128xf32, #tpu.memory_space<vmem>>
        %dma_wait3A_361 = tpu.memref_squeeze %dma_wait3A_360 : memref<1x128xf32, #tpu.memory_space<vmem>> -> memref<128xf32, #tpu.memory_space<vmem>>
        %dma_wait3A_362 = arith.constant 0 : i32
        %dma_wait3A_363 = tpu.memref_slice %arg17[%run_scoped3A_285, %dma_wait3A_362] : memref<16x128xf32, #tpu.memory_space<vmem_shared>> -> memref<1x128xf32, #tpu.memory_space<vmem_shared>>
        %dma_wait3A_364 = tpu.memref_squeeze %dma_wait3A_363 : memref<1x128xf32, #tpu.memory_space<vmem_shared>> -> memref<128xf32, #tpu.memory_space<vmem_shared>>
        %dma_wait3A_365 = arith.constant 0 : i32
        %dma_wait3A_366 = tpu.memref_slice %arg14[%run_scoped3A_286, %dma_wait3A_365] : memref<8x128xf32, #tpu.memory_space<vmem>> -> memref<1x128xf32, #tpu.memory_space<vmem>>
        %dma_wait3A_367 = tpu.memref_squeeze %dma_wait3A_366 : memref<1x128xf32, #tpu.memory_space<vmem>> -> memref<128xf32, #tpu.memory_space<vmem>>
        %dma_wait3A_368 = arith.constant 0 : i32
        %dma_wait3A_369 = tpu.memref_slice %arg17[%run_scoped3A_285, %dma_wait3A_368] : memref<16x128xf32, #tpu.memory_space<vmem_shared>> -> memref<1x128xf32, #tpu.memory_space<vmem_shared>>
        %dma_wait3A_370 = tpu.memref_squeeze %dma_wait3A_369 : memref<1x128xf32, #tpu.memory_space<vmem_shared>> -> memref<128xf32, #tpu.memory_space<vmem_shared>>
        tpu.wait_dma2 semaphore(%run_scoped3A_347 : memref<!tpu.dma_semaphore, #tpu.memory_space<semaphore_mem>>) src(%dma_wait3A_370 : memref<128xf32, #tpu.memory_space<vmem_shared>>) dst(%dma_wait3A_367 : memref<128xf32, #tpu.memory_space<vmem>>)
        tpu.yield
      }) : () -> ()
      %run_scoped3A_287 = arith.constant 4 : i32
      %run_scoped3A_288 = arith.constant 4 : i32
      "tpu.region"() ({
        %run_scoped3A_347 = tpu.sem_alloc : memref<!tpu.dma_semaphore, #tpu.memory_space<semaphore_mem>>
        %dma_start3A_348 = arith.constant 0 : i32
        %dma_start3A_349 = tpu.memref_slice %arg14[%run_scoped3A_288, %dma_start3A_348] : memref<8x128xf32, #tpu.memory_space<vmem>> -> memref<1x128xf32, #tpu.memory_space<vmem>>
        %dma_start3A_350 = tpu.memref_squeeze %dma_start3A_349 : memref<1x128xf32, #tpu.memory_space<vmem>> -> memref<128xf32, #tpu.memory_space<vmem>>
        %dma_start3A_351 = arith.constant 0 : i32
        %dma_start3A_352 = tpu.memref_slice %arg17[%run_scoped3A_287, %dma_start3A_351] : memref<16x128xf32, #tpu.memory_space<vmem_shared>> -> memref<1x128xf32, #tpu.memory_space<vmem_shared>>
        %dma_start3A_353 = tpu.memref_squeeze %dma_start3A_352 : memref<1x128xf32, #tpu.memory_space<vmem_shared>> -> memref<128xf32, #tpu.memory_space<vmem_shared>>
        %dma_start3A_354 = arith.constant 0 : i32
        %dma_start3A_355 = tpu.memref_slice %arg14[%run_scoped3A_288, %dma_start3A_354] : memref<8x128xf32, #tpu.memory_space<vmem>> -> memref<1x128xf32, #tpu.memory_space<vmem>>
        %dma_start3A_356 = tpu.memref_squeeze %dma_start3A_355 : memref<1x128xf32, #tpu.memory_space<vmem>> -> memref<128xf32, #tpu.memory_space<vmem>>
        %dma_start3A_357 = arith.constant 0 : i32
        %dma_start3A_358 = tpu.memref_slice %arg17[%run_scoped3A_287, %dma_start3A_357] : memref<16x128xf32, #tpu.memory_space<vmem_shared>> -> memref<1x128xf32, #tpu.memory_space<vmem_shared>>
        %dma_start3A_359 = tpu.memref_squeeze %dma_start3A_358 : memref<1x128xf32, #tpu.memory_space<vmem_shared>> -> memref<128xf32, #tpu.memory_space<vmem_shared>>
        tpu.enqueue_dma source(%dma_start3A_359 : memref<128xf32, #tpu.memory_space<vmem_shared>>) target(%dma_start3A_356 : memref<128xf32, #tpu.memory_space<vmem>>) target_semaphore(%run_scoped3A_347 : memref<!tpu.dma_semaphore, #tpu.memory_space<semaphore_mem>>)
        %dma_wait3A = arith.constant 0 : i32
        %dma_wait3A_360 = tpu.memref_slice %arg14[%run_scoped3A_288, %dma_wait3A] : memref<8x128xf32, #tpu.memory_space<vmem>> -> memref<1x128xf32, #tpu.memory_space<vmem>>
        %dma_wait3A_361 = tpu.memref_squeeze %dma_wait3A_360 : memref<1x128xf32, #tpu.memory_space<vmem>> -> memref<128xf32, #tpu.memory_space<vmem>>
        %dma_wait3A_362 = arith.constant 0 : i32
        %dma_wait3A_363 = tpu.memref_slice %arg17[%run_scoped3A_287, %dma_wait3A_362] : memref<16x128xf32, #tpu.memory_space<vmem_shared>> -> memref<1x128xf32, #tpu.memory_space<vmem_shared>>
        %dma_wait3A_364 = tpu.memref_squeeze %dma_wait3A_363 : memref<1x128xf32, #tpu.memory_space<vmem_shared>> -> memref<128xf32, #tpu.memory_space<vmem_shared>>
        %dma_wait3A_365 = arith.constant 0 : i32
        %dma_wait3A_366 = tpu.memref_slice %arg14[%run_scoped3A_288, %dma_wait3A_365] : memref<8x128xf32, #tpu.memory_space<vmem>> -> memref<1x128xf32, #tpu.memory_space<vmem>>
        %dma_wait3A_367 = tpu.memref_squeeze %dma_wait3A_366 : memref<1x128xf32, #tpu.memory_space<vmem>> -> memref<128xf32, #tpu.memory_space<vmem>>
        %dma_wait3A_368 = arith.constant 0 : i32
        %dma_wait3A_369 = tpu.memref_slice %arg17[%run_scoped3A_287, %dma_wait3A_368] : memref<16x128xf32, #tpu.memory_space<vmem_shared>> -> memref<1x128xf32, #tpu.memory_space<vmem_shared>>
        %dma_wait3A_370 = tpu.memref_squeeze %dma_wait3A_369 : memref<1x128xf32, #tpu.memory_space<vmem_shared>> -> memref<128xf32, #tpu.memory_space<vmem_shared>>
        tpu.wait_dma2 semaphore(%run_scoped3A_347 : memref<!tpu.dma_semaphore, #tpu.memory_space<semaphore_mem>>) src(%dma_wait3A_370 : memref<128xf32, #tpu.memory_space<vmem_shared>>) dst(%dma_wait3A_367 : memref<128xf32, #tpu.memory_space<vmem>>)
        tpu.yield
      }) : () -> ()
      %run_scoped3A_289 = arith.constant 5 : i32
      %run_scoped3A_290 = arith.constant 5 : i32
      "tpu.region"() ({
        %run_scoped3A_347 = tpu.sem_alloc : memref<!tpu.dma_semaphore, #tpu.memory_space<semaphore_mem>>
        %dma_start3A_348 = arith.constant 0 : i32
        %dma_start3A_349 = tpu.memref_slice %arg14[%run_scoped3A_290, %dma_start3A_348] : memref<8x128xf32, #tpu.memory_space<vmem>> -> memref<1x128xf32, #tpu.memory_space<vmem>>
        %dma_start3A_350 = tpu.memref_squeeze %dma_start3A_349 : memref<1x128xf32, #tpu.memory_space<vmem>> -> memref<128xf32, #tpu.memory_space<vmem>>
        %dma_start3A_351 = arith.constant 0 : i32
        %dma_start3A_352 = tpu.memref_slice %arg17[%run_scoped3A_289, %dma_start3A_351] : memref<16x128xf32, #tpu.memory_space<vmem_shared>> -> memref<1x128xf32, #tpu.memory_space<vmem_shared>>
        %dma_start3A_353 = tpu.memref_squeeze %dma_start3A_352 : memref<1x128xf32, #tpu.memory_space<vmem_shared>> -> memref<128xf32, #tpu.memory_space<vmem_shared>>
        %dma_start3A_354 = arith.constant 0 : i32
        %dma_start3A_355 = tpu.memref_slice %arg14[%run_scoped3A_290, %dma_start3A_354] : memref<8x128xf32, #tpu.memory_space<vmem>> -> memref<1x128xf32, #tpu.memory_space<vmem>>
        %dma_start3A_356 = tpu.memref_squeeze %dma_start3A_355 : memref<1x128xf32, #tpu.memory_space<vmem>> -> memref<128xf32, #tpu.memory_space<vmem>>
        %dma_start3A_357 = arith.constant 0 : i32
        %dma_start3A_358 = tpu.memref_slice %arg17[%run_scoped3A_289, %dma_start3A_357] : memref<16x128xf32, #tpu.memory_space<vmem_shared>> -> memref<1x128xf32, #tpu.memory_space<vmem_shared>>
        %dma_start3A_359 = tpu.memref_squeeze %dma_start3A_358 : memref<1x128xf32, #tpu.memory_space<vmem_shared>> -> memref<128xf32, #tpu.memory_space<vmem_shared>>
        tpu.enqueue_dma source(%dma_start3A_359 : memref<128xf32, #tpu.memory_space<vmem_shared>>) target(%dma_start3A_356 : memref<128xf32, #tpu.memory_space<vmem>>) target_semaphore(%run_scoped3A_347 : memref<!tpu.dma_semaphore, #tpu.memory_space<semaphore_mem>>)
        %dma_wait3A = arith.constant 0 : i32
        %dma_wait3A_360 = tpu.memref_slice %arg14[%run_scoped3A_290, %dma_wait3A] : memref<8x128xf32, #tpu.memory_space<vmem>> -> memref<1x128xf32, #tpu.memory_space<vmem>>
        %dma_wait3A_361 = tpu.memref_squeeze %dma_wait3A_360 : memref<1x128xf32, #tpu.memory_space<vmem>> -> memref<128xf32, #tpu.memory_space<vmem>>
        %dma_wait3A_362 = arith.constant 0 : i32
        %dma_wait3A_363 = tpu.memref_slice %arg17[%run_scoped3A_289, %dma_wait3A_362] : memref<16x128xf32, #tpu.memory_space<vmem_shared>> -> memref<1x128xf32, #tpu.memory_space<vmem_shared>>
        %dma_wait3A_364 = tpu.memref_squeeze %dma_wait3A_363 : memref<1x128xf32, #tpu.memory_space<vmem_shared>> -> memref<128xf32, #tpu.memory_space<vmem_shared>>
        %dma_wait3A_365 = arith.constant 0 : i32
        %dma_wait3A_366 = tpu.memref_slice %arg14[%run_scoped3A_290, %dma_wait3A_365] : memref<8x128xf32, #tpu.memory_space<vmem>> -> memref<1x128xf32, #tpu.memory_space<vmem>>
        %dma_wait3A_367 = tpu.memref_squeeze %dma_wait3A_366 : memref<1x128xf32, #tpu.memory_space<vmem>> -> memref<128xf32, #tpu.memory_space<vmem>>
        %dma_wait3A_368 = arith.constant 0 : i32
        %dma_wait3A_369 = tpu.memref_slice %arg17[%run_scoped3A_289, %dma_wait3A_368] : memref<16x128xf32, #tpu.memory_space<vmem_shared>> -> memref<1x128xf32, #tpu.memory_space<vmem_shared>>
        %dma_wait3A_370 = tpu.memref_squeeze %dma_wait3A_369 : memref<1x128xf32, #tpu.memory_space<vmem_shared>> -> memref<128xf32, #tpu.memory_space<vmem_shared>>
        tpu.wait_dma2 semaphore(%run_scoped3A_347 : memref<!tpu.dma_semaphore, #tpu.memory_space<semaphore_mem>>) src(%dma_wait3A_370 : memref<128xf32, #tpu.memory_space<vmem_shared>>) dst(%dma_wait3A_367 : memref<128xf32, #tpu.memory_space<vmem>>)
        tpu.yield
      }) : () -> ()
      %run_scoped3A_291 = arith.constant 6 : i32
      %run_scoped3A_292 = arith.constant 6 : i32
      "tpu.region"() ({
        %run_scoped3A_347 = tpu.sem_alloc : memref<!tpu.dma_semaphore, #tpu.memory_space<semaphore_mem>>
        %dma_start3A_348 = arith.constant 0 : i32
        %dma_start3A_349 = tpu.memref_slice %arg14[%run_scoped3A_292, %dma_start3A_348] : memref<8x128xf32, #tpu.memory_space<vmem>> -> memref<1x128xf32, #tpu.memory_space<vmem>>
        %dma_start3A_350 = tpu.memref_squeeze %dma_start3A_349 : memref<1x128xf32, #tpu.memory_space<vmem>> -> memref<128xf32, #tpu.memory_space<vmem>>
        %dma_start3A_351 = arith.constant 0 : i32
        %dma_start3A_352 = tpu.memref_slice %arg17[%run_scoped3A_291, %dma_start3A_351] : memref<16x128xf32, #tpu.memory_space<vmem_shared>> -> memref<1x128xf32, #tpu.memory_space<vmem_shared>>
        %dma_start3A_353 = tpu.memref_squeeze %dma_start3A_352 : memref<1x128xf32, #tpu.memory_space<vmem_shared>> -> memref<128xf32, #tpu.memory_space<vmem_shared>>
        %dma_start3A_354 = arith.constant 0 : i32
        %dma_start3A_355 = tpu.memref_slice %arg14[%run_scoped3A_292, %dma_start3A_354] : memref<8x128xf32, #tpu.memory_space<vmem>> -> memref<1x128xf32, #tpu.memory_space<vmem>>
        %dma_start3A_356 = tpu.memref_squeeze %dma_start3A_355 : memref<1x128xf32, #tpu.memory_space<vmem>> -> memref<128xf32, #tpu.memory_space<vmem>>
        %dma_start3A_357 = arith.constant 0 : i32
        %dma_start3A_358 = tpu.memref_slice %arg17[%run_scoped3A_291, %dma_start3A_357] : memref<16x128xf32, #tpu.memory_space<vmem_shared>> -> memref<1x128xf32, #tpu.memory_space<vmem_shared>>
        %dma_start3A_359 = tpu.memref_squeeze %dma_start3A_358 : memref<1x128xf32, #tpu.memory_space<vmem_shared>> -> memref<128xf32, #tpu.memory_space<vmem_shared>>
        tpu.enqueue_dma source(%dma_start3A_359 : memref<128xf32, #tpu.memory_space<vmem_shared>>) target(%dma_start3A_356 : memref<128xf32, #tpu.memory_space<vmem>>) target_semaphore(%run_scoped3A_347 : memref<!tpu.dma_semaphore, #tpu.memory_space<semaphore_mem>>)
        %dma_wait3A = arith.constant 0 : i32
        %dma_wait3A_360 = tpu.memref_slice %arg14[%run_scoped3A_292, %dma_wait3A] : memref<8x128xf32, #tpu.memory_space<vmem>> -> memref<1x128xf32, #tpu.memory_space<vmem>>
        %dma_wait3A_361 = tpu.memref_squeeze %dma_wait3A_360 : memref<1x128xf32, #tpu.memory_space<vmem>> -> memref<128xf32, #tpu.memory_space<vmem>>
        %dma_wait3A_362 = arith.constant 0 : i32
        %dma_wait3A_363 = tpu.memref_slice %arg17[%run_scoped3A_291, %dma_wait3A_362] : memref<16x128xf32, #tpu.memory_space<vmem_shared>> -> memref<1x128xf32, #tpu.memory_space<vmem_shared>>
        %dma_wait3A_364 = tpu.memref_squeeze %dma_wait3A_363 : memref<1x128xf32, #tpu.memory_space<vmem_shared>> -> memref<128xf32, #tpu.memory_space<vmem_shared>>
        %dma_wait3A_365 = arith.constant 0 : i32
        %dma_wait3A_366 = tpu.memref_slice %arg14[%run_scoped3A_292, %dma_wait3A_365] : memref<8x128xf32, #tpu.memory_space<vmem>> -> memref<1x128xf32, #tpu.memory_space<vmem>>
        %dma_wait3A_367 = tpu.memref_squeeze %dma_wait3A_366 : memref<1x128xf32, #tpu.memory_space<vmem>> -> memref<128xf32, #tpu.memory_space<vmem>>
        %dma_wait3A_368 = arith.constant 0 : i32
        %dma_wait3A_369 = tpu.memref_slice %arg17[%run_scoped3A_291, %dma_wait3A_368] : memref<16x128xf32, #tpu.memory_space<vmem_shared>> -> memref<1x128xf32, #tpu.memory_space<vmem_shared>>
        %dma_wait3A_370 = tpu.memref_squeeze %dma_wait3A_369 : memref<1x128xf32, #tpu.memory_space<vmem_shared>> -> memref<128xf32, #tpu.memory_space<vmem_shared>>
        tpu.wait_dma2 semaphore(%run_scoped3A_347 : memref<!tpu.dma_semaphore, #tpu.memory_space<semaphore_mem>>) src(%dma_wait3A_370 : memref<128xf32, #tpu.memory_space<vmem_shared>>) dst(%dma_wait3A_367 : memref<128xf32, #tpu.memory_space<vmem>>)
        tpu.yield
      }) : () -> ()
      %run_scoped3A_293 = arith.constant 7 : i32
      %run_scoped3A_294 = arith.constant 7 : i32
      "tpu.region"() ({
        %run_scoped3A_347 = tpu.sem_alloc : memref<!tpu.dma_semaphore, #tpu.memory_space<semaphore_mem>>
        %dma_start3A_348 = arith.constant 0 : i32
        %dma_start3A_349 = tpu.memref_slice %arg14[%run_scoped3A_294, %dma_start3A_348] : memref<8x128xf32, #tpu.memory_space<vmem>> -> memref<1x128xf32, #tpu.memory_space<vmem>>
        %dma_start3A_350 = tpu.memref_squeeze %dma_start3A_349 : memref<1x128xf32, #tpu.memory_space<vmem>> -> memref<128xf32, #tpu.memory_space<vmem>>
        %dma_start3A_351 = arith.constant 0 : i32
        %dma_start3A_352 = tpu.memref_slice %arg17[%run_scoped3A_293, %dma_start3A_351] : memref<16x128xf32, #tpu.memory_space<vmem_shared>> -> memref<1x128xf32, #tpu.memory_space<vmem_shared>>
        %dma_start3A_353 = tpu.memref_squeeze %dma_start3A_352 : memref<1x128xf32, #tpu.memory_space<vmem_shared>> -> memref<128xf32, #tpu.memory_space<vmem_shared>>
        %dma_start3A_354 = arith.constant 0 : i32
        %dma_start3A_355 = tpu.memref_slice %arg14[%run_scoped3A_294, %dma_start3A_354] : memref<8x128xf32, #tpu.memory_space<vmem>> -> memref<1x128xf32, #tpu.memory_space<vmem>>
        %dma_start3A_356 = tpu.memref_squeeze %dma_start3A_355 : memref<1x128xf32, #tpu.memory_space<vmem>> -> memref<128xf32, #tpu.memory_space<vmem>>
        %dma_start3A_357 = arith.constant 0 : i32
        %dma_start3A_358 = tpu.memref_slice %arg17[%run_scoped3A_293, %dma_start3A_357] : memref<16x128xf32, #tpu.memory_space<vmem_shared>> -> memref<1x128xf32, #tpu.memory_space<vmem_shared>>
        %dma_start3A_359 = tpu.memref_squeeze %dma_start3A_358 : memref<1x128xf32, #tpu.memory_space<vmem_shared>> -> memref<128xf32, #tpu.memory_space<vmem_shared>>
        tpu.enqueue_dma source(%dma_start3A_359 : memref<128xf32, #tpu.memory_space<vmem_shared>>) target(%dma_start3A_356 : memref<128xf32, #tpu.memory_space<vmem>>) target_semaphore(%run_scoped3A_347 : memref<!tpu.dma_semaphore, #tpu.memory_space<semaphore_mem>>)
        %dma_wait3A = arith.constant 0 : i32
        %dma_wait3A_360 = tpu.memref_slice %arg14[%run_scoped3A_294, %dma_wait3A] : memref<8x128xf32, #tpu.memory_space<vmem>> -> memref<1x128xf32, #tpu.memory_space<vmem>>
        %dma_wait3A_361 = tpu.memref_squeeze %dma_wait3A_360 : memref<1x128xf32, #tpu.memory_space<vmem>> -> memref<128xf32, #tpu.memory_space<vmem>>
        %dma_wait3A_362 = arith.constant 0 : i32
        %dma_wait3A_363 = tpu.memref_slice %arg17[%run_scoped3A_293, %dma_wait3A_362] : memref<16x128xf32, #tpu.memory_space<vmem_shared>> -> memref<1x128xf32, #tpu.memory_space<vmem_shared>>
        %dma_wait3A_364 = tpu.memref_squeeze %dma_wait3A_363 : memref<1x128xf32, #tpu.memory_space<vmem_shared>> -> memref<128xf32, #tpu.memory_space<vmem_shared>>
        %dma_wait3A_365 = arith.constant 0 : i32
        %dma_wait3A_366 = tpu.memref_slice %arg14[%run_scoped3A_294, %dma_wait3A_365] : memref<8x128xf32, #tpu.memory_space<vmem>> -> memref<1x128xf32, #tpu.memory_space<vmem>>
        %dma_wait3A_367 = tpu.memref_squeeze %dma_wait3A_366 : memref<1x128xf32, #tpu.memory_space<vmem>> -> memref<128xf32, #tpu.memory_space<vmem>>
        %dma_wait3A_368 = arith.constant 0 : i32
        %dma_wait3A_369 = tpu.memref_slice %arg17[%run_scoped3A_293, %dma_wait3A_368] : memref<16x128xf32, #tpu.memory_space<vmem_shared>> -> memref<1x128xf32, #tpu.memory_space<vmem_shared>>
        %dma_wait3A_370 = tpu.memref_squeeze %dma_wait3A_369 : memref<1x128xf32, #tpu.memory_space<vmem_shared>> -> memref<128xf32, #tpu.memory_space<vmem_shared>>
        tpu.wait_dma2 semaphore(%run_scoped3A_347 : memref<!tpu.dma_semaphore, #tpu.memory_space<semaphore_mem>>) src(%dma_wait3A_370 : memref<128xf32, #tpu.memory_space<vmem_shared>>) dst(%dma_wait3A_367 : memref<128xf32, #tpu.memory_space<vmem>>)
        tpu.yield
      }) : () -> ()
      %get3A = arith.constant 0 : i32
      %get3A_295 = arith.index_cast %get3A : i32 to index
      %get3A_296 = arith.constant 0 : index
      %get3A_297 = tpu.vector_load %arg14[%get3A_295, %get3A_296] {strides = array<i32>} : memref<8x128xf32, #tpu.memory_space<vmem>>, vector<16xf32>,
      %get3A_298 = arith.constant 1 : i32
      %get3A_299 = arith.index_cast %get3A_298 : i32 to index
      %get3A_300 = arith.constant 0 : index
      %get3A_301 = tpu.vector_load %arg14[%get3A_299, %get3A_300] {strides = array<i32>} : memref<8x128xf32, #tpu.memory_space<vmem>>, vector<16xf32>,
      %add3A_302 = arith.addf %get3A_297, %get3A_301 : vector<16xf32>
      %get3A_303 = arith.constant 2 : i32
      %get3A_304 = arith.index_cast %get3A_303 : i32 to index
      %get3A_305 = arith.constant 0 : index
      %get3A_306 = tpu.vector_load %arg14[%get3A_304, %get3A_305] {strides = array<i32>} : memref<8x128xf32, #tpu.memory_space<vmem>>, vector<16xf32>,
      %add3A_307 = arith.addf %add3A_302, %get3A_306 : vector<16xf32>
      %get3A_308 = arith.constant 3 : i32
      %get3A_309 = arith.index_cast %get3A_308 : i32 to index
      %get3A_310 = arith.constant 0 : index
      %get3A_311 = tpu.vector_load %arg14[%get3A_309, %get3A_310] {strides = array<i32>} : memref<8x128xf32, #tpu.memory_space<vmem>>, vector<16xf32>,
      %add3A_312 = arith.addf %add3A_307, %get3A_311 : vector<16xf32>
      %get3A_313 = arith.constant 4 : i32
      %get3A_314 = arith.index_cast %get3A_313 : i32 to index
      %get3A_315 = arith.constant 0 : index
      %get3A_316 = tpu.vector_load %arg14[%get3A_314, %get3A_315] {strides = array<i32>} : memref<8x128xf32, #tpu.memory_space<vmem>>, vector<16xf32>,
      %get3A_317 = arith.constant 5 : i32
      %get3A_318 = arith.index_cast %get3A_317 : i32 to index
      %get3A_319 = arith.constant 0 : index
      %get3A_320 = tpu.vector_load %arg14[%get3A_318, %get3A_319] {strides = array<i32>} : memref<8x128xf32, #tpu.memory_space<vmem>>, vector<16xf32>,
      %add3A_321 = arith.addf %get3A_316, %get3A_320 : vector<16xf32>
      %get3A_322 = arith.constant 6 : i32
      %get3A_323 = arith.index_cast %get3A_322 : i32 to index
      %get3A_324 = arith.constant 0 : index
      %get3A_325 = tpu.vector_load %arg14[%get3A_323, %get3A_324] {strides = array<i32>} : memref<8x128xf32, #tpu.memory_space<vmem>>, vector<16xf32>,
      %add3A_326 = arith.addf %add3A_321, %get3A_325 : vector<16xf32>
      %get3A_327 = arith.constant 7 : i32
      %get3A_328 = arith.index_cast %get3A_327 : i32 to index
      %get3A_329 = arith.constant 0 : index
      %get3A_330 = tpu.vector_load %arg14[%get3A_328, %get3A_329] {strides = array<i32>} : memref<8x128xf32, #tpu.memory_space<vmem>>, vector<16xf32>,
      %add3A_331 = arith.addf %add3A_326, %get3A_330 : vector<16xf32>
      %eq3A_332 = arith.constant 1 : i32
      %eq3A_333 = arith.cmpi eq, %select_n3A_239, %eq3A_332 : i32
      %convert_element_type3A_334 = arith.extui %eq3A_333 : i1 to i32
      %convert_element_type3A_335 = arith.sitofp %convert_element_type3A_334 : i32 to f32
      %sub3A_336 = arith.constant 1.000000e+00 : f32
      %sub3A_337 = arith.subf %sub3A_336, %convert_element_type3A_335 : f32
      %mul3A_338 = vector.broadcast %sub3A_337 : f32 to vector<16xf32>
      %mul3A_339 = arith.mulf %add3A_312, %mul3A_338 : vector<16xf32>
      %mul3A_340 = vector.broadcast %convert_element_type3A_335 : f32 to vector<16xf32>
      %mul3A_341 = arith.mulf %add3A_331, %mul3A_340 : vector<16xf32>
      %add3A_342 = arith.addf %mul3A_339, %mul3A_341 : vector<16xf32>
      %swap3A = arith.constant 0 : index
      %swap3A_343 = tpu.vector_load %arg13[%swap3A] {strides = array<i32>} : memref<128xf32, #tpu.memory_space<vmem>>, vector<16xf32>,
      tpu.vector_store %arg13[%swap3A], %add3A_342 {strides = array<i32>} : memref<128xf32, #tpu.memory_space<vmem>>, vector<16xf32>,
      %mul3A_344 = arith.constant 2 : i32
      %mul3A_345 = arith.muli %arg0, %mul3A_344 : i32
      %add3A_346 = arith.addi %mul3A_345, %select_n3A_239 : i32
      "tpu.region"() ({
        %run_scoped3A_347 = tpu.sem_alloc : memref<!tpu.dma_semaphore, #tpu.memory_space<semaphore_mem>>
        %dma_start3A_348 = arith.constant 0 : i32
        %dma_start3A_349 = tpu.memref_slice %arg4[%add3A_346, %dma_start3A_348] : memref<4x128xf32, #tpu.memory_space<hbm>> -> memref<1x128xf32, #tpu.memory_space<hbm>>
        %dma_start3A_350 = tpu.memref_squeeze %dma_start3A_349 : memref<1x128xf32, #tpu.memory_space<hbm>> -> memref<128xf32, #tpu.memory_space<hbm>>
        %dma_start3A_351 = arith.constant 0 : i32
        %dma_start3A_352 = tpu.memref_slice %arg4[%add3A_346, %dma_start3A_351] : memref<4x128xf32, #tpu.memory_space<hbm>> -> memref<1x128xf32, #tpu.memory_space<hbm>>
        %dma_start3A_353 = tpu.memref_squeeze %dma_start3A_352 : memref<1x128xf32, #tpu.memory_space<hbm>> -> memref<128xf32, #tpu.memory_space<hbm>>
        tpu.enqueue_dma source(%arg13 : memref<128xf32, #tpu.memory_space<vmem>>) target(%dma_start3A_353 : memref<128xf32, #tpu.memory_space<hbm>>) target_semaphore(%run_scoped3A_347 : memref<!tpu.dma_semaphore, #tpu.memory_space<semaphore_mem>>)
        %dma_wait3A = arith.constant 0 : i32
        %dma_wait3A_354 = tpu.memref_slice %arg4[%add3A_346, %dma_wait3A] : memref<4x128xf32, #tpu.memory_space<hbm>> -> memref<1x128xf32, #tpu.memory_space<hbm>>
        %dma_wait3A_355 = tpu.memref_squeeze %dma_wait3A_354 : memref<1x128xf32, #tpu.memory_space<hbm>> -> memref<128xf32, #tpu.memory_space<hbm>>
        %dma_wait3A_356 = arith.constant 0 : i32
        %dma_wait3A_357 = tpu.memref_slice %arg4[%add3A_346, %dma_wait3A_356] : memref<4x128xf32, #tpu.memory_space<hbm>> -> memref<1x128xf32, #tpu.memory_space<hbm>>
        %dma_wait3A_358 = tpu.memref_squeeze %dma_wait3A_357 : memref<1x128xf32, #tpu.memory_space<hbm>> -> memref<128xf32, #tpu.memory_space<hbm>>
        tpu.wait_dma2 semaphore(%run_scoped3A_347 : memref<!tpu.dma_semaphore, #tpu.memory_space<semaphore_mem>>) src(%arg13 : memref<128xf32, #tpu.memory_space<vmem>>) dst(%dma_wait3A_358 : memref<128xf32, #tpu.memory_space<hbm>>)
        tpu.yield
      }) : () -> ()
    } else {
    }
    return
  }
}

</mosaic_0001>

<sc_bundles>
// kernel: kernel.3.cloned.1.call-start
scs
__scs_entry_jumppad:
0x0: {  	(pc) =	sbr.rel $0x88, $3  }
0x1: {  	(tag) =	ssettag $0x0;
	lr =	simm.s32 $0x1  }
0x2: {  	[smem:$0x3F9F] =	sst lr;
	_ =	strace $0xD0000000  }
0x3: {  	_ = 	snop  }
0x4: {  	_ = 	snop  }
0x5: {  	_ = 	snop  }
0x6: {  	_ = 	snop  }
0x7: {  	_ = 	snop  }
__scs_overlays_trampoline_lowered:
0x8: {  	[smem:$0x3FAE] =	sst s0  }
0x9: {  	[smem:$0x3FAF] =	sst s1  }
0xa: {  	[smem:$0x3FB0] =	sst s2  }
0xb: {  	[smem:$0x3FB1] =	sst s3  }
0xc: {  	[smem:$0x3FB2] =	sst s4  }
0xd: {  	[smem:$0x3FB3] =	sst s5  }
0xe: {  	[smem:$0x3FB4] =	sst s6  }
0xf: {  	[smem:$0x3FB5] =	sst s7  }
0x10: {  	[smem:$0x3FB6] =	sst s8  }
0x11: {  	[smem:$0x3FB7] =	sst s9;
	s0 =	simm.s32 @!p0 $0x0  }
0x12: {  	s1 =	sld [smem:$0x3F9D];
	s0 =	simm.s32 @p0 $0x1  }
0x13: {  	[smem:$0x3FB8] =	sst s0;
	s0 =	simm.s32 @!p1 $0x0  }
0x14: {  	s2 =	sld [smem:$0x3F9C];
	s0 =	simm.s32 @p1 $0x1  }
0x15: {  	[smem:$0x3FB9] =	sst s0;
	s0 =	simm.s32 @!p2 $0x0  }
0x16: {  	s3 =	sld [smem:$0x3FDB];
	s0 =	simm.s32 @p2 $0x1  }
0x17: {  	s4 =	simm.s32 $0x1BF5;
	[smem:$0x3FBB] =	sst s0  }
0x18: {  	s0 =	sld [smem:$0x3F9E];
	_ =	swait.ge [sflag:s4], $0x0  }
0x19: {  	s7 =	sld [smem:$0x3F9F]  }
0x1a: {  	s8 =	sadd.s32 $0xFFFFE003, lr  }
0x1b: {  	s9 =	sadd.s32 $0xFFFFFEF7, lr;
	s5 =	simm.s32 $0xFFFFFFFF;
	p2 =	slt.u32 s8, $0xFFFFF086  }
0x1c: {  	p1 =	slt.u32 s9, $0xF7A;
	s5 =	simm.s32 @!p2 $0x0  }
0x1d: {  	s5 =	simm.s32 @p1 $0x1;
	p0 =	seq.s32 s7, s2  }
0x1e: {  	s7 =	smul.u32 @!p0 $0xF7A, s2;
	p2 =	seq.s32 @!p0 s5, $0x0  }
0x1f: {  	s9 =	smul.u32 $0xF7A, s1;
	s8 =	simm.s32 @!p0 $0x1BF5;
	p2 =	por !p2, p0  }
0x20: {  	[sflag:s8] =	ssyncset.s32 @!p0 $0xFFFFF086;
	s6 =	sadd.s32 @!p0 s3, s7;
	s7 =	simm.s32 @!p0 $0x108  }
0x21: {  	s3 =	sadd.s32 s3, s9;
	s6 =	sadd.s32 @!p0 $0x88, s6;
	s7 =	simm.s32 @p2 $0x1082  }
0x22: {  	[simem:s7], [sflag:s8] =	dma.local @!p0 [hbm:s6], $0xF7A  }
0x23: {  	s9 =	sor.u32 $0xD0000000, s2;
	s6 =	simm.s32 $0x108;
	_ =	swait.ge @!p0 [sflag:s8], $0x0  }
0x24: {  	s3 =	sadd.s32 $0x88, s3;
	s6 =	simm.s32 @!p1 $0x1082;
	[sflag:s4] =	ssyncset.s32 $0xFFFFF086  }
0x25: {  	[simem:s6], [sflag:s4] =	dma.local [hbm:s3], $0xF7A  }
0x26: {  	[smem:$0x3F9F] =	sst s1;
	(tag) =	ssettag s2;
	_ =	strace s9  }
0x27: {  	s1 =	sld [smem:$0x3FAF]  }
0x28: {  	s2 =	sld [smem:$0x3FB0]  }
0x29: {  	s4 =	sld [smem:$0x3FB2]  }
0x2a: {  	p0 =	seq.s32 s5, $0x0;
	s5 =	sld [smem:$0x3FB3]  }
0x2b: {  	s6 =	sld [smem:$0x3FB4]  }
0x2c: {  	s7 =	sld [smem:$0x3FB5]  }
0x2d: {  	s3 =	simm.s32 $0x108;
	s8 =	sld [smem:$0x3FB6]  }
0x2e: {  	s3 =	simm.s32 @!p0 $0x1082;
	s9 =	sld [smem:$0x3FB7]  }
0x2f: {  	lr =	sadd.s32 s0, s3;
	s0 =	sld [smem:$0x3FAE]  }
0x30: {  	s3 =	sld [smem:$0x3FB1]  }
0x31: {  	[smem:$0x3FBA] =	sst s10  }
0x32: {  	s10 =	sld [smem:$0x3FB8];
	_ =	sdelay $0x3  }
0x33: {  	p0 =	seq.s32 s10, $0x1;
	s10 =	sld [smem:$0x3FBA];
	_ =	sdelay $0x3  }
0x34: {  	[smem:$0x3FBA] =	sst s10  }
0x35: {  	s10 =	sld [smem:$0x3FB9];
	_ =	sdelay $0x3  }
0x36: {  	p1 =	seq.s32 s10, $0x1;
	s10 =	sld [smem:$0x3FBA];
	_ =	sdelay $0x3  }
0x37: {  	[smem:$0x3FBA] =	sst s10  }
0x38: {  	s10 =	sld [smem:$0x3FBB]  }
0x39: {  	_ = 	snop;
	(pc) =	sbr.ind lr, $3  }
0x3a: {  	_ = 	snop  }
0x3b: {  	_ = 	snop  }
0x3c: {  	p2 =	seq.s32 s10, $0x1;
	s10 =	sld [smem:$0x3FBA]  }
0x3d: {  	_ =	shalt  }
0x3e: {  	_ =	shalt  }
0x3f: {  	_ =	shalt  }
0x40: {  	_ =	shalt  }
0x41: {  	_ =	shalt  }
0x42: {  	_ =	shalt  }
0x43: {  	_ =	shalt  }
0x44: {  	_ =	shalt  }
0x45: {  	_ =	shalt  }
0x46: {  	_ =	shalt  }
0x47: {  	_ =	shalt  }
0x48: {  	_ =	shalt  }
0x49: {  	_ =	shalt  }
0x4a: {  	_ =	shalt  }
0x4b: {  	_ =	shalt  }
0x4c: {  	_ =	shalt  }
0x4d: {  	_ =	shalt  }
0x4e: {  	_ =	shalt  }
0x4f: {  	_ =	shalt  }
0x50: {  	_ =	shalt  }
0x51: {  	_ =	shalt  }
0x52: {  	_ =	shalt  }
0x53: {  	_ =	shalt  }
0x54: {  	_ =	shalt  }
0x55: {  	_ =	shalt  }
0x56: {  	_ =	shalt  }
0x57: {  	_ =	shalt  }
0x58: {  	_ =	shalt  }
0x59: {  	_ =	shalt  }
0x5a: {  	_ =	shalt  }
0x5b: {  	_ =	shalt  }
0x5c: {  	_ =	shalt  }
0x5d: {  	_ =	shalt  }
0x5e: {  	_ =	shalt  }
0x5f: {  	_ =	shalt  }
0x60: {  	_ =	shalt  }
0x61: {  	_ =	shalt  }
0x62: {  	_ =	shalt  }
0x63: {  	_ =	shalt  }
0x64: {  	_ =	shalt  }
0x65: {  	_ =	shalt  }
0x66: {  	_ =	shalt  }
0x67: {  	_ =	shalt  }
0x68: {  	_ =	shalt  }
0x69: {  	_ =	shalt  }
0x6a: {  	_ =	shalt  }
0x6b: {  	_ =	shalt  }
0x6c: {  	_ =	shalt  }
0x6d: {  	_ =	shalt  }
0x6e: {  	_ =	shalt  }
0x6f: {  	_ =	shalt  }
0x70: {  	_ =	shalt  }
0x71: {  	_ =	shalt  }
0x72: {  	_ =	shalt  }
0x73: {  	_ =	shalt  }
0x74: {  	_ =	shalt  }
0x75: {  	_ =	shalt  }
0x76: {  	_ =	shalt  }
0x77: {  	_ =	shalt  }
0x78: {  	_ =	shalt  }
0x79: {  	_ =	shalt  }
0x7a: {  	_ =	shalt  }
0x7b: {  	_ =	shalt  }
0x7c: {  	_ =	shalt  }
0x7d: {  	_ =	shalt  }
0x7e: {  	_ =	shalt  }
0x7f: {  	_ =	shalt  }
0x80: {  	_ =	shalt  }
0x81: {  	_ =	shalt  }
0x82: {  	_ =	shalt  }
0x83: {  	_ =	shalt  }
0x84: {  	_ =	shalt  }
0x85: {  	_ =	shalt  }
0x86: {  	_ =	shalt  }
0x87: {  	_ =	shalt  }
.Lfunc_end0:
.L_simem_size_0:
called_computation_lowered:
.L_overlay_start_0:
0x88: {  	s2 =	sld [smem:$0x3FD9]  }
0x89: {  	s3 =	sld [smem:$0x3FFE];
	_ =	sdelay $0x1  }
0x8a: {  	s1 =	srdreg.scid  }
0x8b: {  	s0 =	sand.u32 $0x1, s1  }
0x8c: {  	s17 =	sshll.u32 s0, $0xA;
	s2 =	sadd.s32 s3, s2  }
0x8d: {  	s2 =	sadd.s32 s2, s17  }
0x8e: {  	[smem:$0x3FC6] =	sst s2  }
0x8f: {  	_ = 	snop  }
0x90: {  	s2 =	sld [smem:$0x3FC9]  }
0x91: {  	s18 =	sld [smem:$0x3FC8];
	(tm) =	ssettm $0x1  }
0x92: {  	s4 =	sld [smem:$0x3FFB];
	_ =	sdelay $0x3  }
0x93: {  	_ =	strace s4  }
0x94: {  	s4 =	sld [smem:$0x3FFC];
	_ =	sdelay $0x3  }
0x95: {  	_ =	strace s4  }
0x96: {  	s4 =	sld [smem:$0x3FFD];
	_ =	sdelay $0x3  }
0x97: {  	_ =	strace s4  }
0x98: {  	_ =	strace $0x8FFFFFFF  }
0x99: {  	s19 =	sld [smem:$0x3FDB];
	_ =	sdelay $0x1  }
0x9a: {  	s5 =	simm.s32 $_scs_section_size  }
0x9b: {  	s6 =	simm.s32 $_size__tile_overlayer_lowered;
	s7 =	simm.s32 $_tile_overlayer_lowered  }
0x9c: {  	s22 =	simm.s32 $0x1BFF;
	s21 =	sshll.u32 s7, $0x1;
	s4 =	sadd.s32 s5, s19  }
0x9d: {  	s8 =	simm.s32 $0x0;
	s20 =	sshll.u32 s6, $0x1;
	s6 =	sadd.s32 s21, s4  }
0x9e: {  	[timem:s8], [sflag:s22] =	dma.local [hbm:s6], s20  }
0x9f: {  	_ =	swait.ge [sflag:s22], s20  }
0xa0: {  	s5 =	ssub.s32 $0x0, s20;
	[sflag:s22] =	ssyncset.done $0x0  }
0xa1: {  	[sflag:s22] =	ssyncadd.s32 s5;
	_ =	sdelay $0x1  }
0xa2: {  	s23 =	simm.s32 $0x1B8B  }
0xa3: {  	_ =	swait.ge [sflag:s23], $0x1  }
0xa4: {  	[sflag:s23] =	ssyncset.done $0x0  }
0xa5: {  	s25 =	simm.s32 $0x1B8E;
	s24 =	sld [smem:$0x3FFE];
	[sflag:s23] =	ssyncadd.s32 $0xFFFFFFFF  }
0xa6: {  	s26 =	simm.s32 $execute0_lowered;
	[smem:$0x3FD2] =	sst s25  }
0xa7: {  	s6 =	sshll.u32 s26, $0x1;
	_ =	strace $0x80000046;
	[dreg:$0x1] =	wrdreg $0xFFFFFFFF  }
0xa8: {  	s28 =	simm.s32 $_size_execute0_lowered;
	s4 =	sadd.s32 s4, s6;
	[dreg:$0x0] =	wrdreg $0x0  }
0xa9: {  	s6 =	sshll.u32 s28, $0x1;
	[dreg:$0x2] =	wrdreg s4  }
0xaa: {  	[dreg:$0x3] =	wrdreg s6  }
0xab: {  	[dreg:$0x4] =	wrdreg $0xC0  }
0xac: {  	_ =	task [dreg:s8], $0x5FFFF  }
0xad: {  	[dreg:$0x1] =	wrdreg $0xFFFFFFFF  }
0xae: {  	[dreg:$0x0] =	wrdreg $0x60  }
0xaf: {  	[dreg:$0x2] =	wrdreg s2  }
0xb0: {  	[dreg:$0x3] =	wrdreg s18  }
0xb1: {  	[dreg:$0x4] =	wrdreg s24  }
0xb2: {  	[dreg:$0x5] =	wrdreg $0x19C800  }
0xb3: {  	[dreg:$0x6] =	wrdreg $0x114800  }
0xb4: {  	[dreg:$0x7] =	wrdreg $0x194800  }
0xb5: {  	[dreg:$0x8] =	wrdreg $0x9  }
0xb6: {  	_ =	task.clear_ibuf [dreg:s8], $0x9FFFF;
	_ =	strace $0x90000046  }
0xb7: {  	s29 =	simm.s32 $0x9;
	_ =	strace $0x80000048  }
0xb8: {  	_ =	swait.ge [sflag:s29], $0x1  }
0xb9: {  	[sflag:s29] =	ssyncadd.s32 $0xFFFFFFFF  }
0xba: {  	_ =	strace $0x90000048  }
0xbb: {  	_ =	sfence  }
0xbc: {  	s30 =	sld [smem:$0x0];
	_ =	sdelay $0x2  }
0xbd: {  	s31 =	sshll.u32 s1, $0xD;
	s1 =	sshrl.u32 s1, $0x2  }
0xbe: {  	s3 =	sand.u32 $0x4000, s31;
	s1 =	sadd.s32 s1, s30  }
0xbf: {  	s0 =	sor.u32 s3, s0;
	s1 =	sshll.u32 s1, $0x11  }
0xc0: {  	s0 =	sor.u32 s1, s0  }
0xc1: {  	s0 =	sadd.s32 $0x8F2B, s0  }
0xc2: {  	[sflag:s0] =	ssyncadd.remote.s32 $0x1  }
0xc3: {  	_ =	sfence.sel $0xFFFF  }
0xc4: {  	[dreg:$0x0] =	wrdreg $0xFFFFFFFF;
	(pc) =	sbr.abs _section_cstart, $3  }
0xc5: {  	[dreg:$0x1] =	wrdreg $0xFFFFFFFF  }
0xc6: {  	_ =	task.clear_ibuf [dreg:s8], $0x2FFFF;
	_ =	strace $0x9FFFFFFF  }
0xc7: {  	(tm) =	ssettm $0x7FFFFFFF  }
tec
execute0_lowered:
.L_overlay_start_1:
0x0: {  	(tag) =	ssettag $0x1  }
0x1: {  	s1 =	rddreg [dreg:$0x0]  }
0x2: {  	s2 =	rddreg [dreg:$0x1]  }
0x3: {  	s0 =	rddreg [dreg:$0x2]  }
0x4: {  	s18 =	rddreg [dreg:$0x3]  }
0x5: {  	s4 =	rddreg [dreg:$0x4]  }
0x6: {  	s5 =	rddreg [dreg:$0x5]  }
0x7: {  	s6 =	simm.s32 $0x0;
	s3 =	srdreg.scid;
	s19 =	stileid.u32  }
0x8: {  	[smem:$0x7FF] =	sst s6;
	s8 =	sand.u32 $0x1, s3;
	s7 =	sshrl.u32 s19, $0x3  }
0x9: {  	s9 =	sand.u32 $0x7, s19;
	s15 =	sshll.u32 s19, $0xF;
	s22 =	sshll.u32 s19, $0x7  }
0xa: {  	s24 =	sshll.u32 s19, $0xB;
	s3 =	ssub.s32 $0x2, s8;
	s6 =	sshll.u32 s7, $0x14  }
0xb: {  	s11 =	sshll.u32 s9, $0x11;
	_ =	strace $0x80000047;
	s17 =	sshll.u32 s7, $0x16  }
0xc: {  	s12 =	sshll.u32 s8, $0x15;
	s7 =	sshll.u32 s9, $0xA;
	s21 =	sand.u32 $0x40000, s15  }
0xd: {  	s25 =	sadd.s32 s24, s5;
	s10 =	sshrl.u32 s3, $0x1;
	s16 =	sor.u32 s11, s6  }
0xe: {  	s9 =	sor.u32 s12, s17;
	[dreg:$0xa] =	wrdreg s25;
	s13 =	ssub.s32 s3, s10  }
0xf: {  	s3 =	sshrl.u32 s16, $0x3;
	s12 =	sor.u32 s11, s9;
	s16 =	sand.u32 $0x380, s22  }
0x10: {  	s3 =	sadd.s32 s2, s3;
	s14 =	sshrl.u32 s12, $0x3;
	s12 =	sadd.s32 s21, s4  }
0x11: {  	[dreg:$0x7] =	wrdreg s3;
	s12 =	sadd.s32 s16, s12  }
0x12: {  	s30 =	sadd.s32 s1, s14;
	[dreg:$0x8] =	wrdreg s12  }
0x13: {  	s14 =	smax.u32 s13, $0x1;
	[dreg:$0x10] =	wrdreg s30  }
0x14: {  	s13 =	sadd.s32 $0x100, s18;
	[dreg:$0x15] =	wrdreg s14  }
0x15: {  	s23 =	sshll.u32 s19, $0xE;
	[smem:$0x716] =	sst s13;
	s14 =	sadd.s32 $0x180, s18  }
0x16: {  	s26 =	sshrl.u32 s19, $0x2;
	s12 =	sadd.s32 s23, s4;
	[smem:$0x717] =	sst s14  }
0x17: {  	s28 =	sshll.u32 s26, $0xD;
	s15 =	sadd.s32 $0x80, s12;
	[dreg:$0x9] =	wrdreg s12  }
0x18: {  	p0 =	seq.s32 s26, $0x1;
	s21 =	sadd.s32 $0x280, s12;
	[dreg:$0x16] =	wrdreg s15  }
0x19: {  	s5 =	sadd.s32 s28, s5;
	s23 =	sadd.s32 $0x380, s12;
	[dreg:$0x1a] =	wrdreg s21  }
0x1a: {  	s3 =	sshll.u32 s8, $0x1;
	s24 =	sadd.s32 $0x40000, s12;
	[dreg:$0x1c] =	wrdreg s23  }
0x1b: {  	s4 =	sadd.s32 s26, s3;
	s26 =	sadd.s32 $0x40080, s12;
	[dreg:$0x1d] =	wrdreg s24  }
0x1c: {  	s8 =	sshllo.u32 s8, $0x1;
	s28 =	sadd.s32 $0x40100, s12;
	[dreg:$0x1e] =	wrdreg s26  }
0x1d: {  	s20 =	sshll.u32 s8, $0x14;
	s30 =	sadd.s32 $0x40200, s12;
	[dreg:$0x1f] =	wrdreg s28  }
0x1e: {  	s10 =	sor.u32 s17, s20;
	s13 =	sadd.s32 $0x3080, s12;
	[smem:$0x711] =	sst s30  }
0x1f: {  	s4 =	sshll.u32 s4, $0x4;
	s14 =	sadd.s32 $0x3480, s12;
	[smem:$0x727] =	sst s13  }
0x20: {  	s17 =	sand.u32 $0x3, s19;
	s0 =	sadd.s32 s0, s4;
	[smem:$0x728] =	sst s14  }
0x21: {  	s29 =	sshll.u32 s17, $0xB;
	[dreg:$0xd] =	wrdreg s0  }
0x22: {  	s4 =	sadd.s32 $0x40300, s12;
	[dreg:$0xf] =	wrdreg s29  }
0x23: {  	s15 =	sadd.s32 $0x200, s18;
	[smem:$0x713] =	sst s4  }
0x24: {  	s21 =	sadd.s32 $0x480, s12;
	[smem:$0x718] =	sst s15  }
0x25: {  	s23 =	sadd.s32 $0xC80, s12;
	[smem:$0x71C] =	sst s21  }
0x26: {  	s24 =	sadd.s32 $0x1080, s12;
	[smem:$0x71E] =	sst s23  }
0x27: {  	s26 =	sadd.s32 $0x1480, s12;
	[smem:$0x71F] =	sst s24  }
0x28: {  	s28 =	sadd.s32 $0x1880, s12;
	[smem:$0x720] =	sst s26  }
0x29: {  	s30 =	sadd.s32 $0x2080, s12;
	[smem:$0x721] =	sst s28  }
0x2a: {  	s16 =	simm.f32 $1.000000000e+00;
	s13 =	sadd.s32 $0x3D00, s12;
	[smem:$0x723] =	sst s30  }
0x2b: {  	s20 =	simm.f32 $1.000000000e+00;
	s14 =	sadd.s32 $0x580, s12;
	[smem:$0x739] =	sst s13  }
0x2c: {  	s20 =	simm.s32 @!p0 $0x0;
	p0 =	seq.s32 s17, $0x0;
	[smem:$0x73A] =	sst s14  }
0x2d: {  	s16 =	simm.s32 @!p0 $0x0;
	[dreg:$0xb] =	wrdreg s20  }
0x2e: {  	s15 =	sadd.s32 $0x3880, s12;
	[dreg:$0xc] =	wrdreg s16  }
0x2f: {  	s21 =	sadd.s32 $0x1100, s12;
	[smem:$0x729] =	sst s15  }
0x30: {  	s23 =	sadd.s32 $0x1900, s12;
	[smem:$0x72E] =	sst s21  }
0x31: {  	s24 =	sadd.s32 $0x1D00, s12;
	[smem:$0x730] =	sst s23  }
0x32: {  	s26 =	sadd.s32 $0x2100, s12;
	[smem:$0x731] =	sst s24  }
0x33: {  	s28 =	sadd.s32 $0x2500, s12;
	[smem:$0x732] =	sst s26  }
0x34: {  	s11 =	sor.u32 s11, s10;
	s30 =	sadd.s32 $0x2D00, s12;
	[smem:$0x733] =	sst s28  }
0x35: {  	p0 =	slt.u32 s17, $0x2;
	s13 =	sadd.s32 $0xE00, s12;
	[smem:$0x735] =	sst s30  }
0x36: {  	s0 =	simm.f32 $1.000000000e+00;
	s14 =	sadd.s32 $0x1200, s12;
	[smem:$0x74B] =	sst s13  }
0x37: {  	s11 =	sshrl.u32 s11, $0x3;
	s0 =	simm.s32 @!p0 $0x0;
	[smem:$0x74C] =	sst s14  }
0x38: {  	s31 =	sadd.s32 s1, s11;
	[dreg:$0xe] =	wrdreg s0  }
0x39: {  	s11 =	sadd.s32 s22, s18;
	[dreg:$0x11] =	wrdreg s31  }
0x3a: {  	s16 =	sadd.s32 $0x100, s12;
	[dreg:$0x13] =	wrdreg s11  }
0x3b: {  	p0 =	sne.s32 s17, $0x3;
	s17 =	sadd.s32 $0x180, s12;
	[dreg:$0x17] =	wrdreg s16  }
0x3c: {  	s22 =	sadd.s32 $0x300, s12;
	[dreg:$0x18] =	wrdreg s17  }
0x3d: {  	s15 =	sadd.s32 $0x980, s12;
	[dreg:$0x1b] =	wrdreg s22  }
0x3e: {  	s21 =	sadd.s32 $0x1D80, s12;
	[smem:$0x73B] =	sst s15  }
0x3f: {  	s23 =	sadd.s32 $0x2580, s12;
	[smem:$0x740] =	sst s21  }
0x40: {  	s24 =	sadd.s32 $0x2980, s12;
	[smem:$0x742] =	sst s23  }
0x41: {  	s26 =	sadd.s32 $0x2D80, s12;
	[smem:$0x743] =	sst s24  }
0x42: {  	s28 =	sadd.s32 $0x3180, s12;
	[smem:$0x744] =	sst s26  }
0x43: {  	s30 =	sadd.s32 $0x3980, s12;
	[smem:$0x745] =	sst s28  }
0x44: {  	s13 =	sadd.s32 $0x1A80, s12;
	[smem:$0x747] =	sst s30  }
0x45: {  	s14 =	sadd.s32 $0x1E80, s12;
	[smem:$0x75D] =	sst s13  }
0x46: {  	s0 =	sadd.s32 s29, s5;
	s29 =	sadd.s32 $0x40180, s12;
	[smem:$0x75E] =	sst s14  }
0x47: {  	s31 =	sadd.s32 $0x40280, s12;
	[smem:$0x710] =	sst s29  }
0x48: {  	s5 =	sadd.s32 $0x40380, s12;
	[smem:$0x712] =	sst s31  }
0x49: {  	s11 =	sadd.s32 $0x80, s18;
	[smem:$0x714] =	sst s5  }
0x4a: {  	s16 =	sadd.s32 $0x280, s18;
	[smem:$0x715] =	sst s11  }
0x4b: {  	s17 =	sadd.s32 $0x300, s18;
	[smem:$0x719] =	sst s16  }
0x4c: {  	s22 =	sadd.s32 $0x880, s12;
	[smem:$0x71A] =	sst s17  }
0x4d: {  	s15 =	sadd.s32 $0x1600, s12;
	[smem:$0x71D] =	sst s22  }
0x4e: {  	s21 =	sadd.s32 $0x2A00, s12;
	[smem:$0x74D] =	sst s15  }
0x4f: {  	s23 =	sadd.s32 $0x3200, s12;
	[smem:$0x752] =	sst s21  }
0x50: {  	s24 =	sadd.s32 $0x3600, s12;
	[smem:$0x754] =	sst s23  }
0x51: {  	s26 =	sadd.s32 $0x3A00, s12;
	[smem:$0x755] =	sst s24  }
0x52: {  	s28 =	sadd.s32 $0x3E00, s12;
	[smem:$0x756] =	sst s26  }
0x53: {  	s30 =	sadd.s32 $0xA80, s12;
	[smem:$0x757] =	sst s28  }
0x54: {  	s13 =	sadd.s32 $0x2700, s12;
	[smem:$0x759] =	sst s30  }
0x55: {  	s14 =	sadd.s32 $0x2B00, s12;
	[smem:$0x76F] =	sst s13  }
0x56: {  	s0 =	sadd.s32 $0x4000, s0;
	[smem:$0x770] =	sst s14  }
0x57: {  	s29 =	sadd.s32 $0x1C80, s12;
	[dreg:$0x12] =	wrdreg s0  }
0x58: {  	s31 =	sadd.s32 $0x2480, s12;
	[smem:$0x722] =	sst s29  }
0x59: {  	s5 =	sadd.s32 $0x2880, s12;
	[smem:$0x724] =	sst s31  }
0x5a: {  	s11 =	sadd.s32 $0x2C80, s12;
	[smem:$0x725] =	sst s5  }
0x5b: {  	s16 =	sadd.s32 $0x3C80, s12;
	[smem:$0x726] =	sst s11  }
0x5c: {  	s17 =	sadd.s32 $0x500, s12;
	[smem:$0x72A] =	sst s16  }
0x5d: {  	s22 =	sadd.s32 $0x1500, s12;
	[smem:$0x72B] =	sst s17  }
0x5e: {  	s15 =	sadd.s32 $0x2280, s12;
	[smem:$0x72F] =	sst s22  }
0x5f: {  	s21 =	sadd.s32 $0x3680, s12;
	[smem:$0x75F] =	sst s15  }
0x60: {  	s23 =	sadd.s32 $0x3E80, s12;
	[smem:$0x764] =	sst s21  }
0x61: {  	s24 =	sadd.s32 $0x700, s12;
	[smem:$0x766] =	sst s23  }
0x62: {  	s26 =	sadd.s32 $0xB00, s12;
	[smem:$0x767] =	sst s24  }
0x63: {  	s28 =	sadd.s32 $0xF00, s12;
	[smem:$0x768] =	sst s26  }
0x64: {  	s30 =	sadd.s32 $0x1700, s12;
	[smem:$0x769] =	sst s28  }
0x65: {  	s13 =	sadd.s32 $0x3380, s12;
	[smem:$0x76B] =	sst s30  }
0x66: {  	s14 =	sadd.s32 $0x3780, s12;
	[smem:$0x781] =	sst s13  }
0x67: {  	s29 =	sadd.s32 $0x2900, s12;
	[smem:$0x782] =	sst s14  }
0x68: {  	s31 =	sadd.s32 $0x3100, s12;
	[smem:$0x734] =	sst s29  }
0x69: {  	s5 =	sadd.s32 $0x3500, s12;
	[smem:$0x736] =	sst s31  }
0x6a: {  	s11 =	sadd.s32 $0x3900, s12;
	[smem:$0x737] =	sst s5  }
0x6b: {  	s16 =	sadd.s32 $0xD80, s12;
	[smem:$0x738] =	sst s11  }
0x6c: {  	s17 =	sadd.s32 $0x1180, s12;
	[smem:$0x73C] =	sst s16  }
0x6d: {  	s22 =	sadd.s32 $0x2180, s12;
	[smem:$0x73D] =	sst s17  }
0x6e: {  	s15 =	sadd.s32 $0x2F00, s12;
	[smem:$0x741] =	sst s22  }
0x6f: {  	s21 =	sadd.s32 $0x780, s12;
	[smem:$0x771] =	sst s15  }
0x70: {  	s23 =	sadd.s32 $0xF80, s12;
	[smem:$0x776] =	sst s21  }
0x71: {  	s24 =	sadd.s32 $0x1380, s12;
	[smem:$0x778] =	sst s23  }
0x72: {  	s26 =	sadd.s32 $0x1780, s12;
	[smem:$0x779] =	sst s24  }
0x73: {  	s28 =	sadd.s32 $0x1B80, s12;
	[smem:$0x77A] =	sst s26  }
0x74: {  	s30 =	sadd.s32 $0x2380, s12;
	[smem:$0x77B] =	sst s28  }
0x75: {  	s13 =	sadd.s32 $0x43C00, s12;
	[smem:$0x77D] =	sst s30  }
0x76: {  	s0 =	simm.f32 $1.000000000e+00;
	s14 =	sadd.s32 $0x40480, s12;
	[smem:$0x793] =	sst s13  }
0x77: {  	s0 =	simm.s32 @!p0 $0x0;
	[smem:$0x794] =	sst s14  }
0x78: {  	p0 =	sgt.u32 s19, $0x7;
	s19 =	sadd.s32 $0x200, s12;
	[dreg:$0x14] =	wrdreg s0  }
0x79: {  	[dreg:$0x19] =	wrdreg s19  }
0x7a: {  	s29 =	sadd.s32 $0x3580, s12;
	s0 =	ssub.f32 $1.000000000e+00, s20  }
0x7b: {  	s31 =	sadd.s32 $0x3D80, s12;
	[smem:$0x746] =	sst s29  }
0x7c: {  	s5 =	sadd.s32 $0x600, s12;
	[smem:$0x748] =	sst s31  }
0x7d: {  	s11 =	sadd.s32 $0xA00, s12;
	[smem:$0x749] =	sst s5  }
0x7e: {  	s16 =	sadd.s32 $0x1A00, s12;
	[smem:$0x74A] =	sst s11  }
0x7f: {  	s17 =	sadd.s32 $0x1E00, s12;
	[smem:$0x74E] =	sst s16  }
0x80: {  	s22 =	sadd.s32 $0x2E00, s12;
	[smem:$0x74F] =	sst s17  }
0x81: {  	s15 =	sadd.s32 $0x3B80, s12;
	[smem:$0x753] =	sst s22  }
0x82: {  	s21 =	sadd.s32 $0x41000, s12;
	[smem:$0x783] =	sst s15  }
0x83: {  	s23 =	sadd.s32 $0x41800, s12;
	[smem:$0x788] =	sst s21  }
0x84: {  	s24 =	sadd.s32 $0x41C00, s12;
	[smem:$0x78A] =	sst s23  }
0x85: {  	s26 =	sadd.s32 $0x42000, s12;
	[smem:$0x78B] =	sst s24  }
0x86: {  	s28 =	sadd.s32 $0x42400, s12;
	[smem:$0x78C] =	sst s26  }
0x87: {  	s30 =	sadd.s32 $0x42C00, s12;
	[smem:$0x78D] =	sst s28  }
0x88: {  	s13 =	sadd.s32 $0x40D00, s12;
	[smem:$0x78F] =	sst s30  }
0x89: {  	s14 =	sadd.s32 $0x41100, s12;
	[smem:$0x7A5] =	sst s13  }
0x8a: {  	s19 =	sadd.s32 $0x380, s18;
	[smem:$0x7A6] =	sst s14  }
0x8b: {  	s18 =	sadd.s32 $0x900, s12;
	[smem:$0x71B] =	sst s19  }
0x8c: {  	s29 =	sadd.s32 $0x680, s12;
	[smem:$0x72C] =	sst s18  }
0x8d: {  	s31 =	sadd.s32 $0xE80, s12;
	[smem:$0x758] =	sst s29  }
0x8e: {  	s5 =	sadd.s32 $0x1280, s12;
	[smem:$0x75A] =	sst s31  }
0x8f: {  	s11 =	sadd.s32 $0x1680, s12;
	[smem:$0x75B] =	sst s5  }
0x90: {  	s16 =	sadd.s32 $0x2680, s12;
	[smem:$0x75C] =	sst s11  }
0x91: {  	s17 =	sadd.s32 $0x2A80, s12;
	[smem:$0x760] =	sst s16  }
0x92: {  	s22 =	sadd.s32 $0x3A80, s12;
	[smem:$0x761] =	sst s17  }
0x93: {  	s15 =	sadd.s32 $0x40880, s12;
	[smem:$0x765] =	sst s22  }
0x94: {  	s21 =	sadd.s32 $0x41C80, s12;
	[smem:$0x795] =	sst s15  }
0x95: {  	s23 =	sadd.s32 $0x42480, s12;
	[smem:$0x79A] =	sst s21  }
0x96: {  	s24 =	sadd.s32 $0x42880, s12;
	[smem:$0x79C] =	sst s23  }
0x97: {  	s26 =	sadd.s32 $0x42C80, s12;
	[smem:$0x79D] =	sst s24  }
0x98: {  	s28 =	sadd.s32 $0x43080, s12;
	[smem:$0x79E] =	sst s26  }
0x99: {  	s30 =	sadd.s32 $0x43880, s12;
	[smem:$0x79F] =	sst s28  }
0x9a: {  	s13 =	sadd.s32 $0x41980, s12;
	[smem:$0x7A1] =	sst s30  }
0x9b: {  	s14 =	sadd.s32 $0x41D80, s12;
	[smem:$0x7B7] =	sst s13  }
0x9c: {  	s19 =	sadd.s32 $0xD00, s12;
	[smem:$0x7B8] =	sst s14  }
0x9d: {  	s18 =	sadd.s32 $0x1580, s12;
	[smem:$0x72D] =	sst s19  }
0x9e: {  	s29 =	sadd.s32 $0x1300, s12;
	[smem:$0x73E] =	sst s18  }
0x9f: {  	s31 =	sadd.s32 $0x1B00, s12;
	[smem:$0x76A] =	sst s29  }
0xa0: {  	s5 =	sadd.s32 $0x1F00, s12;
	[smem:$0x76C] =	sst s31  }
0xa1: {  	s11 =	sadd.s32 $0x2300, s12;
	[smem:$0x76D] =	sst s5  }
0xa2: {  	s16 =	sadd.s32 $0x3300, s12;
	[smem:$0x76E] =	sst s11  }
0xa3: {  	s17 =	sadd.s32 $0x3700, s12;
	[smem:$0x772] =	sst s16  }
0xa4: {  	s22 =	sadd.s32 $0xB80, s12;
	[smem:$0x773] =	sst s17  }
0xa5: {  	s15 =	sadd.s32 $0x41500, s12;
	[smem:$0x777] =	sst s22  }
0xa6: {  	s21 =	sadd.s32 $0x42900, s12;
	[smem:$0x7A7] =	sst s15  }
0xa7: {  	s23 =	sadd.s32 $0x43100, s12;
	[smem:$0x7AC] =	sst s21  }
0xa8: {  	s24 =	sadd.s32 $0x43500, s12;
	[smem:$0x7AE] =	sst s23  }
0xa9: {  	s26 =	sadd.s32 $0x43900, s12;
	[smem:$0x7AF] =	sst s24  }
0xaa: {  	s28 =	sadd.s32 $0x43D00, s12;
	[smem:$0x7B0] =	sst s26  }
0xab: {  	s30 =	sadd.s32 $0x40980, s12;
	[smem:$0x7B1] =	sst s28  }
0xac: {  	s13 =	sadd.s32 $0x42600, s12;
	[smem:$0x7B3] =	sst s30  }
0xad: {  	s14 =	sadd.s32 $0x42A00, s12;
	[smem:$0x7C9] =	sst s13  }
0xae: {  	[smem:$0x7CA] =	sst s14  }
0xaf: {  	s19 =	sadd.s32 $0x1980, s12;
	[smem:$0x7FD] =	sst s0  }
0xb0: {  	s18 =	sadd.s32 $0x2200, s12;
	[smem:$0x73F] =	sst s19  }
0xb1: {  	s29 =	sadd.s32 $0x1F80, s12;
	[smem:$0x750] =	sst s18  }
0xb2: {  	s31 =	sadd.s32 $0x2780, s12;
	[smem:$0x77C] =	sst s29  }
0xb3: {  	s5 =	sadd.s32 $0x2B80, s12;
	[smem:$0x77E] =	sst s31  }
0xb4: {  	s11 =	sadd.s32 $0x2F80, s12;
	[smem:$0x77F] =	sst s5  }
0xb5: {  	s16 =	sadd.s32 $0x3F80, s12;
	[smem:$0x780] =	sst s11  }
0xb6: {  	s17 =	sadd.s32 $0x40400, s12;
	[smem:$0x784] =	sst s16  }
0xb7: {  	s22 =	sadd.s32 $0x41400, s12;
	[smem:$0x785] =	sst s17  }
0xb8: {  	s15 =	sadd.s32 $0x42180, s12;
	[smem:$0x789] =	sst s22  }
0xb9: {  	s21 =	sadd.s32 $0x43580, s12;
	[smem:$0x7B9] =	sst s15  }
0xba: {  	s23 =	sadd.s32 $0x43D80, s12;
	[smem:$0x7BE] =	sst s21  }
0xbb: {  	s24 =	sadd.s32 $0x40600, s12;
	[smem:$0x7C0] =	sst s23  }
0xbc: {  	s26 =	sadd.s32 $0x40A00, s12;
	[smem:$0x7C1] =	sst s24  }
0xbd: {  	s28 =	sadd.s32 $0x40E00, s12;
	[smem:$0x7C2] =	sst s26  }
0xbe: {  	s30 =	sadd.s32 $0x41600, s12;
	[smem:$0x7C3] =	sst s28  }
0xbf: {  	s13 =	sadd.s32 $0x43280, s12;
	[smem:$0x7C5] =	sst s30  }
0xc0: {  	s14 =	sadd.s32 $0x43680, s12;
	[smem:$0x7DB] =	sst s13  }
0xc1: {  	s19 =	sadd.s32 $0x2600, s12;
	[smem:$0x7DC] =	sst s14  }
0xc2: {  	s18 =	sadd.s32 $0x2E80, s12;
	[smem:$0x751] =	sst s19  }
0xc3: {  	s29 =	sadd.s32 $0x42800, s12;
	[smem:$0x762] =	sst s18  }
0xc4: {  	s31 =	sadd.s32 $0x43000, s12;
	[smem:$0x78E] =	sst s29  }
0xc5: {  	s5 =	sadd.s32 $0x43400, s12;
	[smem:$0x790] =	sst s31  }
0xc6: {  	s11 =	sadd.s32 $0x43800, s12;
	[smem:$0x791] =	sst s5  }
0xc7: {  	s16 =	sadd.s32 $0x40C80, s12;
	[smem:$0x792] =	sst s11  }
0xc8: {  	s17 =	sadd.s32 $0x41080, s12;
	[smem:$0x796] =	sst s16  }
0xc9: {  	s22 =	sadd.s32 $0x42080, s12;
	[smem:$0x797] =	sst s17  }
0xca: {  	s15 =	sadd.s32 $0x42E00, s12;
	[smem:$0x79B] =	sst s22  }
0xcb: {  	s21 =	sadd.s32 $0x40680, s12;
	[smem:$0x7CB] =	sst s15  }
0xcc: {  	s23 =	sadd.s32 $0x40E80, s12;
	[smem:$0x7D0] =	sst s21  }
0xcd: {  	s24 =	sadd.s32 $0x41280, s12;
	[smem:$0x7D2] =	sst s23  }
0xce: {  	s26 =	sadd.s32 $0x41680, s12;
	[smem:$0x7D3] =	sst s24  }
0xcf: {  	s28 =	sadd.s32 $0x41A80, s12;
	[smem:$0x7D4] =	sst s26  }
0xd0: {  	s30 =	sadd.s32 $0x42280, s12;
	[smem:$0x7D5] =	sst s28  }
0xd1: {  	s13 =	sadd.s32 $0x43F00, s12;
	[smem:$0x7D7] =	sst s30  }
0xd2: {  	s14 =	sadd.s32 $0x40780, s12;
	[smem:$0x7ED] =	sst s13  }
0xd3: {  	s19 =	sadd.s32 $0x3280, s12;
	[smem:$0x7EE] =	sst s14  }
0xd4: {  	s18 =	sadd.s32 $0x3B00, s12;
	[smem:$0x763] =	sst s19  }
0xd5: {  	s29 =	sadd.s32 $0x43480, s12;
	[smem:$0x774] =	sst s18  }
0xd6: {  	s31 =	sadd.s32 $0x43C80, s12;
	[smem:$0x7A0] =	sst s29  }
0xd7: {  	s5 =	sadd.s32 $0x40500, s12;
	[smem:$0x7A2] =	sst s31  }
0xd8: {  	s11 =	sadd.s32 $0x40900, s12;
	[smem:$0x7A3] =	sst s5  }
0xd9: {  	s16 =	sadd.s32 $0x41900, s12;
	[smem:$0x7A4] =	sst s11  }
0xda: {  	s17 =	sadd.s32 $0x41D00, s12;
	[smem:$0x7A8] =	sst s16  }
0xdb: {  	s22 =	sadd.s32 $0x42D00, s12;
	[smem:$0x7A9] =	sst s17  }
0xdc: {  	s15 =	sadd.s32 $0x43A80, s12;
	[smem:$0x7AD] =	sst s22  }
0xdd: {  	s21 =	sadd.s32 $0x41300, s12;
	[smem:$0x7DD] =	sst s15  }
0xde: {  	s23 =	sadd.s32 $0x41B00, s12;
	[smem:$0x7E2] =	sst s21  }
0xdf: {  	s24 =	sadd.s32 $0x41F00, s12;
	[smem:$0x7E4] =	sst s23  }
0xe0: {  	s26 =	sadd.s32 $0x42300, s12;
	[smem:$0x7E5] =	sst s24  }
0xe1: {  	s28 =	sadd.s32 $0x42700, s12;
	[smem:$0x7E6] =	sst s26  }
0xe2: {  	s30 =	sadd.s32 $0x42F00, s12;
	[smem:$0x7E7] =	sst s28  }
0xe3: {  	s19 =	sadd.s32 $0x3F00, s12;
	[smem:$0x7E9] =	sst s30  }
0xe4: {  	s18 =	sadd.s32 $0x40800, s12;
	[smem:$0x775] =	sst s19  }
0xe5: {  	s29 =	sadd.s32 $0x40580, s12;
	[smem:$0x786] =	sst s18  }
0xe6: {  	s31 =	sadd.s32 $0x40D80, s12;
	[smem:$0x7B2] =	sst s29  }
0xe7: {  	s5 =	sadd.s32 $0x41180, s12;
	[smem:$0x7B4] =	sst s31  }
0xe8: {  	s11 =	sadd.s32 $0x41580, s12;
	[smem:$0x7B5] =	sst s5  }
0xe9: {  	s16 =	sadd.s32 $0x42580, s12;
	[smem:$0x7B6] =	sst s11  }
0xea: {  	s17 =	sadd.s32 $0x42980, s12;
	[smem:$0x7BA] =	sst s16  }
0xeb: {  	s22 =	sadd.s32 $0x43980, s12;
	[smem:$0x7BB] =	sst s17  }
0xec: {  	s15 =	sadd.s32 $0x40B80, s12;
	[smem:$0x7BF] =	sst s22  }
0xed: {  	s21 =	sadd.s32 $0x41F80, s12;
	[smem:$0x7EF] =	sst s15  }
0xee: {  	s23 =	sadd.s32 $0x42780, s12;
	[smem:$0x7F4] =	sst s21  }
0xef: {  	s24 =	sadd.s32 $0x42B80, s12;
	[smem:$0x7F6] =	sst s23  }
0xf0: {  	s26 =	sadd.s32 $0x42F80, s12;
	[smem:$0x7F7] =	sst s24  }
0xf1: {  	s28 =	sadd.s32 $0x43380, s12;
	[smem:$0x7F8] =	sst s26  }
0xf2: {  	s30 =	sadd.s32 $0x43B80, s12;
	[smem:$0x7F9] =	sst s28  }
0xf3: {  	s19 =	sadd.s32 $0x40C00, s12;
	[smem:$0x7FB] =	sst s30  }
0xf4: {  	s18 =	sadd.s32 $0x41480, s12;
	[smem:$0x787] =	sst s19  }
0xf5: {  	s29 =	sadd.s32 $0x41200, s12;
	[smem:$0x798] =	sst s18  }
0xf6: {  	s31 =	sadd.s32 $0x41A00, s12;
	[smem:$0x7C4] =	sst s29  }
0xf7: {  	s5 =	sadd.s32 $0x41E00, s12;
	[smem:$0x7C6] =	sst s31  }
0xf8: {  	s11 =	sadd.s32 $0x42200, s12;
	[smem:$0x7C7] =	sst s5  }
0xf9: {  	s16 =	sadd.s32 $0x43200, s12;
	[smem:$0x7C8] =	sst s11  }
0xfa: {  	s17 =	sadd.s32 $0x43600, s12;
	[smem:$0x7CC] =	sst s16  }
0xfb: {  	s22 =	sadd.s32 $0x40A80, s12;
	[smem:$0x7CD] =	sst s17  }
0xfc: {  	s19 =	sadd.s32 $0x41880, s12;
	[smem:$0x7D1] =	sst s22  }
0xfd: {  	s18 =	sadd.s32 $0x42100, s12;
	[smem:$0x799] =	sst s19  }
0xfe: {  	s29 =	sadd.s32 $0x41E80, s12;
	[smem:$0x7AA] =	sst s18  }
0xff: {  	s31 =	sadd.s32 $0x42680, s12;
	[smem:$0x7D6] =	sst s29  }
0x100: {  	s5 =	sadd.s32 $0x42A80, s12;
	[smem:$0x7D8] =	sst s31  }
0x101: {  	s11 =	sadd.s32 $0x42E80, s12;
	[smem:$0x7D9] =	sst s5  }
0x102: {  	s16 =	sadd.s32 $0x43E80, s12;
	[smem:$0x7DA] =	sst s11  }
0x103: {  	s17 =	sadd.s32 $0x40700, s12;
	[smem:$0x7DE] =	sst s16  }
0x104: {  	s22 =	sadd.s32 $0x41700, s12;
	[smem:$0x7DF] =	sst s17  }
0x105: {  	s19 =	sadd.s32 $0x42500, s12;
	[smem:$0x7E3] =	sst s22  }
0x106: {  	s18 =	sadd.s32 $0x42D80, s12;
	[smem:$0x7AB] =	sst s19  }
0x107: {  	s29 =	sadd.s32 $0x42B00, s12;
	[smem:$0x7BC] =	sst s18  }
0x108: {  	s31 =	sadd.s32 $0x43300, s12;
	[smem:$0x7E8] =	sst s29  }
0x109: {  	s5 =	sadd.s32 $0x43700, s12;
	[smem:$0x7EA] =	sst s31  }
0x10a: {  	s11 =	sadd.s32 $0x43B00, s12;
	[smem:$0x7EB] =	sst s5  }
0x10b: {  	s16 =	sadd.s32 $0x40F80, s12;
	[smem:$0x7EC] =	sst s11  }
0x10c: {  	s17 =	sadd.s32 $0x41380, s12;
	[smem:$0x7F0] =	sst s16  }
0x10d: {  	s22 =	sadd.s32 $0x42380, s12;
	[smem:$0x7F1] =	sst s17  }
0x10e: {  	s19 =	sadd.s32 $0x43180, s12;
	[smem:$0x7F5] =	sst s22  }
0x10f: {  	s18 =	sadd.s32 $0x43A00, s12;
	[smem:$0x7BD] =	sst s19  }
0x110: {  	s29 =	sadd.s32 $0x43780, s12;
	[smem:$0x7CE] =	sst s18  }
0x111: {  	s25 =	sor.u32 $0x40, s7;
	s31 =	sadd.s32 $0x43F80, s12;
	[smem:$0x7FA] =	sst s29  }
0x112: {  	s4 =	simm.s32 $0x2;
	s19 =	sadd.s32 $0x43E00, s12;
	[smem:$0x7FC] =	sst s31  }
.Ltmp0:
0x113: {  	v9 =	vlaneseq.u32;
	v4 =	vimm.f32 $0.0e+00;
	v5 =	vimm.f32 $1.000000000e+00;
	s18 =	sadd.s32 $0x40B00, s12;
	[smem:$0x7CF] =	sst s19;
	(pc) =	sbr.rel .LBB2_1-.Ltmp0, $4  }
0x114: {  	v6 =	vimm.s32 $0x0;
	v7 =	vimm.s32 $0x2000;
	v8 =	vmul.u32 $0xFFFFFFFF, v9;
	s21 =	simm.s32 $0x6000;
	[smem:$0x7E0] =	sst s18;
	s19 =	sadd.s32 $0x40F00, s12  }
0x115: {  	vm0 =	vcmask $0x300;
	vm1 =	vcmask $0x704;
	vm2 =	vmmov $0x1;
	s17 =	simm.s32 $0x3000;
	s18 =	sadd.s32 $0x41780, s12;
	[smem:$0x7E1] =	sst s19  }
0x116: {  	v9 =	vmul.u32 $0x40000, v9;
	v8 =	vadd.s32 $0xF, v8;
	v0 =	vmov s3;
	s5 =	simm.s32 $0x1;
	[smem:$0x7F2] =	sst s18;
	s19 =	sadd.s32 $0x41B80, s12  }
0x117: {  	v1 =	vmov s8;
	v3 =	vmov s20;
	v2 =	vmov s0;
	s16 =	simm.s32 $0x3;
	s11 =	simm.s32 $0x0;
	[smem:$0x7F3] =	sst s19  }
.LBB2_47:
0x118: {  	s11 =	sadd.s32 $0x1, s11;
	s0 =	rddreg [dreg:$0x15]  }
0x119: {  	p1 =	sne.s32 s11, s0  }
.Ltmp1:
0x11a: {  	_ = 	snop;
	(pc) =	sbr.rel @!p1 .LBB2_48-.Ltmp1, $1  }
0x11b: {  	_ =	sdelay $0x3  }
.LBB2_1:
0x11c: {  	[smem:$0x70F] =	sst s11;
	s3 =	simm.s32 $0x6040  }
0x11d: {  	[tilespmem:s3+$0xFFFFFFC0] =	vst v4  }
0x11e: {  	[tilespmem:s3+$0x30] =	vst v4  }
0x11f: {  	[tilespmem:s3+$0x20] =	vst v4  }
0x120: {  	[tilespmem:s3+$0x10] =	vst v4  }
0x121: {  	[tilespmem:s3+$0x0] =	vst v4  }
0x122: {  	[tilespmem:s3+$0xFFFFFFF0] =	vst v4  }
0x123: {  	s8 =	simm.s32 $0x0;
	[tilespmem:s3+$0xFFFFFFE0] =	vst v4  }
.LBB2_2:
0x124: {  	s8 =	sadd.s32 $0x8, s8;
	[tilespmem:s3+$0xFFFFFFD0] =	vst v4;
	s3 =	sadd.s32 $0x80, s3  }
0x125: {  	[tilespmem:s3+$0xFFFFFFC0] =	vst v4;
	p1 =	slt.u32 s8, $0x7F8  }
0x126: {  	[tilespmem:s3+$0x30] =	vst v4  }
.Ltmp2:
0x127: {  	[tilespmem:s3+$0x20] =	vst v4;
	(pc) =	sbr.rel @p1 .LBB2_2-.Ltmp2, $4  }
0x128: {  	[tilespmem:s3+$0x10] =	vst v4  }
0x129: {  	[tilespmem:s3+$0x0] =	vst v4  }
0x12a: {  	[tilespmem:s3+$0xFFFFFFF0] =	vst v4  }
0x12b: {  	[tilespmem:s3+$0xFFFFFFE0] =	vst v4  }
0x12c: {  	[tilespmem:s3+$0xFFFFFFD0] =	vst v4  }
0x12d: {  	s15 =	simm.s32 $0x0;
	s28 =	simm.s32 $0x4000;
	s0 =	rddreg [dreg:$0x7]  }
0x12e: {  	[tilespmem:s28], [sflag:$0x1] =	stream.linear.gather [hbm4b:s0+s15], $0x1000, $0x38;
	[tilespmem:$0x19D00] =	vst v63  }
0x12f: {  	s29 =	rddreg [dreg:$0x10]  }
0x130: {  	[tilespmem:s15], [sflag:$0x1] =	stream.linear.gather [hbm4b:s29+s15], $0x1000, $0x38;
	[tilespmem:$0x19D00] =	vst v63  }
0x131: {  	s31 =	simm.s32 $0x1000;
	s3 =	simm.s32 $0x0;
	s30 =	rddreg [dreg:$0x11]  }
0x132: {  	[tilespmem:s31], [sflag:$0x1] =	stream.linear.gather [hbm4b:s30+s15], $0x1000, $0x38;
	[tilespmem:$0x19D00] =	vst v63  }
.LBB2_4:
0x133: {  	s8 =	sshll.u32 s3, $0x6  }
0x134: {  	s11 =	sor.u32 s8, s7  }
0x135: {  	s11 =	sshll.u32 s11, $0x7  }
0x136: {  	s11 =	sor.u32 $0x1000, s11  }
0x137: {  	s13 =	sor.u32 s6, s11  }
0x138: {  	s13 =	sshrl.u32 s13, $0x3  }
0x139: {  	s0 =	simm.s32 $0x5000;
	s24 =	sor.u32 s9, s11;
	s13 =	sadd.s32 s2, s13  }
0x13a: {  	[tilespmem:s0], [sflag:$0x2] =	stream.linear.gather [hbm4b:s13+s15], $0x1000, $0x38;
	[tilespmem:$0x19D00] =	vst v63  }
0x13b: {  	s11 =	sor.u32 s10, s11;
	s13 =	sshrl.u32 s24, $0x3  }
0x13c: {  	s26 =	simm.s32 $0x2000;
	s11 =	sshrl.u32 s11, $0x3;
	s13 =	sadd.s32 s1, s13  }
0x13d: {  	[tilespmem:s26], [sflag:$0x2] =	stream.linear.gather [hbm4b:s13+s15], $0x1000, $0x38;
	[tilespmem:$0x19D00] =	vst v63  }
0x13e: {  	s11 =	sadd.s32 s1, s11  }
0x13f: {  	[tilespmem:s17], [sflag:$0x2] =	stream.linear.gather [hbm4b:s11+s15], $0x1000, $0x38;
	[tilespmem:$0x19D00] =	vst v63  }
0x140: {  	_ =	swait.ge [sflag:s5], $0x1000  }
0x141: {  	[sflag:s5] =	ssyncset.done $0x0  }
0x142: {  	[sflag:s5] =	ssyncadd.s32 $0xFFFFF000  }
0x143: {  	_ =	swait.ge [sflag:s5], $0x1000  }
0x144: {  	[sflag:s5] =	ssyncset.done $0x0  }
0x145: {  	[sflag:s5] =	ssyncadd.s32 $0xFFFFF000  }
0x146: {  	_ =	swait.ge [sflag:s5], $0x1000  }
0x147: {  	[sflag:s5] =	ssyncset.done $0x0  }
0x148: {  	[sflag:s5] =	ssyncadd.s32 $0xFFFFF000  }
0x149: {  	s28 =	simm.s32 $0x4000;
	v10 =	vld [tilespmem:s15+$0x0]  }
0x14a: {  	v13 =	vld [tilespmem:s28+$0x0];
	_ =	sdelay $0x3  }
0x14b: {  	s22 =	sand.u32 $0x40, s15;
	v11 =	vsub.f32 $1.000000000e+00, v10  }
0x14c: {  	s18 =	sand.u32 $0xF80, s15;
	s26 =	sor.u32 $0x30, s22;
	vm3 =	veq.s32 v13, v0  }
0x14d: {  	s29 =	sor.u32 s18, s26;
	v10 =	vsel vm3, v11, v10  }
0x14e: {  	s13 =	sor.u32 $0x20, s22;
	v11 =	vld [tilespmem:s29+$0x0];
	v10 =	vand.u32 $0x7FFFFFFF, v10  }
0x14f: {  	s20 =	sor.u32 s18, s13;
	s11 =	sor.u32 $0x10, s22;
	v14 =	vld [tilespmem:s29+$0x4000];
	v12 =	vsel vm3, $0x4000, v6;
	v10 =	vshrl.u32 v10, $0x12  }
0x150: {  	s23 =	sor.u32 s18, s11;
	v17 =	vld [tilespmem:s20+$0x4000];
	v10 =	vor.u32 v12, v10  }
0x151: {  	v16 =	vld [tilespmem:s23+$0x0]  }
0x152: {  	v15 =	vld [tilespmem:s20+$0x0]  }
0x153: {  	s30 =	simm.s32 $0x40;
	v18 =	vld [tilespmem:s23+$0x4000];
	v12 =	vsub.f32 $1.000000000e+00, v11  }
0x154: {  	v19 =	vld [tilespmem:s30+$0x0];
	vm3 =	veq.s32 v14, v0  }
0x155: {  	[tilespmem:v10+s21+$0x0] =	vst.idx.add.f32.msk $0xffff, v5;
	v10 =	vsel vm3, v12, v11  }
0x156: {  	s31 =	sor.u32 $0x1000, s18;
	s24 =	sand.u32 $0x40, s30;
	s18 =	simm.s32 $0x4040;
	v20 =	vsub.f32 $1.000000000e+00, v16;
	v10 =	vand.u32 $0x7FFFFFFF, v10  }
0x157: {  	s12 =	sor.u32 $0x10, s24;
	s22 =	sor.u32 s22, s31;
	s28 =	sand.u32 $0xF80, s30;
	v21 =	vsub.f32 $1.000000000e+00, v15;
	v11 =	vsel vm3, $0x4000, v6;
	v12 =	vld [tilespmem:s18+$0x0];
	v10 =	vshrl.u32 v10, $0x12  }
0x158: {  	s0 =	sor.u32 $0x20, s24;
	s30 =	sor.u32 s28, s12;
	vm4 =	veq.s32 v17, v0;
	vm3 =	veq.s32 v18, v0;
	v22 =	vld [tilespmem:s22+$0x0];
	v23 =	vor.u32 v11, v10  }
0x159: {  	s14 =	sor.u32 $0x30, s24;
	v26 =	vld [tilespmem:s30+$0x0];
	s29 =	sor.u32 s28, s0;
	v15 =	vsel vm4, v21, v15;
	v16 =	vsel vm3, v20, v16  }
0x15a: {  	s19 =	sor.u32 s28, s14;
	v21 =	vsub.f32 $1.000000000e+00, v19;
	v15 =	vand.u32 $0x7FFFFFFF, v15;
	v20 =	vld [tilespmem:s29+$0x0];
	v16 =	vand.u32 $0x7FFFFFFF, v16  }
0x15b: {  	v25 =	vshrl.u32 v16, $0x12;
	v16 =	vsel vm4, $0x4000, v6;
	vm4 =	veq.s32 v13, v1;
	v13 =	vld [tilespmem:s19+$0x4000]  }
0x15c: {  	v15 =	vshrl.u32 v15, $0x12;
	v24 =	vsel vm3, $0x4000, v6;
	v10 =	vld [tilespmem:s29+$0x4000];
	vm3 =	veq.s32 v12, v0  }
0x15d: {  	v24 =	vor.u32 v24, v25;
	v19 =	vsel vm3, v21, v19;
	[tilespmem:v23+s21+$0x0] =	vst.idx.add.f32.msk $0xffff, v5;
	v23 =	vsub.f32 $1.000000000e+00, v22  }
0x15e: {  	vm5 =	veq.s32 v14, v1;
	v11 =	vld [tilespmem:s30+$0x4000];
	v21 =	vor.u32 v16, v15;
	v15 =	vand.u32 $0x7FFFFFFF, v19  }
0x15f: {  	v15 =	vshrl.u32 v15, $0x12;
	v19 =	vsel vm4, v23, v22;
	v22 =	vsel vm3, $0x4000, v6  }
0x160: {  	s26 =	sor.u32 s26, s31;
	vm7 =	veq.s32 v13, v0;
	v23 =	vld [tilespmem:s19+$0x0];
	vm3 =	veq.s32 v18, v1;
	v27 =	vor.u32 v22, v15  }
0x161: {  	v16 =	vld [tilespmem:s26+$0x0];
	v15 =	vsel vm4, $0x6000, v7;
	v19 =	vshrl.u32 v19, $0x12;
	vm4 =	veq.s32 v17, v1  }
0x162: {  	[tilespmem:v24+s21+$0x0] =	vst.idx.add.f32.msk $0xffff, v5;
	v17 =	vsub.f32 $1.000000000e+00, v20;
	v15 =	vor.u32 v15, v19;
	v19 =	vsub.f32 $1.000000000e+00, v26  }
0x163: {  	s13 =	sor.u32 s13, s31;
	vm8 =	veq.s32 v11, v0;
	vm6 =	veq.s32 v10, v0;
	v14 =	vsel vm3, $0x6000, v7;
	[tilespmem:v21+s21+$0x0] =	vst.idx.add.f32.msk $0xffff, v5  }
0x164: {  	s28 =	sor.u32 $0x1000, s28;
	v22 =	vsel vm8, $0x4000, v6;
	v18 =	vld [tilespmem:s13+$0x0];
	v20 =	vsel vm6, v17, v20;
	v26 =	vsel vm8, v19, v26  }
0x165: {  	s31 =	sor.u32 s11, s31;
	s30 =	sor.u32 s24, s28;
	v17 =	vsel vm4, $0x6000, v7;
	v25 =	vsub.f32 $1.000000000e+00, v23;
	v24 =	vand.u32 $0x7FFFFFFF, v26;
	[tilespmem:v27+s21+$0x0] =	vst.idx.add.f32.msk $0xffff, v5  }
0x166: {  	s20 =	simm.s32 $0x4;
	s23 =	sor.u32 s0, s28;
	s11 =	sor.u32 s12, s28;
	v21 =	vsub.f32 $1.000000000e+00, v16;
	v20 =	vand.u32 $0x7FFFFFFF, v20;
	v24 =	vshrl.u32 v24, $0x12;
	v19 =	vld [tilespmem:s30+$0x0]  }
0x167: {  	s22 =	simm.s32 $0x80;
	s24 =	simm.s32 $0x80;
	s13 =	sor.u32 s14, s28;
	v26 =	vsel vm7, v25, v23;
	v25 =	vshrl.u32 v20, $0x12;
	v23 =	vsel vm7, $0x4000, v6;
	v20 =	vld [tilespmem:s31+$0x0]  }
.LBB2_5:
0x168: {  	s26 =	sand.u32 $0x40, s24;
	s28 =	sand.u32 $0xF80, s24;
	v27 =	vsel vm6, $0x4000, v6;
	v26 =	vand.u32 $0x7FFFFFFF, v26;
	s18 =	sadd.s32 $0x40, s18;
	[tilespmem:v15+s21+$0x0] =	vst.idx.add.f32.msk $0xffff, v5;
	v15 =	vsel vm5, v21, v16  }
0x169: {  	v21 =	vor.u32 v22, v24;
	v16 =	vld [tilespmem:s18+$0x0];
	s30 =	sor.u32 $0x10, s26;
	s29 =	sor.u32 $0x20, s26;
	s31 =	sor.u32 $0x30, s26;
	v22 =	vor.u32 v27, v25;
	v24 =	vshrl.u32 v26, $0x12  }
0x16a: {  	v26 =	vsel vm5, $0x6000, v7;
	v25 =	vld [tilespmem:s22+$0x0];
	s14 =	sor.u32 s28, s30;
	s12 =	sor.u32 s28, s29;
	s19 =	sor.u32 s28, s31;
	v23 =	vor.u32 v23, v24;
	v24 =	vsub.f32 $1.000000000e+00, v18  }
0x16b: {  	s20 =	sadd.s32 $0x4, s20;
	s0 =	sor.u32 $0x1000, s28;
	vm5 =	veq.s32 v12, v1;
	v15 =	vshrl.u32 v15, $0x12;
	v27 =	vld [tilespmem:s12+$0x4000];
	v32 =	vsub.f32 $1.000000000e+00, v19  }
0x16c: {  	s28 =	sor.u32 s26, s0;
	s29 =	sor.u32 s29, s0;
	s31 =	sor.u32 s31, s0;
	v28 =	vld [tilespmem:s14+$0x4000];
	v29 =	vsub.f32 $1.000000000e+00, v20;
	v18 =	vsel vm4, v24, v18;
	v24 =	vor.u32 v26, v15  }
0x16d: {  	p1 =	slt.u32 s20, $0xFC;
	s26 =	sor.u32 s30, s0;
	v15 =	vsel vm5, $0x6000, v7;
	v26 =	vld [tilespmem:s12+$0x0];
	v31 =	vsel vm5, v32, v19;
	v18 =	vshrl.u32 v18, $0x12  }
0x16e: {  	v19 =	vld [tilespmem:s14+$0x0];
	v30 =	vshrl.u32 v31, $0x12;
	v20 =	vsel vm3, v29, v20;
	v17 =	vor.u32 v17, v18;
	v12 =	vmovc v16  }
0x16f: {  	v16 =	vsub.f32 $1.000000000e+00, v25;
	v15 =	vor.u32 v15, v30;
	[tilespmem:v23+s21+$0x0] =	vst.idx.add.f32.msk $0xffff, v5;
	v18 =	vshrl.u32 v20, $0x12  }
0x170: {  	vm3 =	veq.s32 v12, v0;
	v20 =	vld [tilespmem:s19+$0x4000];
	v14 =	vor.u32 v14, v18  }
0x171: {  	v16 =	vsel vm3, v16, v25;
	[tilespmem:v24+s21+$0x0] =	vst.idx.add.f32.msk $0xffff, v5  }
0x172: {  	v18 =	vand.u32 $0x7FFFFFFF, v16;
	v16 =	vld [tilespmem:s13+$0x0];
	s13 =	smov.u32 s31  }
0x173: {  	v23 =	vsel vm3, $0x4000, v6;
	v18 =	vshrl.u32 v18, $0x12;
	v24 =	vld [tilespmem:s19+$0x0]  }
0x174: {  	v23 =	vor.u32 v23, v18;
	[tilespmem:v17+s21+$0x0] =	vst.idx.add.f32.msk $0xffff, v5  }
0x175: {  	vm5 =	veq.s32 v13, v1;
	vm3 =	veq.s32 v11, v1;
	v17 =	vsub.f32 $1.000000000e+00, v19;
	[tilespmem:v14+s21+$0x0] =	vst.idx.add.f32.msk $0xffff, v5  }
0x176: {  	vm4 =	veq.s32 v10, v1;
	vm7 =	veq.s32 v20, v0;
	v14 =	vsel vm3, $0x6000, v7;
	[tilespmem:v22+s21+$0x0] =	vst.idx.add.f32.msk $0xffff, v5  }
.Ltmp3:
0x177: {  	v10 =	vmovc v27;
	vm8 =	veq.s32 v28, v0;
	v25 =	vsub.f32 $1.000000000e+00, v26;
	[tilespmem:v21+s21+$0x0] =	vst.idx.add.f32.msk $0xffff, v5;
	v21 =	vsub.f32 $1.000000000e+00, v16;
	(pc) =	sbr.rel @p1 .LBB2_5-.Ltmp3, $4  }
0x178: {  	vm6 =	veq.s32 v10, v0;
	v11 =	vmovc v28;
	v13 =	vmovc v20;
	v22 =	vsel vm8, $0x4000, v6;
	v27 =	vsub.f32 $1.000000000e+00, v24;
	v18 =	vld [tilespmem:s23+$0x0];
	s23 =	smov.u32 s29  }
0x179: {  	v20 =	vsel vm8, v17, v19;
	v17 =	vsel vm4, $0x6000, v7;
	[tilespmem:v23+s21+$0x0] =	vst.idx.add.f32.msk $0xffff, v5;
	v23 =	vsel vm6, v25, v26  }
0x17a: {  	v20 =	vand.u32 $0x7FFFFFFF, v20;
	v19 =	vld [tilespmem:s28+$0x0];
	v23 =	vand.u32 $0x7FFFFFFF, v23;
	v26 =	vsel vm7, v27, v24  }
0x17b: {  	s24 =	sadd.s32 $0x40, s24;
	s22 =	sadd.s32 $0x40, s22;
	v24 =	vshrl.u32 v20, $0x12;
	v25 =	vshrl.u32 v23, $0x12;
	v23 =	vsel vm7, $0x4000, v6;
	v20 =	vld [tilespmem:s11+$0x0];
	s11 =	smov.u32 s26  }
0x17c: {  	v26 =	vand.u32 $0x7FFFFFFF, v26  }
0x17d: {  	v22 =	vor.u32 v22, v24;
	v26 =	vshrl.u32 v26, $0x12  }
0x17e: {  	v23 =	vor.u32 v23, v26  }
0x17f: {  	v26 =	vsel vm6, $0x4000, v6  }
0x180: {  	v25 =	vor.u32 v26, v25;
	_ =	sdelay $0x1  }
0x181: {  	[tilespmem:v22+s21+$0x0] =	vst.idx.add.f32.msk $0xffff, v5  }
0x182: {  	[tilespmem:v23+s21+$0x0] =	vst.idx.add.f32.msk $0xffff, v5  }
0x183: {  	v16 =	vsel vm5, v21, v16;
	v21 =	vsub.f32 $1.000000000e+00, v18;
	v23 =	vld [tilespmem:s13+$0x0]  }
0x184: {  	v24 =	vsel vm5, $0x6000, v7;
	vm5 =	veq.s32 v12, v1;
	v16 =	vshrl.u32 v16, $0x12;
	[tilespmem:v25+s21+$0x0] =	vst.idx.add.f32.msk $0xffff, v5  }
0x185: {  	v16 =	vor.u32 v24, v16;
	v12 =	vsub.f32 $1.000000000e+00, v19;
	v18 =	vsel vm4, v21, v18;
	v21 =	vld [tilespmem:s23+$0x0]  }
0x186: {  	vm4 =	veq.s32 v13, v1;
	v18 =	vshrl.u32 v18, $0x12;
	v22 =	vsub.f32 $1.000000000e+00, v20;
	v24 =	vld [tilespmem:s11+$0x0]  }
0x187: {  	v12 =	vsel vm5, v12, v19;
	v19 =	vsel vm5, $0x6000, v7;
	vm5 =	veq.s32 v10, v1  }
0x188: {  	v17 =	vor.u32 v17, v18;
	v12 =	vshrl.u32 v12, $0x12;
	v13 =	vsel vm5, $0x6000, v7  }
0x189: {  	v20 =	vsel vm3, v22, v20;
	vm3 =	veq.s32 v11, v1;
	v11 =	vsub.f32 $1.000000000e+00, v23  }
0x18a: {  	v12 =	vor.u32 v19, v12;
	v18 =	vshrl.u32 v20, $0x12;
	v10 =	vsub.f32 $1.000000000e+00, v21  }
0x18b: {  	v14 =	vor.u32 v14, v18;
	v18 =	vsub.f32 $1.000000000e+00, v24;
	v11 =	vsel vm4, v11, v23  }
0x18c: {  	v19 =	vsel vm4, $0x6000, v7;
	v11 =	vshrl.u32 v11, $0x12;
	v10 =	vsel vm5, v10, v21  }
0x18d: {  	[tilespmem:v15+s21+$0x0] =	vst.idx.add.f32.msk $0xffff, v5;
	v15 =	vsel vm3, v18, v24;
	v11 =	vor.u32 v19, v11;
	v10 =	vshrl.u32 v10, $0x12  }
0x18e: {  	[tilespmem:v16+s21+$0x0] =	vst.idx.add.f32.msk $0xffff, v5;
	v16 =	vsel vm3, $0x6000, v7;
	v10 =	vor.u32 v13, v10;
	v13 =	vshrl.u32 v15, $0x12  }
0x18f: {  	p1 =	seq.s32 s3, $0xF;
	[tilespmem:v17+s21+$0x0] =	vst.idx.add.f32.msk $0xffff, v5;
	v13 =	vor.u32 v16, v13  }
0x190: {  	s0 =	sadd.s32 @!p1 s8, s25;
	[tilespmem:v12+s21+$0x0] =	vst.idx.add.f32.msk $0xffff, v5  }
0x191: {  	s0 =	sshll.u32 @!p1 s0, $0x7;
	[tilespmem:v14+s21+$0x0] =	vst.idx.add.f32.msk $0xffff, v5  }
0x192: {  	s8 =	sadd.s32 @!p1 s6, s0;
	[tilespmem:v11+s21+$0x0] =	vst.idx.add.f32.msk $0xffff, v5  }
0x193: {  	s8 =	sshrl.u32 @!p1 s8, $0x3;
	[tilespmem:v10+s21+$0x0] =	vst.idx.add.f32.msk $0xffff, v5  }
0x194: {  	s12 =	simm.s32 @!p1 $0x4000;
	s8 =	sadd.s32 @!p1 s2, s8;
	s11 =	simm.s32 @!p1 $0x0;
	[tilespmem:v13+s21+$0x0] =	vst.idx.add.f32.msk $0xffff, v5  }
0x195: {  	[tilespmem:s12], [sflag:$0x1] =	stream.linear.gather @!p1 [hbm4b:s8+s11], $0x1000, $0x38;
	[tilespmem:$0x19D00] =	vst v63  }
0x196: {  	s8 =	sor.u32 @!p1 s9, s0  }
0x197: {  	s0 =	sadd.s32 @!p1 s10, s0;
	s8 =	sshrl.u32 @!p1 s8, $0x3  }
0x198: {  	s0 =	sshrl.u32 @!p1 s0, $0x3;
	s8 =	sadd.s32 @!p1 s1, s8  }
0x199: {  	[tilespmem:s11], [sflag:$0x1] =	stream.linear.gather @!p1 [hbm4b:s8+s11], $0x1000, $0x38;
	[tilespmem:$0x19D00] =	vst v63  }
0x19a: {  	s0 =	sadd.s32 @!p1 s1, s0;
	s8 =	simm.s32 @!p1 $0x1000  }
0x19b: {  	[tilespmem:s8], [sflag:$0x1] =	stream.linear.gather @!p1 [hbm4b:s0+s11], $0x1000, $0x38;
	[tilespmem:$0x19D00] =	vst v63  }
0x19c: {  	_ =	swait.ge [sflag:s4], $0x1000  }
0x19d: {  	[sflag:s4] =	ssyncset.done $0x0  }
0x19e: {  	[sflag:s4] =	ssyncadd.s32 $0xFFFFF000  }
0x19f: {  	_ =	swait.ge [sflag:s4], $0x1000  }
0x1a0: {  	[sflag:s4] =	ssyncset.done $0x0  }
0x1a1: {  	s22 =	simm.s32 $0x0;
	[sflag:s4] =	ssyncadd.s32 $0xFFFFF000  }
0x1a2: {  	s13 =	sand.u32 $0x40, s22;
	s0 =	sand.u32 $0xF80, s22;
	_ =	swait.ge [sflag:s4], $0x1000  }
0x1a3: {  	s24 =	sor.u32 $0x30, s13;
	s23 =	sor.u32 $0x2000, s0;
	[sflag:s4] =	ssyncset.done $0x0  }
0x1a4: {  	s26 =	sor.u32 $0x5000, s0;
	s14 =	sor.u32 s24, s23;
	[sflag:s4] =	ssyncadd.s32 $0xFFFFF000  }
0x1a5: {  	s18 =	sor.u32 s24, s26;
	v10 =	vld [tilespmem:s14+$0x0]  }
0x1a6: {  	v11 =	vld [tilespmem:s18+$0x0];
	_ =	sdelay $0x2  }
0x1a7: {  	s22 =	sor.u32 $0x10, s13;
	s28 =	sor.u32 s13, s23  }
0x1a8: {  	s29 =	sor.u32 s22, s23;
	v13 =	vld [tilespmem:s28+$0x0];
	v12 =	vsub.f32 $1.000000000e+00, v10  }
0x1a9: {  	s31 =	sor.u32 s22, s26;
	v14 =	vld [tilespmem:s29+$0x0];
	vm3 =	veq.s32 v11, v0  }
0x1aa: {  	s30 =	sor.u32 s13, s26;
	v17 =	vld [tilespmem:s31+$0x0];
	v10 =	vsel vm3, v12, v10  }
0x1ab: {  	s20 =	sor.u32 $0x20, s13;
	v15 =	vld [tilespmem:s30+$0x0];
	v10 =	vand.u32 $0x7FFFFFFF, v10  }
0x1ac: {  	s8 =	sor.u32 s20, s23;
	v16 =	vsel vm3, $0x4000, v6;
	v10 =	vshrl.u32 v10, $0x12  }
0x1ad: {  	s12 =	sor.u32 s20, s26;
	s18 =	simm.s32 $0x40;
	v12 =	vld [tilespmem:s8+$0x0];
	v10 =	vor.u32 v16, v10  }
0x1ae: {  	s26 =	sor.u32 $0x3000, s0;
	s23 =	sand.u32 $0xF80, s18;
	v19 =	vsub.f32 $1.000000000e+00, v14;
	s8 =	sand.u32 $0x40, s18;
	v16 =	vld [tilespmem:s12+$0x0]  }
0x1af: {  	s0 =	sor.u32 s24, s26;
	v18 =	vsub.f32 $1.000000000e+00, v13;
	vm4 =	veq.s32 v17, v0;
	s24 =	sor.u32 $0x30, s8;
	s12 =	sor.u32 $0x2000, s23  }
0x1b0: {  	vm5 =	veq.s32 v15, v1;
	vm6 =	veq.s32 v11, v1;
	v14 =	vsel vm4, v19, v14;
	s19 =	sor.u32 s24, s12  }
0x1b1: {  	v21 =	vsel vm4, $0x4000, v6;
	vm3 =	veq.s32 v15, v0;
	v14 =	vand.u32 $0x7FFFFFFF, v14;
	v19 =	vld [tilespmem:s19+$0x0]  }
0x1b2: {  	v13 =	vsel vm3, v18, v13;
	v14 =	vshrl.u32 v14, $0x12;
	v20 =	vsub.f32 $1.000000000e+00, v12;
	[tilespmem:v10+s21+$0x0] =	vst.idx.add.f32.msk $0xffff, v5  }
0x1b3: {  	v14 =	vor.u32 v21, v14;
	s29 =	sor.u32 s8, s12;
	v10 =	vsel vm3, $0x4000, v6;
	vm3 =	veq.s32 v16, v0;
	v18 =	vld [tilespmem:s0+$0x0];
	s0 =	sor.u32 $0x5000, s23  }
0x1b4: {  	v25 =	vsel vm6, $0x6000, v7;
	v13 =	vand.u32 $0x7FFFFFFF, v13;
	v15 =	vld [tilespmem:s29+$0x0];
	v12 =	vsel vm3, v20, v12;
	s28 =	sor.u32 s24, s0  }
0x1b5: {  	s11 =	sor.u32 $0x10, s8;
	s18 =	sor.u32 $0x20, s8;
	v13 =	vshrl.u32 v13, $0x12;
	vm4 =	veq.s32 v16, v1;
	v12 =	vand.u32 $0x7FFFFFFF, v12;
	s30 =	sor.u32 s8, s0;
	v20 =	vld [tilespmem:s28+$0x0]  }
0x1b6: {  	s19 =	sor.u32 s11, s12;
	s12 =	sor.u32 s18, s12;
	v10 =	vor.u32 v10, v13;
	v13 =	vsel vm3, $0x4000, v6;
	v12 =	vshrl.u32 v12, $0x12;
	v11 =	vld [tilespmem:s30+$0x0]  }
0x1b7: {  	v21 =	vld [tilespmem:s12+$0x0];
	v16 =	vsel vm5, $0x6000, v7;
	vm3 =	veq.s32 v17, v1;
	v12 =	vor.u32 v13, v12  }
0x1b8: {  	[tilespmem:v14+s21+$0x0] =	vst.idx.add.f32.msk $0xffff, v5;
	v24 =	vsel vm4, $0x6000, v7;
	vm4 =	vmmov vm4;
	v17 =	vsub.f32 $1.000000000e+00, v18  }
0x1b9: {  	v22 =	vsub.f32 $1.000000000e+00, v19;
	v23 =	vsel vm3, $0x6000, v7;
	s31 =	sor.u32 s11, s0;
	vm3 =	vmmov vm3;
	v13 =	vld [tilespmem:s19+$0x0]  }
0x1ba: {  	s0 =	sor.u32 s18, s0;
	v14 =	vsub.f32 $1.000000000e+00, v15;
	vm7 =	veq.s32 v20, v0;
	v17 =	vsel vm6, v17, v18;
	v18 =	vld [tilespmem:s31+$0x0]  }
0x1bb: {  	vm6 =	vmmov vm5;
	vm5 =	veq.s32 v11, v0;
	v19 =	vsel vm7, v22, v19;
	v22 =	vld [tilespmem:s0+$0x0]  }
0x1bc: {  	s20 =	sor.u32 s20, s26;
	v17 =	vshrl.u32 v17, $0x12;
	[tilespmem:v12+s21+$0x0] =	vst.idx.add.f32.msk $0xffff, v5;
	v12 =	vsub.f32 $1.000000000e+00, v21;
	v19 =	vand.u32 $0x7FFFFFFF, v19  }
0x1bd: {  	s14 =	sor.u32 s13, s26;
	s13 =	sor.u32 $0x3000, s23;
	s23 =	simm.s32 $0x80;
	[tilespmem:v10+s21+$0x0] =	vst.idx.add.f32.msk $0xffff, v5;
	v14 =	vsel vm5, v14, v15;
	v10 =	vshrl.u32 v19, $0x12;
	v19 =	vsel vm7, $0x4000, v6  }
0x1be: {  	v15 =	vsel vm5, $0x4000, v6;
	v26 =	vld [tilespmem:s20+$0x0];
	s20 =	sand.u32 $0x40, s23;
	s23 =	sand.u32 $0xF80, s23;
	v10 =	vor.u32 v19, v10;
	v19 =	vsub.f32 $1.000000000e+00, v13  }
0x1bf: {  	v17 =	vor.u32 v25, v17;
	v14 =	vand.u32 $0x7FFFFFFF, v14;
	s12 =	sor.u32 $0x5000, s23;
	vm7 =	veq.s32 v18, v0  }
0x1c0: {  	v25 =	vld [tilespmem:s14+$0x0];
	v14 =	vshrl.u32 v14, $0x12;
	s30 =	sor.u32 s20, s12;
	v13 =	vsel vm7, v19, v13;
	vm5 =	veq.s32 v22, v0  }
0x1c1: {  	s19 =	sor.u32 s22, s26;
	vm8 =	veq.s32 v18, v1;
	v30 =	vld [tilespmem:s30+$0x0];
	v13 =	vand.u32 $0x7FFFFFFF, v13;
	v12 =	vsel vm5, v12, v21  }
0x1c2: {  	v19 =	vld [tilespmem:s19+$0x0];
	v21 =	vor.u32 v15, v14;
	v15 =	vsel vm5, $0x4000, v6;
	vm5 =	veq.s32 v11, v1  }
0x1c3: {  	s22 =	sor.u32 s24, s13;
	v18 =	vsub.f32 $1.000000000e+00, v26;
	v13 =	vshrl.u32 v13, $0x12;
	v12 =	vand.u32 $0x7FFFFFFF, v12;
	[tilespmem:v10+s21+$0x0] =	vst.idx.add.f32.msk $0xffff, v5  }
0x1c4: {  	s0 =	sor.u32 $0x2000, s23;
	v10 =	vsel vm7, $0x4000, v6;
	v12 =	vshrl.u32 v12, $0x12;
	vm7 =	veq.s32 v22, v1;
	v14 =	vld [tilespmem:s22+$0x0];
	s22 =	sor.u32 $0x30, s20  }
0x1c5: {  	[tilespmem:v17+s21+$0x0] =	vst.idx.add.f32.msk $0xffff, v5;
	v18 =	vsel vm4, v18, v26;
	v27 =	vor.u32 v10, v13;
	v13 =	vsub.f32 $1.000000000e+00, v25;
	s24 =	sor.u32 s22, s0  }
0x1c6: {  	v28 =	vor.u32 v15, v12;
	v12 =	vsel vm5, $0x6000, v7;
	v10 =	vsel vm8, $0x6000, v7;
	s26 =	sor.u32 s22, s12;
	v22 =	vld [tilespmem:s24+$0x0]  }
0x1c7: {  	v11 =	vsel vm7, $0x6000, v7;
	v15 =	vsub.f32 $1.000000000e+00, v19;
	v17 =	vsel vm6, v13, v25;
	v13 =	vld [tilespmem:s26+$0x0]  }
0x1c8: {  	s28 =	sor.u32 s20, s0;
	vm4 =	vmmov vm7;
	vm5 =	vmmov vm5;
	s24 =	sor.u32 $0x10, s20;
	vm6 =	veq.s32 v20, v1;
	[tilespmem:v21+s21+$0x0] =	vst.idx.add.f32.msk $0xffff, v5  }
0x1c9: {  	v17 =	vshrl.u32 v17, $0x12;
	v15 =	vsel vm3, v15, v19;
	s29 =	sor.u32 s24, s0;
	v19 =	vld [tilespmem:s28+$0x0];
	v25 =	vsub.f32 $1.000000000e+00, v14  }
0x1ca: {  	s26 =	sor.u32 $0x20, s20;
	vm3 =	vmmov vm8;
	v26 =	vsel vm6, $0x6000, v7;
	s31 =	sor.u32 s24, s12;
	v20 =	vshrl.u32 v15, $0x12;
	v29 =	vld [tilespmem:s29+$0x0]  }
0x1cb: {  	s0 =	sor.u32 s26, s0;
	v15 =	vor.u32 v16, v17;
	v17 =	vld [tilespmem:s31+$0x0];
	v14 =	vsel vm6, v25, v14;
	v31 =	vsub.f32 $1.000000000e+00, v22  }
0x1cc: {  	s12 =	sor.u32 s26, s12;
	v16 =	vor.u32 v23, v20;
	v25 =	vld [tilespmem:s0+$0x0];
	vm6 =	veq.s32 v13, v0;
	v14 =	vshrl.u32 v14, $0x12  }
0x1cd: {  	v26 =	vor.u32 v26, v14;
	v14 =	vshrl.u32 v18, $0x12;
	v18 =	vld [tilespmem:s12+$0x0];
	v20 =	vsel vm6, v31, v22  }
0x1ce: {  	[tilespmem:v27+s21+$0x0] =	vst.idx.add.f32.msk $0xffff, v5;
	v23 =	vsel vm6, $0x4000, v6;
	v22 =	vsub.f32 $1.000000000e+00, v19;
	v20 =	vand.u32 $0x7FFFFFFF, v20  }
0x1cf: {  	[tilespmem:v28+s21+$0x0] =	vst.idx.add.f32.msk $0xffff, v5;
	v21 =	vsub.f32 $1.000000000e+00, v29;
	vm6 =	veq.s32 v30, v0;
	v20 =	vshrl.u32 v20, $0x12  }
0x1d0: {  	s19 =	sor.u32 s8, s13;
	v14 =	vor.u32 v24, v14;
	v19 =	vsel vm6, v22, v19;
	v63 =	vor.u32 v23, v20  }
0x1d1: {  	s28 =	sor.u32 s11, s13;
	v24 =	vld [tilespmem:s19+$0x0];
	v27 =	vsub.f32 $1.000000000e+00, v25;
	v20 =	vsel vm6, $0x4000, v6;
	vm6 =	veq.s32 v17, v0  }
0x1d2: {  	v19 =	vand.u32 $0x7FFFFFFF, v19;
	v23 =	vld [tilespmem:s28+$0x0];
	v21 =	vsel vm6, v21, v29;
	vm7 =	veq.s32 v18, v0  }
0x1d3: {  	s29 =	sor.u32 s18, s13;
	v19 =	vshrl.u32 v19, $0x12;
	[tilespmem:v26+s21+$0x0] =	vst.idx.add.f32.msk $0xffff, v5;
	v21 =	vand.u32 $0x7FFFFFFF, v21;
	v22 =	vsel vm7, v27, v25  }
0x1d4: {  	s30 =	sor.u32 $0x3000, s23;
	v20 =	vor.u32 v20, v19;
	v21 =	vshrl.u32 v21, $0x12;
	v26 =	vand.u32 $0x7FFFFFFF, v22;
	v22 =	vld [tilespmem:s29+$0x0]  }
0x1d5: {  	s8 =	simm.s32 $0x8;
	s11 =	sor.u32 s24, s30;
	s31 =	sor.u32 s22, s30;
	v25 =	vsel vm6, $0x4000, v6;
	v19 =	vshrl.u32 v26, $0x12;
	v26 =	vsel vm7, $0x4000, v6;
	[tilespmem:v63+s21+$0x0] =	vst.idx.add.f32.msk $0xffff, v5  }
0x1d6: {  	s13 =	sor.u32 s20, s30;
	s18 =	sor.u32 s26, s30;
	s20 =	simm.s32 $0xC0;
	vm6 =	veq.s32 v30, v1;
	v21 =	vor.u32 v25, v21;
	v19 =	vor.u32 v26, v19;
	v25 =	vld [tilespmem:s31+$0x0]  }
.LBB2_7:
0x1d7: {  	s22 =	sand.u32 $0x40, s20;
	s24 =	sand.u32 $0xF80, s20;
	s8 =	sadd.s32 $0x4, s8;
	vm8 =	veq.s32 v17, v1;
	vm7 =	veq.s32 v18, v1;
	v17 =	vsub.f32 $1.000000000e+00, v24;
	[tilespmem:v15+s21+$0x0] =	vst.idx.add.f32.msk $0xffff, v5  }
0x1d8: {  	v18 =	vsel vm6, $0x6000, v7;
	s0 =	sor.u32 $0x2000, s24;
	s23 =	sor.u32 $0x30, s22;
	p1 =	slt.u32 s8, $0xFC;
	v26 =	vsel vm8, $0x6000, v7;
	v15 =	vsub.f32 $1.000000000e+00, v23;
	[tilespmem:v16+s21+$0x0] =	vst.idx.add.f32.msk $0xffff, v5  }
0x1d9: {  	s12 =	sor.u32 $0x5000, s24;
	s28 =	sor.u32 $0x10, s22;
	v27 =	vsel vm7, $0x6000, v7;
	s14 =	sor.u32 s23, s0;
	v16 =	vsel vm5, v17, v24;
	v17 =	vsub.f32 $1.000000000e+00, v22;
	[tilespmem:v14+s21+$0x0] =	vst.idx.add.f32.msk $0xffff, v5  }
0x1da: {  	s26 =	sor.u32 $0x20, s22;
	s19 =	sor.u32 s22, s0;
	s29 =	sor.u32 s23, s12;
	v24 =	vld [tilespmem:s14+$0x0];
	v14 =	vshrl.u32 v16, $0x12;
	v15 =	vsel vm3, v15, v23;
	vm3 =	vmmov vm8  }
0x1db: {  	s30 =	sor.u32 s28, s0;
	s0 =	sor.u32 s26, s0;
	s14 =	sor.u32 s22, s12;
	v23 =	vld [tilespmem:s29+$0x0];
	v16 =	vsub.f32 $1.000000000e+00, v25;
	v28 =	vshrl.u32 v15, $0x12;
	v17 =	vsel vm4, v17, v22  }
0x1dc: {  	vm4 =	veq.s32 v13, v1;
	v15 =	vor.u32 v12, v14;
	v12 =	vmovc v18;
	v22 =	vld [tilespmem:s19+$0x0];
	s19 =	sor.u32 s28, s12;
	s12 =	sor.u32 s26, s12;
	v13 =	vshrl.u32 v17, $0x12  }
0x1dd: {  	v29 =	vld [tilespmem:s30+$0x0];
	v17 =	vsel vm4, v16, v25;
	v16 =	vor.u32 v10, v28;
	v14 =	vor.u32 v11, v13;
	v10 =	vmovc v26  }
0x1de: {  	v11 =	vmovc v27;
	v25 =	vld [tilespmem:s0+$0x0];
	v18 =	vshrl.u32 v17, $0x12;
	v17 =	vsel vm4, $0x6000, v7;
	vm4 =	vmmov vm7  }
0x1df: {  	vm5 =	vmmov vm6;
	v26 =	vld [tilespmem:s14+$0x0];
	v27 =	vsub.f32 $1.000000000e+00, v24;
	v28 =	vor.u32 v17, v18  }
0x1e0: {  	v17 =	vld [tilespmem:s19+$0x0];
	vm6 =	veq.s32 v23, v0;
	v13 =	vmov v23  }
0x1e1: {  	v23 =	vsub.f32 $1.000000000e+00, v22;
	v18 =	vld [tilespmem:s12+$0x0];
	v24 =	vsel vm6, v27, v24  }
0x1e2: {  	v27 =	vsub.f32 $1.000000000e+00, v29;
	v24 =	vand.u32 $0x7FFFFFFF, v24;
	[tilespmem:v20+s21+$0x0] =	vst.idx.add.f32.msk $0xffff, v5  }
0x1e3: {  	v30 =	vsel vm6, $0x4000, v6;
	v20 =	vsub.f32 $1.000000000e+00, v25;
	v24 =	vshrl.u32 v24, $0x12;
	[tilespmem:v21+s21+$0x0] =	vst.idx.add.f32.msk $0xffff, v5  }
0x1e4: {  	vm6 =	veq.s32 v26, v0;
	v21 =	vor.u32 v30, v24;
	[tilespmem:v28+s21+$0x0] =	vst.idx.add.f32.msk $0xffff, v5  }
0x1e5: {  	v22 =	vsel vm6, v23, v22;
	v28 =	vsel vm6, $0x4000, v6;
	vm6 =	veq.s32 v17, v0;
	[tilespmem:v19+s21+$0x0] =	vst.idx.add.f32.msk $0xffff, v5  }
.Ltmp4:
0x1e6: {  	v19 =	vand.u32 $0x7FFFFFFF, v22;
	v22 =	vsel vm6, v27, v29;
	vm7 =	veq.s32 v18, v0;
	v24 =	vld [tilespmem:s13+$0x0];
	(pc) =	sbr.rel @p1 .LBB2_7-.Ltmp4, $4  }
0x1e7: {  	v19 =	vshrl.u32 v19, $0x12;
	v22 =	vand.u32 $0x7FFFFFFF, v22;
	v20 =	vsel vm7, v20, v25;
	v23 =	vld [tilespmem:s11+$0x0]  }
0x1e8: {  	s0 =	sor.u32 $0x3000, s24;
	v27 =	vsel vm6, $0x4000, v6;
	v25 =	vshrl.u32 v22, $0x12;
	v29 =	vand.u32 $0x7FFFFFFF, v20;
	v22 =	vld [tilespmem:s18+$0x0]  }
0x1e9: {  	s12 =	sor.u32 s23, s0;
	s13 =	sor.u32 s22, s0;
	s11 =	sor.u32 s28, s0;
	v20 =	vor.u32 v28, v19;
	v28 =	vsel vm7, $0x4000, v6;
	v19 =	vshrl.u32 v29, $0x12;
	[tilespmem:v21+s21+$0x0] =	vst.idx.add.f32.msk $0xffff, v5  }
0x1ea: {  	s20 =	sadd.s32 $0x40, s20;
	vm6 =	veq.s32 v26, v1;
	s18 =	sor.u32 s26, s0;
	v21 =	vor.u32 v27, v25;
	v19 =	vor.u32 v28, v19;
	v25 =	vld [tilespmem:s12+$0x0]  }
0x1eb: {  	_ =	sdelay $0x3  }
0x1ec: {  	[tilespmem:v20+s21+$0x0] =	vst.idx.add.f32.msk $0xffff, v5  }
0x1ed: {  	v46 =	vsub.f32 $1.000000000e+00, v24;
	[tilespmem:v21+s21+$0x0] =	vst.idx.add.f32.msk $0xffff, v5  }
0x1ee: {  	vm8 =	veq.s32 v17, v1;
	vm7 =	veq.s32 v18, v1;
	[tilespmem:v19+s21+$0x0] =	vst.idx.add.f32.msk $0xffff, v5;
	v48 =	vsel vm6, $0x6000, v7  }
0x1ef: {  	vm13 =	veq.s32 v13, v1;
	vm14 =	vmmov vm6;
	v47 =	vsub.f32 $1.000000000e+00, v23;
	v50 =	vld [tilespmem:s13+$0x0]  }
0x1f0: {  	v49 =	vsel vm8, $0x6000, v7;
	v26 =	vld [tilespmem:s11+$0x0];
	v55 =	vsel vm13, $0x6000, v7;
	vm15 =	vmmov vm7  }
0x1f1: {  	v53 =	vld [tilespmem:s18+$0x0];
	v20 =	vsel vm5, v46, v24;
	v51 =	vsub.f32 $1.000000000e+00, v22;
	v17 =	vsel vm3, v47, v23  }
0x1f2: {  	v20 =	vshrl.u32 v20, $0x12;
	vm3 =	vmmov vm8;
	v52 =	vsub.f32 $1.000000000e+00, v25  }
0x1f3: {  	v17 =	vshrl.u32 v17, $0x12;
	v22 =	vsel vm4, v51, v22;
	v12 =	vor.u32 v12, v20  }
0x1f4: {  	v22 =	vshrl.u32 v22, $0x12;
	v10 =	vor.u32 v10, v17;
	v56 =	vsub.f32 $1.000000000e+00, v50  }
0x1f5: {  	v23 =	vsel vm13, v52, v25;
	v57 =	vsub.f32 $1.000000000e+00, v26;
	v11 =	vor.u32 v11, v22  }
0x1f6: {  	[tilespmem:v15+s21+$0x0] =	vst.idx.add.f32.msk $0xffff, v5;
	v59 =	vsub.f32 $1.000000000e+00, v53;
	v54 =	vshrl.u32 v23, $0x12;
	v58 =	vsel vm14, v56, v50  }
0x1f7: {  	[tilespmem:v16+s21+$0x0] =	vst.idx.add.f32.msk $0xffff, v5;
	v20 =	vor.u32 v55, v54;
	v60 =	vsel vm3, v57, v26;
	v15 =	vshrl.u32 v58, $0x12  }
0x1f8: {  	[tilespmem:v14+s21+$0x0] =	vst.idx.add.f32.msk $0xffff, v5;
	v13 =	vsel vm15, v59, v53;
	v61 =	vshrl.u32 v60, $0x12;
	v15 =	vor.u32 v48, v15  }
0x1f9: {  	s3 =	sadd.s32 $0x1, s3;
	v62 =	vsel vm7, $0x6000, v7;
	v13 =	vshrl.u32 v13, $0x12;
	[tilespmem:v12+s21+$0x0] =	vst.idx.add.f32.msk $0xffff, v5;
	v14 =	vor.u32 v49, v61  }
0x1fa: {  	p1 =	sne.s32 s3, $0x10;
	v63 =	vor.u32 v62, v13;
	[tilespmem:v10+s21+$0x0] =	vst.idx.add.f32.msk $0xffff, v5  }
.Ltmp5:
0x1fb: {  	[tilespmem:v11+s21+$0x0] =	vst.idx.add.f32.msk $0xffff, v5;
	(pc) =	sbr.rel @p1 .LBB2_4-.Ltmp5, $4  }
0x1fc: {  	[tilespmem:v20+s21+$0x0] =	vst.idx.add.f32.msk $0xffff, v5  }
0x1fd: {  	[tilespmem:v15+s21+$0x0] =	vst.idx.add.f32.msk $0xffff, v5  }
0x1fe: {  	[tilespmem:v14+s21+$0x0] =	vst.idx.add.f32.msk $0xffff, v5  }
0x1ff: {  	[tilespmem:v63+s21+$0x0] =	vst.idx.add.f32.msk $0xffff, v5  }
0x200: {  	s0 =	rddreg [dreg:$0x8];
	s3 =	simm.s32 $0x80;
	s8 =	simm.s32 $0x400  }
0x201: {  	[spmem:s0] =	stream.strided.scatter [tilespmem:s21], [sflag:$0x3], $0x8000, s8, s3, $0x38;
	[tilespmem:$0x19D00] =	vst v63  }
0x202: {  	_ =	swait.ge [sflag:s16], $0x8000  }
0x203: {  	[sflag:s16] =	ssyncset.done $0x0  }
0x204: {  	[sflag:s16] =	ssyncadd.s32 $0xFFFF8000  }
0x205: {  	[bflag:$0x0] =	sbarrier.arrive $0xFFFF  }
0x206: {  	s12 =	simm.s32 $0xE000;
	s15 =	rddreg [dreg:$0x9]  }
0x207: {  	[tilespmem:s12], [sflag:$0x3] =	stream.strided.gather [spmem:s15], $0x800, s8, s3, $0x38;
	[tilespmem:$0x19D00] =	vst v63  }
0x208: {  	_ =	swait.ge [sflag:s16], $0x800  }
0x209: {  	[sflag:s16] =	ssyncset.done $0x0;
	s18 =	rddreg [dreg:$0x16]  }
0x20a: {  	s14 =	simm.s32 $0xE800;
	s19 =	sld [smem:$0x71C];
	[sflag:s16] =	ssyncadd.s32 $0xFFFFF800  }
0x20b: {  	[tilespmem:s14], [sflag:$0x3] =	stream.linear.gather [spmem:s18], $0x80, $0x38;
	[tilespmem:$0x19D00] =	vst v63  }
0x20c: {  	s15 =	simm.s32 $0xE900;
	s20 =	sld [smem:$0x71D]  }
0x20d: {  	[tilespmem:s15], [sflag:$0x3] =	stream.linear.gather [spmem:s19], $0x80, $0x38;
	[tilespmem:$0x19D00] =	vst v63  }
0x20e: {  	s22 =	sld [smem:$0x71E];
	s18 =	simm.s32 $0xEA00  }
0x20f: {  	[tilespmem:s18], [sflag:$0x3] =	stream.linear.gather [spmem:s20], $0x80, $0x38;
	[tilespmem:$0x19D00] =	vst v63  }
0x210: {  	s23 =	sld [smem:$0x71F];
	s19 =	simm.s32 $0xEB00  }
0x211: {  	[tilespmem:s19], [sflag:$0x3] =	stream.linear.gather [spmem:s22], $0x80, $0x38;
	[tilespmem:$0x19D00] =	vst v63  }
0x212: {  	s24 =	sld [smem:$0x720];
	s20 =	simm.s32 $0xEC00  }
0x213: {  	[tilespmem:s20], [sflag:$0x3] =	stream.linear.gather [spmem:s23], $0x80, $0x38;
	[tilespmem:$0x19D00] =	vst v63  }
0x214: {  	s26 =	sld [smem:$0x721];
	s22 =	simm.s32 $0xED00  }
0x215: {  	[tilespmem:s22], [sflag:$0x3] =	stream.linear.gather [spmem:s24], $0x80, $0x38;
	[tilespmem:$0x19D00] =	vst v63  }
0x216: {  	s3 =	sld [smem:$0x722];
	s23 =	simm.s32 $0xEE00  }
0x217: {  	[tilespmem:s23], [sflag:$0x3] =	stream.linear.gather [spmem:s26], $0x80, $0x38;
	[tilespmem:$0x19D00] =	vst v63  }
0x218: {  	s8 =	sld [smem:$0x723];
	s24 =	simm.s32 $0xEF00  }
0x219: {  	[tilespmem:s24], [sflag:$0x3] =	stream.linear.gather [spmem:s3], $0x80, $0x38;
	[tilespmem:$0x19D00] =	vst v63  }
0x21a: {  	s11 =	sld [smem:$0x724];
	s26 =	simm.s32 $0xF000  }
0x21b: {  	[tilespmem:s26], [sflag:$0x3] =	stream.linear.gather [spmem:s8], $0x80, $0x38;
	[tilespmem:$0x19D00] =	vst v63  }
0x21c: {  	s28 =	simm.s32 $0xF100;
	s13 =	sld [smem:$0x725]  }
0x21d: {  	[tilespmem:s28], [sflag:$0x3] =	stream.linear.gather [spmem:s11], $0x80, $0x38;
	[tilespmem:$0x19D00] =	vst v63  }
0x21e: {  	s29 =	simm.s32 $0xF200;
	s3 =	sld [smem:$0x726]  }
0x21f: {  	[tilespmem:s29], [sflag:$0x3] =	stream.linear.gather [spmem:s13], $0x80, $0x38;
	[tilespmem:$0x19D00] =	vst v63  }
0x220: {  	s30 =	simm.s32 $0xF300;
	s8 =	sld [smem:$0x727]  }
0x221: {  	[tilespmem:s30], [sflag:$0x3] =	stream.linear.gather [spmem:s3], $0x80, $0x38;
	[tilespmem:$0x19D00] =	vst v63  }
0x222: {  	s31 =	simm.s32 $0xF400;
	s11 =	sld [smem:$0x728]  }
0x223: {  	[tilespmem:s31], [sflag:$0x3] =	stream.linear.gather [spmem:s8], $0x80, $0x38;
	[tilespmem:$0x19D00] =	vst v63  }
0x224: {  	s13 =	simm.s32 $0xF500;
	s3 =	sld [smem:$0x729]  }
0x225: {  	[tilespmem:s13], [sflag:$0x3] =	stream.linear.gather [spmem:s11], $0x80, $0x38;
	[tilespmem:$0x19D00] =	vst v63  }
0x226: {  	s8 =	simm.s32 $0xF600;
	s11 =	sld [smem:$0x72A]  }
0x227: {  	[tilespmem:s8], [sflag:$0x3] =	stream.linear.gather [spmem:s3], $0x80, $0x38;
	[tilespmem:$0x19D00] =	vst v63  }
0x228: {  	s13 =	simm.s32 $0xF700  }
0x229: {  	[tilespmem:s13], [sflag:$0x3] =	stream.linear.gather [spmem:s11], $0x80, $0x38;
	[tilespmem:$0x19D00] =	vst v63  }
0x22a: {  	_ =	swait.ge [sflag:s16], $0x800  }
0x22b: {  	[sflag:s16] =	ssyncset.done $0x0  }
0x22c: {  	s3 =	simm.s32 $0xE040;
	[sflag:s16] =	ssyncadd.s32 $0xFFFFF800  }
0x22d: {  	s8 =	simm.s32 $0xE840;
	v11 =	vld [tilespmem:s3+$0x30]  }
0x22e: {  	v12 =	vld [tilespmem:s8+$0x30]  }
0x22f: {  	v10 =	vld [tilespmem:s8+$0xFFFFFFC0]  }
0x230: {  	v13 =	vld [tilespmem:s3+$0xFFFFFFD0]  }
0x231: {  	v14 =	vld [tilespmem:s8+$0xFFFFFFD0]  }
0x232: {  	v15 =	vld [tilespmem:s3+$0xFFFFFFE0]  }
0x233: {  	v16 =	vld [tilespmem:s8+$0xFFFFFFE0]  }
0x234: {  	v17 =	vld [tilespmem:s3+$0xFFFFFFF0]  }
0x235: {  	v18 =	vld [tilespmem:s8+$0xFFFFFFF0]  }
0x236: {  	v19 =	vld [tilespmem:s3+$0x0]  }
0x237: {  	v20 =	vld [tilespmem:s8+$0x0];
	v12 =	vadd.f32 v12, v11  }
0x238: {  	v14 =	vadd.f32 v14, v13;
	v11 =	vld [tilespmem:s3+$0x10]  }
0x239: {  	v15 =	vadd.f32 v16, v15;
	v13 =	vld [tilespmem:s8+$0x10];
	[tilespmem:s3+$0x30] =	vst v12  }
0x23a: {  	v16 =	vadd.f32 v18, v17;
	[tilespmem:s3+$0xFFFFFFD0] =	vst v14;
	v12 =	vld [tilespmem:s3+$0x20]  }
0x23b: {  	[tilespmem:s3+$0xFFFFFFE0] =	vst v15;
	v15 =	vld [tilespmem:s8+$0x20]  }
0x23c: {  	s11 =	simm.s32 $0x0;
	s13 =	simm.s32 $0xE0C0;
	v14 =	vld [tilespmem:s3+$0xFFFFFFC0];
	[tilespmem:s3+$0xFFFFFFF0] =	vst v16;
	v16 =	vadd.f32 v20, v19  }
.LBB2_10:
0x23d: {  	v17 =	vld [tilespmem:s13+$0x30];
	s8 =	sadd.s32 $0x100, s8  }
0x23e: {  	s11 =	sadd.s32 $0x8, s11;
	v18 =	vld [tilespmem:s8+$0x30];
	[tilespmem:s3+$0x0] =	vst v16;
	v11 =	vadd.f32 v13, v11  }
0x23f: {  	p1 =	slt.u32 s11, $0x78;
	v13 =	vld [tilespmem:s8+$0xFFFFFFC0]  }
0x240: {  	v16 =	vld [tilespmem:s13+$0xFFFFFFD0];
	[tilespmem:s3+$0x10] =	vst v11;
	v11 =	vadd.f32 v15, v12  }
0x241: {  	v12 =	vld [tilespmem:s8+$0xFFFFFFD0];
	v19 =	vadd.f32 v10, v14  }
0x242: {  	v14 =	vld [tilespmem:s13+$0xFFFFFFE0];
	[tilespmem:s3+$0x20] =	vst v11  }
0x243: {  	v11 =	vld [tilespmem:s8+$0xFFFFFFE0];
	v15 =	vadd.f32 v18, v17;
	[tilespmem:s3+$0xFFFFFFC0] =	vst v19;
	s3 =	smov.u32 s13  }
0x244: {  	v17 =	vld [tilespmem:s13+$0xFFFFFFF0];
	v10 =	vmov v13  }
0x245: {  	v18 =	vld [tilespmem:s8+$0xFFFFFFF0];
	[tilespmem:s13+$0x30] =	vst v15  }
0x246: {  	v12 =	vadd.f32 v12, v16;
	v16 =	vld [tilespmem:s13+$0x0]  }
0x247: {  	v19 =	vld [tilespmem:s8+$0x0]  }
.Ltmp6:
0x248: {  	[tilespmem:s13+$0xFFFFFFD0] =	vst v12;
	v12 =	vadd.f32 v11, v14;
	v11 =	vld [tilespmem:s13+$0x10];
	(pc) =	sbr.rel @p1 .LBB2_10-.Ltmp6, $4  }
0x249: {  	v13 =	vld [tilespmem:s8+$0x10]  }
0x24a: {  	[tilespmem:s13+$0xFFFFFFE0] =	vst v12;
	v17 =	vadd.f32 v18, v17;
	v12 =	vld [tilespmem:s13+$0x20]  }
0x24b: {  	v15 =	vld [tilespmem:s8+$0x20]  }
0x24c: {  	s13 =	sadd.s32 $0x80, s13;
	v14 =	vld [tilespmem:s3+$0xFFFFFFC0];
	[tilespmem:s3+$0xFFFFFFF0] =	vst v17;
	v16 =	vadd.f32 v19, v16  }
0x24d: {  	_ =	sdelay $0x1  }
0x24e: {  	v11 =	vadd.f32 v13, v11  }
0x24f: {  	[tilespmem:s3+$0x0] =	vst v16;
	v12 =	vadd.f32 v15, v12  }
0x250: {  	[tilespmem:s3+$0x10] =	vst v11;
	v10 =	vadd.f32 v10, v14  }
0x251: {  	[tilespmem:s3+$0x20] =	vst v12  }
0x252: {  	[tilespmem:s3+$0xFFFFFFC0] =	vst v10  }
0x253: {  	s0 =	rddreg [dreg:$0x17]  }
0x254: {  	s11 =	sld [smem:$0x72B]  }
0x255: {  	[tilespmem:s14], [sflag:$0x3] =	stream.linear.gather [spmem:s0], $0x80, $0x38;
	[tilespmem:$0x19D00] =	vst v63  }
0x256: {  	s13 =	sld [smem:$0x72C]  }
0x257: {  	[tilespmem:s15], [sflag:$0x3] =	stream.linear.gather [spmem:s11], $0x80, $0x38;
	[tilespmem:$0x19D00] =	vst v63  }
0x258: {  	s3 =	sld [smem:$0x72D]  }
0x259: {  	[tilespmem:s18], [sflag:$0x3] =	stream.linear.gather [spmem:s13], $0x80, $0x38;
	[tilespmem:$0x19D00] =	vst v63  }
0x25a: {  	s8 =	sld [smem:$0x72E]  }
0x25b: {  	[tilespmem:s19], [sflag:$0x3] =	stream.linear.gather [spmem:s3], $0x80, $0x38;
	[tilespmem:$0x19D00] =	vst v63  }
0x25c: {  	s11 =	sld [smem:$0x72F]  }
0x25d: {  	[tilespmem:s20], [sflag:$0x3] =	stream.linear.gather [spmem:s8], $0x80, $0x38;
	[tilespmem:$0x19D00] =	vst v63  }
0x25e: {  	s13 =	sld [smem:$0x730]  }
0x25f: {  	[tilespmem:s22], [sflag:$0x3] =	stream.linear.gather [spmem:s11], $0x80, $0x38;
	[tilespmem:$0x19D00] =	vst v63  }
0x260: {  	s3 =	sld [smem:$0x731]  }
0x261: {  	[tilespmem:s23], [sflag:$0x3] =	stream.linear.gather [spmem:s13], $0x80, $0x38;
	[tilespmem:$0x19D00] =	vst v63  }
0x262: {  	s8 =	sld [smem:$0x732]  }
0x263: {  	[tilespmem:s24], [sflag:$0x3] =	stream.linear.gather [spmem:s3], $0x80, $0x38;
	[tilespmem:$0x19D00] =	vst v63  }
0x264: {  	s11 =	sld [smem:$0x733]  }
0x265: {  	[tilespmem:s26], [sflag:$0x3] =	stream.linear.gather [spmem:s8], $0x80, $0x38;
	[tilespmem:$0x19D00] =	vst v63  }
0x266: {  	s13 =	sld [smem:$0x734]  }
0x267: {  	[tilespmem:s28], [sflag:$0x3] =	stream.linear.gather [spmem:s11], $0x80, $0x38;
	[tilespmem:$0x19D00] =	vst v63  }
0x268: {  	s3 =	sld [smem:$0x735]  }
0x269: {  	[tilespmem:s29], [sflag:$0x3] =	stream.linear.gather [spmem:s13], $0x80, $0x38;
	[tilespmem:$0x19D00] =	vst v63  }
0x26a: {  	s8 =	sld [smem:$0x736]  }
0x26b: {  	[tilespmem:s30], [sflag:$0x3] =	stream.linear.gather [spmem:s3], $0x80, $0x38;
	[tilespmem:$0x19D00] =	vst v63  }
0x26c: {  	s11 =	sld [smem:$0x737]  }
0x26d: {  	[tilespmem:s31], [sflag:$0x3] =	stream.linear.gather [spmem:s8], $0x80, $0x38;
	[tilespmem:$0x19D00] =	vst v63  }
0x26e: {  	s13 =	simm.s32 $0xF500;
	s3 =	sld [smem:$0x738]  }
0x26f: {  	[tilespmem:s13], [sflag:$0x3] =	stream.linear.gather [spmem:s11], $0x80, $0x38;
	[tilespmem:$0x19D00] =	vst v63  }
0x270: {  	s8 =	simm.s32 $0xF600;
	s11 =	sld [smem:$0x739]  }
0x271: {  	[tilespmem:s8], [sflag:$0x3] =	stream.linear.gather [spmem:s3], $0x80, $0x38;
	[tilespmem:$0x19D00] =	vst v63  }
0x272: {  	s13 =	simm.s32 $0xF700  }
0x273: {  	[tilespmem:s13], [sflag:$0x3] =	stream.linear.gather [spmem:s11], $0x80, $0x38;
	[tilespmem:$0x19D00] =	vst v63  }
0x274: {  	_ =	swait.ge [sflag:s16], $0x800  }
0x275: {  	[sflag:s16] =	ssyncset.done $0x0  }
0x276: {  	s3 =	simm.s32 $0xE040;
	[sflag:s16] =	ssyncadd.s32 $0xFFFFF800  }
0x277: {  	s8 =	simm.s32 $0xE840;
	v11 =	vld [tilespmem:s3+$0x30]  }
0x278: {  	v12 =	vld [tilespmem:s8+$0x30]  }
0x279: {  	v10 =	vld [tilespmem:s8+$0xFFFFFFC0]  }
0x27a: {  	v13 =	vld [tilespmem:s3+$0xFFFFFFD0]  }
0x27b: {  	v14 =	vld [tilespmem:s8+$0xFFFFFFD0]  }
0x27c: {  	v15 =	vld [tilespmem:s3+$0xFFFFFFE0]  }
0x27d: {  	v16 =	vld [tilespmem:s8+$0xFFFFFFE0]  }
0x27e: {  	v17 =	vld [tilespmem:s3+$0xFFFFFFF0]  }
0x27f: {  	v18 =	vld [tilespmem:s8+$0xFFFFFFF0]  }
0x280: {  	v19 =	vld [tilespmem:s3+$0x0]  }
0x281: {  	v20 =	vld [tilespmem:s8+$0x0];
	v12 =	vadd.f32 v12, v11  }
0x282: {  	v14 =	vadd.f32 v14, v13;
	v11 =	vld [tilespmem:s3+$0x10]  }
0x283: {  	v15 =	vadd.f32 v16, v15;
	v13 =	vld [tilespmem:s8+$0x10];
	[tilespmem:s3+$0x30] =	vst v12  }
0x284: {  	v16 =	vadd.f32 v18, v17;
	[tilespmem:s3+$0xFFFFFFD0] =	vst v14;
	v12 =	vld [tilespmem:s3+$0x20]  }
0x285: {  	[tilespmem:s3+$0xFFFFFFE0] =	vst v15;
	v15 =	vld [tilespmem:s8+$0x20]  }
0x286: {  	s11 =	simm.s32 $0x0;
	s13 =	simm.s32 $0xE0C0;
	v14 =	vld [tilespmem:s3+$0xFFFFFFC0];
	[tilespmem:s3+$0xFFFFFFF0] =	vst v16;
	v16 =	vadd.f32 v20, v19  }
.LBB2_12:
0x287: {  	v17 =	vld [tilespmem:s13+$0x30];
	s8 =	sadd.s32 $0x100, s8  }
0x288: {  	s11 =	sadd.s32 $0x8, s11;
	v18 =	vld [tilespmem:s8+$0x30];
	[tilespmem:s3+$0x0] =	vst v16;
	v11 =	vadd.f32 v13, v11  }
0x289: {  	p1 =	slt.u32 s11, $0x78;
	v13 =	vld [tilespmem:s8+$0xFFFFFFC0]  }
0x28a: {  	v16 =	vld [tilespmem:s13+$0xFFFFFFD0];
	[tilespmem:s3+$0x10] =	vst v11;
	v11 =	vadd.f32 v15, v12  }
0x28b: {  	v12 =	vld [tilespmem:s8+$0xFFFFFFD0];
	v19 =	vadd.f32 v10, v14  }
0x28c: {  	v14 =	vld [tilespmem:s13+$0xFFFFFFE0];
	[tilespmem:s3+$0x20] =	vst v11  }
0x28d: {  	v11 =	vld [tilespmem:s8+$0xFFFFFFE0];
	v15 =	vadd.f32 v18, v17;
	[tilespmem:s3+$0xFFFFFFC0] =	vst v19;
	s3 =	smov.u32 s13  }
0x28e: {  	v17 =	vld [tilespmem:s13+$0xFFFFFFF0];
	v10 =	vmov v13  }
0x28f: {  	v18 =	vld [tilespmem:s8+$0xFFFFFFF0];
	[tilespmem:s13+$0x30] =	vst v15  }
0x290: {  	v12 =	vadd.f32 v12, v16;
	v16 =	vld [tilespmem:s13+$0x0]  }
0x291: {  	v19 =	vld [tilespmem:s8+$0x0]  }
.Ltmp7:
0x292: {  	[tilespmem:s13+$0xFFFFFFD0] =	vst v12;
	v12 =	vadd.f32 v11, v14;
	v11 =	vld [tilespmem:s13+$0x10];
	(pc) =	sbr.rel @p1 .LBB2_12-.Ltmp7, $4  }
0x293: {  	v13 =	vld [tilespmem:s8+$0x10]  }
0x294: {  	[tilespmem:s13+$0xFFFFFFE0] =	vst v12;
	v17 =	vadd.f32 v18, v17;
	v12 =	vld [tilespmem:s13+$0x20]  }
0x295: {  	v15 =	vld [tilespmem:s8+$0x20]  }
0x296: {  	s13 =	sadd.s32 $0x80, s13;
	v14 =	vld [tilespmem:s3+$0xFFFFFFC0];
	[tilespmem:s3+$0xFFFFFFF0] =	vst v17;
	v16 =	vadd.f32 v19, v16  }
0x297: {  	_ =	sdelay $0x1  }
0x298: {  	v11 =	vadd.f32 v13, v11  }
0x299: {  	[tilespmem:s3+$0x0] =	vst v16;
	v12 =	vadd.f32 v15, v12  }
0x29a: {  	[tilespmem:s3+$0x10] =	vst v11;
	v10 =	vadd.f32 v10, v14  }
0x29b: {  	[tilespmem:s3+$0x20] =	vst v12  }
0x29c: {  	[tilespmem:s3+$0xFFFFFFC0] =	vst v10  }
0x29d: {  	s0 =	rddreg [dreg:$0x18]  }
0x29e: {  	s11 =	sld [smem:$0x73A]  }
0x29f: {  	[tilespmem:s14], [sflag:$0x3] =	stream.linear.gather [spmem:s0], $0x80, $0x38;
	[tilespmem:$0x19D00] =	vst v63  }
0x2a0: {  	s13 =	sld [smem:$0x73B]  }
0x2a1: {  	[tilespmem:s15], [sflag:$0x3] =	stream.linear.gather [spmem:s11], $0x80, $0x38;
	[tilespmem:$0x19D00] =	vst v63  }
0x2a2: {  	s3 =	sld [smem:$0x73C]  }
0x2a3: {  	[tilespmem:s18], [sflag:$0x3] =	stream.linear.gather [spmem:s13], $0x80, $0x38;
	[tilespmem:$0x19D00] =	vst v63  }
0x2a4: {  	s8 =	sld [smem:$0x73D]  }
0x2a5: {  	[tilespmem:s19], [sflag:$0x3] =	stream.linear.gather [spmem:s3], $0x80, $0x38;
	[tilespmem:$0x19D00] =	vst v63  }
0x2a6: {  	s11 =	sld [smem:$0x73E]  }
0x2a7: {  	[tilespmem:s20], [sflag:$0x3] =	stream.linear.gather [spmem:s8], $0x80, $0x38;
	[tilespmem:$0x19D00] =	vst v63  }
0x2a8: {  	s13 =	sld [smem:$0x73F]  }
0x2a9: {  	[tilespmem:s22], [sflag:$0x3] =	stream.linear.gather [spmem:s11], $0x80, $0x38;
	[tilespmem:$0x19D00] =	vst v63  }
0x2aa: {  	s3 =	sld [smem:$0x740]  }
0x2ab: {  	[tilespmem:s23], [sflag:$0x3] =	stream.linear.gather [spmem:s13], $0x80, $0x38;
	[tilespmem:$0x19D00] =	vst v63  }
0x2ac: {  	s8 =	sld [smem:$0x741]  }
0x2ad: {  	[tilespmem:s24], [sflag:$0x3] =	stream.linear.gather [spmem:s3], $0x80, $0x38;
	[tilespmem:$0x19D00] =	vst v63  }
0x2ae: {  	s11 =	sld [smem:$0x742]  }
0x2af: {  	[tilespmem:s26], [sflag:$0x3] =	stream.linear.gather [spmem:s8], $0x80, $0x38;
	[tilespmem:$0x19D00] =	vst v63  }
0x2b0: {  	s13 =	sld [smem:$0x743]  }
0x2b1: {  	[tilespmem:s28], [sflag:$0x3] =	stream.linear.gather [spmem:s11], $0x80, $0x38;
	[tilespmem:$0x19D00] =	vst v63  }
0x2b2: {  	s3 =	sld [smem:$0x744]  }
0x2b3: {  	[tilespmem:s29], [sflag:$0x3] =	stream.linear.gather [spmem:s13], $0x80, $0x38;
	[tilespmem:$0x19D00] =	vst v63  }
0x2b4: {  	s8 =	sld [smem:$0x745]  }
0x2b5: {  	[tilespmem:s30], [sflag:$0x3] =	stream.linear.gather [spmem:s3], $0x80, $0x38;
	[tilespmem:$0x19D00] =	vst v63  }
0x2b6: {  	s11 =	sld [smem:$0x746]  }
0x2b7: {  	[tilespmem:s31], [sflag:$0x3] =	stream.linear.gather [spmem:s8], $0x80, $0x38;
	[tilespmem:$0x19D00] =	vst v63  }
0x2b8: {  	s13 =	simm.s32 $0xF500;
	s3 =	sld [smem:$0x747]  }
0x2b9: {  	[tilespmem:s13], [sflag:$0x3] =	stream.linear.gather [spmem:s11], $0x80, $0x38;
	[tilespmem:$0x19D00] =	vst v63  }
0x2ba: {  	s8 =	simm.s32 $0xF600;
	s11 =	sld [smem:$0x748]  }
0x2bb: {  	[tilespmem:s8], [sflag:$0x3] =	stream.linear.gather [spmem:s3], $0x80, $0x38;
	[tilespmem:$0x19D00] =	vst v63  }
0x2bc: {  	s13 =	simm.s32 $0xF700  }
0x2bd: {  	[tilespmem:s13], [sflag:$0x3] =	stream.linear.gather [spmem:s11], $0x80, $0x38;
	[tilespmem:$0x19D00] =	vst v63  }
0x2be: {  	_ =	swait.ge [sflag:s16], $0x800  }
0x2bf: {  	[sflag:s16] =	ssyncset.done $0x0  }
0x2c0: {  	s3 =	simm.s32 $0xE040;
	[sflag:s16] =	ssyncadd.s32 $0xFFFFF800  }
0x2c1: {  	s8 =	simm.s32 $0xE840;
	v11 =	vld [tilespmem:s3+$0x30]  }
0x2c2: {  	v12 =	vld [tilespmem:s8+$0x30]  }
0x2c3: {  	v10 =	vld [tilespmem:s8+$0xFFFFFFC0]  }
0x2c4: {  	v13 =	vld [tilespmem:s3+$0xFFFFFFD0]  }
0x2c5: {  	v14 =	vld [tilespmem:s8+$0xFFFFFFD0]  }
0x2c6: {  	v15 =	vld [tilespmem:s3+$0xFFFFFFE0]  }
0x2c7: {  	v16 =	vld [tilespmem:s8+$0xFFFFFFE0]  }
0x2c8: {  	v17 =	vld [tilespmem:s3+$0xFFFFFFF0]  }
0x2c9: {  	v18 =	vld [tilespmem:s8+$0xFFFFFFF0]  }
0x2ca: {  	v19 =	vld [tilespmem:s3+$0x0]  }
0x2cb: {  	v20 =	vld [tilespmem:s8+$0x0];
	v12 =	vadd.f32 v12, v11  }
0x2cc: {  	v14 =	vadd.f32 v14, v13;
	v11 =	vld [tilespmem:s3+$0x10]  }
0x2cd: {  	v15 =	vadd.f32 v16, v15;
	v13 =	vld [tilespmem:s8+$0x10];
	[tilespmem:s3+$0x30] =	vst v12  }
0x2ce: {  	v16 =	vadd.f32 v18, v17;
	[tilespmem:s3+$0xFFFFFFD0] =	vst v14;
	v12 =	vld [tilespmem:s3+$0x20]  }
0x2cf: {  	[tilespmem:s3+$0xFFFFFFE0] =	vst v15;
	v15 =	vld [tilespmem:s8+$0x20]  }
0x2d0: {  	s11 =	simm.s32 $0x0;
	s13 =	simm.s32 $0xE0C0;
	v14 =	vld [tilespmem:s3+$0xFFFFFFC0];
	[tilespmem:s3+$0xFFFFFFF0] =	vst v16;
	v16 =	vadd.f32 v20, v19  }
.LBB2_14:
0x2d1: {  	v17 =	vld [tilespmem:s13+$0x30];
	s8 =	sadd.s32 $0x100, s8  }
0x2d2: {  	s11 =	sadd.s32 $0x8, s11;
	v18 =	vld [tilespmem:s8+$0x30];
	[tilespmem:s3+$0x0] =	vst v16;
	v11 =	vadd.f32 v13, v11  }
0x2d3: {  	p1 =	slt.u32 s11, $0x78;
	v13 =	vld [tilespmem:s8+$0xFFFFFFC0]  }
0x2d4: {  	v16 =	vld [tilespmem:s13+$0xFFFFFFD0];
	[tilespmem:s3+$0x10] =	vst v11;
	v11 =	vadd.f32 v15, v12  }
0x2d5: {  	v12 =	vld [tilespmem:s8+$0xFFFFFFD0];
	v19 =	vadd.f32 v10, v14  }
0x2d6: {  	v14 =	vld [tilespmem:s13+$0xFFFFFFE0];
	[tilespmem:s3+$0x20] =	vst v11  }
0x2d7: {  	v11 =	vld [tilespmem:s8+$0xFFFFFFE0];
	v15 =	vadd.f32 v18, v17;
	[tilespmem:s3+$0xFFFFFFC0] =	vst v19;
	s3 =	smov.u32 s13  }
0x2d8: {  	v17 =	vld [tilespmem:s13+$0xFFFFFFF0];
	v10 =	vmov v13  }
0x2d9: {  	v18 =	vld [tilespmem:s8+$0xFFFFFFF0];
	[tilespmem:s13+$0x30] =	vst v15  }
0x2da: {  	v12 =	vadd.f32 v12, v16;
	v16 =	vld [tilespmem:s13+$0x0]  }
0x2db: {  	v19 =	vld [tilespmem:s8+$0x0]  }
.Ltmp8:
0x2dc: {  	[tilespmem:s13+$0xFFFFFFD0] =	vst v12;
	v12 =	vadd.f32 v11, v14;
	v11 =	vld [tilespmem:s13+$0x10];
	(pc) =	sbr.rel @p1 .LBB2_14-.Ltmp8, $4  }
0x2dd: {  	v13 =	vld [tilespmem:s8+$0x10]  }
0x2de: {  	[tilespmem:s13+$0xFFFFFFE0] =	vst v12;
	v17 =	vadd.f32 v18, v17;
	v12 =	vld [tilespmem:s13+$0x20]  }
0x2df: {  	v15 =	vld [tilespmem:s8+$0x20]  }
0x2e0: {  	s13 =	sadd.s32 $0x80, s13;
	v14 =	vld [tilespmem:s3+$0xFFFFFFC0];
	[tilespmem:s3+$0xFFFFFFF0] =	vst v17;
	v16 =	vadd.f32 v19, v16  }
0x2e1: {  	_ =	sdelay $0x1  }
0x2e2: {  	v11 =	vadd.f32 v13, v11  }
0x2e3: {  	[tilespmem:s3+$0x0] =	vst v16;
	v12 =	vadd.f32 v15, v12  }
0x2e4: {  	[tilespmem:s3+$0x10] =	vst v11;
	v10 =	vadd.f32 v10, v14  }
0x2e5: {  	[tilespmem:s3+$0x20] =	vst v12  }
0x2e6: {  	[tilespmem:s3+$0xFFFFFFC0] =	vst v10  }
0x2e7: {  	s0 =	rddreg [dreg:$0x19]  }
0x2e8: {  	s11 =	sld [smem:$0x749]  }
0x2e9: {  	[tilespmem:s14], [sflag:$0x3] =	stream.linear.gather [spmem:s0], $0x80, $0x38;
	[tilespmem:$0x19D00] =	vst v63  }
0x2ea: {  	s13 =	sld [smem:$0x74A]  }
0x2eb: {  	[tilespmem:s15], [sflag:$0x3] =	stream.linear.gather [spmem:s11], $0x80, $0x38;
	[tilespmem:$0x19D00] =	vst v63  }
0x2ec: {  	s3 =	sld [smem:$0x74B]  }
0x2ed: {  	[tilespmem:s18], [sflag:$0x3] =	stream.linear.gather [spmem:s13], $0x80, $0x38;
	[tilespmem:$0x19D00] =	vst v63  }
0x2ee: {  	s8 =	sld [smem:$0x74C]  }
0x2ef: {  	[tilespmem:s19], [sflag:$0x3] =	stream.linear.gather [spmem:s3], $0x80, $0x38;
	[tilespmem:$0x19D00] =	vst v63  }
0x2f0: {  	s11 =	sld [smem:$0x74D]  }
0x2f1: {  	[tilespmem:s20], [sflag:$0x3] =	stream.linear.gather [spmem:s8], $0x80, $0x38;
	[tilespmem:$0x19D00] =	vst v63  }
0x2f2: {  	s13 =	sld [smem:$0x74E]  }
0x2f3: {  	[tilespmem:s22], [sflag:$0x3] =	stream.linear.gather [spmem:s11], $0x80, $0x38;
	[tilespmem:$0x19D00] =	vst v63  }
0x2f4: {  	s3 =	sld [smem:$0x74F]  }
0x2f5: {  	[tilespmem:s23], [sflag:$0x3] =	stream.linear.gather [spmem:s13], $0x80, $0x38;
	[tilespmem:$0x19D00] =	vst v63  }
0x2f6: {  	s8 =	sld [smem:$0x750]  }
0x2f7: {  	[tilespmem:s24], [sflag:$0x3] =	stream.linear.gather [spmem:s3], $0x80, $0x38;
	[tilespmem:$0x19D00] =	vst v63  }
0x2f8: {  	s11 =	sld [smem:$0x751]  }
0x2f9: {  	[tilespmem:s26], [sflag:$0x3] =	stream.linear.gather [spmem:s8], $0x80, $0x38;
	[tilespmem:$0x19D00] =	vst v63  }
0x2fa: {  	s13 =	sld [smem:$0x752]  }
0x2fb: {  	[tilespmem:s28], [sflag:$0x3] =	stream.linear.gather [spmem:s11], $0x80, $0x38;
	[tilespmem:$0x19D00] =	vst v63  }
0x2fc: {  	s3 =	sld [smem:$0x753]  }
0x2fd: {  	[tilespmem:s29], [sflag:$0x3] =	stream.linear.gather [spmem:s13], $0x80, $0x38;
	[tilespmem:$0x19D00] =	vst v63  }
0x2fe: {  	s8 =	sld [smem:$0x754]  }
0x2ff: {  	[tilespmem:s30], [sflag:$0x3] =	stream.linear.gather [spmem:s3], $0x80, $0x38;
	[tilespmem:$0x19D00] =	vst v63  }
0x300: {  	s11 =	sld [smem:$0x755]  }
0x301: {  	[tilespmem:s31], [sflag:$0x3] =	stream.linear.gather [spmem:s8], $0x80, $0x38;
	[tilespmem:$0x19D00] =	vst v63  }
0x302: {  	s13 =	simm.s32 $0xF500;
	s3 =	sld [smem:$0x756]  }
0x303: {  	[tilespmem:s13], [sflag:$0x3] =	stream.linear.gather [spmem:s11], $0x80, $0x38;
	[tilespmem:$0x19D00] =	vst v63  }
0x304: {  	s8 =	simm.s32 $0xF600;
	s11 =	sld [smem:$0x757]  }
0x305: {  	[tilespmem:s8], [sflag:$0x3] =	stream.linear.gather [spmem:s3], $0x80, $0x38;
	[tilespmem:$0x19D00] =	vst v63  }
0x306: {  	s13 =	simm.s32 $0xF700  }
0x307: {  	[tilespmem:s13], [sflag:$0x3] =	stream.linear.gather [spmem:s11], $0x80, $0x38;
	[tilespmem:$0x19D00] =	vst v63  }
0x308: {  	_ =	swait.ge [sflag:s16], $0x800  }
0x309: {  	[sflag:s16] =	ssyncset.done $0x0  }
0x30a: {  	s3 =	simm.s32 $0xE040;
	[sflag:s16] =	ssyncadd.s32 $0xFFFFF800  }
0x30b: {  	s8 =	simm.s32 $0xE840;
	v11 =	vld [tilespmem:s3+$0x30]  }
0x30c: {  	v12 =	vld [tilespmem:s8+$0x30]  }
0x30d: {  	v10 =	vld [tilespmem:s8+$0xFFFFFFC0]  }
0x30e: {  	v13 =	vld [tilespmem:s3+$0xFFFFFFD0]  }
0x30f: {  	v14 =	vld [tilespmem:s8+$0xFFFFFFD0]  }
0x310: {  	v15 =	vld [tilespmem:s3+$0xFFFFFFE0]  }
0x311: {  	v16 =	vld [tilespmem:s8+$0xFFFFFFE0]  }
0x312: {  	v17 =	vld [tilespmem:s3+$0xFFFFFFF0]  }
0x313: {  	v18 =	vld [tilespmem:s8+$0xFFFFFFF0]  }
0x314: {  	v19 =	vld [tilespmem:s3+$0x0]  }
0x315: {  	v20 =	vld [tilespmem:s8+$0x0];
	v12 =	vadd.f32 v12, v11  }
0x316: {  	v14 =	vadd.f32 v14, v13;
	v11 =	vld [tilespmem:s3+$0x10]  }
0x317: {  	v15 =	vadd.f32 v16, v15;
	v13 =	vld [tilespmem:s8+$0x10];
	[tilespmem:s3+$0x30] =	vst v12  }
0x318: {  	v16 =	vadd.f32 v18, v17;
	[tilespmem:s3+$0xFFFFFFD0] =	vst v14;
	v12 =	vld [tilespmem:s3+$0x20]  }
0x319: {  	[tilespmem:s3+$0xFFFFFFE0] =	vst v15;
	v15 =	vld [tilespmem:s8+$0x20]  }
0x31a: {  	s11 =	simm.s32 $0x0;
	s13 =	simm.s32 $0xE0C0;
	v14 =	vld [tilespmem:s3+$0xFFFFFFC0];
	[tilespmem:s3+$0xFFFFFFF0] =	vst v16;
	v16 =	vadd.f32 v20, v19  }
.LBB2_16:
0x31b: {  	v17 =	vld [tilespmem:s13+$0x30];
	s8 =	sadd.s32 $0x100, s8  }
0x31c: {  	s11 =	sadd.s32 $0x8, s11;
	v18 =	vld [tilespmem:s8+$0x30];
	[tilespmem:s3+$0x0] =	vst v16;
	v11 =	vadd.f32 v13, v11  }
0x31d: {  	p1 =	slt.u32 s11, $0x78;
	v13 =	vld [tilespmem:s8+$0xFFFFFFC0]  }
0x31e: {  	v16 =	vld [tilespmem:s13+$0xFFFFFFD0];
	[tilespmem:s3+$0x10] =	vst v11;
	v11 =	vadd.f32 v15, v12  }
0x31f: {  	v12 =	vld [tilespmem:s8+$0xFFFFFFD0];
	v19 =	vadd.f32 v10, v14  }
0x320: {  	v14 =	vld [tilespmem:s13+$0xFFFFFFE0];
	[tilespmem:s3+$0x20] =	vst v11  }
0x321: {  	v11 =	vld [tilespmem:s8+$0xFFFFFFE0];
	v15 =	vadd.f32 v18, v17;
	[tilespmem:s3+$0xFFFFFFC0] =	vst v19;
	s3 =	smov.u32 s13  }
0x322: {  	v17 =	vld [tilespmem:s13+$0xFFFFFFF0];
	v10 =	vmov v13  }
0x323: {  	v18 =	vld [tilespmem:s8+$0xFFFFFFF0];
	[tilespmem:s13+$0x30] =	vst v15  }
0x324: {  	v12 =	vadd.f32 v12, v16;
	v16 =	vld [tilespmem:s13+$0x0]  }
0x325: {  	v19 =	vld [tilespmem:s8+$0x0]  }
.Ltmp9:
0x326: {  	[tilespmem:s13+$0xFFFFFFD0] =	vst v12;
	v12 =	vadd.f32 v11, v14;
	v11 =	vld [tilespmem:s13+$0x10];
	(pc) =	sbr.rel @p1 .LBB2_16-.Ltmp9, $4  }
0x327: {  	v13 =	vld [tilespmem:s8+$0x10]  }
0x328: {  	[tilespmem:s13+$0xFFFFFFE0] =	vst v12;
	v17 =	vadd.f32 v18, v17;
	v12 =	vld [tilespmem:s13+$0x20]  }
0x329: {  	v15 =	vld [tilespmem:s8+$0x20]  }
0x32a: {  	s13 =	sadd.s32 $0x80, s13;
	v14 =	vld [tilespmem:s3+$0xFFFFFFC0];
	[tilespmem:s3+$0xFFFFFFF0] =	vst v17;
	v16 =	vadd.f32 v19, v16  }
0x32b: {  	_ =	sdelay $0x1  }
0x32c: {  	v11 =	vadd.f32 v13, v11  }
0x32d: {  	[tilespmem:s3+$0x0] =	vst v16;
	v12 =	vadd.f32 v15, v12  }
0x32e: {  	[tilespmem:s3+$0x10] =	vst v11;
	v10 =	vadd.f32 v10, v14  }
0x32f: {  	[tilespmem:s3+$0x20] =	vst v12  }
0x330: {  	[tilespmem:s3+$0xFFFFFFC0] =	vst v10  }
0x331: {  	s0 =	rddreg [dreg:$0x1a]  }
0x332: {  	s11 =	sld [smem:$0x758]  }
0x333: {  	[tilespmem:s14], [sflag:$0x3] =	stream.linear.gather [spmem:s0], $0x80, $0x38;
	[tilespmem:$0x19D00] =	vst v63  }
0x334: {  	s13 =	sld [smem:$0x759]  }
0x335: {  	[tilespmem:s15], [sflag:$0x3] =	stream.linear.gather [spmem:s11], $0x80, $0x38;
	[tilespmem:$0x19D00] =	vst v63  }
0x336: {  	s3 =	sld [smem:$0x75A]  }
0x337: {  	[tilespmem:s18], [sflag:$0x3] =	stream.linear.gather [spmem:s13], $0x80, $0x38;
	[tilespmem:$0x19D00] =	vst v63  }
0x338: {  	s8 =	sld [smem:$0x75B]  }
0x339: {  	[tilespmem:s19], [sflag:$0x3] =	stream.linear.gather [spmem:s3], $0x80, $0x38;
	[tilespmem:$0x19D00] =	vst v63  }
0x33a: {  	s11 =	sld [smem:$0x75C]  }
0x33b: {  	[tilespmem:s20], [sflag:$0x3] =	stream.linear.gather [spmem:s8], $0x80, $0x38;
	[tilespmem:$0x19D00] =	vst v63  }
0x33c: {  	s13 =	sld [smem:$0x75D]  }
0x33d: {  	[tilespmem:s22], [sflag:$0x3] =	stream.linear.gather [spmem:s11], $0x80, $0x38;
	[tilespmem:$0x19D00] =	vst v63  }
0x33e: {  	s3 =	sld [smem:$0x75E]  }
0x33f: {  	[tilespmem:s23], [sflag:$0x3] =	stream.linear.gather [spmem:s13], $0x80, $0x38;
	[tilespmem:$0x19D00] =	vst v63  }
0x340: {  	s8 =	sld [smem:$0x75F]  }
0x341: {  	[tilespmem:s24], [sflag:$0x3] =	stream.linear.gather [spmem:s3], $0x80, $0x38;
	[tilespmem:$0x19D00] =	vst v63  }
0x342: {  	s11 =	sld [smem:$0x760]  }
0x343: {  	[tilespmem:s26], [sflag:$0x3] =	stream.linear.gather [spmem:s8], $0x80, $0x38;
	[tilespmem:$0x19D00] =	vst v63  }
0x344: {  	s13 =	sld [smem:$0x761]  }
0x345: {  	[tilespmem:s28], [sflag:$0x3] =	stream.linear.gather [spmem:s11], $0x80, $0x38;
	[tilespmem:$0x19D00] =	vst v63  }
0x346: {  	s3 =	sld [smem:$0x762]  }
0x347: {  	[tilespmem:s29], [sflag:$0x3] =	stream.linear.gather [spmem:s13], $0x80, $0x38;
	[tilespmem:$0x19D00] =	vst v63  }
0x348: {  	s8 =	sld [smem:$0x763]  }
0x349: {  	[tilespmem:s30], [sflag:$0x3] =	stream.linear.gather [spmem:s3], $0x80, $0x38;
	[tilespmem:$0x19D00] =	vst v63  }
0x34a: {  	s11 =	sld [smem:$0x764]  }
0x34b: {  	[tilespmem:s31], [sflag:$0x3] =	stream.linear.gather [spmem:s8], $0x80, $0x38;
	[tilespmem:$0x19D00] =	vst v63  }
0x34c: {  	s13 =	simm.s32 $0xF500;
	s3 =	sld [smem:$0x765]  }
0x34d: {  	[tilespmem:s13], [sflag:$0x3] =	stream.linear.gather [spmem:s11], $0x80, $0x38;
	[tilespmem:$0x19D00] =	vst v63  }
0x34e: {  	s8 =	simm.s32 $0xF600;
	s11 =	sld [smem:$0x766]  }
0x34f: {  	[tilespmem:s8], [sflag:$0x3] =	stream.linear.gather [spmem:s3], $0x80, $0x38;
	[tilespmem:$0x19D00] =	vst v63  }
0x350: {  	s13 =	simm.s32 $0xF700  }
0x351: {  	[tilespmem:s13], [sflag:$0x3] =	stream.linear.gather [spmem:s11], $0x80, $0x38;
	[tilespmem:$0x19D00] =	vst v63  }
0x352: {  	_ =	swait.ge [sflag:s16], $0x800  }
0x353: {  	[sflag:s16] =	ssyncset.done $0x0  }
0x354: {  	s3 =	simm.s32 $0xE040;
	[sflag:s16] =	ssyncadd.s32 $0xFFFFF800  }
0x355: {  	s8 =	simm.s32 $0xE840;
	v11 =	vld [tilespmem:s3+$0x30]  }
0x356: {  	v12 =	vld [tilespmem:s8+$0x30]  }
0x357: {  	v10 =	vld [tilespmem:s8+$0xFFFFFFC0]  }
0x358: {  	v13 =	vld [tilespmem:s3+$0xFFFFFFD0]  }
0x359: {  	v14 =	vld [tilespmem:s8+$0xFFFFFFD0]  }
0x35a: {  	v15 =	vld [tilespmem:s3+$0xFFFFFFE0]  }
0x35b: {  	v16 =	vld [tilespmem:s8+$0xFFFFFFE0]  }
0x35c: {  	v17 =	vld [tilespmem:s3+$0xFFFFFFF0]  }
0x35d: {  	v18 =	vld [tilespmem:s8+$0xFFFFFFF0]  }
0x35e: {  	v19 =	vld [tilespmem:s3+$0x0]  }
0x35f: {  	v20 =	vld [tilespmem:s8+$0x0];
	v12 =	vadd.f32 v12, v11  }
0x360: {  	v14 =	vadd.f32 v14, v13;
	v11 =	vld [tilespmem:s3+$0x10]  }
0x361: {  	v15 =	vadd.f32 v16, v15;
	v13 =	vld [tilespmem:s8+$0x10];
	[tilespmem:s3+$0x30] =	vst v12  }
0x362: {  	v16 =	vadd.f32 v18, v17;
	[tilespmem:s3+$0xFFFFFFD0] =	vst v14;
	v12 =	vld [tilespmem:s3+$0x20]  }
0x363: {  	[tilespmem:s3+$0xFFFFFFE0] =	vst v15;
	v15 =	vld [tilespmem:s8+$0x20]  }
0x364: {  	s11 =	simm.s32 $0x0;
	s13 =	simm.s32 $0xE0C0;
	v14 =	vld [tilespmem:s3+$0xFFFFFFC0];
	[tilespmem:s3+$0xFFFFFFF0] =	vst v16;
	v16 =	vadd.f32 v20, v19  }
.LBB2_18:
0x365: {  	v17 =	vld [tilespmem:s13+$0x30];
	s8 =	sadd.s32 $0x100, s8  }
0x366: {  	s11 =	sadd.s32 $0x8, s11;
	v18 =	vld [tilespmem:s8+$0x30];
	[tilespmem:s3+$0x0] =	vst v16;
	v11 =	vadd.f32 v13, v11  }
0x367: {  	p1 =	slt.u32 s11, $0x78;
	v13 =	vld [tilespmem:s8+$0xFFFFFFC0]  }
0x368: {  	v16 =	vld [tilespmem:s13+$0xFFFFFFD0];
	[tilespmem:s3+$0x10] =	vst v11;
	v11 =	vadd.f32 v15, v12  }
0x369: {  	v12 =	vld [tilespmem:s8+$0xFFFFFFD0];
	v19 =	vadd.f32 v10, v14  }
0x36a: {  	v14 =	vld [tilespmem:s13+$0xFFFFFFE0];
	[tilespmem:s3+$0x20] =	vst v11  }
0x36b: {  	v11 =	vld [tilespmem:s8+$0xFFFFFFE0];
	v15 =	vadd.f32 v18, v17;
	[tilespmem:s3+$0xFFFFFFC0] =	vst v19;
	s3 =	smov.u32 s13  }
0x36c: {  	v17 =	vld [tilespmem:s13+$0xFFFFFFF0];
	v10 =	vmov v13  }
0x36d: {  	v18 =	vld [tilespmem:s8+$0xFFFFFFF0];
	[tilespmem:s13+$0x30] =	vst v15  }
0x36e: {  	v12 =	vadd.f32 v12, v16;
	v16 =	vld [tilespmem:s13+$0x0]  }
0x36f: {  	v19 =	vld [tilespmem:s8+$0x0]  }
.Ltmp10:
0x370: {  	[tilespmem:s13+$0xFFFFFFD0] =	vst v12;
	v12 =	vadd.f32 v11, v14;
	v11 =	vld [tilespmem:s13+$0x10];
	(pc) =	sbr.rel @p1 .LBB2_18-.Ltmp10, $4  }
0x371: {  	v13 =	vld [tilespmem:s8+$0x10]  }
0x372: {  	[tilespmem:s13+$0xFFFFFFE0] =	vst v12;
	v17 =	vadd.f32 v18, v17;
	v12 =	vld [tilespmem:s13+$0x20]  }
0x373: {  	v15 =	vld [tilespmem:s8+$0x20]  }
0x374: {  	s13 =	sadd.s32 $0x80, s13;
	v14 =	vld [tilespmem:s3+$0xFFFFFFC0];
	[tilespmem:s3+$0xFFFFFFF0] =	vst v17;
	v16 =	vadd.f32 v19, v16  }
0x375: {  	_ =	sdelay $0x1  }
0x376: {  	v11 =	vadd.f32 v13, v11  }
0x377: {  	[tilespmem:s3+$0x0] =	vst v16;
	v12 =	vadd.f32 v15, v12  }
0x378: {  	[tilespmem:s3+$0x10] =	vst v11;
	v10 =	vadd.f32 v10, v14  }
0x379: {  	[tilespmem:s3+$0x20] =	vst v12  }
0x37a: {  	[tilespmem:s3+$0xFFFFFFC0] =	vst v10  }
0x37b: {  	s0 =	rddreg [dreg:$0x1b]  }
0x37c: {  	s11 =	sld [smem:$0x767]  }
0x37d: {  	[tilespmem:s14], [sflag:$0x3] =	stream.linear.gather [spmem:s0], $0x80, $0x38;
	[tilespmem:$0x19D00] =	vst v63  }
0x37e: {  	s13 =	sld [smem:$0x768]  }
0x37f: {  	[tilespmem:s15], [sflag:$0x3] =	stream.linear.gather [spmem:s11], $0x80, $0x38;
	[tilespmem:$0x19D00] =	vst v63  }
0x380: {  	s3 =	sld [smem:$0x769]  }
0x381: {  	[tilespmem:s18], [sflag:$0x3] =	stream.linear.gather [spmem:s13], $0x80, $0x38;
	[tilespmem:$0x19D00] =	vst v63  }
0x382: {  	s8 =	sld [smem:$0x76A]  }
0x383: {  	[tilespmem:s19], [sflag:$0x3] =	stream.linear.gather [spmem:s3], $0x80, $0x38;
	[tilespmem:$0x19D00] =	vst v63  }
0x384: {  	s11 =	sld [smem:$0x76B]  }
0x385: {  	[tilespmem:s20], [sflag:$0x3] =	stream.linear.gather [spmem:s8], $0x80, $0x38;
	[tilespmem:$0x19D00] =	vst v63  }
0x386: {  	s13 =	sld [smem:$0x76C]  }
0x387: {  	[tilespmem:s22], [sflag:$0x3] =	stream.linear.gather [spmem:s11], $0x80, $0x38;
	[tilespmem:$0x19D00] =	vst v63  }
0x388: {  	s3 =	sld [smem:$0x76D]  }
0x389: {  	[tilespmem:s23], [sflag:$0x3] =	stream.linear.gather [spmem:s13], $0x80, $0x38;
	[tilespmem:$0x19D00] =	vst v63  }
0x38a: {  	s8 =	sld [smem:$0x76E]  }
0x38b: {  	[tilespmem:s24], [sflag:$0x3] =	stream.linear.gather [spmem:s3], $0x80, $0x38;
	[tilespmem:$0x19D00] =	vst v63  }
0x38c: {  	s11 =	sld [smem:$0x76F]  }
0x38d: {  	[tilespmem:s26], [sflag:$0x3] =	stream.linear.gather [spmem:s8], $0x80, $0x38;
	[tilespmem:$0x19D00] =	vst v63  }
0x38e: {  	s13 =	sld [smem:$0x770]  }
0x38f: {  	[tilespmem:s28], [sflag:$0x3] =	stream.linear.gather [spmem:s11], $0x80, $0x38;
	[tilespmem:$0x19D00] =	vst v63  }
0x390: {  	s3 =	sld [smem:$0x771]  }
0x391: {  	[tilespmem:s29], [sflag:$0x3] =	stream.linear.gather [spmem:s13], $0x80, $0x38;
	[tilespmem:$0x19D00] =	vst v63  }
0x392: {  	s8 =	sld [smem:$0x772]  }
0x393: {  	[tilespmem:s30], [sflag:$0x3] =	stream.linear.gather [spmem:s3], $0x80, $0x38;
	[tilespmem:$0x19D00] =	vst v63  }
0x394: {  	s11 =	sld [smem:$0x773]  }
0x395: {  	[tilespmem:s31], [sflag:$0x3] =	stream.linear.gather [spmem:s8], $0x80, $0x38;
	[tilespmem:$0x19D00] =	vst v63  }
0x396: {  	s13 =	simm.s32 $0xF500;
	s3 =	sld [smem:$0x774]  }
0x397: {  	[tilespmem:s13], [sflag:$0x3] =	stream.linear.gather [spmem:s11], $0x80, $0x38;
	[tilespmem:$0x19D00] =	vst v63  }
0x398: {  	s8 =	simm.s32 $0xF600;
	s11 =	sld [smem:$0x775]  }
0x399: {  	[tilespmem:s8], [sflag:$0x3] =	stream.linear.gather [spmem:s3], $0x80, $0x38;
	[tilespmem:$0x19D00] =	vst v63  }
0x39a: {  	s13 =	simm.s32 $0xF700  }
0x39b: {  	[tilespmem:s13], [sflag:$0x3] =	stream.linear.gather [spmem:s11], $0x80, $0x38;
	[tilespmem:$0x19D00] =	vst v63  }
0x39c: {  	_ =	swait.ge [sflag:s16], $0x800  }
0x39d: {  	[sflag:s16] =	ssyncset.done $0x0  }
0x39e: {  	s3 =	simm.s32 $0xE040;
	[sflag:s16] =	ssyncadd.s32 $0xFFFFF800  }
0x39f: {  	s8 =	simm.s32 $0xE840;
	v11 =	vld [tilespmem:s3+$0x30]  }
0x3a0: {  	v12 =	vld [tilespmem:s8+$0x30]  }
0x3a1: {  	v10 =	vld [tilespmem:s8+$0xFFFFFFC0]  }
0x3a2: {  	v13 =	vld [tilespmem:s3+$0xFFFFFFD0]  }
0x3a3: {  	v14 =	vld [tilespmem:s8+$0xFFFFFFD0]  }
0x3a4: {  	v15 =	vld [tilespmem:s3+$0xFFFFFFE0]  }
0x3a5: {  	v16 =	vld [tilespmem:s8+$0xFFFFFFE0]  }
0x3a6: {  	v17 =	vld [tilespmem:s3+$0xFFFFFFF0]  }
0x3a7: {  	v18 =	vld [tilespmem:s8+$0xFFFFFFF0]  }
0x3a8: {  	v19 =	vld [tilespmem:s3+$0x0]  }
0x3a9: {  	v20 =	vld [tilespmem:s8+$0x0];
	v12 =	vadd.f32 v12, v11  }
0x3aa: {  	v14 =	vadd.f32 v14, v13;
	v11 =	vld [tilespmem:s3+$0x10]  }
0x3ab: {  	v15 =	vadd.f32 v16, v15;
	v13 =	vld [tilespmem:s8+$0x10];
	[tilespmem:s3+$0x30] =	vst v12  }
0x3ac: {  	v16 =	vadd.f32 v18, v17;
	[tilespmem:s3+$0xFFFFFFD0] =	vst v14;
	v12 =	vld [tilespmem:s3+$0x20]  }
0x3ad: {  	[tilespmem:s3+$0xFFFFFFE0] =	vst v15;
	v15 =	vld [tilespmem:s8+$0x20]  }
0x3ae: {  	s11 =	simm.s32 $0x0;
	s13 =	simm.s32 $0xE0C0;
	v14 =	vld [tilespmem:s3+$0xFFFFFFC0];
	[tilespmem:s3+$0xFFFFFFF0] =	vst v16;
	v16 =	vadd.f32 v20, v19  }
.LBB2_20:
0x3af: {  	v17 =	vld [tilespmem:s13+$0x30];
	s8 =	sadd.s32 $0x100, s8  }
0x3b0: {  	s11 =	sadd.s32 $0x8, s11;
	v18 =	vld [tilespmem:s8+$0x30];
	[tilespmem:s3+$0x0] =	vst v16;
	v11 =	vadd.f32 v13, v11  }
0x3b1: {  	p1 =	slt.u32 s11, $0x78;
	v13 =	vld [tilespmem:s8+$0xFFFFFFC0]  }
0x3b2: {  	v16 =	vld [tilespmem:s13+$0xFFFFFFD0];
	[tilespmem:s3+$0x10] =	vst v11;
	v11 =	vadd.f32 v15, v12  }
0x3b3: {  	v12 =	vld [tilespmem:s8+$0xFFFFFFD0];
	v19 =	vadd.f32 v10, v14  }
0x3b4: {  	v14 =	vld [tilespmem:s13+$0xFFFFFFE0];
	[tilespmem:s3+$0x20] =	vst v11  }
0x3b5: {  	v11 =	vld [tilespmem:s8+$0xFFFFFFE0];
	v15 =	vadd.f32 v18, v17;
	[tilespmem:s3+$0xFFFFFFC0] =	vst v19;
	s3 =	smov.u32 s13  }
0x3b6: {  	v17 =	vld [tilespmem:s13+$0xFFFFFFF0];
	v10 =	vmov v13  }
0x3b7: {  	v18 =	vld [tilespmem:s8+$0xFFFFFFF0];
	[tilespmem:s13+$0x30] =	vst v15  }
0x3b8: {  	v12 =	vadd.f32 v12, v16;
	v16 =	vld [tilespmem:s13+$0x0]  }
0x3b9: {  	v19 =	vld [tilespmem:s8+$0x0]  }
.Ltmp11:
0x3ba: {  	[tilespmem:s13+$0xFFFFFFD0] =	vst v12;
	v12 =	vadd.f32 v11, v14;
	v11 =	vld [tilespmem:s13+$0x10];
	(pc) =	sbr.rel @p1 .LBB2_20-.Ltmp11, $4  }
0x3bb: {  	v13 =	vld [tilespmem:s8+$0x10]  }
0x3bc: {  	[tilespmem:s13+$0xFFFFFFE0] =	vst v12;
	v17 =	vadd.f32 v18, v17;
	v12 =	vld [tilespmem:s13+$0x20]  }
0x3bd: {  	v15 =	vld [tilespmem:s8+$0x20]  }
0x3be: {  	s13 =	sadd.s32 $0x80, s13;
	v14 =	vld [tilespmem:s3+$0xFFFFFFC0];
	[tilespmem:s3+$0xFFFFFFF0] =	vst v17;
	v16 =	vadd.f32 v19, v16  }
0x3bf: {  	_ =	sdelay $0x1  }
0x3c0: {  	v11 =	vadd.f32 v13, v11  }
0x3c1: {  	[tilespmem:s3+$0x0] =	vst v16;
	v12 =	vadd.f32 v15, v12  }
0x3c2: {  	[tilespmem:s3+$0x10] =	vst v11;
	v10 =	vadd.f32 v10, v14  }
0x3c3: {  	[tilespmem:s3+$0x20] =	vst v12  }
0x3c4: {  	[tilespmem:s3+$0xFFFFFFC0] =	vst v10  }
0x3c5: {  	s0 =	rddreg [dreg:$0x1c]  }
0x3c6: {  	s11 =	sld [smem:$0x776]  }
0x3c7: {  	[tilespmem:s14], [sflag:$0x3] =	stream.linear.gather [spmem:s0], $0x80, $0x38;
	[tilespmem:$0x19D00] =	vst v63  }
0x3c8: {  	s13 =	sld [smem:$0x777]  }
0x3c9: {  	[tilespmem:s15], [sflag:$0x3] =	stream.linear.gather [spmem:s11], $0x80, $0x38;
	[tilespmem:$0x19D00] =	vst v63  }
0x3ca: {  	s3 =	sld [smem:$0x778]  }
0x3cb: {  	[tilespmem:s18], [sflag:$0x3] =	stream.linear.gather [spmem:s13], $0x80, $0x38;
	[tilespmem:$0x19D00] =	vst v63  }
0x3cc: {  	s8 =	sld [smem:$0x779]  }
0x3cd: {  	[tilespmem:s19], [sflag:$0x3] =	stream.linear.gather [spmem:s3], $0x80, $0x38;
	[tilespmem:$0x19D00] =	vst v63  }
0x3ce: {  	s11 =	sld [smem:$0x77A]  }
0x3cf: {  	[tilespmem:s20], [sflag:$0x3] =	stream.linear.gather [spmem:s8], $0x80, $0x38;
	[tilespmem:$0x19D00] =	vst v63  }
0x3d0: {  	s13 =	sld [smem:$0x77B]  }
0x3d1: {  	[tilespmem:s22], [sflag:$0x3] =	stream.linear.gather [spmem:s11], $0x80, $0x38;
	[tilespmem:$0x19D00] =	vst v63  }
0x3d2: {  	s3 =	sld [smem:$0x77C]  }
0x3d3: {  	[tilespmem:s23], [sflag:$0x3] =	stream.linear.gather [spmem:s13], $0x80, $0x38;
	[tilespmem:$0x19D00] =	vst v63  }
0x3d4: {  	s8 =	sld [smem:$0x77D]  }
0x3d5: {  	[tilespmem:s24], [sflag:$0x3] =	stream.linear.gather [spmem:s3], $0x80, $0x38;
	[tilespmem:$0x19D00] =	vst v63  }
0x3d6: {  	s11 =	sld [smem:$0x77E]  }
0x3d7: {  	[tilespmem:s26], [sflag:$0x3] =	stream.linear.gather [spmem:s8], $0x80, $0x38;
	[tilespmem:$0x19D00] =	vst v63  }
0x3d8: {  	s13 =	sld [smem:$0x77F]  }
0x3d9: {  	[tilespmem:s28], [sflag:$0x3] =	stream.linear.gather [spmem:s11], $0x80, $0x38;
	[tilespmem:$0x19D00] =	vst v63  }
0x3da: {  	s3 =	sld [smem:$0x780]  }
0x3db: {  	[tilespmem:s29], [sflag:$0x3] =	stream.linear.gather [spmem:s13], $0x80, $0x38;
	[tilespmem:$0x19D00] =	vst v63  }
0x3dc: {  	s8 =	sld [smem:$0x781]  }
0x3dd: {  	[tilespmem:s30], [sflag:$0x3] =	stream.linear.gather [spmem:s3], $0x80, $0x38;
	[tilespmem:$0x19D00] =	vst v63  }
0x3de: {  	s11 =	sld [smem:$0x782]  }
0x3df: {  	[tilespmem:s31], [sflag:$0x3] =	stream.linear.gather [spmem:s8], $0x80, $0x38;
	[tilespmem:$0x19D00] =	vst v63  }
0x3e0: {  	s13 =	simm.s32 $0xF500;
	s3 =	sld [smem:$0x783]  }
0x3e1: {  	[tilespmem:s13], [sflag:$0x3] =	stream.linear.gather [spmem:s11], $0x80, $0x38;
	[tilespmem:$0x19D00] =	vst v63  }
0x3e2: {  	s8 =	simm.s32 $0xF600;
	s11 =	sld [smem:$0x784]  }
0x3e3: {  	[tilespmem:s8], [sflag:$0x3] =	stream.linear.gather [spmem:s3], $0x80, $0x38;
	[tilespmem:$0x19D00] =	vst v63  }
0x3e4: {  	s13 =	simm.s32 $0xF700  }
0x3e5: {  	[tilespmem:s13], [sflag:$0x3] =	stream.linear.gather [spmem:s11], $0x80, $0x38;
	[tilespmem:$0x19D00] =	vst v63  }
0x3e6: {  	_ =	swait.ge [sflag:s16], $0x800  }
0x3e7: {  	[sflag:s16] =	ssyncset.done $0x0  }
0x3e8: {  	s3 =	simm.s32 $0xE040;
	[sflag:s16] =	ssyncadd.s32 $0xFFFFF800  }
0x3e9: {  	s8 =	simm.s32 $0xE840;
	v11 =	vld [tilespmem:s3+$0x30]  }
0x3ea: {  	v12 =	vld [tilespmem:s8+$0x30]  }
0x3eb: {  	v10 =	vld [tilespmem:s8+$0xFFFFFFC0]  }
0x3ec: {  	v13 =	vld [tilespmem:s3+$0xFFFFFFD0]  }
0x3ed: {  	v14 =	vld [tilespmem:s8+$0xFFFFFFD0]  }
0x3ee: {  	v15 =	vld [tilespmem:s3+$0xFFFFFFE0]  }
0x3ef: {  	v16 =	vld [tilespmem:s8+$0xFFFFFFE0]  }
0x3f0: {  	v17 =	vld [tilespmem:s3+$0xFFFFFFF0]  }
0x3f1: {  	v18 =	vld [tilespmem:s8+$0xFFFFFFF0]  }
0x3f2: {  	v19 =	vld [tilespmem:s3+$0x0]  }
0x3f3: {  	v20 =	vld [tilespmem:s8+$0x0];
	v12 =	vadd.f32 v12, v11  }
0x3f4: {  	v14 =	vadd.f32 v14, v13;
	v11 =	vld [tilespmem:s3+$0x10]  }
0x3f5: {  	v15 =	vadd.f32 v16, v15;
	v13 =	vld [tilespmem:s8+$0x10];
	[tilespmem:s3+$0x30] =	vst v12  }
0x3f6: {  	v16 =	vadd.f32 v18, v17;
	[tilespmem:s3+$0xFFFFFFD0] =	vst v14;
	v12 =	vld [tilespmem:s3+$0x20]  }
0x3f7: {  	[tilespmem:s3+$0xFFFFFFE0] =	vst v15;
	v15 =	vld [tilespmem:s8+$0x20]  }
0x3f8: {  	s11 =	simm.s32 $0x0;
	s13 =	simm.s32 $0xE0C0;
	v14 =	vld [tilespmem:s3+$0xFFFFFFC0];
	[tilespmem:s3+$0xFFFFFFF0] =	vst v16;
	v16 =	vadd.f32 v20, v19  }
.LBB2_22:
0x3f9: {  	v17 =	vld [tilespmem:s13+$0x30];
	s8 =	sadd.s32 $0x100, s8  }
0x3fa: {  	s11 =	sadd.s32 $0x8, s11;
	v18 =	vld [tilespmem:s8+$0x30];
	[tilespmem:s3+$0x0] =	vst v16;
	v11 =	vadd.f32 v13, v11  }
0x3fb: {  	p1 =	slt.u32 s11, $0x78;
	v13 =	vld [tilespmem:s8+$0xFFFFFFC0]  }
0x3fc: {  	v16 =	vld [tilespmem:s13+$0xFFFFFFD0];
	[tilespmem:s3+$0x10] =	vst v11;
	v11 =	vadd.f32 v15, v12  }
0x3fd: {  	v12 =	vld [tilespmem:s8+$0xFFFFFFD0];
	v19 =	vadd.f32 v10, v14  }
0x3fe: {  	v14 =	vld [tilespmem:s13+$0xFFFFFFE0];
	[tilespmem:s3+$0x20] =	vst v11  }
0x3ff: {  	v11 =	vld [tilespmem:s8+$0xFFFFFFE0];
	v15 =	vadd.f32 v18, v17;
	[tilespmem:s3+$0xFFFFFFC0] =	vst v19;
	s3 =	smov.u32 s13  }
0x400: {  	v17 =	vld [tilespmem:s13+$0xFFFFFFF0];
	v10 =	vmov v13  }
0x401: {  	v18 =	vld [tilespmem:s8+$0xFFFFFFF0];
	[tilespmem:s13+$0x30] =	vst v15  }
0x402: {  	v12 =	vadd.f32 v12, v16;
	v16 =	vld [tilespmem:s13+$0x0]  }
0x403: {  	v19 =	vld [tilespmem:s8+$0x0]  }
.Ltmp12:
0x404: {  	[tilespmem:s13+$0xFFFFFFD0] =	vst v12;
	v12 =	vadd.f32 v11, v14;
	v11 =	vld [tilespmem:s13+$0x10];
	(pc) =	sbr.rel @p1 .LBB2_22-.Ltmp12, $4  }
0x405: {  	v13 =	vld [tilespmem:s8+$0x10]  }
0x406: {  	[tilespmem:s13+$0xFFFFFFE0] =	vst v12;
	v17 =	vadd.f32 v18, v17;
	v12 =	vld [tilespmem:s13+$0x20]  }
0x407: {  	v15 =	vld [tilespmem:s8+$0x20]  }
0x408: {  	s13 =	sadd.s32 $0x80, s13;
	v14 =	vld [tilespmem:s3+$0xFFFFFFC0];
	[tilespmem:s3+$0xFFFFFFF0] =	vst v17;
	v16 =	vadd.f32 v19, v16  }
0x409: {  	_ =	sdelay $0x1  }
0x40a: {  	v11 =	vadd.f32 v13, v11  }
0x40b: {  	[tilespmem:s3+$0x0] =	vst v16;
	v12 =	vadd.f32 v15, v12  }
0x40c: {  	[tilespmem:s3+$0x10] =	vst v11;
	v10 =	vadd.f32 v10, v14  }
0x40d: {  	[tilespmem:s3+$0x20] =	vst v12  }
0x40e: {  	[tilespmem:s3+$0xFFFFFFC0] =	vst v10  }
0x40f: {  	s0 =	rddreg [dreg:$0x1d]  }
0x410: {  	s11 =	sld [smem:$0x785]  }
0x411: {  	[tilespmem:s14], [sflag:$0x3] =	stream.linear.gather [spmem:s0], $0x80, $0x38;
	[tilespmem:$0x19D00] =	vst v63  }
0x412: {  	s13 =	sld [smem:$0x786]  }
0x413: {  	[tilespmem:s15], [sflag:$0x3] =	stream.linear.gather [spmem:s11], $0x80, $0x38;
	[tilespmem:$0x19D00] =	vst v63  }
0x414: {  	s3 =	sld [smem:$0x787]  }
0x415: {  	[tilespmem:s18], [sflag:$0x3] =	stream.linear.gather [spmem:s13], $0x80, $0x38;
	[tilespmem:$0x19D00] =	vst v63  }
0x416: {  	s8 =	sld [smem:$0x788]  }
0x417: {  	[tilespmem:s19], [sflag:$0x3] =	stream.linear.gather [spmem:s3], $0x80, $0x38;
	[tilespmem:$0x19D00] =	vst v63  }
0x418: {  	s11 =	sld [smem:$0x789]  }
0x419: {  	[tilespmem:s20], [sflag:$0x3] =	stream.linear.gather [spmem:s8], $0x80, $0x38;
	[tilespmem:$0x19D00] =	vst v63  }
0x41a: {  	s13 =	sld [smem:$0x78A]  }
0x41b: {  	[tilespmem:s22], [sflag:$0x3] =	stream.linear.gather [spmem:s11], $0x80, $0x38;
	[tilespmem:$0x19D00] =	vst v63  }
0x41c: {  	s3 =	sld [smem:$0x78B]  }
0x41d: {  	[tilespmem:s23], [sflag:$0x3] =	stream.linear.gather [spmem:s13], $0x80, $0x38;
	[tilespmem:$0x19D00] =	vst v63  }
0x41e: {  	s8 =	sld [smem:$0x78C]  }
0x41f: {  	[tilespmem:s24], [sflag:$0x3] =	stream.linear.gather [spmem:s3], $0x80, $0x38;
	[tilespmem:$0x19D00] =	vst v63  }
0x420: {  	s11 =	sld [smem:$0x78D]  }
0x421: {  	[tilespmem:s26], [sflag:$0x3] =	stream.linear.gather [spmem:s8], $0x80, $0x38;
	[tilespmem:$0x19D00] =	vst v63  }
0x422: {  	s13 =	sld [smem:$0x78E]  }
0x423: {  	[tilespmem:s28], [sflag:$0x3] =	stream.linear.gather [spmem:s11], $0x80, $0x38;
	[tilespmem:$0x19D00] =	vst v63  }
0x424: {  	s3 =	sld [smem:$0x78F]  }
0x425: {  	[tilespmem:s29], [sflag:$0x3] =	stream.linear.gather [spmem:s13], $0x80, $0x38;
	[tilespmem:$0x19D00] =	vst v63  }
0x426: {  	s8 =	sld [smem:$0x790]  }
0x427: {  	[tilespmem:s30], [sflag:$0x3] =	stream.linear.gather [spmem:s3], $0x80, $0x38;
	[tilespmem:$0x19D00] =	vst v63  }
0x428: {  	s11 =	sld [smem:$0x791]  }
0x429: {  	[tilespmem:s31], [sflag:$0x3] =	stream.linear.gather [spmem:s8], $0x80, $0x38;
	[tilespmem:$0x19D00] =	vst v63  }
0x42a: {  	s13 =	simm.s32 $0xF500;
	s3 =	sld [smem:$0x792]  }
0x42b: {  	[tilespmem:s13], [sflag:$0x3] =	stream.linear.gather [spmem:s11], $0x80, $0x38;
	[tilespmem:$0x19D00] =	vst v63  }
0x42c: {  	s8 =	simm.s32 $0xF600;
	s11 =	sld [smem:$0x793]  }
0x42d: {  	[tilespmem:s8], [sflag:$0x3] =	stream.linear.gather [spmem:s3], $0x80, $0x38;
	[tilespmem:$0x19D00] =	vst v63  }
0x42e: {  	s13 =	simm.s32 $0xF700  }
0x42f: {  	[tilespmem:s13], [sflag:$0x3] =	stream.linear.gather [spmem:s11], $0x80, $0x38;
	[tilespmem:$0x19D00] =	vst v63  }
0x430: {  	_ =	swait.ge [sflag:s16], $0x800  }
0x431: {  	[sflag:s16] =	ssyncset.done $0x0  }
0x432: {  	s3 =	simm.s32 $0xE040;
	[sflag:s16] =	ssyncadd.s32 $0xFFFFF800  }
0x433: {  	s8 =	simm.s32 $0xE840;
	v11 =	vld [tilespmem:s3+$0x30]  }
0x434: {  	v12 =	vld [tilespmem:s8+$0x30]  }
0x435: {  	v10 =	vld [tilespmem:s8+$0xFFFFFFC0]  }
0x436: {  	v13 =	vld [tilespmem:s3+$0xFFFFFFD0]  }
0x437: {  	v14 =	vld [tilespmem:s8+$0xFFFFFFD0]  }
0x438: {  	v15 =	vld [tilespmem:s3+$0xFFFFFFE0]  }
0x439: {  	v16 =	vld [tilespmem:s8+$0xFFFFFFE0]  }
0x43a: {  	v17 =	vld [tilespmem:s3+$0xFFFFFFF0]  }
0x43b: {  	v18 =	vld [tilespmem:s8+$0xFFFFFFF0]  }
0x43c: {  	v19 =	vld [tilespmem:s3+$0x0]  }
0x43d: {  	v20 =	vld [tilespmem:s8+$0x0];
	v12 =	vadd.f32 v12, v11  }
0x43e: {  	v14 =	vadd.f32 v14, v13;
	v11 =	vld [tilespmem:s3+$0x10]  }
0x43f: {  	v15 =	vadd.f32 v16, v15;
	v13 =	vld [tilespmem:s8+$0x10];
	[tilespmem:s3+$0x30] =	vst v12  }
0x440: {  	v16 =	vadd.f32 v18, v17;
	[tilespmem:s3+$0xFFFFFFD0] =	vst v14;
	v12 =	vld [tilespmem:s3+$0x20]  }
0x441: {  	[tilespmem:s3+$0xFFFFFFE0] =	vst v15;
	v15 =	vld [tilespmem:s8+$0x20]  }
0x442: {  	s11 =	simm.s32 $0x0;
	s13 =	simm.s32 $0xE0C0;
	v14 =	vld [tilespmem:s3+$0xFFFFFFC0];
	[tilespmem:s3+$0xFFFFFFF0] =	vst v16;
	v16 =	vadd.f32 v20, v19  }
.LBB2_24:
0x443: {  	v17 =	vld [tilespmem:s13+$0x30];
	s8 =	sadd.s32 $0x100, s8  }
0x444: {  	s11 =	sadd.s32 $0x8, s11;
	v18 =	vld [tilespmem:s8+$0x30];
	[tilespmem:s3+$0x0] =	vst v16;
	v11 =	vadd.f32 v13, v11  }
0x445: {  	p1 =	slt.u32 s11, $0x78;
	v13 =	vld [tilespmem:s8+$0xFFFFFFC0]  }
0x446: {  	v16 =	vld [tilespmem:s13+$0xFFFFFFD0];
	[tilespmem:s3+$0x10] =	vst v11;
	v11 =	vadd.f32 v15, v12  }
0x447: {  	v12 =	vld [tilespmem:s8+$0xFFFFFFD0];
	v19 =	vadd.f32 v10, v14  }
0x448: {  	v14 =	vld [tilespmem:s13+$0xFFFFFFE0];
	[tilespmem:s3+$0x20] =	vst v11  }
0x449: {  	v11 =	vld [tilespmem:s8+$0xFFFFFFE0];
	v15 =	vadd.f32 v18, v17;
	[tilespmem:s3+$0xFFFFFFC0] =	vst v19;
	s3 =	smov.u32 s13  }
0x44a: {  	v17 =	vld [tilespmem:s13+$0xFFFFFFF0];
	v10 =	vmov v13  }
0x44b: {  	v18 =	vld [tilespmem:s8+$0xFFFFFFF0];
	[tilespmem:s13+$0x30] =	vst v15  }
0x44c: {  	v12 =	vadd.f32 v12, v16;
	v16 =	vld [tilespmem:s13+$0x0]  }
0x44d: {  	v19 =	vld [tilespmem:s8+$0x0]  }
.Ltmp13:
0x44e: {  	[tilespmem:s13+$0xFFFFFFD0] =	vst v12;
	v12 =	vadd.f32 v11, v14;
	v11 =	vld [tilespmem:s13+$0x10];
	(pc) =	sbr.rel @p1 .LBB2_24-.Ltmp13, $4  }
0x44f: {  	v13 =	vld [tilespmem:s8+$0x10]  }
0x450: {  	[tilespmem:s13+$0xFFFFFFE0] =	vst v12;
	v17 =	vadd.f32 v18, v17;
	v12 =	vld [tilespmem:s13+$0x20]  }
0x451: {  	v15 =	vld [tilespmem:s8+$0x20]  }
0x452: {  	s13 =	sadd.s32 $0x80, s13;
	v14 =	vld [tilespmem:s3+$0xFFFFFFC0];
	[tilespmem:s3+$0xFFFFFFF0] =	vst v17;
	v16 =	vadd.f32 v19, v16  }
0x453: {  	_ =	sdelay $0x1  }
0x454: {  	v11 =	vadd.f32 v13, v11  }
0x455: {  	[tilespmem:s3+$0x0] =	vst v16;
	v12 =	vadd.f32 v15, v12  }
0x456: {  	[tilespmem:s3+$0x10] =	vst v11;
	v10 =	vadd.f32 v10, v14  }
0x457: {  	[tilespmem:s3+$0x20] =	vst v12  }
0x458: {  	[tilespmem:s3+$0xFFFFFFC0] =	vst v10  }
0x459: {  	s0 =	rddreg [dreg:$0x1e]  }
0x45a: {  	s11 =	sld [smem:$0x794]  }
0x45b: {  	[tilespmem:s14], [sflag:$0x3] =	stream.linear.gather [spmem:s0], $0x80, $0x38;
	[tilespmem:$0x19D00] =	vst v63  }
0x45c: {  	s13 =	sld [smem:$0x795]  }
0x45d: {  	[tilespmem:s15], [sflag:$0x3] =	stream.linear.gather [spmem:s11], $0x80, $0x38;
	[tilespmem:$0x19D00] =	vst v63  }
0x45e: {  	s3 =	sld [smem:$0x796]  }
0x45f: {  	[tilespmem:s18], [sflag:$0x3] =	stream.linear.gather [spmem:s13], $0x80, $0x38;
	[tilespmem:$0x19D00] =	vst v63  }
0x460: {  	s8 =	sld [smem:$0x797]  }
0x461: {  	[tilespmem:s19], [sflag:$0x3] =	stream.linear.gather [spmem:s3], $0x80, $0x38;
	[tilespmem:$0x19D00] =	vst v63  }
0x462: {  	s11 =	sld [smem:$0x798]  }
0x463: {  	[tilespmem:s20], [sflag:$0x3] =	stream.linear.gather [spmem:s8], $0x80, $0x38;
	[tilespmem:$0x19D00] =	vst v63  }
0x464: {  	s13 =	sld [smem:$0x799]  }
0x465: {  	[tilespmem:s22], [sflag:$0x3] =	stream.linear.gather [spmem:s11], $0x80, $0x38;
	[tilespmem:$0x19D00] =	vst v63  }
0x466: {  	s3 =	sld [smem:$0x79A]  }
0x467: {  	[tilespmem:s23], [sflag:$0x3] =	stream.linear.gather [spmem:s13], $0x80, $0x38;
	[tilespmem:$0x19D00] =	vst v63  }
0x468: {  	s8 =	sld [smem:$0x79B]  }
0x469: {  	[tilespmem:s24], [sflag:$0x3] =	stream.linear.gather [spmem:s3], $0x80, $0x38;
	[tilespmem:$0x19D00] =	vst v63  }
0x46a: {  	s11 =	sld [smem:$0x79C]  }
0x46b: {  	[tilespmem:s26], [sflag:$0x3] =	stream.linear.gather [spmem:s8], $0x80, $0x38;
	[tilespmem:$0x19D00] =	vst v63  }
0x46c: {  	s13 =	sld [smem:$0x79D]  }
0x46d: {  	[tilespmem:s28], [sflag:$0x3] =	stream.linear.gather [spmem:s11], $0x80, $0x38;
	[tilespmem:$0x19D00] =	vst v63  }
0x46e: {  	s3 =	sld [smem:$0x79E]  }
0x46f: {  	[tilespmem:s29], [sflag:$0x3] =	stream.linear.gather [spmem:s13], $0x80, $0x38;
	[tilespmem:$0x19D00] =	vst v63  }
0x470: {  	s8 =	sld [smem:$0x79F]  }
0x471: {  	[tilespmem:s30], [sflag:$0x3] =	stream.linear.gather [spmem:s3], $0x80, $0x38;
	[tilespmem:$0x19D00] =	vst v63  }
0x472: {  	s11 =	sld [smem:$0x7A0]  }
0x473: {  	[tilespmem:s31], [sflag:$0x3] =	stream.linear.gather [spmem:s8], $0x80, $0x38;
	[tilespmem:$0x19D00] =	vst v63  }
0x474: {  	s13 =	simm.s32 $0xF500;
	s3 =	sld [smem:$0x7A1]  }
0x475: {  	[tilespmem:s13], [sflag:$0x3] =	stream.linear.gather [spmem:s11], $0x80, $0x38;
	[tilespmem:$0x19D00] =	vst v63  }
0x476: {  	s8 =	simm.s32 $0xF600;
	s11 =	sld [smem:$0x7A2]  }
0x477: {  	[tilespmem:s8], [sflag:$0x3] =	stream.linear.gather [spmem:s3], $0x80, $0x38;
	[tilespmem:$0x19D00] =	vst v63  }
0x478: {  	s13 =	simm.s32 $0xF700  }
0x479: {  	[tilespmem:s13], [sflag:$0x3] =	stream.linear.gather [spmem:s11], $0x80, $0x38;
	[tilespmem:$0x19D00] =	vst v63  }
0x47a: {  	_ =	swait.ge [sflag:s16], $0x800  }
0x47b: {  	[sflag:s16] =	ssyncset.done $0x0  }
0x47c: {  	s3 =	simm.s32 $0xE040;
	[sflag:s16] =	ssyncadd.s32 $0xFFFFF800  }
0x47d: {  	s8 =	simm.s32 $0xE840;
	v11 =	vld [tilespmem:s3+$0x30]  }
0x47e: {  	v12 =	vld [tilespmem:s8+$0x30]  }
0x47f: {  	v10 =	vld [tilespmem:s8+$0xFFFFFFC0]  }
0x480: {  	v13 =	vld [tilespmem:s3+$0xFFFFFFD0]  }
0x481: {  	v14 =	vld [tilespmem:s8+$0xFFFFFFD0]  }
0x482: {  	v15 =	vld [tilespmem:s3+$0xFFFFFFE0]  }
0x483: {  	v16 =	vld [tilespmem:s8+$0xFFFFFFE0]  }
0x484: {  	v17 =	vld [tilespmem:s3+$0xFFFFFFF0]  }
0x485: {  	v18 =	vld [tilespmem:s8+$0xFFFFFFF0]  }
0x486: {  	v19 =	vld [tilespmem:s3+$0x0]  }
0x487: {  	v20 =	vld [tilespmem:s8+$0x0];
	v12 =	vadd.f32 v12, v11  }
0x488: {  	v14 =	vadd.f32 v14, v13;
	v11 =	vld [tilespmem:s3+$0x10]  }
0x489: {  	v15 =	vadd.f32 v16, v15;
	v13 =	vld [tilespmem:s8+$0x10];
	[tilespmem:s3+$0x30] =	vst v12  }
0x48a: {  	v16 =	vadd.f32 v18, v17;
	[tilespmem:s3+$0xFFFFFFD0] =	vst v14;
	v12 =	vld [tilespmem:s3+$0x20]  }
0x48b: {  	[tilespmem:s3+$0xFFFFFFE0] =	vst v15;
	v15 =	vld [tilespmem:s8+$0x20]  }
0x48c: {  	s11 =	simm.s32 $0x0;
	s13 =	simm.s32 $0xE0C0;
	v14 =	vld [tilespmem:s3+$0xFFFFFFC0];
	[tilespmem:s3+$0xFFFFFFF0] =	vst v16;
	v16 =	vadd.f32 v20, v19  }
.LBB2_26:
0x48d: {  	v17 =	vld [tilespmem:s13+$0x30];
	s8 =	sadd.s32 $0x100, s8  }
0x48e: {  	s11 =	sadd.s32 $0x8, s11;
	v18 =	vld [tilespmem:s8+$0x30];
	[tilespmem:s3+$0x0] =	vst v16;
	v11 =	vadd.f32 v13, v11  }
0x48f: {  	p1 =	slt.u32 s11, $0x78;
	v13 =	vld [tilespmem:s8+$0xFFFFFFC0]  }
0x490: {  	v16 =	vld [tilespmem:s13+$0xFFFFFFD0];
	[tilespmem:s3+$0x10] =	vst v11;
	v11 =	vadd.f32 v15, v12  }
0x491: {  	v12 =	vld [tilespmem:s8+$0xFFFFFFD0];
	v19 =	vadd.f32 v10, v14  }
0x492: {  	v14 =	vld [tilespmem:s13+$0xFFFFFFE0];
	[tilespmem:s3+$0x20] =	vst v11  }
0x493: {  	v11 =	vld [tilespmem:s8+$0xFFFFFFE0];
	v15 =	vadd.f32 v18, v17;
	[tilespmem:s3+$0xFFFFFFC0] =	vst v19;
	s3 =	smov.u32 s13  }
0x494: {  	v17 =	vld [tilespmem:s13+$0xFFFFFFF0];
	v10 =	vmov v13  }
0x495: {  	v18 =	vld [tilespmem:s8+$0xFFFFFFF0];
	[tilespmem:s13+$0x30] =	vst v15  }
0x496: {  	v12 =	vadd.f32 v12, v16;
	v16 =	vld [tilespmem:s13+$0x0]  }
0x497: {  	v19 =	vld [tilespmem:s8+$0x0]  }
.Ltmp14:
0x498: {  	[tilespmem:s13+$0xFFFFFFD0] =	vst v12;
	v12 =	vadd.f32 v11, v14;
	v11 =	vld [tilespmem:s13+$0x10];
	(pc) =	sbr.rel @p1 .LBB2_26-.Ltmp14, $4  }
0x499: {  	v13 =	vld [tilespmem:s8+$0x10]  }
0x49a: {  	[tilespmem:s13+$0xFFFFFFE0] =	vst v12;
	v17 =	vadd.f32 v18, v17;
	v12 =	vld [tilespmem:s13+$0x20]  }
0x49b: {  	v15 =	vld [tilespmem:s8+$0x20]  }
0x49c: {  	s13 =	sadd.s32 $0x80, s13;
	v14 =	vld [tilespmem:s3+$0xFFFFFFC0];
	[tilespmem:s3+$0xFFFFFFF0] =	vst v17;
	v16 =	vadd.f32 v19, v16  }
0x49d: {  	_ =	sdelay $0x1  }
0x49e: {  	v11 =	vadd.f32 v13, v11  }
0x49f: {  	[tilespmem:s3+$0x0] =	vst v16;
	v12 =	vadd.f32 v15, v12  }
0x4a0: {  	[tilespmem:s3+$0x10] =	vst v11;
	v10 =	vadd.f32 v10, v14  }
0x4a1: {  	[tilespmem:s3+$0x20] =	vst v12  }
0x4a2: {  	[tilespmem:s3+$0xFFFFFFC0] =	vst v10  }
0x4a3: {  	s0 =	rddreg [dreg:$0x1f]  }
0x4a4: {  	s11 =	sld [smem:$0x7A3]  }
0x4a5: {  	[tilespmem:s14], [sflag:$0x3] =	stream.linear.gather [spmem:s0], $0x80, $0x38;
	[tilespmem:$0x19D00] =	vst v63  }
0x4a6: {  	s13 =	sld [smem:$0x7A4]  }
0x4a7: {  	[tilespmem:s15], [sflag:$0x3] =	stream.linear.gather [spmem:s11], $0x80, $0x38;
	[tilespmem:$0x19D00] =	vst v63  }
0x4a8: {  	s3 =	sld [smem:$0x7A5]  }
0x4a9: {  	[tilespmem:s18], [sflag:$0x3] =	stream.linear.gather [spmem:s13], $0x80, $0x38;
	[tilespmem:$0x19D00] =	vst v63  }
0x4aa: {  	s8 =	sld [smem:$0x7A6]  }
0x4ab: {  	[tilespmem:s19], [sflag:$0x3] =	stream.linear.gather [spmem:s3], $0x80, $0x38;
	[tilespmem:$0x19D00] =	vst v63  }
0x4ac: {  	s11 =	sld [smem:$0x7A7]  }
0x4ad: {  	[tilespmem:s20], [sflag:$0x3] =	stream.linear.gather [spmem:s8], $0x80, $0x38;
	[tilespmem:$0x19D00] =	vst v63  }
0x4ae: {  	s13 =	sld [smem:$0x7A8]  }
0x4af: {  	[tilespmem:s22], [sflag:$0x3] =	stream.linear.gather [spmem:s11], $0x80, $0x38;
	[tilespmem:$0x19D00] =	vst v63  }
0x4b0: {  	s3 =	sld [smem:$0x7A9]  }
0x4b1: {  	[tilespmem:s23], [sflag:$0x3] =	stream.linear.gather [spmem:s13], $0x80, $0x38;
	[tilespmem:$0x19D00] =	vst v63  }
0x4b2: {  	s8 =	sld [smem:$0x7AA]  }
0x4b3: {  	[tilespmem:s24], [sflag:$0x3] =	stream.linear.gather [spmem:s3], $0x80, $0x38;
	[tilespmem:$0x19D00] =	vst v63  }
0x4b4: {  	s11 =	sld [smem:$0x7AB]  }
0x4b5: {  	[tilespmem:s26], [sflag:$0x3] =	stream.linear.gather [spmem:s8], $0x80, $0x38;
	[tilespmem:$0x19D00] =	vst v63  }
0x4b6: {  	s13 =	sld [smem:$0x7AC]  }
0x4b7: {  	[tilespmem:s28], [sflag:$0x3] =	stream.linear.gather [spmem:s11], $0x80, $0x38;
	[tilespmem:$0x19D00] =	vst v63  }
0x4b8: {  	s3 =	sld [smem:$0x7AD]  }
0x4b9: {  	[tilespmem:s29], [sflag:$0x3] =	stream.linear.gather [spmem:s13], $0x80, $0x38;
	[tilespmem:$0x19D00] =	vst v63  }
0x4ba: {  	s8 =	sld [smem:$0x7AE]  }
0x4bb: {  	[tilespmem:s30], [sflag:$0x3] =	stream.linear.gather [spmem:s3], $0x80, $0x38;
	[tilespmem:$0x19D00] =	vst v63  }
0x4bc: {  	s11 =	sld [smem:$0x7AF]  }
0x4bd: {  	[tilespmem:s31], [sflag:$0x3] =	stream.linear.gather [spmem:s8], $0x80, $0x38;
	[tilespmem:$0x19D00] =	vst v63  }
0x4be: {  	s13 =	simm.s32 $0xF500;
	s3 =	sld [smem:$0x7B0]  }
0x4bf: {  	[tilespmem:s13], [sflag:$0x3] =	stream.linear.gather [spmem:s11], $0x80, $0x38;
	[tilespmem:$0x19D00] =	vst v63  }
0x4c0: {  	s8 =	simm.s32 $0xF600;
	s11 =	sld [smem:$0x7B1]  }
0x4c1: {  	[tilespmem:s8], [sflag:$0x3] =	stream.linear.gather [spmem:s3], $0x80, $0x38;
	[tilespmem:$0x19D00] =	vst v63  }
0x4c2: {  	s13 =	simm.s32 $0xF700  }
0x4c3: {  	[tilespmem:s13], [sflag:$0x3] =	stream.linear.gather [spmem:s11], $0x80, $0x38;
	[tilespmem:$0x19D00] =	vst v63  }
0x4c4: {  	_ =	swait.ge [sflag:s16], $0x800  }
0x4c5: {  	[sflag:s16] =	ssyncset.done $0x0  }
0x4c6: {  	s3 =	simm.s32 $0xE040;
	[sflag:s16] =	ssyncadd.s32 $0xFFFFF800  }
0x4c7: {  	s8 =	simm.s32 $0xE840;
	v11 =	vld [tilespmem:s3+$0x30]  }
0x4c8: {  	v12 =	vld [tilespmem:s8+$0x30]  }
0x4c9: {  	v10 =	vld [tilespmem:s8+$0xFFFFFFC0]  }
0x4ca: {  	v13 =	vld [tilespmem:s3+$0xFFFFFFD0]  }
0x4cb: {  	v14 =	vld [tilespmem:s8+$0xFFFFFFD0]  }
0x4cc: {  	v15 =	vld [tilespmem:s3+$0xFFFFFFE0]  }
0x4cd: {  	v16 =	vld [tilespmem:s8+$0xFFFFFFE0]  }
0x4ce: {  	v17 =	vld [tilespmem:s3+$0xFFFFFFF0]  }
0x4cf: {  	v18 =	vld [tilespmem:s8+$0xFFFFFFF0]  }
0x4d0: {  	v19 =	vld [tilespmem:s3+$0x0]  }
0x4d1: {  	v20 =	vld [tilespmem:s8+$0x0];
	v12 =	vadd.f32 v12, v11  }
0x4d2: {  	v14 =	vadd.f32 v14, v13;
	v11 =	vld [tilespmem:s3+$0x10]  }
0x4d3: {  	v15 =	vadd.f32 v16, v15;
	v13 =	vld [tilespmem:s8+$0x10];
	[tilespmem:s3+$0x30] =	vst v12  }
0x4d4: {  	v16 =	vadd.f32 v18, v17;
	[tilespmem:s3+$0xFFFFFFD0] =	vst v14;
	v12 =	vld [tilespmem:s3+$0x20]  }
0x4d5: {  	[tilespmem:s3+$0xFFFFFFE0] =	vst v15;
	v15 =	vld [tilespmem:s8+$0x20]  }
0x4d6: {  	s11 =	simm.s32 $0x0;
	s13 =	simm.s32 $0xE0C0;
	v14 =	vld [tilespmem:s3+$0xFFFFFFC0];
	[tilespmem:s3+$0xFFFFFFF0] =	vst v16;
	v16 =	vadd.f32 v20, v19  }
.LBB2_28:
0x4d7: {  	v17 =	vld [tilespmem:s13+$0x30];
	s8 =	sadd.s32 $0x100, s8  }
0x4d8: {  	s11 =	sadd.s32 $0x8, s11;
	v18 =	vld [tilespmem:s8+$0x30];
	[tilespmem:s3+$0x0] =	vst v16;
	v11 =	vadd.f32 v13, v11  }
0x4d9: {  	p1 =	slt.u32 s11, $0x78;
	v13 =	vld [tilespmem:s8+$0xFFFFFFC0]  }
0x4da: {  	v16 =	vld [tilespmem:s13+$0xFFFFFFD0];
	[tilespmem:s3+$0x10] =	vst v11;
	v11 =	vadd.f32 v15, v12  }
0x4db: {  	v12 =	vld [tilespmem:s8+$0xFFFFFFD0];
	v19 =	vadd.f32 v10, v14  }
0x4dc: {  	v14 =	vld [tilespmem:s13+$0xFFFFFFE0];
	[tilespmem:s3+$0x20] =	vst v11  }
0x4dd: {  	v11 =	vld [tilespmem:s8+$0xFFFFFFE0];
	v15 =	vadd.f32 v18, v17;
	[tilespmem:s3+$0xFFFFFFC0] =	vst v19;
	s3 =	smov.u32 s13  }
0x4de: {  	v17 =	vld [tilespmem:s13+$0xFFFFFFF0];
	v10 =	vmov v13  }
0x4df: {  	v18 =	vld [tilespmem:s8+$0xFFFFFFF0];
	[tilespmem:s13+$0x30] =	vst v15  }
0x4e0: {  	v12 =	vadd.f32 v12, v16;
	v16 =	vld [tilespmem:s13+$0x0]  }
0x4e1: {  	v19 =	vld [tilespmem:s8+$0x0]  }
.Ltmp15:
0x4e2: {  	[tilespmem:s13+$0xFFFFFFD0] =	vst v12;
	v12 =	vadd.f32 v11, v14;
	v11 =	vld [tilespmem:s13+$0x10];
	(pc) =	sbr.rel @p1 .LBB2_28-.Ltmp15, $4  }
0x4e3: {  	v13 =	vld [tilespmem:s8+$0x10]  }
0x4e4: {  	[tilespmem:s13+$0xFFFFFFE0] =	vst v12;
	v17 =	vadd.f32 v18, v17;
	v12 =	vld [tilespmem:s13+$0x20]  }
0x4e5: {  	v15 =	vld [tilespmem:s8+$0x20]  }
0x4e6: {  	s13 =	sadd.s32 $0x80, s13;
	v14 =	vld [tilespmem:s3+$0xFFFFFFC0];
	[tilespmem:s3+$0xFFFFFFF0] =	vst v17;
	v16 =	vadd.f32 v19, v16  }
0x4e7: {  	_ =	sdelay $0x1  }
0x4e8: {  	v11 =	vadd.f32 v13, v11  }
0x4e9: {  	[tilespmem:s3+$0x0] =	vst v16;
	v12 =	vadd.f32 v15, v12  }
0x4ea: {  	[tilespmem:s3+$0x10] =	vst v11;
	v10 =	vadd.f32 v10, v14  }
0x4eb: {  	[tilespmem:s3+$0x20] =	vst v12  }
0x4ec: {  	[tilespmem:s3+$0xFFFFFFC0] =	vst v10  }
0x4ed: {  	s0 =	sld [smem:$0x710];
	_ =	sdelay $0x1  }
0x4ee: {  	s11 =	sld [smem:$0x7B2]  }
0x4ef: {  	[tilespmem:s14], [sflag:$0x3] =	stream.linear.gather [spmem:s0], $0x80, $0x38;
	[tilespmem:$0x19D00] =	vst v63  }
0x4f0: {  	s13 =	sld [smem:$0x7B3]  }
0x4f1: {  	[tilespmem:s15], [sflag:$0x3] =	stream.linear.gather [spmem:s11], $0x80, $0x38;
	[tilespmem:$0x19D00] =	vst v63  }
0x4f2: {  	s3 =	sld [smem:$0x7B4]  }
0x4f3: {  	[tilespmem:s18], [sflag:$0x3] =	stream.linear.gather [spmem:s13], $0x80, $0x38;
	[tilespmem:$0x19D00] =	vst v63  }
0x4f4: {  	s8 =	sld [smem:$0x7B5]  }
0x4f5: {  	[tilespmem:s19], [sflag:$0x3] =	stream.linear.gather [spmem:s3], $0x80, $0x38;
	[tilespmem:$0x19D00] =	vst v63  }
0x4f6: {  	s11 =	sld [smem:$0x7B6]  }
0x4f7: {  	[tilespmem:s20], [sflag:$0x3] =	stream.linear.gather [spmem:s8], $0x80, $0x38;
	[tilespmem:$0x19D00] =	vst v63  }
0x4f8: {  	s13 =	sld [smem:$0x7B7]  }
0x4f9: {  	[tilespmem:s22], [sflag:$0x3] =	stream.linear.gather [spmem:s11], $0x80, $0x38;
	[tilespmem:$0x19D00] =	vst v63  }
0x4fa: {  	s3 =	sld [smem:$0x7B8]  }
0x4fb: {  	[tilespmem:s23], [sflag:$0x3] =	stream.linear.gather [spmem:s13], $0x80, $0x38;
	[tilespmem:$0x19D00] =	vst v63  }
0x4fc: {  	s8 =	sld [smem:$0x7B9]  }
0x4fd: {  	[tilespmem:s24], [sflag:$0x3] =	stream.linear.gather [spmem:s3], $0x80, $0x38;
	[tilespmem:$0x19D00] =	vst v63  }
0x4fe: {  	s11 =	sld [smem:$0x7BA]  }
0x4ff: {  	[tilespmem:s26], [sflag:$0x3] =	stream.linear.gather [spmem:s8], $0x80, $0x38;
	[tilespmem:$0x19D00] =	vst v63  }
0x500: {  	s13 =	sld [smem:$0x7BB]  }
0x501: {  	[tilespmem:s28], [sflag:$0x3] =	stream.linear.gather [spmem:s11], $0x80, $0x38;
	[tilespmem:$0x19D00] =	vst v63  }
0x502: {  	s3 =	sld [smem:$0x7BC]  }
0x503: {  	[tilespmem:s29], [sflag:$0x3] =	stream.linear.gather [spmem:s13], $0x80, $0x38;
	[tilespmem:$0x19D00] =	vst v63  }
0x504: {  	s8 =	sld [smem:$0x7BD]  }
0x505: {  	[tilespmem:s30], [sflag:$0x3] =	stream.linear.gather [spmem:s3], $0x80, $0x38;
	[tilespmem:$0x19D00] =	vst v63  }
0x506: {  	s11 =	sld [smem:$0x7BE]  }
0x507: {  	[tilespmem:s31], [sflag:$0x3] =	stream.linear.gather [spmem:s8], $0x80, $0x38;
	[tilespmem:$0x19D00] =	vst v63  }
0x508: {  	s13 =	simm.s32 $0xF500;
	s3 =	sld [smem:$0x7BF]  }
0x509: {  	[tilespmem:s13], [sflag:$0x3] =	stream.linear.gather [spmem:s11], $0x80, $0x38;
	[tilespmem:$0x19D00] =	vst v63  }
0x50a: {  	s8 =	simm.s32 $0xF600;
	s11 =	sld [smem:$0x7C0]  }
0x50b: {  	[tilespmem:s8], [sflag:$0x3] =	stream.linear.gather [spmem:s3], $0x80, $0x38;
	[tilespmem:$0x19D00] =	vst v63  }
0x50c: {  	s13 =	simm.s32 $0xF700  }
0x50d: {  	[tilespmem:s13], [sflag:$0x3] =	stream.linear.gather [spmem:s11], $0x80, $0x38;
	[tilespmem:$0x19D00] =	vst v63  }
0x50e: {  	_ =	swait.ge [sflag:s16], $0x800  }
0x50f: {  	[sflag:s16] =	ssyncset.done $0x0  }
0x510: {  	s3 =	simm.s32 $0xE040;
	[sflag:s16] =	ssyncadd.s32 $0xFFFFF800  }
0x511: {  	s8 =	simm.s32 $0xE840;
	v11 =	vld [tilespmem:s3+$0x30]  }
0x512: {  	v12 =	vld [tilespmem:s8+$0x30]  }
0x513: {  	v10 =	vld [tilespmem:s8+$0xFFFFFFC0]  }
0x514: {  	v13 =	vld [tilespmem:s3+$0xFFFFFFD0]  }
0x515: {  	v14 =	vld [tilespmem:s8+$0xFFFFFFD0]  }
0x516: {  	v15 =	vld [tilespmem:s3+$0xFFFFFFE0]  }
0x517: {  	v16 =	vld [tilespmem:s8+$0xFFFFFFE0]  }
0x518: {  	v17 =	vld [tilespmem:s3+$0xFFFFFFF0]  }
0x519: {  	v18 =	vld [tilespmem:s8+$0xFFFFFFF0]  }
0x51a: {  	v19 =	vld [tilespmem:s3+$0x0]  }
0x51b: {  	v20 =	vld [tilespmem:s8+$0x0];
	v12 =	vadd.f32 v12, v11  }
0x51c: {  	v14 =	vadd.f32 v14, v13;
	v11 =	vld [tilespmem:s3+$0x10]  }
0x51d: {  	v15 =	vadd.f32 v16, v15;
	v13 =	vld [tilespmem:s8+$0x10];
	[tilespmem:s3+$0x30] =	vst v12  }
0x51e: {  	v16 =	vadd.f32 v18, v17;
	[tilespmem:s3+$0xFFFFFFD0] =	vst v14;
	v12 =	vld [tilespmem:s3+$0x20]  }
0x51f: {  	[tilespmem:s3+$0xFFFFFFE0] =	vst v15;
	v15 =	vld [tilespmem:s8+$0x20]  }
0x520: {  	s11 =	simm.s32 $0x0;
	s13 =	simm.s32 $0xE0C0;
	v14 =	vld [tilespmem:s3+$0xFFFFFFC0];
	[tilespmem:s3+$0xFFFFFFF0] =	vst v16;
	v16 =	vadd.f32 v20, v19  }
.LBB2_30:
0x521: {  	v17 =	vld [tilespmem:s13+$0x30];
	s8 =	sadd.s32 $0x100, s8  }
0x522: {  	s11 =	sadd.s32 $0x8, s11;
	v18 =	vld [tilespmem:s8+$0x30];
	[tilespmem:s3+$0x0] =	vst v16;
	v11 =	vadd.f32 v13, v11  }
0x523: {  	p1 =	slt.u32 s11, $0x78;
	v13 =	vld [tilespmem:s8+$0xFFFFFFC0]  }
0x524: {  	v16 =	vld [tilespmem:s13+$0xFFFFFFD0];
	[tilespmem:s3+$0x10] =	vst v11;
	v11 =	vadd.f32 v15, v12  }
0x525: {  	v12 =	vld [tilespmem:s8+$0xFFFFFFD0];
	v19 =	vadd.f32 v10, v14  }
0x526: {  	v14 =	vld [tilespmem:s13+$0xFFFFFFE0];
	[tilespmem:s3+$0x20] =	vst v11  }
0x527: {  	v11 =	vld [tilespmem:s8+$0xFFFFFFE0];
	v15 =	vadd.f32 v18, v17;
	[tilespmem:s3+$0xFFFFFFC0] =	vst v19;
	s3 =	smov.u32 s13  }
0x528: {  	v17 =	vld [tilespmem:s13+$0xFFFFFFF0];
	v10 =	vmov v13  }
0x529: {  	v18 =	vld [tilespmem:s8+$0xFFFFFFF0];
	[tilespmem:s13+$0x30] =	vst v15  }
0x52a: {  	v12 =	vadd.f32 v12, v16;
	v16 =	vld [tilespmem:s13+$0x0]  }
0x52b: {  	v19 =	vld [tilespmem:s8+$0x0]  }
.Ltmp16:
0x52c: {  	[tilespmem:s13+$0xFFFFFFD0] =	vst v12;
	v12 =	vadd.f32 v11, v14;
	v11 =	vld [tilespmem:s13+$0x10];
	(pc) =	sbr.rel @p1 .LBB2_30-.Ltmp16, $4  }
0x52d: {  	v13 =	vld [tilespmem:s8+$0x10]  }
0x52e: {  	[tilespmem:s13+$0xFFFFFFE0] =	vst v12;
	v17 =	vadd.f32 v18, v17;
	v12 =	vld [tilespmem:s13+$0x20]  }
0x52f: {  	v15 =	vld [tilespmem:s8+$0x20]  }
0x530: {  	s13 =	sadd.s32 $0x80, s13;
	v14 =	vld [tilespmem:s3+$0xFFFFFFC0];
	[tilespmem:s3+$0xFFFFFFF0] =	vst v17;
	v16 =	vadd.f32 v19, v16  }
0x531: {  	_ =	sdelay $0x1  }
0x532: {  	v11 =	vadd.f32 v13, v11  }
0x533: {  	[tilespmem:s3+$0x0] =	vst v16;
	v12 =	vadd.f32 v15, v12  }
0x534: {  	[tilespmem:s3+$0x10] =	vst v11;
	v10 =	vadd.f32 v10, v14  }
0x535: {  	[tilespmem:s3+$0x20] =	vst v12  }
0x536: {  	[tilespmem:s3+$0xFFFFFFC0] =	vst v10  }
0x537: {  	s0 =	sld [smem:$0x711];
	_ =	sdelay $0x1  }
0x538: {  	s11 =	sld [smem:$0x7C1]  }
0x539: {  	[tilespmem:s14], [sflag:$0x3] =	stream.linear.gather [spmem:s0], $0x80, $0x38;
	[tilespmem:$0x19D00] =	vst v63  }
0x53a: {  	s13 =	sld [smem:$0x7C2]  }
0x53b: {  	[tilespmem:s15], [sflag:$0x3] =	stream.linear.gather [spmem:s11], $0x80, $0x38;
	[tilespmem:$0x19D00] =	vst v63  }
0x53c: {  	s3 =	sld [smem:$0x7C3]  }
0x53d: {  	[tilespmem:s18], [sflag:$0x3] =	stream.linear.gather [spmem:s13], $0x80, $0x38;
	[tilespmem:$0x19D00] =	vst v63  }
0x53e: {  	s8 =	sld [smem:$0x7C4]  }
0x53f: {  	[tilespmem:s19], [sflag:$0x3] =	stream.linear.gather [spmem:s3], $0x80, $0x38;
	[tilespmem:$0x19D00] =	vst v63  }
0x540: {  	s11 =	sld [smem:$0x7C5]  }
0x541: {  	[tilespmem:s20], [sflag:$0x3] =	stream.linear.gather [spmem:s8], $0x80, $0x38;
	[tilespmem:$0x19D00] =	vst v63  }
0x542: {  	s13 =	sld [smem:$0x7C6]  }
0x543: {  	[tilespmem:s22], [sflag:$0x3] =	stream.linear.gather [spmem:s11], $0x80, $0x38;
	[tilespmem:$0x19D00] =	vst v63  }
0x544: {  	s3 =	sld [smem:$0x7C7]  }
0x545: {  	[tilespmem:s23], [sflag:$0x3] =	stream.linear.gather [spmem:s13], $0x80, $0x38;
	[tilespmem:$0x19D00] =	vst v63  }
0x546: {  	s8 =	sld [smem:$0x7C8]  }
0x547: {  	[tilespmem:s24], [sflag:$0x3] =	stream.linear.gather [spmem:s3], $0x80, $0x38;
	[tilespmem:$0x19D00] =	vst v63  }
0x548: {  	s11 =	sld [smem:$0x7C9]  }
0x549: {  	[tilespmem:s26], [sflag:$0x3] =	stream.linear.gather [spmem:s8], $0x80, $0x38;
	[tilespmem:$0x19D00] =	vst v63  }
0x54a: {  	s13 =	sld [smem:$0x7CA]  }
0x54b: {  	[tilespmem:s28], [sflag:$0x3] =	stream.linear.gather [spmem:s11], $0x80, $0x38;
	[tilespmem:$0x19D00] =	vst v63  }
0x54c: {  	s3 =	sld [smem:$0x7CB]  }
0x54d: {  	[tilespmem:s29], [sflag:$0x3] =	stream.linear.gather [spmem:s13], $0x80, $0x38;
	[tilespmem:$0x19D00] =	vst v63  }
0x54e: {  	s8 =	sld [smem:$0x7CC]  }
0x54f: {  	[tilespmem:s30], [sflag:$0x3] =	stream.linear.gather [spmem:s3], $0x80, $0x38;
	[tilespmem:$0x19D00] =	vst v63  }
0x550: {  	s11 =	sld [smem:$0x7CD]  }
0x551: {  	[tilespmem:s31], [sflag:$0x3] =	stream.linear.gather [spmem:s8], $0x80, $0x38;
	[tilespmem:$0x19D00] =	vst v63  }
0x552: {  	s13 =	simm.s32 $0xF500;
	s3 =	sld [smem:$0x7CE]  }
0x553: {  	[tilespmem:s13], [sflag:$0x3] =	stream.linear.gather [spmem:s11], $0x80, $0x38;
	[tilespmem:$0x19D00] =	vst v63  }
0x554: {  	s8 =	simm.s32 $0xF600;
	s11 =	sld [smem:$0x7CF]  }
0x555: {  	[tilespmem:s8], [sflag:$0x3] =	stream.linear.gather [spmem:s3], $0x80, $0x38;
	[tilespmem:$0x19D00] =	vst v63  }
0x556: {  	s13 =	simm.s32 $0xF700  }
0x557: {  	[tilespmem:s13], [sflag:$0x3] =	stream.linear.gather [spmem:s11], $0x80, $0x38;
	[tilespmem:$0x19D00] =	vst v63  }
0x558: {  	_ =	swait.ge [sflag:s16], $0x800  }
0x559: {  	[sflag:s16] =	ssyncset.done $0x0  }
0x55a: {  	s3 =	simm.s32 $0xE040;
	[sflag:s16] =	ssyncadd.s32 $0xFFFFF800  }
0x55b: {  	s8 =	simm.s32 $0xE840;
	v11 =	vld [tilespmem:s3+$0x30]  }
0x55c: {  	v12 =	vld [tilespmem:s8+$0x30]  }
0x55d: {  	v10 =	vld [tilespmem:s8+$0xFFFFFFC0]  }
0x55e: {  	v13 =	vld [tilespmem:s3+$0xFFFFFFD0]  }
0x55f: {  	v14 =	vld [tilespmem:s8+$0xFFFFFFD0]  }
0x560: {  	v15 =	vld [tilespmem:s3+$0xFFFFFFE0]  }
0x561: {  	v16 =	vld [tilespmem:s8+$0xFFFFFFE0]  }
0x562: {  	v17 =	vld [tilespmem:s3+$0xFFFFFFF0]  }
0x563: {  	v18 =	vld [tilespmem:s8+$0xFFFFFFF0]  }
0x564: {  	v19 =	vld [tilespmem:s3+$0x0]  }
0x565: {  	v20 =	vld [tilespmem:s8+$0x0];
	v12 =	vadd.f32 v12, v11  }
0x566: {  	v14 =	vadd.f32 v14, v13;
	v11 =	vld [tilespmem:s3+$0x10]  }
0x567: {  	v15 =	vadd.f32 v16, v15;
	v13 =	vld [tilespmem:s8+$0x10];
	[tilespmem:s3+$0x30] =	vst v12  }
0x568: {  	v16 =	vadd.f32 v18, v17;
	[tilespmem:s3+$0xFFFFFFD0] =	vst v14;
	v12 =	vld [tilespmem:s3+$0x20]  }
0x569: {  	[tilespmem:s3+$0xFFFFFFE0] =	vst v15;
	v15 =	vld [tilespmem:s8+$0x20]  }
0x56a: {  	s11 =	simm.s32 $0x0;
	s13 =	simm.s32 $0xE0C0;
	v14 =	vld [tilespmem:s3+$0xFFFFFFC0];
	[tilespmem:s3+$0xFFFFFFF0] =	vst v16;
	v16 =	vadd.f32 v20, v19  }
.LBB2_32:
0x56b: {  	v17 =	vld [tilespmem:s13+$0x30];
	s8 =	sadd.s32 $0x100, s8  }
0x56c: {  	s11 =	sadd.s32 $0x8, s11;
	v18 =	vld [tilespmem:s8+$0x30];
	[tilespmem:s3+$0x0] =	vst v16;
	v11 =	vadd.f32 v13, v11  }
0x56d: {  	p1 =	slt.u32 s11, $0x78;
	v13 =	vld [tilespmem:s8+$0xFFFFFFC0]  }
0x56e: {  	v16 =	vld [tilespmem:s13+$0xFFFFFFD0];
	[tilespmem:s3+$0x10] =	vst v11;
	v11 =	vadd.f32 v15, v12  }
0x56f: {  	v12 =	vld [tilespmem:s8+$0xFFFFFFD0];
	v19 =	vadd.f32 v10, v14  }
0x570: {  	v14 =	vld [tilespmem:s13+$0xFFFFFFE0];
	[tilespmem:s3+$0x20] =	vst v11  }
0x571: {  	v11 =	vld [tilespmem:s8+$0xFFFFFFE0];
	v15 =	vadd.f32 v18, v17;
	[tilespmem:s3+$0xFFFFFFC0] =	vst v19;
	s3 =	smov.u32 s13  }
0x572: {  	v17 =	vld [tilespmem:s13+$0xFFFFFFF0];
	v10 =	vmov v13  }
0x573: {  	v18 =	vld [tilespmem:s8+$0xFFFFFFF0];
	[tilespmem:s13+$0x30] =	vst v15  }
0x574: {  	v12 =	vadd.f32 v12, v16;
	v16 =	vld [tilespmem:s13+$0x0]  }
0x575: {  	v19 =	vld [tilespmem:s8+$0x0]  }
.Ltmp17:
0x576: {  	[tilespmem:s13+$0xFFFFFFD0] =	vst v12;
	v12 =	vadd.f32 v11, v14;
	v11 =	vld [tilespmem:s13+$0x10];
	(pc) =	sbr.rel @p1 .LBB2_32-.Ltmp17, $4  }
0x577: {  	v13 =	vld [tilespmem:s8+$0x10]  }
0x578: {  	[tilespmem:s13+$0xFFFFFFE0] =	vst v12;
	v17 =	vadd.f32 v18, v17;
	v12 =	vld [tilespmem:s13+$0x20]  }
0x579: {  	v15 =	vld [tilespmem:s8+$0x20]  }
0x57a: {  	s13 =	sadd.s32 $0x80, s13;
	v14 =	vld [tilespmem:s3+$0xFFFFFFC0];
	[tilespmem:s3+$0xFFFFFFF0] =	vst v17;
	v16 =	vadd.f32 v19, v16  }
0x57b: {  	_ =	sdelay $0x1  }
0x57c: {  	v11 =	vadd.f32 v13, v11  }
0x57d: {  	[tilespmem:s3+$0x0] =	vst v16;
	v12 =	vadd.f32 v15, v12  }
0x57e: {  	[tilespmem:s3+$0x10] =	vst v11;
	v10 =	vadd.f32 v10, v14  }
0x57f: {  	[tilespmem:s3+$0x20] =	vst v12  }
0x580: {  	[tilespmem:s3+$0xFFFFFFC0] =	vst v10  }
0x581: {  	s0 =	sld [smem:$0x712];
	_ =	sdelay $0x1  }
0x582: {  	s11 =	sld [smem:$0x7D0]  }
0x583: {  	[tilespmem:s14], [sflag:$0x3] =	stream.linear.gather [spmem:s0], $0x80, $0x38;
	[tilespmem:$0x19D00] =	vst v63  }
0x584: {  	s13 =	sld [smem:$0x7D1]  }
0x585: {  	[tilespmem:s15], [sflag:$0x3] =	stream.linear.gather [spmem:s11], $0x80, $0x38;
	[tilespmem:$0x19D00] =	vst v63  }
0x586: {  	s3 =	sld [smem:$0x7D2]  }
0x587: {  	[tilespmem:s18], [sflag:$0x3] =	stream.linear.gather [spmem:s13], $0x80, $0x38;
	[tilespmem:$0x19D00] =	vst v63  }
0x588: {  	s8 =	sld [smem:$0x7D3]  }
0x589: {  	[tilespmem:s19], [sflag:$0x3] =	stream.linear.gather [spmem:s3], $0x80, $0x38;
	[tilespmem:$0x19D00] =	vst v63  }
0x58a: {  	s11 =	sld [smem:$0x7D4]  }
0x58b: {  	[tilespmem:s20], [sflag:$0x3] =	stream.linear.gather [spmem:s8], $0x80, $0x38;
	[tilespmem:$0x19D00] =	vst v63  }
0x58c: {  	s13 =	sld [smem:$0x7D5]  }
0x58d: {  	[tilespmem:s22], [sflag:$0x3] =	stream.linear.gather [spmem:s11], $0x80, $0x38;
	[tilespmem:$0x19D00] =	vst v63  }
0x58e: {  	s3 =	sld [smem:$0x7D6]  }
0x58f: {  	[tilespmem:s23], [sflag:$0x3] =	stream.linear.gather [spmem:s13], $0x80, $0x38;
	[tilespmem:$0x19D00] =	vst v63  }
0x590: {  	s8 =	sld [smem:$0x7D7]  }
0x591: {  	[tilespmem:s24], [sflag:$0x3] =	stream.linear.gather [spmem:s3], $0x80, $0x38;
	[tilespmem:$0x19D00] =	vst v63  }
0x592: {  	s11 =	sld [smem:$0x7D8]  }
0x593: {  	[tilespmem:s26], [sflag:$0x3] =	stream.linear.gather [spmem:s8], $0x80, $0x38;
	[tilespmem:$0x19D00] =	vst v63  }
0x594: {  	s13 =	sld [smem:$0x7D9]  }
0x595: {  	[tilespmem:s28], [sflag:$0x3] =	stream.linear.gather [spmem:s11], $0x80, $0x38;
	[tilespmem:$0x19D00] =	vst v63  }
0x596: {  	s3 =	sld [smem:$0x7DA]  }
0x597: {  	[tilespmem:s29], [sflag:$0x3] =	stream.linear.gather [spmem:s13], $0x80, $0x38;
	[tilespmem:$0x19D00] =	vst v63  }
0x598: {  	s8 =	sld [smem:$0x7DB]  }
0x599: {  	[tilespmem:s30], [sflag:$0x3] =	stream.linear.gather [spmem:s3], $0x80, $0x38;
	[tilespmem:$0x19D00] =	vst v63  }
0x59a: {  	s11 =	sld [smem:$0x7DC]  }
0x59b: {  	[tilespmem:s31], [sflag:$0x3] =	stream.linear.gather [spmem:s8], $0x80, $0x38;
	[tilespmem:$0x19D00] =	vst v63  }
0x59c: {  	s13 =	simm.s32 $0xF500;
	s3 =	sld [smem:$0x7DD]  }
0x59d: {  	[tilespmem:s13], [sflag:$0x3] =	stream.linear.gather [spmem:s11], $0x80, $0x38;
	[tilespmem:$0x19D00] =	vst v63  }
0x59e: {  	s8 =	simm.s32 $0xF600;
	s11 =	sld [smem:$0x7DE]  }
0x59f: {  	[tilespmem:s8], [sflag:$0x3] =	stream.linear.gather [spmem:s3], $0x80, $0x38;
	[tilespmem:$0x19D00] =	vst v63  }
0x5a0: {  	s13 =	simm.s32 $0xF700  }
0x5a1: {  	[tilespmem:s13], [sflag:$0x3] =	stream.linear.gather [spmem:s11], $0x80, $0x38;
	[tilespmem:$0x19D00] =	vst v63  }
0x5a2: {  	_ =	swait.ge [sflag:s16], $0x800  }
0x5a3: {  	[sflag:s16] =	ssyncset.done $0x0  }
0x5a4: {  	s3 =	simm.s32 $0xE040;
	[sflag:s16] =	ssyncadd.s32 $0xFFFFF800  }
0x5a5: {  	s8 =	simm.s32 $0xE840;
	v11 =	vld [tilespmem:s3+$0x30]  }
0x5a6: {  	v12 =	vld [tilespmem:s8+$0x30]  }
0x5a7: {  	v10 =	vld [tilespmem:s8+$0xFFFFFFC0]  }
0x5a8: {  	v13 =	vld [tilespmem:s3+$0xFFFFFFD0]  }
0x5a9: {  	v14 =	vld [tilespmem:s8+$0xFFFFFFD0]  }
0x5aa: {  	v15 =	vld [tilespmem:s3+$0xFFFFFFE0]  }
0x5ab: {  	v16 =	vld [tilespmem:s8+$0xFFFFFFE0]  }
0x5ac: {  	v17 =	vld [tilespmem:s3+$0xFFFFFFF0]  }
0x5ad: {  	v18 =	vld [tilespmem:s8+$0xFFFFFFF0]  }
0x5ae: {  	v19 =	vld [tilespmem:s3+$0x0]  }
0x5af: {  	v20 =	vld [tilespmem:s8+$0x0];
	v12 =	vadd.f32 v12, v11  }
0x5b0: {  	v14 =	vadd.f32 v14, v13;
	v11 =	vld [tilespmem:s3+$0x10]  }
0x5b1: {  	v15 =	vadd.f32 v16, v15;
	v13 =	vld [tilespmem:s8+$0x10];
	[tilespmem:s3+$0x30] =	vst v12  }
0x5b2: {  	v16 =	vadd.f32 v18, v17;
	[tilespmem:s3+$0xFFFFFFD0] =	vst v14;
	v12 =	vld [tilespmem:s3+$0x20]  }
0x5b3: {  	[tilespmem:s3+$0xFFFFFFE0] =	vst v15;
	v15 =	vld [tilespmem:s8+$0x20]  }
0x5b4: {  	s11 =	simm.s32 $0x0;
	s13 =	simm.s32 $0xE0C0;
	v14 =	vld [tilespmem:s3+$0xFFFFFFC0];
	[tilespmem:s3+$0xFFFFFFF0] =	vst v16;
	v16 =	vadd.f32 v20, v19  }
.LBB2_34:
0x5b5: {  	v17 =	vld [tilespmem:s13+$0x30];
	s8 =	sadd.s32 $0x100, s8  }
0x5b6: {  	s11 =	sadd.s32 $0x8, s11;
	v18 =	vld [tilespmem:s8+$0x30];
	[tilespmem:s3+$0x0] =	vst v16;
	v11 =	vadd.f32 v13, v11  }
0x5b7: {  	p1 =	slt.u32 s11, $0x78;
	v13 =	vld [tilespmem:s8+$0xFFFFFFC0]  }
0x5b8: {  	v16 =	vld [tilespmem:s13+$0xFFFFFFD0];
	[tilespmem:s3+$0x10] =	vst v11;
	v11 =	vadd.f32 v15, v12  }
0x5b9: {  	v12 =	vld [tilespmem:s8+$0xFFFFFFD0];
	v19 =	vadd.f32 v10, v14  }
0x5ba: {  	v14 =	vld [tilespmem:s13+$0xFFFFFFE0];
	[tilespmem:s3+$0x20] =	vst v11  }
0x5bb: {  	v11 =	vld [tilespmem:s8+$0xFFFFFFE0];
	v15 =	vadd.f32 v18, v17;
	[tilespmem:s3+$0xFFFFFFC0] =	vst v19;
	s3 =	smov.u32 s13  }
0x5bc: {  	v17 =	vld [tilespmem:s13+$0xFFFFFFF0];
	v10 =	vmov v13  }
0x5bd: {  	v18 =	vld [tilespmem:s8+$0xFFFFFFF0];
	[tilespmem:s13+$0x30] =	vst v15  }
0x5be: {  	v12 =	vadd.f32 v12, v16;
	v16 =	vld [tilespmem:s13+$0x0]  }
0x5bf: {  	v19 =	vld [tilespmem:s8+$0x0]  }
.Ltmp18:
0x5c0: {  	[tilespmem:s13+$0xFFFFFFD0] =	vst v12;
	v12 =	vadd.f32 v11, v14;
	v11 =	vld [tilespmem:s13+$0x10];
	(pc) =	sbr.rel @p1 .LBB2_34-.Ltmp18, $4  }
0x5c1: {  	v13 =	vld [tilespmem:s8+$0x10]  }
0x5c2: {  	[tilespmem:s13+$0xFFFFFFE0] =	vst v12;
	v17 =	vadd.f32 v18, v17;
	v12 =	vld [tilespmem:s13+$0x20]  }
0x5c3: {  	v15 =	vld [tilespmem:s8+$0x20]  }
0x5c4: {  	s13 =	sadd.s32 $0x80, s13;
	v14 =	vld [tilespmem:s3+$0xFFFFFFC0];
	[tilespmem:s3+$0xFFFFFFF0] =	vst v17;
	v16 =	vadd.f32 v19, v16  }
0x5c5: {  	_ =	sdelay $0x1  }
0x5c6: {  	v11 =	vadd.f32 v13, v11  }
0x5c7: {  	[tilespmem:s3+$0x0] =	vst v16;
	v12 =	vadd.f32 v15, v12  }
0x5c8: {  	[tilespmem:s3+$0x10] =	vst v11;
	v10 =	vadd.f32 v10, v14  }
0x5c9: {  	[tilespmem:s3+$0x20] =	vst v12  }
0x5ca: {  	[tilespmem:s3+$0xFFFFFFC0] =	vst v10  }
0x5cb: {  	s0 =	sld [smem:$0x713];
	_ =	sdelay $0x1  }
0x5cc: {  	s11 =	sld [smem:$0x7DF]  }
0x5cd: {  	[tilespmem:s14], [sflag:$0x3] =	stream.linear.gather [spmem:s0], $0x80, $0x38;
	[tilespmem:$0x19D00] =	vst v63  }
0x5ce: {  	s13 =	sld [smem:$0x7E0]  }
0x5cf: {  	[tilespmem:s15], [sflag:$0x3] =	stream.linear.gather [spmem:s11], $0x80, $0x38;
	[tilespmem:$0x19D00] =	vst v63  }
0x5d0: {  	s3 =	sld [smem:$0x7E1]  }
0x5d1: {  	[tilespmem:s18], [sflag:$0x3] =	stream.linear.gather [spmem:s13], $0x80, $0x38;
	[tilespmem:$0x19D00] =	vst v63  }
0x5d2: {  	s8 =	sld [smem:$0x7E2]  }
0x5d3: {  	[tilespmem:s19], [sflag:$0x3] =	stream.linear.gather [spmem:s3], $0x80, $0x38;
	[tilespmem:$0x19D00] =	vst v63  }
0x5d4: {  	s11 =	sld [smem:$0x7E3]  }
0x5d5: {  	[tilespmem:s20], [sflag:$0x3] =	stream.linear.gather [spmem:s8], $0x80, $0x38;
	[tilespmem:$0x19D00] =	vst v63  }
0x5d6: {  	s13 =	sld [smem:$0x7E4]  }
0x5d7: {  	[tilespmem:s22], [sflag:$0x3] =	stream.linear.gather [spmem:s11], $0x80, $0x38;
	[tilespmem:$0x19D00] =	vst v63  }
0x5d8: {  	s3 =	sld [smem:$0x7E5]  }
0x5d9: {  	[tilespmem:s23], [sflag:$0x3] =	stream.linear.gather [spmem:s13], $0x80, $0x38;
	[tilespmem:$0x19D00] =	vst v63  }
0x5da: {  	s8 =	sld [smem:$0x7E6]  }
0x5db: {  	[tilespmem:s24], [sflag:$0x3] =	stream.linear.gather [spmem:s3], $0x80, $0x38;
	[tilespmem:$0x19D00] =	vst v63  }
0x5dc: {  	s11 =	sld [smem:$0x7E7]  }
0x5dd: {  	[tilespmem:s26], [sflag:$0x3] =	stream.linear.gather [spmem:s8], $0x80, $0x38;
	[tilespmem:$0x19D00] =	vst v63  }
0x5de: {  	s13 =	sld [smem:$0x7E8]  }
0x5df: {  	[tilespmem:s28], [sflag:$0x3] =	stream.linear.gather [spmem:s11], $0x80, $0x38;
	[tilespmem:$0x19D00] =	vst v63  }
0x5e0: {  	s3 =	sld [smem:$0x7E9]  }
0x5e1: {  	[tilespmem:s29], [sflag:$0x3] =	stream.linear.gather [spmem:s13], $0x80, $0x38;
	[tilespmem:$0x19D00] =	vst v63  }
0x5e2: {  	s8 =	sld [smem:$0x7EA]  }
0x5e3: {  	[tilespmem:s30], [sflag:$0x3] =	stream.linear.gather [spmem:s3], $0x80, $0x38;
	[tilespmem:$0x19D00] =	vst v63  }
0x5e4: {  	s11 =	sld [smem:$0x7EB]  }
0x5e5: {  	[tilespmem:s31], [sflag:$0x3] =	stream.linear.gather [spmem:s8], $0x80, $0x38;
	[tilespmem:$0x19D00] =	vst v63  }
0x5e6: {  	s13 =	simm.s32 $0xF500;
	s3 =	sld [smem:$0x7EC]  }
0x5e7: {  	[tilespmem:s13], [sflag:$0x3] =	stream.linear.gather [spmem:s11], $0x80, $0x38;
	[tilespmem:$0x19D00] =	vst v63  }
0x5e8: {  	s8 =	simm.s32 $0xF600;
	s11 =	sld [smem:$0x7ED]  }
0x5e9: {  	[tilespmem:s8], [sflag:$0x3] =	stream.linear.gather [spmem:s3], $0x80, $0x38;
	[tilespmem:$0x19D00] =	vst v63  }
0x5ea: {  	s13 =	simm.s32 $0xF700  }
0x5eb: {  	[tilespmem:s13], [sflag:$0x3] =	stream.linear.gather [spmem:s11], $0x80, $0x38;
	[tilespmem:$0x19D00] =	vst v63  }
0x5ec: {  	_ =	swait.ge [sflag:s16], $0x800  }
0x5ed: {  	[sflag:s16] =	ssyncset.done $0x0  }
0x5ee: {  	s3 =	simm.s32 $0xE040;
	[sflag:s16] =	ssyncadd.s32 $0xFFFFF800  }
0x5ef: {  	s8 =	simm.s32 $0xE840;
	v11 =	vld [tilespmem:s3+$0x30]  }
0x5f0: {  	v12 =	vld [tilespmem:s8+$0x30]  }
0x5f1: {  	v10 =	vld [tilespmem:s8+$0xFFFFFFC0]  }
0x5f2: {  	v13 =	vld [tilespmem:s3+$0xFFFFFFD0]  }
0x5f3: {  	v14 =	vld [tilespmem:s8+$0xFFFFFFD0]  }
0x5f4: {  	v15 =	vld [tilespmem:s3+$0xFFFFFFE0]  }
0x5f5: {  	v16 =	vld [tilespmem:s8+$0xFFFFFFE0]  }
0x5f6: {  	v17 =	vld [tilespmem:s3+$0xFFFFFFF0]  }
0x5f7: {  	v18 =	vld [tilespmem:s8+$0xFFFFFFF0]  }
0x5f8: {  	v19 =	vld [tilespmem:s3+$0x0]  }
0x5f9: {  	v20 =	vld [tilespmem:s8+$0x0];
	v12 =	vadd.f32 v12, v11  }
0x5fa: {  	v14 =	vadd.f32 v14, v13;
	v11 =	vld [tilespmem:s3+$0x10]  }
0x5fb: {  	v15 =	vadd.f32 v16, v15;
	v13 =	vld [tilespmem:s8+$0x10];
	[tilespmem:s3+$0x30] =	vst v12  }
0x5fc: {  	v16 =	vadd.f32 v18, v17;
	[tilespmem:s3+$0xFFFFFFD0] =	vst v14;
	v12 =	vld [tilespmem:s3+$0x20]  }
0x5fd: {  	[tilespmem:s3+$0xFFFFFFE0] =	vst v15;
	v15 =	vld [tilespmem:s8+$0x20]  }
0x5fe: {  	s11 =	simm.s32 $0x0;
	s13 =	simm.s32 $0xE0C0;
	v14 =	vld [tilespmem:s3+$0xFFFFFFC0];
	[tilespmem:s3+$0xFFFFFFF0] =	vst v16;
	v16 =	vadd.f32 v20, v19  }
.LBB2_36:
0x5ff: {  	v17 =	vld [tilespmem:s13+$0x30];
	s8 =	sadd.s32 $0x100, s8  }
0x600: {  	s11 =	sadd.s32 $0x8, s11;
	v18 =	vld [tilespmem:s8+$0x30];
	[tilespmem:s3+$0x0] =	vst v16;
	v11 =	vadd.f32 v13, v11  }
0x601: {  	p1 =	slt.u32 s11, $0x78;
	v13 =	vld [tilespmem:s8+$0xFFFFFFC0]  }
0x602: {  	v16 =	vld [tilespmem:s13+$0xFFFFFFD0];
	[tilespmem:s3+$0x10] =	vst v11;
	v11 =	vadd.f32 v15, v12  }
0x603: {  	v12 =	vld [tilespmem:s8+$0xFFFFFFD0];
	v19 =	vadd.f32 v10, v14  }
0x604: {  	v14 =	vld [tilespmem:s13+$0xFFFFFFE0];
	[tilespmem:s3+$0x20] =	vst v11  }
0x605: {  	v11 =	vld [tilespmem:s8+$0xFFFFFFE0];
	v15 =	vadd.f32 v18, v17;
	[tilespmem:s3+$0xFFFFFFC0] =	vst v19;
	s3 =	smov.u32 s13  }
0x606: {  	v17 =	vld [tilespmem:s13+$0xFFFFFFF0];
	v10 =	vmov v13  }
0x607: {  	v18 =	vld [tilespmem:s8+$0xFFFFFFF0];
	[tilespmem:s13+$0x30] =	vst v15  }
0x608: {  	v12 =	vadd.f32 v12, v16;
	v16 =	vld [tilespmem:s13+$0x0]  }
0x609: {  	v19 =	vld [tilespmem:s8+$0x0]  }
.Ltmp19:
0x60a: {  	[tilespmem:s13+$0xFFFFFFD0] =	vst v12;
	v12 =	vadd.f32 v11, v14;
	v11 =	vld [tilespmem:s13+$0x10];
	(pc) =	sbr.rel @p1 .LBB2_36-.Ltmp19, $4  }
0x60b: {  	v13 =	vld [tilespmem:s8+$0x10]  }
0x60c: {  	[tilespmem:s13+$0xFFFFFFE0] =	vst v12;
	v17 =	vadd.f32 v18, v17;
	v12 =	vld [tilespmem:s13+$0x20]  }
0x60d: {  	v15 =	vld [tilespmem:s8+$0x20]  }
0x60e: {  	s13 =	sadd.s32 $0x80, s13;
	v14 =	vld [tilespmem:s3+$0xFFFFFFC0];
	[tilespmem:s3+$0xFFFFFFF0] =	vst v17;
	v16 =	vadd.f32 v19, v16  }
0x60f: {  	_ =	sdelay $0x1  }
0x610: {  	v11 =	vadd.f32 v13, v11  }
0x611: {  	[tilespmem:s3+$0x0] =	vst v16;
	v12 =	vadd.f32 v15, v12  }
0x612: {  	[tilespmem:s3+$0x10] =	vst v11;
	v10 =	vadd.f32 v10, v14  }
0x613: {  	[tilespmem:s3+$0x20] =	vst v12  }
0x614: {  	[tilespmem:s3+$0xFFFFFFC0] =	vst v10  }
0x615: {  	s0 =	sld [smem:$0x714];
	_ =	sdelay $0x2  }
0x616: {  	[tilespmem:s14], [sflag:$0x3] =	stream.linear.gather [spmem:s0], $0x80, $0x38;
	[tilespmem:$0x19D00] =	vst v63  }
0x617: {  	s14 =	sld [smem:$0x7EE];
	_ =	sdelay $0x1  }
0x618: {  	s3 =	sld [smem:$0x7EF]  }
0x619: {  	[tilespmem:s15], [sflag:$0x3] =	stream.linear.gather [spmem:s14], $0x80, $0x38;
	[tilespmem:$0x19D00] =	vst v63  }
0x61a: {  	s8 =	sld [smem:$0x7F0]  }
0x61b: {  	[tilespmem:s18], [sflag:$0x3] =	stream.linear.gather [spmem:s3], $0x80, $0x38;
	[tilespmem:$0x19D00] =	vst v63  }
0x61c: {  	s11 =	sld [smem:$0x7F1]  }
0x61d: {  	[tilespmem:s19], [sflag:$0x3] =	stream.linear.gather [spmem:s8], $0x80, $0x38;
	[tilespmem:$0x19D00] =	vst v63  }
0x61e: {  	s13 =	sld [smem:$0x7F2]  }
0x61f: {  	[tilespmem:s20], [sflag:$0x3] =	stream.linear.gather [spmem:s11], $0x80, $0x38;
	[tilespmem:$0x19D00] =	vst v63  }
0x620: {  	s14 =	sld [smem:$0x7F3]  }
0x621: {  	[tilespmem:s22], [sflag:$0x3] =	stream.linear.gather [spmem:s13], $0x80, $0x38;
	[tilespmem:$0x19D00] =	vst v63  }
0x622: {  	s15 =	sld [smem:$0x7F4]  }
0x623: {  	[tilespmem:s23], [sflag:$0x3] =	stream.linear.gather [spmem:s14], $0x80, $0x38;
	[tilespmem:$0x19D00] =	vst v63  }
0x624: {  	s18 =	sld [smem:$0x7F5]  }
0x625: {  	[tilespmem:s24], [sflag:$0x3] =	stream.linear.gather [spmem:s15], $0x80, $0x38;
	[tilespmem:$0x19D00] =	vst v63  }
0x626: {  	s19 =	sld [smem:$0x7F6]  }
0x627: {  	[tilespmem:s26], [sflag:$0x3] =	stream.linear.gather [spmem:s18], $0x80, $0x38;
	[tilespmem:$0x19D00] =	vst v63  }
0x628: {  	s20 =	sld [smem:$0x7F7]  }
0x629: {  	[tilespmem:s28], [sflag:$0x3] =	stream.linear.gather [spmem:s19], $0x80, $0x38;
	[tilespmem:$0x19D00] =	vst v63  }
0x62a: {  	s22 =	sld [smem:$0x7F8]  }
0x62b: {  	[tilespmem:s29], [sflag:$0x3] =	stream.linear.gather [spmem:s20], $0x80, $0x38;
	[tilespmem:$0x19D00] =	vst v63  }
0x62c: {  	s23 =	sld [smem:$0x7F9]  }
0x62d: {  	[tilespmem:s30], [sflag:$0x3] =	stream.linear.gather [spmem:s22], $0x80, $0x38;
	[tilespmem:$0x19D00] =	vst v63  }
0x62e: {  	s24 =	sld [smem:$0x7FA]  }
0x62f: {  	[tilespmem:s31], [sflag:$0x3] =	stream.linear.gather [spmem:s23], $0x80, $0x38;
	[tilespmem:$0x19D00] =	vst v63  }
0x630: {  	s26 =	simm.s32 $0xF500;
	s28 =	sld [smem:$0x7FB]  }
0x631: {  	[tilespmem:s26], [sflag:$0x3] =	stream.linear.gather [spmem:s24], $0x80, $0x38;
	[tilespmem:$0x19D00] =	vst v63  }
0x632: {  	s29 =	simm.s32 $0xF600;
	s30 =	sld [smem:$0x7FC]  }
0x633: {  	[tilespmem:s29], [sflag:$0x3] =	stream.linear.gather [spmem:s28], $0x80, $0x38;
	[tilespmem:$0x19D00] =	vst v63  }
0x634: {  	s31 =	simm.s32 $0xF700  }
0x635: {  	[tilespmem:s31], [sflag:$0x3] =	stream.linear.gather [spmem:s30], $0x80, $0x38;
	[tilespmem:$0x19D00] =	vst v63  }
0x636: {  	_ =	swait.ge [sflag:s16], $0x800  }
0x637: {  	[sflag:s16] =	ssyncset.done $0x0  }
0x638: {  	s3 =	simm.s32 $0xE040;
	[sflag:s16] =	ssyncadd.s32 $0xFFFFF800  }
0x639: {  	s8 =	simm.s32 $0xE840;
	v11 =	vld [tilespmem:s3+$0x30]  }
0x63a: {  	v12 =	vld [tilespmem:s8+$0x30]  }
0x63b: {  	v10 =	vld [tilespmem:s8+$0xFFFFFFC0]  }
0x63c: {  	v13 =	vld [tilespmem:s3+$0xFFFFFFD0]  }
0x63d: {  	v14 =	vld [tilespmem:s8+$0xFFFFFFD0]  }
0x63e: {  	v15 =	vld [tilespmem:s3+$0xFFFFFFE0]  }
0x63f: {  	v16 =	vld [tilespmem:s8+$0xFFFFFFE0]  }
0x640: {  	v17 =	vld [tilespmem:s3+$0xFFFFFFF0]  }
0x641: {  	v18 =	vld [tilespmem:s8+$0xFFFFFFF0]  }
0x642: {  	v19 =	vld [tilespmem:s3+$0x0]  }
0x643: {  	v20 =	vld [tilespmem:s8+$0x0];
	v12 =	vadd.f32 v12, v11  }
0x644: {  	v14 =	vadd.f32 v14, v13;
	v11 =	vld [tilespmem:s3+$0x10]  }
0x645: {  	v15 =	vadd.f32 v16, v15;
	v13 =	vld [tilespmem:s8+$0x10];
	[tilespmem:s3+$0x30] =	vst v12  }
0x646: {  	v16 =	vadd.f32 v18, v17;
	[tilespmem:s3+$0xFFFFFFD0] =	vst v14;
	v12 =	vld [tilespmem:s3+$0x20]  }
0x647: {  	[tilespmem:s3+$0xFFFFFFE0] =	vst v15;
	v15 =	vld [tilespmem:s8+$0x20]  }
0x648: {  	s11 =	simm.s32 $0x0;
	s13 =	simm.s32 $0xE0C0;
	v14 =	vld [tilespmem:s3+$0xFFFFFFC0];
	[tilespmem:s3+$0xFFFFFFF0] =	vst v16;
	v16 =	vadd.f32 v20, v19  }
.LBB2_38:
0x649: {  	v17 =	vld [tilespmem:s13+$0x30];
	s8 =	sadd.s32 $0x100, s8  }
0x64a: {  	s11 =	sadd.s32 $0x8, s11;
	v18 =	vld [tilespmem:s8+$0x30];
	[tilespmem:s3+$0x0] =	vst v16;
	v11 =	vadd.f32 v13, v11  }
0x64b: {  	p1 =	slt.u32 s11, $0x78;
	v13 =	vld [tilespmem:s8+$0xFFFFFFC0]  }
0x64c: {  	v16 =	vld [tilespmem:s13+$0xFFFFFFD0];
	[tilespmem:s3+$0x10] =	vst v11;
	v11 =	vadd.f32 v15, v12  }
0x64d: {  	v12 =	vld [tilespmem:s8+$0xFFFFFFD0];
	v19 =	vadd.f32 v10, v14  }
0x64e: {  	v14 =	vld [tilespmem:s13+$0xFFFFFFE0];
	[tilespmem:s3+$0x20] =	vst v11  }
0x64f: {  	v11 =	vld [tilespmem:s8+$0xFFFFFFE0];
	v15 =	vadd.f32 v18, v17;
	[tilespmem:s3+$0xFFFFFFC0] =	vst v19;
	s3 =	smov.u32 s13  }
0x650: {  	v17 =	vld [tilespmem:s13+$0xFFFFFFF0];
	v10 =	vmov v13  }
0x651: {  	v18 =	vld [tilespmem:s8+$0xFFFFFFF0];
	[tilespmem:s13+$0x30] =	vst v15  }
0x652: {  	v12 =	vadd.f32 v12, v16;
	v16 =	vld [tilespmem:s13+$0x0]  }
0x653: {  	v19 =	vld [tilespmem:s8+$0x0]  }
.Ltmp20:
0x654: {  	[tilespmem:s13+$0xFFFFFFD0] =	vst v12;
	v12 =	vadd.f32 v11, v14;
	v11 =	vld [tilespmem:s13+$0x10];
	(pc) =	sbr.rel @p1 .LBB2_38-.Ltmp20, $4  }
0x655: {  	v13 =	vld [tilespmem:s8+$0x10]  }
0x656: {  	[tilespmem:s13+$0xFFFFFFE0] =	vst v12;
	v17 =	vadd.f32 v18, v17;
	v12 =	vld [tilespmem:s13+$0x20]  }
0x657: {  	v15 =	vld [tilespmem:s8+$0x20]  }
0x658: {  	s13 =	sadd.s32 $0x80, s13;
	v14 =	vld [tilespmem:s3+$0xFFFFFFC0];
	[tilespmem:s3+$0xFFFFFFF0] =	vst v17;
	v16 =	vadd.f32 v19, v16  }
0x659: {  	_ =	sdelay $0x1  }
0x65a: {  	v11 =	vadd.f32 v13, v11  }
0x65b: {  	[tilespmem:s3+$0x0] =	vst v16;
	v12 =	vadd.f32 v15, v12  }
0x65c: {  	[tilespmem:s3+$0x10] =	vst v11;
	v10 =	vadd.f32 v10, v14  }
0x65d: {  	[tilespmem:s3+$0x20] =	vst v12  }
0x65e: {  	[tilespmem:s3+$0xFFFFFFC0] =	vst v10  }
0x65f: {  	s0 =	rddreg [dreg:$0xa]  }
0x660: {  	[spmem:s0] =	stream.linear.scatter [tilespmem:s12], [sflag:$0x3], $0x800, $0x38;
	[tilespmem:$0x19D00] =	vst v63  }
.Ltmp21:
0x661: {  	_ =	swait.ge [sflag:s16], $0x800;
	(pc) =	sbr.rel @p0 .LBB2_49-.Ltmp21, $3  }
0x662: {  	[sflag:s16] =	ssyncset.done $0x0  }
0x663: {  	[sflag:s16] =	ssyncadd.s32 $0xFFFFF800  }
0x664: {  	[bflag:$0x0] =	sbarrier.arrive $0xFFFF;
	_ =	sdelay $0x1  }
0x665: {  	s0 =	rddreg [dreg:$0x12];
	s3 =	simm.s32 $0xF800  }
0x666: {  	[tilespmem:s3], [sflag:$0x3] =	stream.linear.gather [spmem:s0], $0x800, $0x38;
	[tilespmem:$0x19D00] =	vst v63  }
0x667: {  	_ =	swait.ge [sflag:s16], $0x800  }
0x668: {  	[sflag:s16] =	ssyncset.done $0x0  }
0x669: {  	s3 =	simm.s32 $0x7F0;
	[sflag:s16] =	ssyncadd.s32 $0xFFFFF800  }
0x66a: {  	v10 =	vld [tilespmem:s3+$0xF800]  }
0x66b: {  	v11 =	vld [tilespmem:s3+$0xE000];
	_ =	sdelay $0x3  }
0x66c: {  	(xrf2) =	vadd.scan.msk.f32 $0xffff, v10  }
0x66d: {  	v11 =	vadd.f32 v11, v10;
	_ =	sdelay $0x1  }
0x66e: {  	(xrf2) =	vadd.scan.msk.f32 $0xffff, v11;
	_ =	sdelay $0x1  }
0x66f: {  	v12 =	vperm.xlane v11, v8  }
0x670: {  	s8 =	simm.s32 $0x7E0;
	v10 =	vperm.xlane v10, v8  }
0x671: {  	v11 =	vld [tilespmem:s8+$0xF800];
	(xrf2) =	vadd.scan.msk.f32 $0xffff, v12  }
0x672: {  	(xrf2) =	vadd.scan.msk.f32 $0xffff, v10;
	v10 =	vld [tilespmem:s8+$0xE000];
	_ =	sdelay $0x1  }
0x673: {  	v12, _, _ =	vpop (xrf2)  }
0x674: {  	(v2sf) =	vpush v12, $0xF  }
0x675: {  	(xrf2) =	vadd.scan.msk.f32 $0xffff, v11  }
0x676: {  	v10 =	vadd.f32 v10, v11;
	v13, _, _ =	vpop (xrf2)  }
0x677: {  	(v2sf) =	vpush v13, $0xF  }
0x678: {  	(xrf2) =	vadd.scan.msk.f32 $0xffff, v10  }
0x679: {  	v14 =	vperm.xlane v10, v8  }
0x67a: {  	v12, _, _ =	vpop (xrf2)  }
0x67b: {  	s11 =	simm.s32 $0x7D0;
	v10 =	vperm.xlane v11, v8;
	(xrf2) =	vadd.scan.msk.f32 $0xffff, v14;
	v11 =	vperm.xlane v12, v8  }
0x67c: {  	s13 =	simm.f32 $0.0e+00;
	s18 =	simm.s32 $0x1F00;
	s15 =	simm.f32 $0.0e+00;
	v12 =	vld [tilespmem:s11+$0xF800];
	v13, _, _ =	vpop (xrf2)  }
.LBB2_41:
0x67d: {  	p1 =	seq.s32 s18, $0x0;
	v14 =	vld [tilespmem:s11+$0xE000];
	v11 =	vadd.f32 s13, v11;
	v13 =	vperm.xlane v13, v8  }
0x67e: {  	(xrf2) =	vadd.scan.msk.f32 $0xffff, v10  }
0x67f: {  	v10, _, _ =	vpop (xrf2);
	v13 =	vadd.f32 s15, v13;
	[tilespmem:s3+$0x10000] =	vst v11  }
0x680: {  	(v2sf) =	vpush v10, $0xF  }
0x681: {  	v10 =	vperm.xlane v12, v8;
	(xrf2) =	vadd.scan.msk.f32 $0xffff, v12;
	[tilespmem:s3+$0x10800] =	vst v13;
	s3 =	smov.u32 s8;
	s8 =	smov.u32 s11  }
0x682: {  	v13 =	vadd.f32 v14, v12;
	v12, _, _ =	vpop (xrf2)  }
0x683: {  	(v2sf) =	vpush v12, $0xF;
	s0 =	spop (v2sf)  }
.Ltmp22:
0x684: {  	v12 =	vperm.xlane v13, v8;
	(xrf2) =	vadd.scan.msk.f32 $0xffff, v13;
	s15 =	sadd.f32 s0, s15;
	(pc) =	sbr.rel @!p1 .LBB2_41-.Ltmp22, $4  }
0x685: {  	v11, _, _ =	vpop (xrf2)  }
0x686: {  	v11 =	vperm.xlane v11, v8;
	s0 =	spop (v2sf)  }
0x687: {  	s11 =	sshra.s32 s18, $0x2;
	(xrf2) =	vadd.scan.msk.f32 $0xffff, v12;
	s13 =	sadd.f32 s0, s13  }
0x688: {  	s18 =	sadd.s32 $0xFFFFFFC0, s18;
	v12 =	vld [tilespmem:s11+$0xF800];
	v13, _, _ =	vpop (xrf2)  }
0x689: {  	v14 =	vld [tilespmem:s11+$0xE000];
	_ =	sdelay $0x4  }
0x68a: {  	(xrf2) =	vadd.scan.msk.f32 $0xffff, v10;
	v10 =	vadd.f32 v14, v12  }
0x68b: {  	(xrf2) =	vadd.scan.msk.f32 $0xffff, v12  }
0x68c: {  	(xrf2) =	vadd.scan.msk.f32 $0xffff, v10;
	_ =	sdelay $0x4  }
0x68d: {  	v14, _, _ =	vpop (xrf2)  }
0x68e: {  	v15, _, _ =	vpop (xrf2)  }
0x68f: {  	(v2sf) =	vpush v14, $0xF;
	v14, _, _ =	vpop (xrf2)  }
0x690: {  	(v2sf) =	vpush v15, $0xF;
	v15, _, _ =	vpop (xrf2)  }
0x691: {  	v16, _, _ =	vpop (xrf2)  }
0x692: {  	(v2sf) =	vpush v16, $0xF;
	v16, _, _ =	vpop (xrf2)  }
0x693: {  	v10 =	vperm.xlane v10, v8;
	(v2sf) =	vpush v16, $0xF  }
0x694: {  	v12 =	vperm.xlane v12, v8  }
0x695: {  	(xrf2) =	vadd.scan.msk.f32 $0xffff, v10  }
0x696: {  	(xrf2) =	vadd.scan.msk.f32 $0xffff, v12;
	_ =	sdelay $0x3  }
0x697: {  	s0 =	spop (v2sf)  }
0x698: {  	s12 =	spop (v2sf);
	v10 =	vperm.xlane v13, v8  }
0x699: {  	v11 =	vadd.f32 s13, v11;
	v12 =	vperm.xlane v14, v8;
	s12 =	sadd.f32 s12, s13  }
0x69a: {  	s0 =	sadd.f32 s0, s15;
	v10 =	vadd.f32 s15, v10;
	v13 =	vperm.xlane v15, v8  }
0x69b: {  	[tilespmem:s3+$0x10000] =	vst v11;
	v12 =	vadd.f32 s12, v12  }
0x69c: {  	[tilespmem:s3+$0x10800] =	vst v10;
	v10 =	vadd.f32 s0, v13;
	v14, _, _ =	vpop (xrf2);
	s31 =	spop (v2sf)  }
0x69d: {  	[tilespmem:s8+$0x10000] =	vst v12;
	v11 =	vperm.xlane v14, v8;
	v14, _, _ =	vpop (xrf2);
	s14 =	spop (v2sf);
	s0 =	sadd.f32 s31, s0  }
0x69e: {  	[tilespmem:s8+$0x10800] =	vst v10;
	v13 =	vperm.xlane v14, v8;
	s12 =	sadd.f32 s14, s12;
	s8 =	spop (v2sf)  }
0x69f: {  	s13 =	spop (v2sf)  }
0x6a0: {  	v10 =	vadd.f32 s0, v13;
	s14 =	sadd.f32 s13, s12;
	_ =	sdelay $0x1  }
0x6a1: {  	v11 =	vadd.f32 s12, v11;
	[tilespmem:s11+$0x10800] =	vst v10;
	s3 =	sadd.f32 s8, s0;
	v10 =	vmov s14  }
0x6a2: {  	v10 =	vnsel vm0, $0x0, v10  }
0x6a3: {  	[tilespmem:s11+$0x10000] =	vst v11;
	v10 =	vsel vm1, s3, v10  }
0x6a4: {  	s18 =	simm.s32 $0x11000;
	s15 =	rddreg [dreg:$0x13];
	[tilespmem:$0x11000] =	vst v10  }
0x6a5: {  	[spmem:s15] =	stream.linear.scatter [tilespmem:s18], [sflag:$0x3], $0x80, $0x38;
	[tilespmem:$0x19D00] =	vst v63  }
0x6a6: {  	_ =	swait.ge [sflag:s16], $0x80  }
0x6a7: {  	[sflag:s16] =	ssyncset.done $0x0  }
0x6a8: {  	[sflag:s16] =	ssyncadd.s32 $0xFFFFFF80  }
0x6a9: {  	[bflag:$0x0] =	sbarrier.arrive $0xFFFF  }
0x6aa: {  	s20 =	simm.s32 $0x11080;
	s19 =	rddreg [dreg:$0x3]  }
0x6ab: {  	[tilespmem:s20], [sflag:$0x3] =	stream.linear.gather [spmem:s19], $0x80, $0x38;
	[tilespmem:$0x19D00] =	vst v63  }
0x6ac: {  	_ =	swait.ge [sflag:s16], $0x80  }
0x6ad: {  	s22 =	sld [smem:$0x715]  }
0x6ae: {  	[sflag:s16] =	ssyncset.done $0x0  }
0x6af: {  	s23 =	simm.s32 $0x11100;
	[sflag:s16] =	ssyncadd.s32 $0xFFFFFF80  }
0x6b0: {  	[tilespmem:s23], [sflag:$0x3] =	stream.linear.gather [spmem:s22], $0x80, $0x38;
	[tilespmem:$0x19D00] =	vst v63  }
0x6b1: {  	_ =	swait.ge [sflag:s16], $0x80  }
0x6b2: {  	s24 =	sld [smem:$0x716]  }
0x6b3: {  	[sflag:s16] =	ssyncset.done $0x0  }
0x6b4: {  	s26 =	simm.s32 $0x11180;
	[sflag:s16] =	ssyncadd.s32 $0xFFFFFF80  }
0x6b5: {  	[tilespmem:s26], [sflag:$0x3] =	stream.linear.gather [spmem:s24], $0x80, $0x38;
	[tilespmem:$0x19D00] =	vst v63  }
0x6b6: {  	_ =	swait.ge [sflag:s16], $0x80  }
0x6b7: {  	s28 =	sld [smem:$0x717]  }
0x6b8: {  	[sflag:s16] =	ssyncset.done $0x0  }
0x6b9: {  	s29 =	simm.s32 $0x11200;
	[sflag:s16] =	ssyncadd.s32 $0xFFFFFF80  }
0x6ba: {  	[tilespmem:s29], [sflag:$0x3] =	stream.linear.gather [spmem:s28], $0x80, $0x38;
	[tilespmem:$0x19D00] =	vst v63  }
0x6bb: {  	_ =	swait.ge [sflag:s16], $0x80  }
0x6bc: {  	s30 =	sld [smem:$0x718]  }
0x6bd: {  	[sflag:s16] =	ssyncset.done $0x0  }
0x6be: {  	s31 =	simm.s32 $0x11280;
	[sflag:s16] =	ssyncadd.s32 $0xFFFFFF80  }
0x6bf: {  	[tilespmem:s31], [sflag:$0x3] =	stream.linear.gather [spmem:s30], $0x80, $0x38;
	[tilespmem:$0x19D00] =	vst v63  }
0x6c0: {  	_ =	swait.ge [sflag:s16], $0x80  }
0x6c1: {  	s3 =	sld [smem:$0x719]  }
0x6c2: {  	[sflag:s16] =	ssyncset.done $0x0  }
0x6c3: {  	s8 =	simm.s32 $0x11300;
	[sflag:s16] =	ssyncadd.s32 $0xFFFFFF80  }
0x6c4: {  	[tilespmem:s8], [sflag:$0x3] =	stream.linear.gather [spmem:s3], $0x80, $0x38;
	[tilespmem:$0x19D00] =	vst v63  }
0x6c5: {  	_ =	swait.ge [sflag:s16], $0x80  }
0x6c6: {  	s11 =	sld [smem:$0x71A]  }
0x6c7: {  	[sflag:s16] =	ssyncset.done $0x0  }
0x6c8: {  	s12 =	simm.s32 $0x11380;
	[sflag:s16] =	ssyncadd.s32 $0xFFFFFF80  }
0x6c9: {  	[tilespmem:s12], [sflag:$0x3] =	stream.linear.gather [spmem:s11], $0x80, $0x38;
	[tilespmem:$0x19D00] =	vst v63  }
0x6ca: {  	_ =	swait.ge [sflag:s16], $0x80  }
0x6cb: {  	s13 =	sld [smem:$0x71B]  }
0x6cc: {  	[sflag:s16] =	ssyncset.done $0x0  }
0x6cd: {  	s14 =	simm.s32 $0x11400;
	[sflag:s16] =	ssyncadd.s32 $0xFFFFFF80  }
0x6ce: {  	[tilespmem:s14], [sflag:$0x3] =	stream.linear.gather [spmem:s13], $0x80, $0x38;
	[tilespmem:$0x19D00] =	vst v63  }
0x6cf: {  	_ =	swait.ge [sflag:s16], $0x80  }
0x6d0: {  	[sflag:s16] =	ssyncset.done $0x0  }
0x6d1: {  	[sflag:s16] =	ssyncadd.s32 $0xFFFFFF80  }
0x6d2: {  	[bflag:$0x0] =	sbarrier.arrive $0xFFFF  }
0x6d3: {  	v10 =	vld [tilespmem:$0x11080]  }
0x6d4: {  	v11 =	vld [tilespmem:$0x11280];
	_ =	sdelay $0x2  }
0x6d5: {  	v12 =	vld [tilespmem:$0x11100]  }
0x6d6: {  	(v2sf) =	vpush v10, $0x0  }
0x6d7: {  	v13 =	vld [tilespmem:$0x11300];
	(v2sf) =	vpush v11, $0x0  }
0x6d8: {  	(v2sf) =	vpush v10, $0x1  }
0x6d9: {  	(v2sf) =	vpush v11, $0x1  }
0x6da: {  	(v2sf) =	vpush v12, $0x0  }
0x6db: {  	v10 =	vld [tilespmem:$0x11180]  }
0x6dc: {  	(v2sf) =	vpush v13, $0x0  }
0x6dd: {  	(v2sf) =	vpush v12, $0x1  }
0x6de: {  	v11 =	vld [tilespmem:$0x11380]  }
0x6df: {  	(v2sf) =	vpush v13, $0x1  }
0x6e0: {  	(v2sf) =	vpush v10, $0x0;
	_ =	sdelay $0x2  }
0x6e1: {  	(v2sf) =	vpush v11, $0x0  }
0x6e2: {  	s23 =	sld [smem:$0x7FD];
	(v2sf) =	vpush v10, $0x1  }
0x6e3: {  	s15 =	spop (v2sf)  }
0x6e4: {  	s20 =	rddreg [dreg:$0xb];
	s18 =	spop (v2sf)  }
0x6e5: {  	v10 =	vld [tilespmem:$0x11200];
	(v2sf) =	vpush v11, $0x1;
	s0 =	smul.f32 s15, s23;
	s19 =	spop (v2sf)  }
0x6e6: {  	v11 =	vld [tilespmem:$0x11400];
	s3 =	smul.f32 s20, s18;
	s22 =	spop (v2sf)  }
0x6e7: {  	s29 =	smul.f32 s19, s23;
	s24 =	spop (v2sf)  }
0x6e8: {  	s0 =	sadd.f32 s3, s0;
	s11 =	smul.f32 s20, s22  }
0x6e9: {  	s22 =	rddreg [dreg:$0xc];
	s26 =	spop (v2sf)  }
0x6ea: {  	(v2sf) =	vpush v10, $0x0;
	s12 =	smul.f32 s24, s23;
	s28 =	spop (v2sf)  }
0x6eb: {  	(v2sf) =	vpush v11, $0x0;
	s0 =	smul.f32 $0.0e+00, s0;
	s3 =	sadd.f32 s11, s29  }
0x6ec: {  	s24 =	smul.f32 s20, s26;
	s30 =	spop (v2sf)  }
0x6ed: {  	(v2sf) =	vpush v10, $0x1;
	s14 =	smul.f32 s28, s23;
	s31 =	spop (v2sf)  }
0x6ee: {  	(v2sf) =	vpush v11, $0x1;
	s11 =	sadd.f32 s24, s12;
	s8 =	smul.f32 s20, s30  }
0x6ef: {  	s0 =	sadd.f32 $0.0e+00, s0;
	s28 =	smul.f32 $0.0e+00, s3  }
0x6f0: {  	s3 =	sadd.f32 $0.0e+00, s3;
	s18 =	spop (v2sf)  }
0x6f1: {  	s15 =	smul.f32 s31, s23;
	s19 =	spop (v2sf)  }
0x6f2: {  	s8 =	sadd.f32 s8, s14;
	s11 =	smul.f32 s22, s11  }
0x6f3: {  	s30 =	smul.f32 s20, s18;
	s12 =	sadd.f32 $0.0e+00, s28  }
0x6f4: {  	s26 =	spop (v2sf);
	s0 =	sadd.f32 s11, s0  }
0x6f5: {  	s11 =	sadd.f32 s30, s15;
	s22 =	smul.f32 s22, s8  }
0x6f6: {  	s13 =	smul.f32 s20, s26;
	s26 =	rddreg [dreg:$0xe]  }
0x6f7: {  	s3 =	sadd.f32 s8, s3  }
0x6f8: {  	s19 =	smul.f32 s19, s23;
	s12 =	sadd.f32 s22, s12  }
0x6f9: {  	s11 =	smul.f32 s26, s11;
	s29 =	spop (v2sf)  }
0x6fa: {  	s13 =	sadd.f32 s13, s19;
	s31 =	spop (v2sf)  }
0x6fb: {  	s28 =	smul.f32 s29, s23;
	s0 =	sadd.f32 s11, s0  }
0x6fc: {  	s24 =	spop (v2sf);
	s29 =	smul.f32 s20, s31  }
0x6fd: {  	s31 =	simm.s32 $0x0;
	s15 =	smul.f32 s24, s23;
	s30 =	spop (v2sf)  }
0x6fe: {  	v11 =	vld [tilespmem:s31+$0xF800];
	s8 =	sadd.f32 s29, s28;
	s20 =	smul.f32 s20, s30  }
0x6ff: {  	s22 =	smul.f32 s26, s13;
	v10 =	vld [tilespmem:s31+$0xE000];
	s23 =	rddreg [dreg:$0x14]  }
0x700: {  	v12 =	vld [tilespmem:s31+$0x10000];
	s14 =	sadd.f32 s20, s15;
	s8 =	smul.f32 s23, s8  }
0x701: {  	s11 =	sadd.f32 s22, s12  }
0x702: {  	v16 =	vld [tilespmem:s31+$0x10800];
	s0 =	sadd.f32 s8, s0;
	s24 =	smul.f32 s23, s14  }
0x703: {  	s3 =	sadd.f32 s13, s3  }
0x704: {  	s8 =	sadd.f32 s24, s11;
	v14 =	vmov s0  }
0x705: {  	s26 =	sadd.f32 s14, s3;
	v13 =	vadd.f32 v10, v11;
	v18 =	vadd.f32 v12, v14  }
0x706: {  	s28 =	simm.s32 $0x10;
	v15 =	vmov s8  }
0x707: {  	v20 =	vld [tilespmem:s28+$0xF800];
	v10 =	vmov s26;
	v19 =	vadd.f32 v16, v15;
	v24 =	vsub.f32 v18, v13  }
0x708: {  	v21 =	vld [tilespmem:s28+$0x10000];
	v12 =	vadd.f32 v18, v10  }
0x709: {  	v16 =	vld [tilespmem:s28+$0xE000];
	v11 =	vsub.f32 v19, v11;
	v17 =	vadd.f32 v24, v10  }
0x70a: {  	v12 =	vsub.f32 v12, v19  }
0x70b: {  	v22 =	vld [tilespmem:s28+$0x10800];
	v17 =	vsub.f32 v17, v11  }
0x70c: {  	(erf) = vrcp.f32 v12  }
0x70d: {  	(erf) = vrcp.f32 v17  }
0x70e: {  	v12 =	vadd.f32 v16, v20;
	v16 =	vadd.f32 v21, v14  }
0x70f: {  	s29 =	simm.s32 $0x20  }
0x710: {  	v26 =	vld [tilespmem:s29+$0xF800];
	v22 =	vadd.f32 v22, v15;
	v17 =	vsub.f32 v16, v12  }
0x711: {  	v27 =	vld [tilespmem:s29+$0xE000];
	v25 =	vadd.f32 v16, v10  }
0x712: {  	v23 =	vsub.f32 v22, v20;
	v21 =	vld [tilespmem:s29+$0x10800];
	v20 =	vadd.f32 v17, v10  }
0x713: {  	v28 =	vld [tilespmem:s29+$0x10000];
	v25 =	vsub.f32 v25, v22  }
0x714: {  	v29 =	vsub.f32 v20, v23  }
0x715: {  	v19 =	vsub.f32 v10, v19;
	v11 =	vsub.f32 v10, v11;
	v30 =	vpop (erf);
	(erf) = vrcp.f32 v25  }
0x716: {  	vm3 =	vgt.f32 v18, $0.0e+00;
	vm4 =	vgt.f32 v24, $0.0e+00;
	v31 =	vpop (erf);
	(erf) = vrcp.f32 v29  }
0x717: {  	v21 =	vadd.f32 v21, v15;
	v29 =	vmul.f32 v30, v19;
	v30 =	vmul.f32 v31, v11  }
0x718: {  	s30 =	rddreg [dreg:$0xf];
	v20 =	vimm.f32 $0.0e+00;
	v19 =	vadd.f32 v28, v14;
	v11 =	vadd.f32 v27, v26  }
0x719: {  	s31 =	simm.s32 $0x30;
	v25 =	vmov s30;
	v28 =	vsub.f32 $1.000000000e+00, v29;
	v29 =	vsub.f32 $1.000000000e+00, v30  }
0x71a: {  	v24 =	vsub.f32 v21, v26;
	v31 =	vshll.u32 v25, $0x12;
	v27 =	vld [tilespmem:s31+$0x10800];
	v18 =	vsub.f32 v19, v11  }
0x71b: {  	v25 =	vld [tilespmem:s31+$0xF800];
	v33 =	vadd.f32 v19, v10;
	v26 =	vnsel vm3, $0x0, v28;
	v29 =	vnsel vm4, $0x0, v29  }
0x71c: {  	s3 =	sadd.s32 $0x10, s30;
	v31 =	vor.u32 v9, v31;
	v30 =	vld [tilespmem:s31+$0x10000];
	v32 =	vadd.f32 v18, v10;
	v29 =	vsub.f32 v26, v29  }
0x71d: {  	s8 =	simm.s32 $0x100;
	v31 =	vor.u32 $0x20000, v31;
	v28 =	vld [tilespmem:s31+$0xE000];
	v33 =	vsub.f32 v33, v21;
	v26 =	vmov s3  }
.LBB2_43:
0x71e: {  	p1 =	sne.s32 s8, $0x1FC0;
	v32 =	vsub.f32 v32, v24;
	v34 =	vpop (erf);
	vm3 =	vgt.f32 v13, $0.0e+00;
	v35 =	vmul.f32 v31, v29  }
0x71f: {  	v29 =	vsub.f32 v10, v22;
	(erf) = vrcp.f32 v33;
	v33 =	vsub.f32 v10, v23;
	v31 =	vpop (erf)  }
0x720: {  	v22 =	vmovc v21;
	v13 =	vmovc v12;
	v21 =	vadd.f32 v27, v15;
	(erf) = vrcp.f32 v32;
	v32 =	vnsel vm3, $0x0, v35  }
0x721: {  	v12 =	vmovc v11;
	v27 =	vmul.f32 v34, v29;
	v29 =	vmul.f32 v31, v33;
	v20 =	vadd.f32 v32, v20  }
0x722: {  	v26 =	vshll.u32 v26, $0x12;
	v23 =	vmovc v24;
	v11 =	vadd.f32 v28, v25;
	v28 =	vadd.f32 v30, v14  }
.Ltmp23:
0x723: {  	s0 =	sshra.s32 s8, $0x2;
	vm3 =	vgt.f32 v16, $0.0e+00;
	v16 =	vmovc v19;
	v30 =	vsub.f32 $1.000000000e+00, v27;
	v29 =	vsub.f32 $1.000000000e+00, v29;
	(pc) =	sbr.rel @p1 .LBB2_43-.Ltmp23, $4  }
0x724: {  	vm4 =	vgt.f32 v17, $0.0e+00;
	v17 =	vmovc v18;
	v27 =	vld [tilespmem:s0+$0x10800];
	v31 =	vadd.f32 v28, v10;
	v19 =	vmovc v28;
	v18 =	vsub.f32 v28, v11  }
0x725: {  	v24 =	vsub.f32 v21, v25;
	v30 =	vnsel vm3, $0x0, v30;
	v25 =	vld [tilespmem:s0+$0xF800];
	v29 =	vnsel vm4, $0x0, v29  }
0x726: {  	s3 =	sadd.s32 $0x10, s3;
	v34 =	vor.u32 v9, v26;
	v28 =	vld [tilespmem:s0+$0xE000];
	v32 =	vadd.f32 v18, v10;
	v29 =	vsub.f32 v30, v29  }
0x727: {  	s8 =	sadd.s32 $0x40, s8;
	v26 =	vmov s3;
	v33 =	vsub.f32 v31, v21;
	v31 =	vor.u32 $0x20000, v34;
	v30 =	vld [tilespmem:s0+$0x10000]  }
0x728: {  	_ =	sdelay $0x3  }
0x729: {  	v28 =	vadd.f32 v28, v25;
	v14 =	vadd.f32 v30, v14;
	_ =	sdelay $0x1  }
0x72a: {  	v15 =	vadd.f32 v27, v15;
	v39 =	vsub.f32 v14, v28  }
0x72b: {  	v38 =	vsub.f32 v32, v24;
	v40 =	vadd.f32 v14, v10  }
0x72c: {  	v41 =	vsub.f32 v15, v25;
	v42 =	vadd.f32 v39, v10  }
0x72d: {  	v22 =	vsub.f32 v10, v22;
	(erf) = vrcp.f32 v33;
	v30 =	vsub.f32 v40, v15  }
0x72e: {  	v23 =	vsub.f32 v10, v23;
	(erf) = vrcp.f32 v38;
	v32 =	vsub.f32 v42, v41  }
0x72f: {  	v43 =	vpop (erf);
	v29 =	vmul.f32 v31, v29;
	vm3 =	vgt.f32 v13, $0.0e+00;
	(erf) = vrcp.f32 v30  }
0x730: {  	vm4 =	vgt.f32 v16, $0.0e+00;
	v21 =	vsub.f32 v10, v21;
	v34 =	vpop (erf);
	(erf) = vrcp.f32 v32  }
0x731: {  	v48 =	vsub.f32 v10, v24;
	v50 =	vshll.u32 v26, $0x12;
	s0 =	sadd.s32 $0x10, s3;
	vm13 =	vgt.f32 v19, $0.0e+00  }
0x732: {  	vm14 =	vgt.f32 v18, $0.0e+00;
	v51 =	vor.u32 v9, v50;
	v54 =	vmov s0  }
0x733: {  	v22 =	vmul.f32 v43, v22;
	v23 =	vmul.f32 v34, v23;
	v45 =	vnsel vm3, $0x0, v29  }
0x734: {  	s0 =	sadd.s32 $0x10, s0;
	vm3 =	vgt.f32 v17, $0.0e+00;
	v17 =	vor.u32 $0x20000, v51;
	v59 =	vshll.u32 v54, $0x12  }
0x735: {  	v62 =	vmov s0;
	v22 =	vsub.f32 $1.000000000e+00, v22;
	v44 =	vsub.f32 $1.000000000e+00, v23  }
0x736: {  	v16 =	vadd.f32 v45, v20;
	v61 =	vor.u32 v9, v59;
	v63 =	vshll.u32 v62, $0x12;
	v47 =	vpop (erf)  }
0x737: {  	v46 =	vnsel vm4, $0x0, v22;
	v13 =	vnsel vm3, $0x0, v44;
	v49 =	vpop (erf);
	v52 =	vmul.f32 v47, v21  }
0x738: {  	v15 =	vsub.f32 v10, v15;
	v10 =	vsub.f32 v10, v41;
	v53 =	vmul.f32 v49, v48;
	v58 =	vpop (erf)  }
0x739: {  	vm3 =	vgt.f32 v12, $0.0e+00;
	v13 =	vsub.f32 v46, v13;
	v56 =	vsub.f32 $1.000000000e+00, v52;
	v60 =	vpop (erf)  }
0x73a: {  	v57 =	vsub.f32 $1.000000000e+00, v53;
	v15 =	vmul.f32 v58, v15;
	v10 =	vmul.f32 v60, v10  }
0x73b: {  	vm15 =	vgt.f32 v39, $0.0e+00;
	v55 =	vmul.f32 v17, v13;
	v13 =	vnsel vm13, $0x0, v56  }
0x73c: {  	v17 =	vnsel vm14, $0x0, v57;
	v15 =	vsub.f32 $1.000000000e+00, v15;
	v10 =	vsub.f32 $1.000000000e+00, v10  }
0x73d: {  	v12 =	vnsel vm3, $0x0, v55;
	vm3 =	vgt.f32 v14, $0.0e+00;
	v13 =	vsub.f32 v13, v17  }
0x73e: {  	v17 =	vor.u32 $0x20000, v61;
	v15 =	vnsel vm3, $0x0, v15;
	v10 =	vnsel vm15, $0x0, v10  }
0x73f: {  	v14 =	vor.u32 v9, v63;
	v13 =	vmul.f32 v17, v13;
	v10 =	vsub.f32 v15, v10  }
0x740: {  	v12 =	vadd.f32 v12, v16;
	vm3 =	vgt.f32 v11, $0.0e+00;
	v11 =	vor.u32 $0x20000, v14  }
0x741: {  	v13 =	vnsel vm3, $0x0, v13;
	v10 =	vmul.f32 v11, v10  }
0x742: {  	vm3 =	vgt.f32 v28, $0.0e+00;
	v11 =	vadd.f32 v13, v12  }
0x743: {  	v10 =	vnsel vm3, $0x0, v10  }
0x744: {  	v10 =	vadd.f32 v10, v11;
	_ =	sdelay $0x1  }
0x745: {  	(xrf2) =	vadd.scan.msk.f32 $0xffff, v10;
	_ =	sdelay $0x9  }
0x746: {  	v10, _, _ =	vpop (xrf2)  }
0x747: {  	v10 =	vbroadcast v10, $0xF;
	_ =	sdelay $0x1  }
0x748: {  	v10 =	vnsel vm2, $0x0, v10  }
.Ltmp24:
0x749: {  	s30 =	rddreg [dreg:$0x13];
	s31 =	simm.s32 $0x11000;
	[tilespmem:$0x11000] =	vst v10;
	(pc) =	sbr.rel .LBB2_45-.Ltmp24, $4  }
0x74a: {  	[spmem:s30] =	stream.linear.scatter [tilespmem:s31], [sflag:$0x3], $0x80, $0x38;
	[tilespmem:$0x19D00] =	vst v63  }
0x74b: {  	_ =	swait.ge [sflag:s16], $0x80  }
0x74c: {  	[sflag:s16] =	ssyncset.done $0x0  }
0x74d: {  	[sflag:s16] =	ssyncadd.s32 $0xFFFFFF80  }
.LBB2_49:
0x74e: {  	[bflag:$0x0] =	sbarrier.arrive $0xFFFF  }
0x74f: {  	[bflag:$0x0] =	sbarrier.arrive $0xFFFF  }
.LBB2_45:
0x750: {  	s0 =	stileid.u32  }
0x751: {  	s0 =	sor.u32 $0x4, s0  }
0x752: {  	p1 =	seq.s32 s0, $0x4  }
.Ltmp25:
0x753: {  	_ = 	snop;
	(pc) =	sbr.rel @!p1 .LBB2_47-.Ltmp25, $2  }
0x754: {  	[bflag:$0x0] =	sbarrier.arrive $0xFFFF  }
0x755: {  	s11 =	sld [smem:$0x70F];
	_ =	sdelay $0x2  }
0x756: {  	s0 =	rddreg [dreg:$0x3];
	s3 =	simm.s32 $0x11080  }
0x757: {  	[tilespmem:s3], [sflag:$0x3] =	stream.linear.gather [spmem:s0], $0x80, $0x38;
	[tilespmem:$0x19D00] =	vst v63  }
0x758: {  	_ =	swait.ge [sflag:s16], $0x80  }
0x759: {  	s8 =	sld [smem:$0x715]  }
0x75a: {  	[sflag:s16] =	ssyncset.done $0x0  }
0x75b: {  	s12 =	simm.s32 $0x11100;
	[sflag:s16] =	ssyncadd.s32 $0xFFFFFF80  }
0x75c: {  	[tilespmem:s12], [sflag:$0x3] =	stream.linear.gather [spmem:s8], $0x80, $0x38;
	[tilespmem:$0x19D00] =	vst v63  }
0x75d: {  	_ =	swait.ge [sflag:s16], $0x80  }
0x75e: {  	s13 =	sld [smem:$0x716]  }
0x75f: {  	[sflag:s16] =	ssyncset.done $0x0  }
0x760: {  	s14 =	simm.s32 $0x11180;
	[sflag:s16] =	ssyncadd.s32 $0xFFFFFF80  }
0x761: {  	[tilespmem:s14], [sflag:$0x3] =	stream.linear.gather [spmem:s13], $0x80, $0x38;
	[tilespmem:$0x19D00] =	vst v63  }
0x762: {  	_ =	swait.ge [sflag:s16], $0x80  }
0x763: {  	s15 =	sld [smem:$0x717]  }
0x764: {  	[sflag:s16] =	ssyncset.done $0x0  }
0x765: {  	s18 =	simm.s32 $0x11200;
	[sflag:s16] =	ssyncadd.s32 $0xFFFFFF80  }
0x766: {  	[tilespmem:s18], [sflag:$0x3] =	stream.linear.gather [spmem:s15], $0x80, $0x38;
	[tilespmem:$0x19D00] =	vst v63  }
0x767: {  	_ =	swait.ge [sflag:s16], $0x80  }
0x768: {  	s19 =	sld [smem:$0x718]  }
0x769: {  	[sflag:s16] =	ssyncset.done $0x0  }
0x76a: {  	s20 =	simm.s32 $0x11280;
	[sflag:s16] =	ssyncadd.s32 $0xFFFFFF80  }
0x76b: {  	[tilespmem:s20], [sflag:$0x3] =	stream.linear.gather [spmem:s19], $0x80, $0x38;
	[tilespmem:$0x19D00] =	vst v63  }
0x76c: {  	_ =	swait.ge [sflag:s16], $0x80  }
0x76d: {  	s22 =	sld [smem:$0x719]  }
0x76e: {  	[sflag:s16] =	ssyncset.done $0x0  }
0x76f: {  	s23 =	simm.s32 $0x11300;
	[sflag:s16] =	ssyncadd.s32 $0xFFFFFF80  }
0x770: {  	[tilespmem:s23], [sflag:$0x3] =	stream.linear.gather [spmem:s22], $0x80, $0x38;
	[tilespmem:$0x19D00] =	vst v63  }
0x771: {  	_ =	swait.ge [sflag:s16], $0x80  }
0x772: {  	s24 =	sld [smem:$0x71A]  }
0x773: {  	[sflag:s16] =	ssyncset.done $0x0  }
0x774: {  	s26 =	simm.s32 $0x11380;
	[sflag:s16] =	ssyncadd.s32 $0xFFFFFF80  }
0x775: {  	[tilespmem:s26], [sflag:$0x3] =	stream.linear.gather [spmem:s24], $0x80, $0x38;
	[tilespmem:$0x19D00] =	vst v63  }
0x776: {  	_ =	swait.ge [sflag:s16], $0x80  }
0x777: {  	s28 =	sld [smem:$0x71B]  }
0x778: {  	[sflag:s16] =	ssyncset.done $0x0  }
0x779: {  	s29 =	simm.s32 $0x11400;
	[sflag:s16] =	ssyncadd.s32 $0xFFFFFF80  }
0x77a: {  	[tilespmem:s29], [sflag:$0x3] =	stream.linear.gather [spmem:s28], $0x80, $0x38;
	[tilespmem:$0x19D00] =	vst v63  }
0x77b: {  	_ =	swait.ge [sflag:s16], $0x80  }
0x77c: {  	[sflag:s16] =	ssyncset.done $0x0  }
0x77d: {  	[sflag:s16] =	ssyncadd.s32 $0xFFFFFF80  }
0x77e: {  	v10 =	vld [tilespmem:$0x11080]  }
0x77f: {  	v11 =	vld [tilespmem:$0x11100]  }
0x780: {  	v12 =	vld [tilespmem:$0x11280]  }
0x781: {  	v13 =	vld [tilespmem:$0x11300]  }
0x782: {  	v14 =	vld [tilespmem:$0x11180]  }
0x783: {  	v15 =	vld [tilespmem:$0x11380]  }
0x784: {  	v16 =	vld [tilespmem:$0x11200]  }
0x785: {  	v17 =	vld [tilespmem:$0x11400]  }
0x786: {  	v10 =	vadd.f32 v11, v10;
	v11 =	vadd.f32 v13, v12;
	_ =	sdelay $0x1  }
0x787: {  	v10 =	vadd.f32 v14, v10;
	v11 =	vadd.f32 v15, v11;
	_ =	sdelay $0x1  }
0x788: {  	v10 =	vadd.f32 v16, v10;
	v11 =	vadd.f32 v17, v11;
	_ =	sdelay $0x1  }
0x789: {  	v10 =	vmul.f32 v10, v2;
	v11 =	vmul.f32 v11, v3;
	_ =	sdelay $0x1  }
0x78a: {  	v10 =	vadd.f32 v11, v10  }
0x78b: {  	s30 =	simm.s32 $0x0  }
.Ltmp26:
0x78c: {  	s8 =	simm.s32 $0x11000;
	s31 =	rddreg [dreg:$0xd];
	[tilespmem:$0x11000] =	vst v10;
	(pc) =	sbr.rel .LBB2_47-.Ltmp26, $4  }
0x78d: {  	[hbm4b:s31+s30] =	stream.linear.scatter [tilespmem:s8], [sflag:$0x3], $0x80, $0x38;
	[tilespmem:$0x19D00] =	vst v63  }
0x78e: {  	_ =	swait.ge [sflag:s16], $0x80  }
0x78f: {  	[sflag:s16] =	ssyncset.done $0x0  }
0x790: {  	[sflag:s16] =	ssyncadd.s32 $0xFFFFFF80  }
.LBB2_48:
0x791: {  	_ =	sfence.sel $0x180000  }
0x792: {  	[bflag:$0x0] =	sbarrier.arrive $0xFFFF  }
0x793: {  	_ =	strace $0x90000047  }
0x794: {  	s0 =	stileid.u32;
	[bflag:$0x2] =	sbarrier.arrive $0xFFFF  }
0x795: {  	p0 =	sne.s32 s0, $0x0;
	s0 =	rddreg [dreg:$0x6]  }
0x796: {  	s0 =	sadd.s32 @!p0 $0x100000, s0  }
0x797: {  	[sflag:s0] =	ssyncadd.tile.s32 @!p0 $0x1;
	_ =	shalt  }
.Lfunc_end2:
_tile_overlayer_lowered:
.L_overlay_start_2:
0x798: {  	(tag) =	ssettag $0x2  }
0x799: {  	s0 =	rddreg [dreg:$0x0];
	s2 =	stileid.u32  }
0x79a: {  	s1 =	rddreg [dreg:$0x1];
	p0 =	sne.s32 s2, $0x0  }
0x79b: {  	s3 =	rddreg [dreg:$0x2];
	[bflag:$0x3] =	sbarrier.arrive $0xFFFF;
	s2 =	simm.s32 @!p0 $0x1C03  }
0x79c: {  	[timem:s3], [sflag:s2] =	dma.local @!p0 [hbm:s0], s1  }
0x79d: {  	s0 =	simm.s32 @!p0 $0x3  }
0x79e: {  	_ =	swait.ge @!p0 [sflag:s0], s1  }
0x79f: {  	s1 =	ssub.s32 @!p0 $0x0, s1;
	[sflag:s0] =	ssyncset.done @!p0 $0x0  }
0x7a0: {  	[sflag:s0] =	ssyncadd.s32 @!p0 s1  }
0x7a1: {  	[bflag:$0x3] =	sbarrier.arrive $0xFFFF  }
0x7a2: {  	_ =	shalt  }

</sc_bundles>
